<compile_context>
chip_gen: v7x
topology: tpu7x:2x2x1
jax: 0.10.2.dev20260603
libtpu: 0.0.44.dev20260713+nightly
codegen_flags: <defaults>
</compile_context>

<pallas_src>
import functools

import jax
import jax.numpy as jnp
from jax import lax
from jax.experimental import pallas as pl
from jax.experimental.pallas import tpu as pltpu
from jax.experimental.pallas import tpu_sc as plsc

D = 128
K = 100000
NC = 2
NS = 16
NW = NC * NS
L = 16
RPW = K // NW
CH = 125
NCHUNK = RPW // CH
NBLK = (CH + L - 1) // L
IMAX = 2147483647


def _sqrt16(s):
    i = plsc.bitcast(s, jnp.int32)
    r = plsc.bitcast(jnp.int32(0x5F3759DF) - (i >> 1), jnp.float32)
    for _ in range(4):
        r = r * (1.5 - 0.5 * s * r * r)
    return s * r


def _sc_body(z_hbm, cent_hbm, sims_hbm, rows_hbm, zv, zs, buf, bsim, brow, sems):
    cid = lax.axis_index("c")
    sid = lax.axis_index("s")
    wid = sid * NC + cid
    base = wid * RPW
    iota = lax.iota(jnp.int32, L)

    pltpu.sync_copy(z_hbm, zv)
    nasq_parts = jnp.zeros((L,), jnp.float32)
    for j in range(D // L):
        zc = zv[pl.ds(j * L, L)]
        nasq_parts = nasq_parts + zc * zc
        for t in range(L):
            zs[j * L + t] = jnp.sum(jnp.where(iota == t, zc, 0.0))
    na = _sqrt16(jnp.full((L,), jnp.sum(nasq_parts), jnp.float32))

    bsim[...] = jnp.full((L,), -jnp.inf, jnp.float32)
    brow[...] = jnp.full((L,), IMAX, jnp.int32)

    pltpu.async_copy(cent_hbm.at[pl.ds(base, CH)], buf.at[0], sems.at[0])

    def chunk_body(c, _):
        p = lax.rem(c, 2)
        pltpu.make_async_copy(
            cent_hbm.at[pl.ds(base + c * CH, CH)], buf.at[p], sems.at[p]
        ).wait()

        @pl.when(c + 1 < NCHUNK)
        def _prefetch():
            pltpu.async_copy(
                cent_hbm.at[pl.ds(base + (c + 1) * CH, CH)],
                buf.at[1 - p],
                sems.at[1 - p],
            )

        pv = jnp.full((L,), p, jnp.int32)

        def blk_body(b, _):
            r0 = b * L
            ri = jnp.minimum(r0 + iota, CH - 1)
            acc_d = jnp.zeros((L,), jnp.float32)
            acc_n = jnp.zeros((L,), jnp.float32)
            for d in range(D):
                v = plsc.load_gather(
                    buf, [pv, ri, jnp.full((L,), d, jnp.int32)]
                )
                acc_d = acc_d + v * zs[d]
                acc_n = acc_n + v * v
            nb = _sqrt16(acc_n)
            denom = jnp.maximum(na * nb, 1e-8)
            sims = acc_d / denom
            sims = jnp.where(r0 + iota < CH, sims, -jnp.inf)
            grow = base + c * CH + r0 + iota
            cur = bsim[...]
            upd = sims > cur
            bsim[...] = jnp.where(upd, sims, cur)
            brow[...] = jnp.where(upd, grow, brow[...])
            return 0

        lax.fori_loop(0, NBLK, blk_body, 0)
        return 0

    lax.fori_loop(0, NCHUNK, chunk_body, 0)

    pltpu.sync_copy(bsim, sims_hbm.at[wid])
    pltpu.sync_copy(brow, rows_hbm.at[wid])


_sc_call = functools.partial(
    pl.kernel,
    out_type=[
        jax.ShapeDtypeStruct((NW, L), jnp.float32),
        jax.ShapeDtypeStruct((NW, L), jnp.int32),
    ],
    mesh=plsc.VectorSubcoreMesh(
        core_axis_name="c", subcore_axis_name="s", num_cores=NC, num_subcores=NS
    ),
    scratch_types=[
        pltpu.VMEM((D,), jnp.float32),
        pltpu.SMEM((D,), jnp.float32),
        pltpu.VMEM((2, CH, D), jnp.float32),
        pltpu.VMEM((L,), jnp.float32),
        pltpu.VMEM((L,), jnp.int32),
        pltpu.SemaphoreType.DMA((2,)),
    ],
    compiler_params=pltpu.CompilerParams(
        use_tc_tiling_on_sc=False, needs_layout_passes=False
    ),
)(_sc_body)


def _merge_body(sims_ref, rows_ref, out_ref):
    s = sims_ref[...]
    r = rows_ref[...]
    m = jnp.max(s)
    out_ref[0, 0] = jnp.min(jnp.where(s == m, r, IMAX))


def _merge(sims, rows):
    return pl.pallas_call(
        _merge_body,
        out_shape=jax.ShapeDtypeStruct((1, 1), jnp.int32),
        out_specs=pl.BlockSpec(memory_space=pltpu.SMEM),
    )(sims, rows)


def kernel(z, centroids):
    sims, rows = _sc_call(z, centroids)
    return _merge(sims, rows)[0, 0]

# --- scband reference (transcript-rebuilt; emitter-appended) ---
"""Pipeline reference for scband-nearest-centroid-router-30279519437305 (READ-ONLY COPY).

The authoritative reference and input builder live on the scoring server;
editing this copy changes nothing except your own understanding.
"""

import jax, jax.numpy as jnp
import numpy as np

EMB_DIM = 128
NUM_CLUSTERS = 100000

def setup_inputs(seed: int = 0) -> dict:
    key = jax.random.key(seed)
    k_z, k_c = jax.random.split(key)
    z = jax.random.normal(k_z, (EMB_DIM,), dtype=jnp.float32)
    raw = jax.random.normal(k_c, (NUM_CLUSTERS, EMB_DIM), dtype=jnp.float32)
    # F.normalize(..., dim=1) with eps=1e-12
    norms = jnp.linalg.norm(raw, axis=1, keepdims=True)
    centroids = raw / jnp.maximum(norms, 1e-12)
    return {"z": z, "centroids": centroids}

def reference(z, centroids):
    # torch.nn.functional.cosine_similarity(z.unsqueeze(0), centroids, dim=1)
    # z: [D] -> broadcast [1, D] against centroids [K, D]
    a = z[None, :]
    dot = jnp.sum(a * centroids, axis=1)
    na = jnp.linalg.norm(a, axis=1)
    nb = jnp.linalg.norm(centroids, axis=1)
    denom = jnp.maximum(na * nb, 1e-8)
    sims = dot / denom
    return jnp.argmax(sims)

if __name__ == "__main__":
    import jax
    _d = setup_inputs()
    print(jax.jit(kernel)(*tuple(_d.values())))

</pallas_src>

<mosaic_0001>
#map = affine_map<(d0, d1) -> (0)>
#map1 = affine_map<(d0, d1) -> (0, 0)>
module attributes {stable_mosaic.version = 14 : i64} {
  func.func @_sc_body(%arg0: i32, %arg1: i32, %arg2: memref<128xf32, #tpu.memory_space<hbm>>, %arg3: memref<100000x128xf32, #tpu.memory_space<hbm>>, %arg4: memref<32x16xf32, #tpu.memory_space<hbm>>, %arg5: memref<32x16xi32, #tpu.memory_space<hbm>>, %arg6: memref<128xf32, #tpu.memory_space<vmem>>, %arg7: memref<128xf32, #tpu.memory_space<smem>>, %arg8: memref<2x125x128xf32, #tpu.memory_space<vmem>>, %arg9: memref<16xf32, #tpu.memory_space<vmem>>, %arg10: memref<16xi32, #tpu.memory_space<vmem>>, %arg11: memref<2x!tpu.dma_semaphore, #tpu.memory_space<semaphore_mem>>) attributes {dimension_semantics = [#tpu.dimension_semantics<core_parallel>, #tpu.dimension_semantics<subcore_parallel>], iteration_bounds = array<i64: 2, 16>, scalar_prefetch = 0 : i64, scratch_operands = 6 : i64, tpu.core_type = #tpu.core_type<sc_vector_subcore>, window_params = [{transform_indices = #map}, {transform_indices = #map1}, {transform_indices = #map1}, {transform_indices = #map1}]} {
    %mul3A = arith.constant 2 : i32
    %mul3A_0 = arith.muli %arg1, %mul3A : i32
    %add3A = arith.addi %mul3A_0, %arg0 : i32
    %mul3A_1 = arith.constant 3125 : i32
    %mul3A_2 = arith.muli %add3A, %mul3A_1 : i32
    %iota3A = tpu.iota {dimensions = array<i32: 0>} : vector<16xi32>
    "tpu.region"() ({
      %run_scoped3A = tpu.sem_alloc : memref<!tpu.dma_semaphore, #tpu.memory_space<semaphore_mem>>
      tpu.enqueue_dma source(%arg2 : memref<128xf32, #tpu.memory_space<hbm>>) target(%arg6 : memref<128xf32, #tpu.memory_space<vmem>>) target_semaphore(%run_scoped3A : memref<!tpu.dma_semaphore, #tpu.memory_space<semaphore_mem>>)
      tpu.wait_dma2 semaphore(%run_scoped3A : memref<!tpu.dma_semaphore, #tpu.memory_space<semaphore_mem>>) src(%arg2 : memref<128xf32, #tpu.memory_space<hbm>>) dst(%arg6 : memref<128xf32, #tpu.memory_space<vmem>>)
      tpu.yield
    }) : () -> ()
    %broadcast_in_dim3A = arith.constant 0.000000e+00 : f32
    %broadcast_in_dim3A_3 = vector.broadcast %broadcast_in_dim3A : f32 to vector<16xf32>
    %get3A = arith.constant 0 : index
    %get3A_4 = tpu.vector_load %arg6[%get3A] {strides = array<i32>} : memref<128xf32, #tpu.memory_space<vmem>>, vector<16xf32>,
    %mul3A_5 = arith.mulf %get3A_4, %get3A_4 : vector<16xf32>
    %add3A_6 = arith.addf %broadcast_in_dim3A_3, %mul3A_5 : vector<16xf32>
    %eq3A = arith.constant 0 : i32
    %eq3A_7 = vector.broadcast %eq3A : i32 to vector<16xi32>
    %eq3A_8 = arith.cmpi eq, %iota3A, %eq3A_7 : vector<16xi32>
    %jit3A = arith.constant 0.000000e+00 : f32
    %broadcast_in_dim3A_9 = vector.broadcast %jit3A : f32 to vector<16xf32>
    %select_n3A = arith.select %eq3A_8, %get3A_4, %broadcast_in_dim3A_9 : vector<16xi1>, vector<16xf32>
    %reduce_sum3A = arith.constant true
    %reduce_sum3A_10 = vector.broadcast %reduce_sum3A : i1 to vector<16xi1>
    %reduce_sum3A_11 = tpu.scan <sum>, %select_n3A masked %reduce_sum3A_10 : vector<16xf32>, vector<16xi1> -> vector<16xf32>
    %reduce_sum3A_12 = vector.extract %reduce_sum3A_11[15] : f32 from vector<16xf32>
    %swap3A = arith.constant 0 : i32
    %swap3A_13 = arith.index_cast %swap3A : i32 to index
    %swap3A_14 = memref.load %arg7[%swap3A_13] : memref<128xf32, #tpu.memory_space<smem>>
    memref.store %reduce_sum3A_12, %arg7[%swap3A_13] : memref<128xf32, #tpu.memory_space<smem>>
    %eq3A_15 = arith.constant 1 : i32
    %eq3A_16 = vector.broadcast %eq3A_15 : i32 to vector<16xi32>
    %eq3A_17 = arith.cmpi eq, %iota3A, %eq3A_16 : vector<16xi32>
    %jit3A_18 = arith.constant 0.000000e+00 : f32
    %broadcast_in_dim3A_19 = vector.broadcast %jit3A_18 : f32 to vector<16xf32>
    %select_n3A_20 = arith.select %eq3A_17, %get3A_4, %broadcast_in_dim3A_19 : vector<16xi1>, vector<16xf32>
    %reduce_sum3A_21 = arith.constant true
    %reduce_sum3A_22 = vector.broadcast %reduce_sum3A_21 : i1 to vector<16xi1>
    %reduce_sum3A_23 = tpu.scan <sum>, %select_n3A_20 masked %reduce_sum3A_22 : vector<16xf32>, vector<16xi1> -> vector<16xf32>
    %reduce_sum3A_24 = vector.extract %reduce_sum3A_23[15] : f32 from vector<16xf32>
    %swap3A_25 = arith.constant 1 : i32
    %swap3A_26 = arith.index_cast %swap3A_25 : i32 to index
    %swap3A_27 = memref.load %arg7[%swap3A_26] : memref<128xf32, #tpu.memory_space<smem>>
    memref.store %reduce_sum3A_24, %arg7[%swap3A_26] : memref<128xf32, #tpu.memory_space<smem>>
    %eq3A_28 = arith.constant 2 : i32
    %eq3A_29 = vector.broadcast %eq3A_28 : i32 to vector<16xi32>
    %eq3A_30 = arith.cmpi eq, %iota3A, %eq3A_29 : vector<16xi32>
    %jit3A_31 = arith.constant 0.000000e+00 : f32
    %broadcast_in_dim3A_32 = vector.broadcast %jit3A_31 : f32 to vector<16xf32>
    %select_n3A_33 = arith.select %eq3A_30, %get3A_4, %broadcast_in_dim3A_32 : vector<16xi1>, vector<16xf32>
    %reduce_sum3A_34 = arith.constant true
    %reduce_sum3A_35 = vector.broadcast %reduce_sum3A_34 : i1 to vector<16xi1>
    %reduce_sum3A_36 = tpu.scan <sum>, %select_n3A_33 masked %reduce_sum3A_35 : vector<16xf32>, vector<16xi1> -> vector<16xf32>
    %reduce_sum3A_37 = vector.extract %reduce_sum3A_36[15] : f32 from vector<16xf32>
    %swap3A_38 = arith.constant 2 : i32
    %swap3A_39 = arith.index_cast %swap3A_38 : i32 to index
    %swap3A_40 = memref.load %arg7[%swap3A_39] : memref<128xf32, #tpu.memory_space<smem>>
    memref.store %reduce_sum3A_37, %arg7[%swap3A_39] : memref<128xf32, #tpu.memory_space<smem>>
    %eq3A_41 = arith.constant 3 : i32
    %eq3A_42 = vector.broadcast %eq3A_41 : i32 to vector<16xi32>
    %eq3A_43 = arith.cmpi eq, %iota3A, %eq3A_42 : vector<16xi32>
    %jit3A_44 = arith.constant 0.000000e+00 : f32
    %broadcast_in_dim3A_45 = vector.broadcast %jit3A_44 : f32 to vector<16xf32>
    %select_n3A_46 = arith.select %eq3A_43, %get3A_4, %broadcast_in_dim3A_45 : vector<16xi1>, vector<16xf32>
    %reduce_sum3A_47 = arith.constant true
    %reduce_sum3A_48 = vector.broadcast %reduce_sum3A_47 : i1 to vector<16xi1>
    %reduce_sum3A_49 = tpu.scan <sum>, %select_n3A_46 masked %reduce_sum3A_48 : vector<16xf32>, vector<16xi1> -> vector<16xf32>
    %reduce_sum3A_50 = vector.extract %reduce_sum3A_49[15] : f32 from vector<16xf32>
    %swap3A_51 = arith.constant 3 : i32
    %swap3A_52 = arith.index_cast %swap3A_51 : i32 to index
    %swap3A_53 = memref.load %arg7[%swap3A_52] : memref<128xf32, #tpu.memory_space<smem>>
    memref.store %reduce_sum3A_50, %arg7[%swap3A_52] : memref<128xf32, #tpu.memory_space<smem>>
    %eq3A_54 = arith.constant 4 : i32
    %eq3A_55 = vector.broadcast %eq3A_54 : i32 to vector<16xi32>
    %eq3A_56 = arith.cmpi eq, %iota3A, %eq3A_55 : vector<16xi32>
    %jit3A_57 = arith.constant 0.000000e+00 : f32
    %broadcast_in_dim3A_58 = vector.broadcast %jit3A_57 : f32 to vector<16xf32>
    %select_n3A_59 = arith.select %eq3A_56, %get3A_4, %broadcast_in_dim3A_58 : vector<16xi1>, vector<16xf32>
    %reduce_sum3A_60 = arith.constant true
    %reduce_sum3A_61 = vector.broadcast %reduce_sum3A_60 : i1 to vector<16xi1>
    %reduce_sum3A_62 = tpu.scan <sum>, %select_n3A_59 masked %reduce_sum3A_61 : vector<16xf32>, vector<16xi1> -> vector<16xf32>
    %reduce_sum3A_63 = vector.extract %reduce_sum3A_62[15] : f32 from vector<16xf32>
    %swap3A_64 = arith.constant 4 : i32
    %swap3A_65 = arith.index_cast %swap3A_64 : i32 to index
    %swap3A_66 = memref.load %arg7[%swap3A_65] : memref<128xf32, #tpu.memory_space<smem>>
    memref.store %reduce_sum3A_63, %arg7[%swap3A_65] : memref<128xf32, #tpu.memory_space<smem>>
    %eq3A_67 = arith.constant 5 : i32
    %eq3A_68 = vector.broadcast %eq3A_67 : i32 to vector<16xi32>
    %eq3A_69 = arith.cmpi eq, %iota3A, %eq3A_68 : vector<16xi32>
    %jit3A_70 = arith.constant 0.000000e+00 : f32
    %broadcast_in_dim3A_71 = vector.broadcast %jit3A_70 : f32 to vector<16xf32>
    %select_n3A_72 = arith.select %eq3A_69, %get3A_4, %broadcast_in_dim3A_71 : vector<16xi1>, vector<16xf32>
    %reduce_sum3A_73 = arith.constant true
    %reduce_sum3A_74 = vector.broadcast %reduce_sum3A_73 : i1 to vector<16xi1>
    %reduce_sum3A_75 = tpu.scan <sum>, %select_n3A_72 masked %reduce_sum3A_74 : vector<16xf32>, vector<16xi1> -> vector<16xf32>
    %reduce_sum3A_76 = vector.extract %reduce_sum3A_75[15] : f32 from vector<16xf32>
    %swap3A_77 = arith.constant 5 : i32
    %swap3A_78 = arith.index_cast %swap3A_77 : i32 to index
    %swap3A_79 = memref.load %arg7[%swap3A_78] : memref<128xf32, #tpu.memory_space<smem>>
    memref.store %reduce_sum3A_76, %arg7[%swap3A_78] : memref<128xf32, #tpu.memory_space<smem>>
    %eq3A_80 = arith.constant 6 : i32
    %eq3A_81 = vector.broadcast %eq3A_80 : i32 to vector<16xi32>
    %eq3A_82 = arith.cmpi eq, %iota3A, %eq3A_81 : vector<16xi32>
    %jit3A_83 = arith.constant 0.000000e+00 : f32
    %broadcast_in_dim3A_84 = vector.broadcast %jit3A_83 : f32 to vector<16xf32>
    %select_n3A_85 = arith.select %eq3A_82, %get3A_4, %broadcast_in_dim3A_84 : vector<16xi1>, vector<16xf32>
    %reduce_sum3A_86 = arith.constant true
    %reduce_sum3A_87 = vector.broadcast %reduce_sum3A_86 : i1 to vector<16xi1>
    %reduce_sum3A_88 = tpu.scan <sum>, %select_n3A_85 masked %reduce_sum3A_87 : vector<16xf32>, vector<16xi1> -> vector<16xf32>
    %reduce_sum3A_89 = vector.extract %reduce_sum3A_88[15] : f32 from vector<16xf32>
    %swap3A_90 = arith.constant 6 : i32
    %swap3A_91 = arith.index_cast %swap3A_90 : i32 to index
    %swap3A_92 = memref.load %arg7[%swap3A_91] : memref<128xf32, #tpu.memory_space<smem>>
    memref.store %reduce_sum3A_89, %arg7[%swap3A_91] : memref<128xf32, #tpu.memory_space<smem>>
    %eq3A_93 = arith.constant 7 : i32
    %eq3A_94 = vector.broadcast %eq3A_93 : i32 to vector<16xi32>
    %eq3A_95 = arith.cmpi eq, %iota3A, %eq3A_94 : vector<16xi32>
    %jit3A_96 = arith.constant 0.000000e+00 : f32
    %broadcast_in_dim3A_97 = vector.broadcast %jit3A_96 : f32 to vector<16xf32>
    %select_n3A_98 = arith.select %eq3A_95, %get3A_4, %broadcast_in_dim3A_97 : vector<16xi1>, vector<16xf32>
    %reduce_sum3A_99 = arith.constant true
    %reduce_sum3A_100 = vector.broadcast %reduce_sum3A_99 : i1 to vector<16xi1>
    %reduce_sum3A_101 = tpu.scan <sum>, %select_n3A_98 masked %reduce_sum3A_100 : vector<16xf32>, vector<16xi1> -> vector<16xf32>
    %reduce_sum3A_102 = vector.extract %reduce_sum3A_101[15] : f32 from vector<16xf32>
    %swap3A_103 = arith.constant 7 : i32
    %swap3A_104 = arith.index_cast %swap3A_103 : i32 to index
    %swap3A_105 = memref.load %arg7[%swap3A_104] : memref<128xf32, #tpu.memory_space<smem>>
    memref.store %reduce_sum3A_102, %arg7[%swap3A_104] : memref<128xf32, #tpu.memory_space<smem>>
    %eq3A_106 = arith.constant 8 : i32
    %eq3A_107 = vector.broadcast %eq3A_106 : i32 to vector<16xi32>
    %eq3A_108 = arith.cmpi eq, %iota3A, %eq3A_107 : vector<16xi32>
    %jit3A_109 = arith.constant 0.000000e+00 : f32
    %broadcast_in_dim3A_110 = vector.broadcast %jit3A_109 : f32 to vector<16xf32>
    %select_n3A_111 = arith.select %eq3A_108, %get3A_4, %broadcast_in_dim3A_110 : vector<16xi1>, vector<16xf32>
    %reduce_sum3A_112 = arith.constant true
    %reduce_sum3A_113 = vector.broadcast %reduce_sum3A_112 : i1 to vector<16xi1>
    %reduce_sum3A_114 = tpu.scan <sum>, %select_n3A_111 masked %reduce_sum3A_113 : vector<16xf32>, vector<16xi1> -> vector<16xf32>
    %reduce_sum3A_115 = vector.extract %reduce_sum3A_114[15] : f32 from vector<16xf32>
    %swap3A_116 = arith.constant 8 : i32
    %swap3A_117 = arith.index_cast %swap3A_116 : i32 to index
    %swap3A_118 = memref.load %arg7[%swap3A_117] : memref<128xf32, #tpu.memory_space<smem>>
    memref.store %reduce_sum3A_115, %arg7[%swap3A_117] : memref<128xf32, #tpu.memory_space<smem>>
    %eq3A_119 = arith.constant 9 : i32
    %eq3A_120 = vector.broadcast %eq3A_119 : i32 to vector<16xi32>
    %eq3A_121 = arith.cmpi eq, %iota3A, %eq3A_120 : vector<16xi32>
    %jit3A_122 = arith.constant 0.000000e+00 : f32
    %broadcast_in_dim3A_123 = vector.broadcast %jit3A_122 : f32 to vector<16xf32>
    %select_n3A_124 = arith.select %eq3A_121, %get3A_4, %broadcast_in_dim3A_123 : vector<16xi1>, vector<16xf32>
    %reduce_sum3A_125 = arith.constant true
    %reduce_sum3A_126 = vector.broadcast %reduce_sum3A_125 : i1 to vector<16xi1>
    %reduce_sum3A_127 = tpu.scan <sum>, %select_n3A_124 masked %reduce_sum3A_126 : vector<16xf32>, vector<16xi1> -> vector<16xf32>
    %reduce_sum3A_128 = vector.extract %reduce_sum3A_127[15] : f32 from vector<16xf32>
    %swap3A_129 = arith.constant 9 : i32
    %swap3A_130 = arith.index_cast %swap3A_129 : i32 to index
    %swap3A_131 = memref.load %arg7[%swap3A_130] : memref<128xf32, #tpu.memory_space<smem>>
    memref.store %reduce_sum3A_128, %arg7[%swap3A_130] : memref<128xf32, #tpu.memory_space<smem>>
    %eq3A_132 = arith.constant 10 : i32
    %eq3A_133 = vector.broadcast %eq3A_132 : i32 to vector<16xi32>
    %eq3A_134 = arith.cmpi eq, %iota3A, %eq3A_133 : vector<16xi32>
    %jit3A_135 = arith.constant 0.000000e+00 : f32
    %broadcast_in_dim3A_136 = vector.broadcast %jit3A_135 : f32 to vector<16xf32>
    %select_n3A_137 = arith.select %eq3A_134, %get3A_4, %broadcast_in_dim3A_136 : vector<16xi1>, vector<16xf32>
    %reduce_sum3A_138 = arith.constant true
    %reduce_sum3A_139 = vector.broadcast %reduce_sum3A_138 : i1 to vector<16xi1>
    %reduce_sum3A_140 = tpu.scan <sum>, %select_n3A_137 masked %reduce_sum3A_139 : vector<16xf32>, vector<16xi1> -> vector<16xf32>
    %reduce_sum3A_141 = vector.extract %reduce_sum3A_140[15] : f32 from vector<16xf32>
    %swap3A_142 = arith.constant 10 : i32
    %swap3A_143 = arith.index_cast %swap3A_142 : i32 to index
    %swap3A_144 = memref.load %arg7[%swap3A_143] : memref<128xf32, #tpu.memory_space<smem>>
    memref.store %reduce_sum3A_141, %arg7[%swap3A_143] : memref<128xf32, #tpu.memory_space<smem>>
    %eq3A_145 = arith.constant 11 : i32
    %eq3A_146 = vector.broadcast %eq3A_145 : i32 to vector<16xi32>
    %eq3A_147 = arith.cmpi eq, %iota3A, %eq3A_146 : vector<16xi32>
    %jit3A_148 = arith.constant 0.000000e+00 : f32
    %broadcast_in_dim3A_149 = vector.broadcast %jit3A_148 : f32 to vector<16xf32>
    %select_n3A_150 = arith.select %eq3A_147, %get3A_4, %broadcast_in_dim3A_149 : vector<16xi1>, vector<16xf32>
    %reduce_sum3A_151 = arith.constant true
    %reduce_sum3A_152 = vector.broadcast %reduce_sum3A_151 : i1 to vector<16xi1>
    %reduce_sum3A_153 = tpu.scan <sum>, %select_n3A_150 masked %reduce_sum3A_152 : vector<16xf32>, vector<16xi1> -> vector<16xf32>
    %reduce_sum3A_154 = vector.extract %reduce_sum3A_153[15] : f32 from vector<16xf32>
    %swap3A_155 = arith.constant 11 : i32
    %swap3A_156 = arith.index_cast %swap3A_155 : i32 to index
    %swap3A_157 = memref.load %arg7[%swap3A_156] : memref<128xf32, #tpu.memory_space<smem>>
    memref.store %reduce_sum3A_154, %arg7[%swap3A_156] : memref<128xf32, #tpu.memory_space<smem>>
    %eq3A_158 = arith.constant 12 : i32
    %eq3A_159 = vector.broadcast %eq3A_158 : i32 to vector<16xi32>
    %eq3A_160 = arith.cmpi eq, %iota3A, %eq3A_159 : vector<16xi32>
    %jit3A_161 = arith.constant 0.000000e+00 : f32
    %broadcast_in_dim3A_162 = vector.broadcast %jit3A_161 : f32 to vector<16xf32>
    %select_n3A_163 = arith.select %eq3A_160, %get3A_4, %broadcast_in_dim3A_162 : vector<16xi1>, vector<16xf32>
    %reduce_sum3A_164 = arith.constant true
    %reduce_sum3A_165 = vector.broadcast %reduce_sum3A_164 : i1 to vector<16xi1>
    %reduce_sum3A_166 = tpu.scan <sum>, %select_n3A_163 masked %reduce_sum3A_165 : vector<16xf32>, vector<16xi1> -> vector<16xf32>
    %reduce_sum3A_167 = vector.extract %reduce_sum3A_166[15] : f32 from vector<16xf32>
    %swap3A_168 = arith.constant 12 : i32
    %swap3A_169 = arith.index_cast %swap3A_168 : i32 to index
    %swap3A_170 = memref.load %arg7[%swap3A_169] : memref<128xf32, #tpu.memory_space<smem>>
    memref.store %reduce_sum3A_167, %arg7[%swap3A_169] : memref<128xf32, #tpu.memory_space<smem>>
    %eq3A_171 = arith.constant 13 : i32
    %eq3A_172 = vector.broadcast %eq3A_171 : i32 to vector<16xi32>
    %eq3A_173 = arith.cmpi eq, %iota3A, %eq3A_172 : vector<16xi32>
    %jit3A_174 = arith.constant 0.000000e+00 : f32
    %broadcast_in_dim3A_175 = vector.broadcast %jit3A_174 : f32 to vector<16xf32>
    %select_n3A_176 = arith.select %eq3A_173, %get3A_4, %broadcast_in_dim3A_175 : vector<16xi1>, vector<16xf32>
    %reduce_sum3A_177 = arith.constant true
    %reduce_sum3A_178 = vector.broadcast %reduce_sum3A_177 : i1 to vector<16xi1>
    %reduce_sum3A_179 = tpu.scan <sum>, %select_n3A_176 masked %reduce_sum3A_178 : vector<16xf32>, vector<16xi1> -> vector<16xf32>
    %reduce_sum3A_180 = vector.extract %reduce_sum3A_179[15] : f32 from vector<16xf32>
    %swap3A_181 = arith.constant 13 : i32
    %swap3A_182 = arith.index_cast %swap3A_181 : i32 to index
    %swap3A_183 = memref.load %arg7[%swap3A_182] : memref<128xf32, #tpu.memory_space<smem>>
    memref.store %reduce_sum3A_180, %arg7[%swap3A_182] : memref<128xf32, #tpu.memory_space<smem>>
    %eq3A_184 = arith.constant 14 : i32
    %eq3A_185 = vector.broadcast %eq3A_184 : i32 to vector<16xi32>
    %eq3A_186 = arith.cmpi eq, %iota3A, %eq3A_185 : vector<16xi32>
    %jit3A_187 = arith.constant 0.000000e+00 : f32
    %broadcast_in_dim3A_188 = vector.broadcast %jit3A_187 : f32 to vector<16xf32>
    %select_n3A_189 = arith.select %eq3A_186, %get3A_4, %broadcast_in_dim3A_188 : vector<16xi1>, vector<16xf32>
    %reduce_sum3A_190 = arith.constant true
    %reduce_sum3A_191 = vector.broadcast %reduce_sum3A_190 : i1 to vector<16xi1>
    %reduce_sum3A_192 = tpu.scan <sum>, %select_n3A_189 masked %reduce_sum3A_191 : vector<16xf32>, vector<16xi1> -> vector<16xf32>
    %reduce_sum3A_193 = vector.extract %reduce_sum3A_192[15] : f32 from vector<16xf32>
    %swap3A_194 = arith.constant 14 : i32
    %swap3A_195 = arith.index_cast %swap3A_194 : i32 to index
    %swap3A_196 = memref.load %arg7[%swap3A_195] : memref<128xf32, #tpu.memory_space<smem>>
    memref.store %reduce_sum3A_193, %arg7[%swap3A_195] : memref<128xf32, #tpu.memory_space<smem>>
    %eq3A_197 = arith.constant 15 : i32
    %eq3A_198 = vector.broadcast %eq3A_197 : i32 to vector<16xi32>
    %eq3A_199 = arith.cmpi eq, %iota3A, %eq3A_198 : vector<16xi32>
    %jit3A_200 = arith.constant 0.000000e+00 : f32
    %broadcast_in_dim3A_201 = vector.broadcast %jit3A_200 : f32 to vector<16xf32>
    %select_n3A_202 = arith.select %eq3A_199, %get3A_4, %broadcast_in_dim3A_201 : vector<16xi1>, vector<16xf32>
    %reduce_sum3A_203 = arith.constant true
    %reduce_sum3A_204 = vector.broadcast %reduce_sum3A_203 : i1 to vector<16xi1>
    %reduce_sum3A_205 = tpu.scan <sum>, %select_n3A_202 masked %reduce_sum3A_204 : vector<16xf32>, vector<16xi1> -> vector<16xf32>
    %reduce_sum3A_206 = vector.extract %reduce_sum3A_205[15] : f32 from vector<16xf32>
    %swap3A_207 = arith.constant 15 : i32
    %swap3A_208 = arith.index_cast %swap3A_207 : i32 to index
    %swap3A_209 = memref.load %arg7[%swap3A_208] : memref<128xf32, #tpu.memory_space<smem>>
    memref.store %reduce_sum3A_206, %arg7[%swap3A_208] : memref<128xf32, #tpu.memory_space<smem>>
    %get3A_210 = arith.constant 16 : index
    %get3A_211 = tpu.vector_load %arg6[%get3A_210] {strides = array<i32>} : memref<128xf32, #tpu.memory_space<vmem>>, vector<16xf32>,
    %mul3A_212 = arith.mulf %get3A_211, %get3A_211 : vector<16xf32>
    %add3A_213 = arith.addf %add3A_6, %mul3A_212 : vector<16xf32>
    %eq3A_214 = arith.constant 0 : i32
    %eq3A_215 = vector.broadcast %eq3A_214 : i32 to vector<16xi32>
    %eq3A_216 = arith.cmpi eq, %iota3A, %eq3A_215 : vector<16xi32>
    %jit3A_217 = arith.constant 0.000000e+00 : f32
    %broadcast_in_dim3A_218 = vector.broadcast %jit3A_217 : f32 to vector<16xf32>
    %select_n3A_219 = arith.select %eq3A_216, %get3A_211, %broadcast_in_dim3A_218 : vector<16xi1>, vector<16xf32>
    %reduce_sum3A_220 = arith.constant true
    %reduce_sum3A_221 = vector.broadcast %reduce_sum3A_220 : i1 to vector<16xi1>
    %reduce_sum3A_222 = tpu.scan <sum>, %select_n3A_219 masked %reduce_sum3A_221 : vector<16xf32>, vector<16xi1> -> vector<16xf32>
    %reduce_sum3A_223 = vector.extract %reduce_sum3A_222[15] : f32 from vector<16xf32>
    %swap3A_224 = arith.constant 16 : i32
    %swap3A_225 = arith.index_cast %swap3A_224 : i32 to index
    %swap3A_226 = memref.load %arg7[%swap3A_225] : memref<128xf32, #tpu.memory_space<smem>>
    memref.store %reduce_sum3A_223, %arg7[%swap3A_225] : memref<128xf32, #tpu.memory_space<smem>>
    %eq3A_227 = arith.constant 1 : i32
    %eq3A_228 = vector.broadcast %eq3A_227 : i32 to vector<16xi32>
    %eq3A_229 = arith.cmpi eq, %iota3A, %eq3A_228 : vector<16xi32>
    %jit3A_230 = arith.constant 0.000000e+00 : f32
    %broadcast_in_dim3A_231 = vector.broadcast %jit3A_230 : f32 to vector<16xf32>
    %select_n3A_232 = arith.select %eq3A_229, %get3A_211, %broadcast_in_dim3A_231 : vector<16xi1>, vector<16xf32>
    %reduce_sum3A_233 = arith.constant true
    %reduce_sum3A_234 = vector.broadcast %reduce_sum3A_233 : i1 to vector<16xi1>
    %reduce_sum3A_235 = tpu.scan <sum>, %select_n3A_232 masked %reduce_sum3A_234 : vector<16xf32>, vector<16xi1> -> vector<16xf32>
    %reduce_sum3A_236 = vector.extract %reduce_sum3A_235[15] : f32 from vector<16xf32>
    %swap3A_237 = arith.constant 17 : i32
    %swap3A_238 = arith.index_cast %swap3A_237 : i32 to index
    %swap3A_239 = memref.load %arg7[%swap3A_238] : memref<128xf32, #tpu.memory_space<smem>>
    memref.store %reduce_sum3A_236, %arg7[%swap3A_238] : memref<128xf32, #tpu.memory_space<smem>>
    %eq3A_240 = arith.constant 2 : i32
    %eq3A_241 = vector.broadcast %eq3A_240 : i32 to vector<16xi32>
    %eq3A_242 = arith.cmpi eq, %iota3A, %eq3A_241 : vector<16xi32>
    %jit3A_243 = arith.constant 0.000000e+00 : f32
    %broadcast_in_dim3A_244 = vector.broadcast %jit3A_243 : f32 to vector<16xf32>
    %select_n3A_245 = arith.select %eq3A_242, %get3A_211, %broadcast_in_dim3A_244 : vector<16xi1>, vector<16xf32>
    %reduce_sum3A_246 = arith.constant true
    %reduce_sum3A_247 = vector.broadcast %reduce_sum3A_246 : i1 to vector<16xi1>
    %reduce_sum3A_248 = tpu.scan <sum>, %select_n3A_245 masked %reduce_sum3A_247 : vector<16xf32>, vector<16xi1> -> vector<16xf32>
    %reduce_sum3A_249 = vector.extract %reduce_sum3A_248[15] : f32 from vector<16xf32>
    %swap3A_250 = arith.constant 18 : i32
    %swap3A_251 = arith.index_cast %swap3A_250 : i32 to index
    %swap3A_252 = memref.load %arg7[%swap3A_251] : memref<128xf32, #tpu.memory_space<smem>>
    memref.store %reduce_sum3A_249, %arg7[%swap3A_251] : memref<128xf32, #tpu.memory_space<smem>>
    %eq3A_253 = arith.constant 3 : i32
    %eq3A_254 = vector.broadcast %eq3A_253 : i32 to vector<16xi32>
    %eq3A_255 = arith.cmpi eq, %iota3A, %eq3A_254 : vector<16xi32>
    %jit3A_256 = arith.constant 0.000000e+00 : f32
    %broadcast_in_dim3A_257 = vector.broadcast %jit3A_256 : f32 to vector<16xf32>
    %select_n3A_258 = arith.select %eq3A_255, %get3A_211, %broadcast_in_dim3A_257 : vector<16xi1>, vector<16xf32>
    %reduce_sum3A_259 = arith.constant true
    %reduce_sum3A_260 = vector.broadcast %reduce_sum3A_259 : i1 to vector<16xi1>
    %reduce_sum3A_261 = tpu.scan <sum>, %select_n3A_258 masked %reduce_sum3A_260 : vector<16xf32>, vector<16xi1> -> vector<16xf32>
    %reduce_sum3A_262 = vector.extract %reduce_sum3A_261[15] : f32 from vector<16xf32>
    %swap3A_263 = arith.constant 19 : i32
    %swap3A_264 = arith.index_cast %swap3A_263 : i32 to index
    %swap3A_265 = memref.load %arg7[%swap3A_264] : memref<128xf32, #tpu.memory_space<smem>>
    memref.store %reduce_sum3A_262, %arg7[%swap3A_264] : memref<128xf32, #tpu.memory_space<smem>>
    %eq3A_266 = arith.constant 4 : i32
    %eq3A_267 = vector.broadcast %eq3A_266 : i32 to vector<16xi32>
    %eq3A_268 = arith.cmpi eq, %iota3A, %eq3A_267 : vector<16xi32>
    %jit3A_269 = arith.constant 0.000000e+00 : f32
    %broadcast_in_dim3A_270 = vector.broadcast %jit3A_269 : f32 to vector<16xf32>
    %select_n3A_271 = arith.select %eq3A_268, %get3A_211, %broadcast_in_dim3A_270 : vector<16xi1>, vector<16xf32>
    %reduce_sum3A_272 = arith.constant true
    %reduce_sum3A_273 = vector.broadcast %reduce_sum3A_272 : i1 to vector<16xi1>
    %reduce_sum3A_274 = tpu.scan <sum>, %select_n3A_271 masked %reduce_sum3A_273 : vector<16xf32>, vector<16xi1> -> vector<16xf32>
    %reduce_sum3A_275 = vector.extract %reduce_sum3A_274[15] : f32 from vector<16xf32>
    %swap3A_276 = arith.constant 20 : i32
    %swap3A_277 = arith.index_cast %swap3A_276 : i32 to index
    %swap3A_278 = memref.load %arg7[%swap3A_277] : memref<128xf32, #tpu.memory_space<smem>>
    memref.store %reduce_sum3A_275, %arg7[%swap3A_277] : memref<128xf32, #tpu.memory_space<smem>>
    %eq3A_279 = arith.constant 5 : i32
    %eq3A_280 = vector.broadcast %eq3A_279 : i32 to vector<16xi32>
    %eq3A_281 = arith.cmpi eq, %iota3A, %eq3A_280 : vector<16xi32>
    %jit3A_282 = arith.constant 0.000000e+00 : f32
    %broadcast_in_dim3A_283 = vector.broadcast %jit3A_282 : f32 to vector<16xf32>
    %select_n3A_284 = arith.select %eq3A_281, %get3A_211, %broadcast_in_dim3A_283 : vector<16xi1>, vector<16xf32>
    %reduce_sum3A_285 = arith.constant true
    %reduce_sum3A_286 = vector.broadcast %reduce_sum3A_285 : i1 to vector<16xi1>
    %reduce_sum3A_287 = tpu.scan <sum>, %select_n3A_284 masked %reduce_sum3A_286 : vector<16xf32>, vector<16xi1> -> vector<16xf32>
    %reduce_sum3A_288 = vector.extract %reduce_sum3A_287[15] : f32 from vector<16xf32>
    %swap3A_289 = arith.constant 21 : i32
    %swap3A_290 = arith.index_cast %swap3A_289 : i32 to index
    %swap3A_291 = memref.load %arg7[%swap3A_290] : memref<128xf32, #tpu.memory_space<smem>>
    memref.store %reduce_sum3A_288, %arg7[%swap3A_290] : memref<128xf32, #tpu.memory_space<smem>>
    %eq3A_292 = arith.constant 6 : i32
    %eq3A_293 = vector.broadcast %eq3A_292 : i32 to vector<16xi32>
    %eq3A_294 = arith.cmpi eq, %iota3A, %eq3A_293 : vector<16xi32>
    %jit3A_295 = arith.constant 0.000000e+00 : f32
    %broadcast_in_dim3A_296 = vector.broadcast %jit3A_295 : f32 to vector<16xf32>
    %select_n3A_297 = arith.select %eq3A_294, %get3A_211, %broadcast_in_dim3A_296 : vector<16xi1>, vector<16xf32>
    %reduce_sum3A_298 = arith.constant true
    %reduce_sum3A_299 = vector.broadcast %reduce_sum3A_298 : i1 to vector<16xi1>
    %reduce_sum3A_300 = tpu.scan <sum>, %select_n3A_297 masked %reduce_sum3A_299 : vector<16xf32>, vector<16xi1> -> vector<16xf32>
    %reduce_sum3A_301 = vector.extract %reduce_sum3A_300[15] : f32 from vector<16xf32>
    %swap3A_302 = arith.constant 22 : i32
    %swap3A_303 = arith.index_cast %swap3A_302 : i32 to index
    %swap3A_304 = memref.load %arg7[%swap3A_303] : memref<128xf32, #tpu.memory_space<smem>>
    memref.store %reduce_sum3A_301, %arg7[%swap3A_303] : memref<128xf32, #tpu.memory_space<smem>>
    %eq3A_305 = arith.constant 7 : i32
    %eq3A_306 = vector.broadcast %eq3A_305 : i32 to vector<16xi32>
    %eq3A_307 = arith.cmpi eq, %iota3A, %eq3A_306 : vector<16xi32>
    %jit3A_308 = arith.constant 0.000000e+00 : f32
    %broadcast_in_dim3A_309 = vector.broadcast %jit3A_308 : f32 to vector<16xf32>
    %select_n3A_310 = arith.select %eq3A_307, %get3A_211, %broadcast_in_dim3A_309 : vector<16xi1>, vector<16xf32>
    %reduce_sum3A_311 = arith.constant true
    %reduce_sum3A_312 = vector.broadcast %reduce_sum3A_311 : i1 to vector<16xi1>
    %reduce_sum3A_313 = tpu.scan <sum>, %select_n3A_310 masked %reduce_sum3A_312 : vector<16xf32>, vector<16xi1> -> vector<16xf32>
    %reduce_sum3A_314 = vector.extract %reduce_sum3A_313[15] : f32 from vector<16xf32>
    %swap3A_315 = arith.constant 23 : i32
    %swap3A_316 = arith.index_cast %swap3A_315 : i32 to index
    %swap3A_317 = memref.load %arg7[%swap3A_316] : memref<128xf32, #tpu.memory_space<smem>>
    memref.store %reduce_sum3A_314, %arg7[%swap3A_316] : memref<128xf32, #tpu.memory_space<smem>>
    %eq3A_318 = arith.constant 8 : i32
    %eq3A_319 = vector.broadcast %eq3A_318 : i32 to vector<16xi32>
    %eq3A_320 = arith.cmpi eq, %iota3A, %eq3A_319 : vector<16xi32>
    %jit3A_321 = arith.constant 0.000000e+00 : f32
    %broadcast_in_dim3A_322 = vector.broadcast %jit3A_321 : f32 to vector<16xf32>
    %select_n3A_323 = arith.select %eq3A_320, %get3A_211, %broadcast_in_dim3A_322 : vector<16xi1>, vector<16xf32>
    %reduce_sum3A_324 = arith.constant true
    %reduce_sum3A_325 = vector.broadcast %reduce_sum3A_324 : i1 to vector<16xi1>
    %reduce_sum3A_326 = tpu.scan <sum>, %select_n3A_323 masked %reduce_sum3A_325 : vector<16xf32>, vector<16xi1> -> vector<16xf32>
    %reduce_sum3A_327 = vector.extract %reduce_sum3A_326[15] : f32 from vector<16xf32>
    %swap3A_328 = arith.constant 24 : i32
    %swap3A_329 = arith.index_cast %swap3A_328 : i32 to index
    %swap3A_330 = memref.load %arg7[%swap3A_329] : memref<128xf32, #tpu.memory_space<smem>>
    memref.store %reduce_sum3A_327, %arg7[%swap3A_329] : memref<128xf32, #tpu.memory_space<smem>>
    %eq3A_331 = arith.constant 9 : i32
    %eq3A_332 = vector.broadcast %eq3A_331 : i32 to vector<16xi32>
    %eq3A_333 = arith.cmpi eq, %iota3A, %eq3A_332 : vector<16xi32>
    %jit3A_334 = arith.constant 0.000000e+00 : f32
    %broadcast_in_dim3A_335 = vector.broadcast %jit3A_334 : f32 to vector<16xf32>
    %select_n3A_336 = arith.select %eq3A_333, %get3A_211, %broadcast_in_dim3A_335 : vector<16xi1>, vector<16xf32>
    %reduce_sum3A_337 = arith.constant true
    %reduce_sum3A_338 = vector.broadcast %reduce_sum3A_337 : i1 to vector<16xi1>
    %reduce_sum3A_339 = tpu.scan <sum>, %select_n3A_336 masked %reduce_sum3A_338 : vector<16xf32>, vector<16xi1> -> vector<16xf32>
    %reduce_sum3A_340 = vector.extract %reduce_sum3A_339[15] : f32 from vector<16xf32>
    %swap3A_341 = arith.constant 25 : i32
    %swap3A_342 = arith.index_cast %swap3A_341 : i32 to index
    %swap3A_343 = memref.load %arg7[%swap3A_342] : memref<128xf32, #tpu.memory_space<smem>>
    memref.store %reduce_sum3A_340, %arg7[%swap3A_342] : memref<128xf32, #tpu.memory_space<smem>>
    %eq3A_344 = arith.constant 10 : i32
    %eq3A_345 = vector.broadcast %eq3A_344 : i32 to vector<16xi32>
    %eq3A_346 = arith.cmpi eq, %iota3A, %eq3A_345 : vector<16xi32>
    %jit3A_347 = arith.constant 0.000000e+00 : f32
    %broadcast_in_dim3A_348 = vector.broadcast %jit3A_347 : f32 to vector<16xf32>
    %select_n3A_349 = arith.select %eq3A_346, %get3A_211, %broadcast_in_dim3A_348 : vector<16xi1>, vector<16xf32>
    %reduce_sum3A_350 = arith.constant true
    %reduce_sum3A_351 = vector.broadcast %reduce_sum3A_350 : i1 to vector<16xi1>
    %reduce_sum3A_352 = tpu.scan <sum>, %select_n3A_349 masked %reduce_sum3A_351 : vector<16xf32>, vector<16xi1> -> vector<16xf32>
    %reduce_sum3A_353 = vector.extract %reduce_sum3A_352[15] : f32 from vector<16xf32>
    %swap3A_354 = arith.constant 26 : i32
    %swap3A_355 = arith.index_cast %swap3A_354 : i32 to index
    %swap3A_356 = memref.load %arg7[%swap3A_355] : memref<128xf32, #tpu.memory_space<smem>>
    memref.store %reduce_sum3A_353, %arg7[%swap3A_355] : memref<128xf32, #tpu.memory_space<smem>>
    %eq3A_357 = arith.constant 11 : i32
    %eq3A_358 = vector.broadcast %eq3A_357 : i32 to vector<16xi32>
    %eq3A_359 = arith.cmpi eq, %iota3A, %eq3A_358 : vector<16xi32>
    %jit3A_360 = arith.constant 0.000000e+00 : f32
    %broadcast_in_dim3A_361 = vector.broadcast %jit3A_360 : f32 to vector<16xf32>
    %select_n3A_362 = arith.select %eq3A_359, %get3A_211, %broadcast_in_dim3A_361 : vector<16xi1>, vector<16xf32>
    %reduce_sum3A_363 = arith.constant true
    %reduce_sum3A_364 = vector.broadcast %reduce_sum3A_363 : i1 to vector<16xi1>
    %reduce_sum3A_365 = tpu.scan <sum>, %select_n3A_362 masked %reduce_sum3A_364 : vector<16xf32>, vector<16xi1> -> vector<16xf32>
    %reduce_sum3A_366 = vector.extract %reduce_sum3A_365[15] : f32 from vector<16xf32>
    %swap3A_367 = arith.constant 27 : i32
    %swap3A_368 = arith.index_cast %swap3A_367 : i32 to index
    %swap3A_369 = memref.load %arg7[%swap3A_368] : memref<128xf32, #tpu.memory_space<smem>>
    memref.store %reduce_sum3A_366, %arg7[%swap3A_368] : memref<128xf32, #tpu.memory_space<smem>>
    %eq3A_370 = arith.constant 12 : i32
    %eq3A_371 = vector.broadcast %eq3A_370 : i32 to vector<16xi32>
    %eq3A_372 = arith.cmpi eq, %iota3A, %eq3A_371 : vector<16xi32>
    %jit3A_373 = arith.constant 0.000000e+00 : f32
    %broadcast_in_dim3A_374 = vector.broadcast %jit3A_373 : f32 to vector<16xf32>
    %select_n3A_375 = arith.select %eq3A_372, %get3A_211, %broadcast_in_dim3A_374 : vector<16xi1>, vector<16xf32>
    %reduce_sum3A_376 = arith.constant true
    %reduce_sum3A_377 = vector.broadcast %reduce_sum3A_376 : i1 to vector<16xi1>
    %reduce_sum3A_378 = tpu.scan <sum>, %select_n3A_375 masked %reduce_sum3A_377 : vector<16xf32>, vector<16xi1> -> vector<16xf32>
    %reduce_sum3A_379 = vector.extract %reduce_sum3A_378[15] : f32 from vector<16xf32>
    %swap3A_380 = arith.constant 28 : i32
    %swap3A_381 = arith.index_cast %swap3A_380 : i32 to index
    %swap3A_382 = memref.load %arg7[%swap3A_381] : memref<128xf32, #tpu.memory_space<smem>>
    memref.store %reduce_sum3A_379, %arg7[%swap3A_381] : memref<128xf32, #tpu.memory_space<smem>>
    %eq3A_383 = arith.constant 13 : i32
    %eq3A_384 = vector.broadcast %eq3A_383 : i32 to vector<16xi32>
    %eq3A_385 = arith.cmpi eq, %iota3A, %eq3A_384 : vector<16xi32>
    %jit3A_386 = arith.constant 0.000000e+00 : f32
    %broadcast_in_dim3A_387 = vector.broadcast %jit3A_386 : f32 to vector<16xf32>
    %select_n3A_388 = arith.select %eq3A_385, %get3A_211, %broadcast_in_dim3A_387 : vector<16xi1>, vector<16xf32>
    %reduce_sum3A_389 = arith.constant true
    %reduce_sum3A_390 = vector.broadcast %reduce_sum3A_389 : i1 to vector<16xi1>
    %reduce_sum3A_391 = tpu.scan <sum>, %select_n3A_388 masked %reduce_sum3A_390 : vector<16xf32>, vector<16xi1> -> vector<16xf32>
    %reduce_sum3A_392 = vector.extract %reduce_sum3A_391[15] : f32 from vector<16xf32>
    %swap3A_393 = arith.constant 29 : i32
    %swap3A_394 = arith.index_cast %swap3A_393 : i32 to index
    %swap3A_395 = memref.load %arg7[%swap3A_394] : memref<128xf32, #tpu.memory_space<smem>>
    memref.store %reduce_sum3A_392, %arg7[%swap3A_394] : memref<128xf32, #tpu.memory_space<smem>>
    %eq3A_396 = arith.constant 14 : i32
    %eq3A_397 = vector.broadcast %eq3A_396 : i32 to vector<16xi32>
    %eq3A_398 = arith.cmpi eq, %iota3A, %eq3A_397 : vector<16xi32>
    %jit3A_399 = arith.constant 0.000000e+00 : f32
    %broadcast_in_dim3A_400 = vector.broadcast %jit3A_399 : f32 to vector<16xf32>
    %select_n3A_401 = arith.select %eq3A_398, %get3A_211, %broadcast_in_dim3A_400 : vector<16xi1>, vector<16xf32>
    %reduce_sum3A_402 = arith.constant true
    %reduce_sum3A_403 = vector.broadcast %reduce_sum3A_402 : i1 to vector<16xi1>
    %reduce_sum3A_404 = tpu.scan <sum>, %select_n3A_401 masked %reduce_sum3A_403 : vector<16xf32>, vector<16xi1> -> vector<16xf32>
    %reduce_sum3A_405 = vector.extract %reduce_sum3A_404[15] : f32 from vector<16xf32>
    %swap3A_406 = arith.constant 30 : i32
    %swap3A_407 = arith.index_cast %swap3A_406 : i32 to index
    %swap3A_408 = memref.load %arg7[%swap3A_407] : memref<128xf32, #tpu.memory_space<smem>>
    memref.store %reduce_sum3A_405, %arg7[%swap3A_407] : memref<128xf32, #tpu.memory_space<smem>>
    %eq3A_409 = arith.constant 15 : i32
    %eq3A_410 = vector.broadcast %eq3A_409 : i32 to vector<16xi32>
    %eq3A_411 = arith.cmpi eq, %iota3A, %eq3A_410 : vector<16xi32>
    %jit3A_412 = arith.constant 0.000000e+00 : f32
    %broadcast_in_dim3A_413 = vector.broadcast %jit3A_412 : f32 to vector<16xf32>
    %select_n3A_414 = arith.select %eq3A_411, %get3A_211, %broadcast_in_dim3A_413 : vector<16xi1>, vector<16xf32>
    %reduce_sum3A_415 = arith.constant true
    %reduce_sum3A_416 = vector.broadcast %reduce_sum3A_415 : i1 to vector<16xi1>
    %reduce_sum3A_417 = tpu.scan <sum>, %select_n3A_414 masked %reduce_sum3A_416 : vector<16xf32>, vector<16xi1> -> vector<16xf32>
    %reduce_sum3A_418 = vector.extract %reduce_sum3A_417[15] : f32 from vector<16xf32>
    %swap3A_419 = arith.constant 31 : i32
    %swap3A_420 = arith.index_cast %swap3A_419 : i32 to index
    %swap3A_421 = memref.load %arg7[%swap3A_420] : memref<128xf32, #tpu.memory_space<smem>>
    memref.store %reduce_sum3A_418, %arg7[%swap3A_420] : memref<128xf32, #tpu.memory_space<smem>>
    %get3A_422 = arith.constant 32 : index
    %get3A_423 = tpu.vector_load %arg6[%get3A_422] {strides = array<i32>} : memref<128xf32, #tpu.memory_space<vmem>>, vector<16xf32>,
    %mul3A_424 = arith.mulf %get3A_423, %get3A_423 : vector<16xf32>
    %add3A_425 = arith.addf %add3A_213, %mul3A_424 : vector<16xf32>
    %eq3A_426 = arith.constant 0 : i32
    %eq3A_427 = vector.broadcast %eq3A_426 : i32 to vector<16xi32>
    %eq3A_428 = arith.cmpi eq, %iota3A, %eq3A_427 : vector<16xi32>
    %jit3A_429 = arith.constant 0.000000e+00 : f32
    %broadcast_in_dim3A_430 = vector.broadcast %jit3A_429 : f32 to vector<16xf32>
    %select_n3A_431 = arith.select %eq3A_428, %get3A_423, %broadcast_in_dim3A_430 : vector<16xi1>, vector<16xf32>
    %reduce_sum3A_432 = arith.constant true
    %reduce_sum3A_433 = vector.broadcast %reduce_sum3A_432 : i1 to vector<16xi1>
    %reduce_sum3A_434 = tpu.scan <sum>, %select_n3A_431 masked %reduce_sum3A_433 : vector<16xf32>, vector<16xi1> -> vector<16xf32>
    %reduce_sum3A_435 = vector.extract %reduce_sum3A_434[15] : f32 from vector<16xf32>
    %swap3A_436 = arith.constant 32 : i32
    %swap3A_437 = arith.index_cast %swap3A_436 : i32 to index
    %swap3A_438 = memref.load %arg7[%swap3A_437] : memref<128xf32, #tpu.memory_space<smem>>
    memref.store %reduce_sum3A_435, %arg7[%swap3A_437] : memref<128xf32, #tpu.memory_space<smem>>
    %eq3A_439 = arith.constant 1 : i32
    %eq3A_440 = vector.broadcast %eq3A_439 : i32 to vector<16xi32>
    %eq3A_441 = arith.cmpi eq, %iota3A, %eq3A_440 : vector<16xi32>
    %jit3A_442 = arith.constant 0.000000e+00 : f32
    %broadcast_in_dim3A_443 = vector.broadcast %jit3A_442 : f32 to vector<16xf32>
    %select_n3A_444 = arith.select %eq3A_441, %get3A_423, %broadcast_in_dim3A_443 : vector<16xi1>, vector<16xf32>
    %reduce_sum3A_445 = arith.constant true
    %reduce_sum3A_446 = vector.broadcast %reduce_sum3A_445 : i1 to vector<16xi1>
    %reduce_sum3A_447 = tpu.scan <sum>, %select_n3A_444 masked %reduce_sum3A_446 : vector<16xf32>, vector<16xi1> -> vector<16xf32>
    %reduce_sum3A_448 = vector.extract %reduce_sum3A_447[15] : f32 from vector<16xf32>
    %swap3A_449 = arith.constant 33 : i32
    %swap3A_450 = arith.index_cast %swap3A_449 : i32 to index
    %swap3A_451 = memref.load %arg7[%swap3A_450] : memref<128xf32, #tpu.memory_space<smem>>
    memref.store %reduce_sum3A_448, %arg7[%swap3A_450] : memref<128xf32, #tpu.memory_space<smem>>
    %eq3A_452 = arith.constant 2 : i32
    %eq3A_453 = vector.broadcast %eq3A_452 : i32 to vector<16xi32>
    %eq3A_454 = arith.cmpi eq, %iota3A, %eq3A_453 : vector<16xi32>
    %jit3A_455 = arith.constant 0.000000e+00 : f32
    %broadcast_in_dim3A_456 = vector.broadcast %jit3A_455 : f32 to vector<16xf32>
    %select_n3A_457 = arith.select %eq3A_454, %get3A_423, %broadcast_in_dim3A_456 : vector<16xi1>, vector<16xf32>
    %reduce_sum3A_458 = arith.constant true
    %reduce_sum3A_459 = vector.broadcast %reduce_sum3A_458 : i1 to vector<16xi1>
    %reduce_sum3A_460 = tpu.scan <sum>, %select_n3A_457 masked %reduce_sum3A_459 : vector<16xf32>, vector<16xi1> -> vector<16xf32>
    %reduce_sum3A_461 = vector.extract %reduce_sum3A_460[15] : f32 from vector<16xf32>
    %swap3A_462 = arith.constant 34 : i32
    %swap3A_463 = arith.index_cast %swap3A_462 : i32 to index
    %swap3A_464 = memref.load %arg7[%swap3A_463] : memref<128xf32, #tpu.memory_space<smem>>
    memref.store %reduce_sum3A_461, %arg7[%swap3A_463] : memref<128xf32, #tpu.memory_space<smem>>
    %eq3A_465 = arith.constant 3 : i32
    %eq3A_466 = vector.broadcast %eq3A_465 : i32 to vector<16xi32>
    %eq3A_467 = arith.cmpi eq, %iota3A, %eq3A_466 : vector<16xi32>
    %jit3A_468 = arith.constant 0.000000e+00 : f32
    %broadcast_in_dim3A_469 = vector.broadcast %jit3A_468 : f32 to vector<16xf32>
    %select_n3A_470 = arith.select %eq3A_467, %get3A_423, %broadcast_in_dim3A_469 : vector<16xi1>, vector<16xf32>
    %reduce_sum3A_471 = arith.constant true
    %reduce_sum3A_472 = vector.broadcast %reduce_sum3A_471 : i1 to vector<16xi1>
    %reduce_sum3A_473 = tpu.scan <sum>, %select_n3A_470 masked %reduce_sum3A_472 : vector<16xf32>, vector<16xi1> -> vector<16xf32>
    %reduce_sum3A_474 = vector.extract %reduce_sum3A_473[15] : f32 from vector<16xf32>
    %swap3A_475 = arith.constant 35 : i32
    %swap3A_476 = arith.index_cast %swap3A_475 : i32 to index
    %swap3A_477 = memref.load %arg7[%swap3A_476] : memref<128xf32, #tpu.memory_space<smem>>
    memref.store %reduce_sum3A_474, %arg7[%swap3A_476] : memref<128xf32, #tpu.memory_space<smem>>
    %eq3A_478 = arith.constant 4 : i32
    %eq3A_479 = vector.broadcast %eq3A_478 : i32 to vector<16xi32>
    %eq3A_480 = arith.cmpi eq, %iota3A, %eq3A_479 : vector<16xi32>
    %jit3A_481 = arith.constant 0.000000e+00 : f32
    %broadcast_in_dim3A_482 = vector.broadcast %jit3A_481 : f32 to vector<16xf32>
    %select_n3A_483 = arith.select %eq3A_480, %get3A_423, %broadcast_in_dim3A_482 : vector<16xi1>, vector<16xf32>
    %reduce_sum3A_484 = arith.constant true
    %reduce_sum3A_485 = vector.broadcast %reduce_sum3A_484 : i1 to vector<16xi1>
    %reduce_sum3A_486 = tpu.scan <sum>, %select_n3A_483 masked %reduce_sum3A_485 : vector<16xf32>, vector<16xi1> -> vector<16xf32>
    %reduce_sum3A_487 = vector.extract %reduce_sum3A_486[15] : f32 from vector<16xf32>
    %swap3A_488 = arith.constant 36 : i32
    %swap3A_489 = arith.index_cast %swap3A_488 : i32 to index
    %swap3A_490 = memref.load %arg7[%swap3A_489] : memref<128xf32, #tpu.memory_space<smem>>
    memref.store %reduce_sum3A_487, %arg7[%swap3A_489] : memref<128xf32, #tpu.memory_space<smem>>
    %eq3A_491 = arith.constant 5 : i32
    %eq3A_492 = vector.broadcast %eq3A_491 : i32 to vector<16xi32>
    %eq3A_493 = arith.cmpi eq, %iota3A, %eq3A_492 : vector<16xi32>
    %jit3A_494 = arith.constant 0.000000e+00 : f32
    %broadcast_in_dim3A_495 = vector.broadcast %jit3A_494 : f32 to vector<16xf32>
    %select_n3A_496 = arith.select %eq3A_493, %get3A_423, %broadcast_in_dim3A_495 : vector<16xi1>, vector<16xf32>
    %reduce_sum3A_497 = arith.constant true
    %reduce_sum3A_498 = vector.broadcast %reduce_sum3A_497 : i1 to vector<16xi1>
    %reduce_sum3A_499 = tpu.scan <sum>, %select_n3A_496 masked %reduce_sum3A_498 : vector<16xf32>, vector<16xi1> -> vector<16xf32>
    %reduce_sum3A_500 = vector.extract %reduce_sum3A_499[15] : f32 from vector<16xf32>
    %swap3A_501 = arith.constant 37 : i32
    %swap3A_502 = arith.index_cast %swap3A_501 : i32 to index
    %swap3A_503 = memref.load %arg7[%swap3A_502] : memref<128xf32, #tpu.memory_space<smem>>
    memref.store %reduce_sum3A_500, %arg7[%swap3A_502] : memref<128xf32, #tpu.memory_space<smem>>
    %eq3A_504 = arith.constant 6 : i32
    %eq3A_505 = vector.broadcast %eq3A_504 : i32 to vector<16xi32>
    %eq3A_506 = arith.cmpi eq, %iota3A, %eq3A_505 : vector<16xi32>
    %jit3A_507 = arith.constant 0.000000e+00 : f32
    %broadcast_in_dim3A_508 = vector.broadcast %jit3A_507 : f32 to vector<16xf32>
    %select_n3A_509 = arith.select %eq3A_506, %get3A_423, %broadcast_in_dim3A_508 : vector<16xi1>, vector<16xf32>
    %reduce_sum3A_510 = arith.constant true
    %reduce_sum3A_511 = vector.broadcast %reduce_sum3A_510 : i1 to vector<16xi1>
    %reduce_sum3A_512 = tpu.scan <sum>, %select_n3A_509 masked %reduce_sum3A_511 : vector<16xf32>, vector<16xi1> -> vector<16xf32>
    %reduce_sum3A_513 = vector.extract %reduce_sum3A_512[15] : f32 from vector<16xf32>
    %swap3A_514 = arith.constant 38 : i32
    %swap3A_515 = arith.index_cast %swap3A_514 : i32 to index
    %swap3A_516 = memref.load %arg7[%swap3A_515] : memref<128xf32, #tpu.memory_space<smem>>
    memref.store %reduce_sum3A_513, %arg7[%swap3A_515] : memref<128xf32, #tpu.memory_space<smem>>
    %eq3A_517 = arith.constant 7 : i32
    %eq3A_518 = vector.broadcast %eq3A_517 : i32 to vector<16xi32>
    %eq3A_519 = arith.cmpi eq, %iota3A, %eq3A_518 : vector<16xi32>
    %jit3A_520 = arith.constant 0.000000e+00 : f32
    %broadcast_in_dim3A_521 = vector.broadcast %jit3A_520 : f32 to vector<16xf32>
    %select_n3A_522 = arith.select %eq3A_519, %get3A_423, %broadcast_in_dim3A_521 : vector<16xi1>, vector<16xf32>
    %reduce_sum3A_523 = arith.constant true
    %reduce_sum3A_524 = vector.broadcast %reduce_sum3A_523 : i1 to vector<16xi1>
    %reduce_sum3A_525 = tpu.scan <sum>, %select_n3A_522 masked %reduce_sum3A_524 : vector<16xf32>, vector<16xi1> -> vector<16xf32>
    %reduce_sum3A_526 = vector.extract %reduce_sum3A_525[15] : f32 from vector<16xf32>
    %swap3A_527 = arith.constant 39 : i32
    %swap3A_528 = arith.index_cast %swap3A_527 : i32 to index
    %swap3A_529 = memref.load %arg7[%swap3A_528] : memref<128xf32, #tpu.memory_space<smem>>
    memref.store %reduce_sum3A_526, %arg7[%swap3A_528] : memref<128xf32, #tpu.memory_space<smem>>
    %eq3A_530 = arith.constant 8 : i32
    %eq3A_531 = vector.broadcast %eq3A_530 : i32 to vector<16xi32>
    %eq3A_532 = arith.cmpi eq, %iota3A, %eq3A_531 : vector<16xi32>
    %jit3A_533 = arith.constant 0.000000e+00 : f32
    %broadcast_in_dim3A_534 = vector.broadcast %jit3A_533 : f32 to vector<16xf32>
    %select_n3A_535 = arith.select %eq3A_532, %get3A_423, %broadcast_in_dim3A_534 : vector<16xi1>, vector<16xf32>
    %reduce_sum3A_536 = arith.constant true
    %reduce_sum3A_537 = vector.broadcast %reduce_sum3A_536 : i1 to vector<16xi1>
    %reduce_sum3A_538 = tpu.scan <sum>, %select_n3A_535 masked %reduce_sum3A_537 : vector<16xf32>, vector<16xi1> -> vector<16xf32>
    %reduce_sum3A_539 = vector.extract %reduce_sum3A_538[15] : f32 from vector<16xf32>
    %swap3A_540 = arith.constant 40 : i32
    %swap3A_541 = arith.index_cast %swap3A_540 : i32 to index
    %swap3A_542 = memref.load %arg7[%swap3A_541] : memref<128xf32, #tpu.memory_space<smem>>
    memref.store %reduce_sum3A_539, %arg7[%swap3A_541] : memref<128xf32, #tpu.memory_space<smem>>
    %eq3A_543 = arith.constant 9 : i32
    %eq3A_544 = vector.broadcast %eq3A_543 : i32 to vector<16xi32>
    %eq3A_545 = arith.cmpi eq, %iota3A, %eq3A_544 : vector<16xi32>
    %jit3A_546 = arith.constant 0.000000e+00 : f32
    %broadcast_in_dim3A_547 = vector.broadcast %jit3A_546 : f32 to vector<16xf32>
    %select_n3A_548 = arith.select %eq3A_545, %get3A_423, %broadcast_in_dim3A_547 : vector<16xi1>, vector<16xf32>
    %reduce_sum3A_549 = arith.constant true
    %reduce_sum3A_550 = vector.broadcast %reduce_sum3A_549 : i1 to vector<16xi1>
    %reduce_sum3A_551 = tpu.scan <sum>, %select_n3A_548 masked %reduce_sum3A_550 : vector<16xf32>, vector<16xi1> -> vector<16xf32>
    %reduce_sum3A_552 = vector.extract %reduce_sum3A_551[15] : f32 from vector<16xf32>
    %swap3A_553 = arith.constant 41 : i32
    %swap3A_554 = arith.index_cast %swap3A_553 : i32 to index
    %swap3A_555 = memref.load %arg7[%swap3A_554] : memref<128xf32, #tpu.memory_space<smem>>
    memref.store %reduce_sum3A_552, %arg7[%swap3A_554] : memref<128xf32, #tpu.memory_space<smem>>
    %eq3A_556 = arith.constant 10 : i32
    %eq3A_557 = vector.broadcast %eq3A_556 : i32 to vector<16xi32>
    %eq3A_558 = arith.cmpi eq, %iota3A, %eq3A_557 : vector<16xi32>
    %jit3A_559 = arith.constant 0.000000e+00 : f32
    %broadcast_in_dim3A_560 = vector.broadcast %jit3A_559 : f32 to vector<16xf32>
    %select_n3A_561 = arith.select %eq3A_558, %get3A_423, %broadcast_in_dim3A_560 : vector<16xi1>, vector<16xf32>
    %reduce_sum3A_562 = arith.constant true
    %reduce_sum3A_563 = vector.broadcast %reduce_sum3A_562 : i1 to vector<16xi1>
    %reduce_sum3A_564 = tpu.scan <sum>, %select_n3A_561 masked %reduce_sum3A_563 : vector<16xf32>, vector<16xi1> -> vector<16xf32>
    %reduce_sum3A_565 = vector.extract %reduce_sum3A_564[15] : f32 from vector<16xf32>
    %swap3A_566 = arith.constant 42 : i32
    %swap3A_567 = arith.index_cast %swap3A_566 : i32 to index
    %swap3A_568 = memref.load %arg7[%swap3A_567] : memref<128xf32, #tpu.memory_space<smem>>
    memref.store %reduce_sum3A_565, %arg7[%swap3A_567] : memref<128xf32, #tpu.memory_space<smem>>
    %eq3A_569 = arith.constant 11 : i32
    %eq3A_570 = vector.broadcast %eq3A_569 : i32 to vector<16xi32>
    %eq3A_571 = arith.cmpi eq, %iota3A, %eq3A_570 : vector<16xi32>
    %jit3A_572 = arith.constant 0.000000e+00 : f32
    %broadcast_in_dim3A_573 = vector.broadcast %jit3A_572 : f32 to vector<16xf32>
    %select_n3A_574 = arith.select %eq3A_571, %get3A_423, %broadcast_in_dim3A_573 : vector<16xi1>, vector<16xf32>
    %reduce_sum3A_575 = arith.constant true
    %reduce_sum3A_576 = vector.broadcast %reduce_sum3A_575 : i1 to vector<16xi1>
    %reduce_sum3A_577 = tpu.scan <sum>, %select_n3A_574 masked %reduce_sum3A_576 : vector<16xf32>, vector<16xi1> -> vector<16xf32>
    %reduce_sum3A_578 = vector.extract %reduce_sum3A_577[15] : f32 from vector<16xf32>
    %swap3A_579 = arith.constant 43 : i32
    %swap3A_580 = arith.index_cast %swap3A_579 : i32 to index
    %swap3A_581 = memref.load %arg7[%swap3A_580] : memref<128xf32, #tpu.memory_space<smem>>
    memref.store %reduce_sum3A_578, %arg7[%swap3A_580] : memref<128xf32, #tpu.memory_space<smem>>
    %eq3A_582 = arith.constant 12 : i32
    %eq3A_583 = vector.broadcast %eq3A_582 : i32 to vector<16xi32>
    %eq3A_584 = arith.cmpi eq, %iota3A, %eq3A_583 : vector<16xi32>
    %jit3A_585 = arith.constant 0.000000e+00 : f32
    %broadcast_in_dim3A_586 = vector.broadcast %jit3A_585 : f32 to vector<16xf32>
    %select_n3A_587 = arith.select %eq3A_584, %get3A_423, %broadcast_in_dim3A_586 : vector<16xi1>, vector<16xf32>
    %reduce_sum3A_588 = arith.constant true
    %reduce_sum3A_589 = vector.broadcast %reduce_sum3A_588 : i1 to vector<16xi1>
    %reduce_sum3A_590 = tpu.scan <sum>, %select_n3A_587 masked %reduce_sum3A_589 : vector<16xf32>, vector<16xi1> -> vector<16xf32>
    %reduce_sum3A_591 = vector.extract %reduce_sum3A_590[15] : f32 from vector<16xf32>
    %swap3A_592 = arith.constant 44 : i32
    %swap3A_593 = arith.index_cast %swap3A_592 : i32 to index
    %swap3A_594 = memref.load %arg7[%swap3A_593] : memref<128xf32, #tpu.memory_space<smem>>
    memref.store %reduce_sum3A_591, %arg7[%swap3A_593] : memref<128xf32, #tpu.memory_space<smem>>
    %eq3A_595 = arith.constant 13 : i32
    %eq3A_596 = vector.broadcast %eq3A_595 : i32 to vector<16xi32>
    %eq3A_597 = arith.cmpi eq, %iota3A, %eq3A_596 : vector<16xi32>
    %jit3A_598 = arith.constant 0.000000e+00 : f32
    %broadcast_in_dim3A_599 = vector.broadcast %jit3A_598 : f32 to vector<16xf32>
    %select_n3A_600 = arith.select %eq3A_597, %get3A_423, %broadcast_in_dim3A_599 : vector<16xi1>, vector<16xf32>
    %reduce_sum3A_601 = arith.constant true
    %reduce_sum3A_602 = vector.broadcast %reduce_sum3A_601 : i1 to vector<16xi1>
    %reduce_sum3A_603 = tpu.scan <sum>, %select_n3A_600 masked %reduce_sum3A_602 : vector<16xf32>, vector<16xi1> -> vector<16xf32>
    %reduce_sum3A_604 = vector.extract %reduce_sum3A_603[15] : f32 from vector<16xf32>
    %swap3A_605 = arith.constant 45 : i32
    %swap3A_606 = arith.index_cast %swap3A_605 : i32 to index
    %swap3A_607 = memref.load %arg7[%swap3A_606] : memref<128xf32, #tpu.memory_space<smem>>
    memref.store %reduce_sum3A_604, %arg7[%swap3A_606] : memref<128xf32, #tpu.memory_space<smem>>
    %eq3A_608 = arith.constant 14 : i32
    %eq3A_609 = vector.broadcast %eq3A_608 : i32 to vector<16xi32>
    %eq3A_610 = arith.cmpi eq, %iota3A, %eq3A_609 : vector<16xi32>
    %jit3A_611 = arith.constant 0.000000e+00 : f32
    %broadcast_in_dim3A_612 = vector.broadcast %jit3A_611 : f32 to vector<16xf32>
    %select_n3A_613 = arith.select %eq3A_610, %get3A_423, %broadcast_in_dim3A_612 : vector<16xi1>, vector<16xf32>
    %reduce_sum3A_614 = arith.constant true
    %reduce_sum3A_615 = vector.broadcast %reduce_sum3A_614 : i1 to vector<16xi1>
    %reduce_sum3A_616 = tpu.scan <sum>, %select_n3A_613 masked %reduce_sum3A_615 : vector<16xf32>, vector<16xi1> -> vector<16xf32>
    %reduce_sum3A_617 = vector.extract %reduce_sum3A_616[15] : f32 from vector<16xf32>
    %swap3A_618 = arith.constant 46 : i32
    %swap3A_619 = arith.index_cast %swap3A_618 : i32 to index
    %swap3A_620 = memref.load %arg7[%swap3A_619] : memref<128xf32, #tpu.memory_space<smem>>
    memref.store %reduce_sum3A_617, %arg7[%swap3A_619] : memref<128xf32, #tpu.memory_space<smem>>
    %eq3A_621 = arith.constant 15 : i32
    %eq3A_622 = vector.broadcast %eq3A_621 : i32 to vector<16xi32>
    %eq3A_623 = arith.cmpi eq, %iota3A, %eq3A_622 : vector<16xi32>
    %jit3A_624 = arith.constant 0.000000e+00 : f32
    %broadcast_in_dim3A_625 = vector.broadcast %jit3A_624 : f32 to vector<16xf32>
    %select_n3A_626 = arith.select %eq3A_623, %get3A_423, %broadcast_in_dim3A_625 : vector<16xi1>, vector<16xf32>
    %reduce_sum3A_627 = arith.constant true
    %reduce_sum3A_628 = vector.broadcast %reduce_sum3A_627 : i1 to vector<16xi1>
    %reduce_sum3A_629 = tpu.scan <sum>, %select_n3A_626 masked %reduce_sum3A_628 : vector<16xf32>, vector<16xi1> -> vector<16xf32>
    %reduce_sum3A_630 = vector.extract %reduce_sum3A_629[15] : f32 from vector<16xf32>
    %swap3A_631 = arith.constant 47 : i32
    %swap3A_632 = arith.index_cast %swap3A_631 : i32 to index
    %swap3A_633 = memref.load %arg7[%swap3A_632] : memref<128xf32, #tpu.memory_space<smem>>
    memref.store %reduce_sum3A_630, %arg7[%swap3A_632] : memref<128xf32, #tpu.memory_space<smem>>
    %get3A_634 = arith.constant 48 : index
    %get3A_635 = tpu.vector_load %arg6[%get3A_634] {strides = array<i32>} : memref<128xf32, #tpu.memory_space<vmem>>, vector<16xf32>,
    %mul3A_636 = arith.mulf %get3A_635, %get3A_635 : vector<16xf32>
    %add3A_637 = arith.addf %add3A_425, %mul3A_636 : vector<16xf32>
    %eq3A_638 = arith.constant 0 : i32
    %eq3A_639 = vector.broadcast %eq3A_638 : i32 to vector<16xi32>
    %eq3A_640 = arith.cmpi eq, %iota3A, %eq3A_639 : vector<16xi32>
    %jit3A_641 = arith.constant 0.000000e+00 : f32
    %broadcast_in_dim3A_642 = vector.broadcast %jit3A_641 : f32 to vector<16xf32>
    %select_n3A_643 = arith.select %eq3A_640, %get3A_635, %broadcast_in_dim3A_642 : vector<16xi1>, vector<16xf32>
    %reduce_sum3A_644 = arith.constant true
    %reduce_sum3A_645 = vector.broadcast %reduce_sum3A_644 : i1 to vector<16xi1>
    %reduce_sum3A_646 = tpu.scan <sum>, %select_n3A_643 masked %reduce_sum3A_645 : vector<16xf32>, vector<16xi1> -> vector<16xf32>
    %reduce_sum3A_647 = vector.extract %reduce_sum3A_646[15] : f32 from vector<16xf32>
    %swap3A_648 = arith.constant 48 : i32
    %swap3A_649 = arith.index_cast %swap3A_648 : i32 to index
    %swap3A_650 = memref.load %arg7[%swap3A_649] : memref<128xf32, #tpu.memory_space<smem>>
    memref.store %reduce_sum3A_647, %arg7[%swap3A_649] : memref<128xf32, #tpu.memory_space<smem>>
    %eq3A_651 = arith.constant 1 : i32
    %eq3A_652 = vector.broadcast %eq3A_651 : i32 to vector<16xi32>
    %eq3A_653 = arith.cmpi eq, %iota3A, %eq3A_652 : vector<16xi32>
    %jit3A_654 = arith.constant 0.000000e+00 : f32
    %broadcast_in_dim3A_655 = vector.broadcast %jit3A_654 : f32 to vector<16xf32>
    %select_n3A_656 = arith.select %eq3A_653, %get3A_635, %broadcast_in_dim3A_655 : vector<16xi1>, vector<16xf32>
    %reduce_sum3A_657 = arith.constant true
    %reduce_sum3A_658 = vector.broadcast %reduce_sum3A_657 : i1 to vector<16xi1>
    %reduce_sum3A_659 = tpu.scan <sum>, %select_n3A_656 masked %reduce_sum3A_658 : vector<16xf32>, vector<16xi1> -> vector<16xf32>
    %reduce_sum3A_660 = vector.extract %reduce_sum3A_659[15] : f32 from vector<16xf32>
    %swap3A_661 = arith.constant 49 : i32
    %swap3A_662 = arith.index_cast %swap3A_661 : i32 to index
    %swap3A_663 = memref.load %arg7[%swap3A_662] : memref<128xf32, #tpu.memory_space<smem>>
    memref.store %reduce_sum3A_660, %arg7[%swap3A_662] : memref<128xf32, #tpu.memory_space<smem>>
    %eq3A_664 = arith.constant 2 : i32
    %eq3A_665 = vector.broadcast %eq3A_664 : i32 to vector<16xi32>
    %eq3A_666 = arith.cmpi eq, %iota3A, %eq3A_665 : vector<16xi32>
    %jit3A_667 = arith.constant 0.000000e+00 : f32
    %broadcast_in_dim3A_668 = vector.broadcast %jit3A_667 : f32 to vector<16xf32>
    %select_n3A_669 = arith.select %eq3A_666, %get3A_635, %broadcast_in_dim3A_668 : vector<16xi1>, vector<16xf32>
    %reduce_sum3A_670 = arith.constant true
    %reduce_sum3A_671 = vector.broadcast %reduce_sum3A_670 : i1 to vector<16xi1>
    %reduce_sum3A_672 = tpu.scan <sum>, %select_n3A_669 masked %reduce_sum3A_671 : vector<16xf32>, vector<16xi1> -> vector<16xf32>
    %reduce_sum3A_673 = vector.extract %reduce_sum3A_672[15] : f32 from vector<16xf32>
    %swap3A_674 = arith.constant 50 : i32
    %swap3A_675 = arith.index_cast %swap3A_674 : i32 to index
    %swap3A_676 = memref.load %arg7[%swap3A_675] : memref<128xf32, #tpu.memory_space<smem>>
    memref.store %reduce_sum3A_673, %arg7[%swap3A_675] : memref<128xf32, #tpu.memory_space<smem>>
    %eq3A_677 = arith.constant 3 : i32
    %eq3A_678 = vector.broadcast %eq3A_677 : i32 to vector<16xi32>
    %eq3A_679 = arith.cmpi eq, %iota3A, %eq3A_678 : vector<16xi32>
    %jit3A_680 = arith.constant 0.000000e+00 : f32
    %broadcast_in_dim3A_681 = vector.broadcast %jit3A_680 : f32 to vector<16xf32>
    %select_n3A_682 = arith.select %eq3A_679, %get3A_635, %broadcast_in_dim3A_681 : vector<16xi1>, vector<16xf32>
    %reduce_sum3A_683 = arith.constant true
    %reduce_sum3A_684 = vector.broadcast %reduce_sum3A_683 : i1 to vector<16xi1>
    %reduce_sum3A_685 = tpu.scan <sum>, %select_n3A_682 masked %reduce_sum3A_684 : vector<16xf32>, vector<16xi1> -> vector<16xf32>
    %reduce_sum3A_686 = vector.extract %reduce_sum3A_685[15] : f32 from vector<16xf32>
    %swap3A_687 = arith.constant 51 : i32
    %swap3A_688 = arith.index_cast %swap3A_687 : i32 to index
    %swap3A_689 = memref.load %arg7[%swap3A_688] : memref<128xf32, #tpu.memory_space<smem>>
    memref.store %reduce_sum3A_686, %arg7[%swap3A_688] : memref<128xf32, #tpu.memory_space<smem>>
    %eq3A_690 = arith.constant 4 : i32
    %eq3A_691 = vector.broadcast %eq3A_690 : i32 to vector<16xi32>
    %eq3A_692 = arith.cmpi eq, %iota3A, %eq3A_691 : vector<16xi32>
    %jit3A_693 = arith.constant 0.000000e+00 : f32
    %broadcast_in_dim3A_694 = vector.broadcast %jit3A_693 : f32 to vector<16xf32>
    %select_n3A_695 = arith.select %eq3A_692, %get3A_635, %broadcast_in_dim3A_694 : vector<16xi1>, vector<16xf32>
    %reduce_sum3A_696 = arith.constant true
    %reduce_sum3A_697 = vector.broadcast %reduce_sum3A_696 : i1 to vector<16xi1>
    %reduce_sum3A_698 = tpu.scan <sum>, %select_n3A_695 masked %reduce_sum3A_697 : vector<16xf32>, vector<16xi1> -> vector<16xf32>
    %reduce_sum3A_699 = vector.extract %reduce_sum3A_698[15] : f32 from vector<16xf32>
    %swap3A_700 = arith.constant 52 : i32
    %swap3A_701 = arith.index_cast %swap3A_700 : i32 to index
    %swap3A_702 = memref.load %arg7[%swap3A_701] : memref<128xf32, #tpu.memory_space<smem>>
    memref.store %reduce_sum3A_699, %arg7[%swap3A_701] : memref<128xf32, #tpu.memory_space<smem>>
    %eq3A_703 = arith.constant 5 : i32
    %eq3A_704 = vector.broadcast %eq3A_703 : i32 to vector<16xi32>
    %eq3A_705 = arith.cmpi eq, %iota3A, %eq3A_704 : vector<16xi32>
    %jit3A_706 = arith.constant 0.000000e+00 : f32
    %broadcast_in_dim3A_707 = vector.broadcast %jit3A_706 : f32 to vector<16xf32>
    %select_n3A_708 = arith.select %eq3A_705, %get3A_635, %broadcast_in_dim3A_707 : vector<16xi1>, vector<16xf32>
    %reduce_sum3A_709 = arith.constant true
    %reduce_sum3A_710 = vector.broadcast %reduce_sum3A_709 : i1 to vector<16xi1>
    %reduce_sum3A_711 = tpu.scan <sum>, %select_n3A_708 masked %reduce_sum3A_710 : vector<16xf32>, vector<16xi1> -> vector<16xf32>
    %reduce_sum3A_712 = vector.extract %reduce_sum3A_711[15] : f32 from vector<16xf32>
    %swap3A_713 = arith.constant 53 : i32
    %swap3A_714 = arith.index_cast %swap3A_713 : i32 to index
    %swap3A_715 = memref.load %arg7[%swap3A_714] : memref<128xf32, #tpu.memory_space<smem>>
    memref.store %reduce_sum3A_712, %arg7[%swap3A_714] : memref<128xf32, #tpu.memory_space<smem>>
    %eq3A_716 = arith.constant 6 : i32
    %eq3A_717 = vector.broadcast %eq3A_716 : i32 to vector<16xi32>
    %eq3A_718 = arith.cmpi eq, %iota3A, %eq3A_717 : vector<16xi32>
    %jit3A_719 = arith.constant 0.000000e+00 : f32
    %broadcast_in_dim3A_720 = vector.broadcast %jit3A_719 : f32 to vector<16xf32>
    %select_n3A_721 = arith.select %eq3A_718, %get3A_635, %broadcast_in_dim3A_720 : vector<16xi1>, vector<16xf32>
    %reduce_sum3A_722 = arith.constant true
    %reduce_sum3A_723 = vector.broadcast %reduce_sum3A_722 : i1 to vector<16xi1>
    %reduce_sum3A_724 = tpu.scan <sum>, %select_n3A_721 masked %reduce_sum3A_723 : vector<16xf32>, vector<16xi1> -> vector<16xf32>
    %reduce_sum3A_725 = vector.extract %reduce_sum3A_724[15] : f32 from vector<16xf32>
    %swap3A_726 = arith.constant 54 : i32
    %swap3A_727 = arith.index_cast %swap3A_726 : i32 to index
    %swap3A_728 = memref.load %arg7[%swap3A_727] : memref<128xf32, #tpu.memory_space<smem>>
    memref.store %reduce_sum3A_725, %arg7[%swap3A_727] : memref<128xf32, #tpu.memory_space<smem>>
    %eq3A_729 = arith.constant 7 : i32
    %eq3A_730 = vector.broadcast %eq3A_729 : i32 to vector<16xi32>
    %eq3A_731 = arith.cmpi eq, %iota3A, %eq3A_730 : vector<16xi32>
    %jit3A_732 = arith.constant 0.000000e+00 : f32
    %broadcast_in_dim3A_733 = vector.broadcast %jit3A_732 : f32 to vector<16xf32>
    %select_n3A_734 = arith.select %eq3A_731, %get3A_635, %broadcast_in_dim3A_733 : vector<16xi1>, vector<16xf32>
    %reduce_sum3A_735 = arith.constant true
    %reduce_sum3A_736 = vector.broadcast %reduce_sum3A_735 : i1 to vector<16xi1>
    %reduce_sum3A_737 = tpu.scan <sum>, %select_n3A_734 masked %reduce_sum3A_736 : vector<16xf32>, vector<16xi1> -> vector<16xf32>
    %reduce_sum3A_738 = vector.extract %reduce_sum3A_737[15] : f32 from vector<16xf32>
    %swap3A_739 = arith.constant 55 : i32
    %swap3A_740 = arith.index_cast %swap3A_739 : i32 to index
    %swap3A_741 = memref.load %arg7[%swap3A_740] : memref<128xf32, #tpu.memory_space<smem>>
    memref.store %reduce_sum3A_738, %arg7[%swap3A_740] : memref<128xf32, #tpu.memory_space<smem>>
    %eq3A_742 = arith.constant 8 : i32
    %eq3A_743 = vector.broadcast %eq3A_742 : i32 to vector<16xi32>
    %eq3A_744 = arith.cmpi eq, %iota3A, %eq3A_743 : vector<16xi32>
    %jit3A_745 = arith.constant 0.000000e+00 : f32
    %broadcast_in_dim3A_746 = vector.broadcast %jit3A_745 : f32 to vector<16xf32>
    %select_n3A_747 = arith.select %eq3A_744, %get3A_635, %broadcast_in_dim3A_746 : vector<16xi1>, vector<16xf32>
    %reduce_sum3A_748 = arith.constant true
    %reduce_sum3A_749 = vector.broadcast %reduce_sum3A_748 : i1 to vector<16xi1>
    %reduce_sum3A_750 = tpu.scan <sum>, %select_n3A_747 masked %reduce_sum3A_749 : vector<16xf32>, vector<16xi1> -> vector<16xf32>
    %reduce_sum3A_751 = vector.extract %reduce_sum3A_750[15] : f32 from vector<16xf32>
    %swap3A_752 = arith.constant 56 : i32
    %swap3A_753 = arith.index_cast %swap3A_752 : i32 to index
    %swap3A_754 = memref.load %arg7[%swap3A_753] : memref<128xf32, #tpu.memory_space<smem>>
    memref.store %reduce_sum3A_751, %arg7[%swap3A_753] : memref<128xf32, #tpu.memory_space<smem>>
    %eq3A_755 = arith.constant 9 : i32
    %eq3A_756 = vector.broadcast %eq3A_755 : i32 to vector<16xi32>
    %eq3A_757 = arith.cmpi eq, %iota3A, %eq3A_756 : vector<16xi32>
    %jit3A_758 = arith.constant 0.000000e+00 : f32
    %broadcast_in_dim3A_759 = vector.broadcast %jit3A_758 : f32 to vector<16xf32>
    %select_n3A_760 = arith.select %eq3A_757, %get3A_635, %broadcast_in_dim3A_759 : vector<16xi1>, vector<16xf32>
    %reduce_sum3A_761 = arith.constant true
    %reduce_sum3A_762 = vector.broadcast %reduce_sum3A_761 : i1 to vector<16xi1>
    %reduce_sum3A_763 = tpu.scan <sum>, %select_n3A_760 masked %reduce_sum3A_762 : vector<16xf32>, vector<16xi1> -> vector<16xf32>
    %reduce_sum3A_764 = vector.extract %reduce_sum3A_763[15] : f32 from vector<16xf32>
    %swap3A_765 = arith.constant 57 : i32
    %swap3A_766 = arith.index_cast %swap3A_765 : i32 to index
    %swap3A_767 = memref.load %arg7[%swap3A_766] : memref<128xf32, #tpu.memory_space<smem>>
    memref.store %reduce_sum3A_764, %arg7[%swap3A_766] : memref<128xf32, #tpu.memory_space<smem>>
    %eq3A_768 = arith.constant 10 : i32
    %eq3A_769 = vector.broadcast %eq3A_768 : i32 to vector<16xi32>
    %eq3A_770 = arith.cmpi eq, %iota3A, %eq3A_769 : vector<16xi32>
    %jit3A_771 = arith.constant 0.000000e+00 : f32
    %broadcast_in_dim3A_772 = vector.broadcast %jit3A_771 : f32 to vector<16xf32>
    %select_n3A_773 = arith.select %eq3A_770, %get3A_635, %broadcast_in_dim3A_772 : vector<16xi1>, vector<16xf32>
    %reduce_sum3A_774 = arith.constant true
    %reduce_sum3A_775 = vector.broadcast %reduce_sum3A_774 : i1 to vector<16xi1>
    %reduce_sum3A_776 = tpu.scan <sum>, %select_n3A_773 masked %reduce_sum3A_775 : vector<16xf32>, vector<16xi1> -> vector<16xf32>
    %reduce_sum3A_777 = vector.extract %reduce_sum3A_776[15] : f32 from vector<16xf32>
    %swap3A_778 = arith.constant 58 : i32
    %swap3A_779 = arith.index_cast %swap3A_778 : i32 to index
    %swap3A_780 = memref.load %arg7[%swap3A_779] : memref<128xf32, #tpu.memory_space<smem>>
    memref.store %reduce_sum3A_777, %arg7[%swap3A_779] : memref<128xf32, #tpu.memory_space<smem>>
    %eq3A_781 = arith.constant 11 : i32
    %eq3A_782 = vector.broadcast %eq3A_781 : i32 to vector<16xi32>
    %eq3A_783 = arith.cmpi eq, %iota3A, %eq3A_782 : vector<16xi32>
    %jit3A_784 = arith.constant 0.000000e+00 : f32
    %broadcast_in_dim3A_785 = vector.broadcast %jit3A_784 : f32 to vector<16xf32>
    %select_n3A_786 = arith.select %eq3A_783, %get3A_635, %broadcast_in_dim3A_785 : vector<16xi1>, vector<16xf32>
    %reduce_sum3A_787 = arith.constant true
    %reduce_sum3A_788 = vector.broadcast %reduce_sum3A_787 : i1 to vector<16xi1>
    %reduce_sum3A_789 = tpu.scan <sum>, %select_n3A_786 masked %reduce_sum3A_788 : vector<16xf32>, vector<16xi1> -> vector<16xf32>
    %reduce_sum3A_790 = vector.extract %reduce_sum3A_789[15] : f32 from vector<16xf32>
    %swap3A_791 = arith.constant 59 : i32
    %swap3A_792 = arith.index_cast %swap3A_791 : i32 to index
    %swap3A_793 = memref.load %arg7[%swap3A_792] : memref<128xf32, #tpu.memory_space<smem>>
    memref.store %reduce_sum3A_790, %arg7[%swap3A_792] : memref<128xf32, #tpu.memory_space<smem>>
    %eq3A_794 = arith.constant 12 : i32
    %eq3A_795 = vector.broadcast %eq3A_794 : i32 to vector<16xi32>
    %eq3A_796 = arith.cmpi eq, %iota3A, %eq3A_795 : vector<16xi32>
    %jit3A_797 = arith.constant 0.000000e+00 : f32
    %broadcast_in_dim3A_798 = vector.broadcast %jit3A_797 : f32 to vector<16xf32>
    %select_n3A_799 = arith.select %eq3A_796, %get3A_635, %broadcast_in_dim3A_798 : vector<16xi1>, vector<16xf32>
    %reduce_sum3A_800 = arith.constant true
    %reduce_sum3A_801 = vector.broadcast %reduce_sum3A_800 : i1 to vector<16xi1>
    %reduce_sum3A_802 = tpu.scan <sum>, %select_n3A_799 masked %reduce_sum3A_801 : vector<16xf32>, vector<16xi1> -> vector<16xf32>
    %reduce_sum3A_803 = vector.extract %reduce_sum3A_802[15] : f32 from vector<16xf32>
    %swap3A_804 = arith.constant 60 : i32
    %swap3A_805 = arith.index_cast %swap3A_804 : i32 to index
    %swap3A_806 = memref.load %arg7[%swap3A_805] : memref<128xf32, #tpu.memory_space<smem>>
    memref.store %reduce_sum3A_803, %arg7[%swap3A_805] : memref<128xf32, #tpu.memory_space<smem>>
    %eq3A_807 = arith.constant 13 : i32
    %eq3A_808 = vector.broadcast %eq3A_807 : i32 to vector<16xi32>
    %eq3A_809 = arith.cmpi eq, %iota3A, %eq3A_808 : vector<16xi32>
    %jit3A_810 = arith.constant 0.000000e+00 : f32
    %broadcast_in_dim3A_811 = vector.broadcast %jit3A_810 : f32 to vector<16xf32>
    %select_n3A_812 = arith.select %eq3A_809, %get3A_635, %broadcast_in_dim3A_811 : vector<16xi1>, vector<16xf32>
    %reduce_sum3A_813 = arith.constant true
    %reduce_sum3A_814 = vector.broadcast %reduce_sum3A_813 : i1 to vector<16xi1>
    %reduce_sum3A_815 = tpu.scan <sum>, %select_n3A_812 masked %reduce_sum3A_814 : vector<16xf32>, vector<16xi1> -> vector<16xf32>
    %reduce_sum3A_816 = vector.extract %reduce_sum3A_815[15] : f32 from vector<16xf32>
    %swap3A_817 = arith.constant 61 : i32
    %swap3A_818 = arith.index_cast %swap3A_817 : i32 to index
    %swap3A_819 = memref.load %arg7[%swap3A_818] : memref<128xf32, #tpu.memory_space<smem>>
    memref.store %reduce_sum3A_816, %arg7[%swap3A_818] : memref<128xf32, #tpu.memory_space<smem>>
    %eq3A_820 = arith.constant 14 : i32
    %eq3A_821 = vector.broadcast %eq3A_820 : i32 to vector<16xi32>
    %eq3A_822 = arith.cmpi eq, %iota3A, %eq3A_821 : vector<16xi32>
    %jit3A_823 = arith.constant 0.000000e+00 : f32
    %broadcast_in_dim3A_824 = vector.broadcast %jit3A_823 : f32 to vector<16xf32>
    %select_n3A_825 = arith.select %eq3A_822, %get3A_635, %broadcast_in_dim3A_824 : vector<16xi1>, vector<16xf32>
    %reduce_sum3A_826 = arith.constant true
    %reduce_sum3A_827 = vector.broadcast %reduce_sum3A_826 : i1 to vector<16xi1>
    %reduce_sum3A_828 = tpu.scan <sum>, %select_n3A_825 masked %reduce_sum3A_827 : vector<16xf32>, vector<16xi1> -> vector<16xf32>
    %reduce_sum3A_829 = vector.extract %reduce_sum3A_828[15] : f32 from vector<16xf32>
    %swap3A_830 = arith.constant 62 : i32
    %swap3A_831 = arith.index_cast %swap3A_830 : i32 to index
    %swap3A_832 = memref.load %arg7[%swap3A_831] : memref<128xf32, #tpu.memory_space<smem>>
    memref.store %reduce_sum3A_829, %arg7[%swap3A_831] : memref<128xf32, #tpu.memory_space<smem>>
    %eq3A_833 = arith.constant 15 : i32
    %eq3A_834 = vector.broadcast %eq3A_833 : i32 to vector<16xi32>
    %eq3A_835 = arith.cmpi eq, %iota3A, %eq3A_834 : vector<16xi32>
    %jit3A_836 = arith.constant 0.000000e+00 : f32
    %broadcast_in_dim3A_837 = vector.broadcast %jit3A_836 : f32 to vector<16xf32>
    %select_n3A_838 = arith.select %eq3A_835, %get3A_635, %broadcast_in_dim3A_837 : vector<16xi1>, vector<16xf32>
    %reduce_sum3A_839 = arith.constant true
    %reduce_sum3A_840 = vector.broadcast %reduce_sum3A_839 : i1 to vector<16xi1>
    %reduce_sum3A_841 = tpu.scan <sum>, %select_n3A_838 masked %reduce_sum3A_840 : vector<16xf32>, vector<16xi1> -> vector<16xf32>
    %reduce_sum3A_842 = vector.extract %reduce_sum3A_841[15] : f32 from vector<16xf32>
    %swap3A_843 = arith.constant 63 : i32
    %swap3A_844 = arith.index_cast %swap3A_843 : i32 to index
    %swap3A_845 = memref.load %arg7[%swap3A_844] : memref<128xf32, #tpu.memory_space<smem>>
    memref.store %reduce_sum3A_842, %arg7[%swap3A_844] : memref<128xf32, #tpu.memory_space<smem>>
    %get3A_846 = arith.constant 64 : index
    %get3A_847 = tpu.vector_load %arg6[%get3A_846] {strides = array<i32>} : memref<128xf32, #tpu.memory_space<vmem>>, vector<16xf32>,
    %mul3A_848 = arith.mulf %get3A_847, %get3A_847 : vector<16xf32>
    %add3A_849 = arith.addf %add3A_637, %mul3A_848 : vector<16xf32>
    %eq3A_850 = arith.constant 0 : i32
    %eq3A_851 = vector.broadcast %eq3A_850 : i32 to vector<16xi32>
    %eq3A_852 = arith.cmpi eq, %iota3A, %eq3A_851 : vector<16xi32>
    %jit3A_853 = arith.constant 0.000000e+00 : f32
    %broadcast_in_dim3A_854 = vector.broadcast %jit3A_853 : f32 to vector<16xf32>
    %select_n3A_855 = arith.select %eq3A_852, %get3A_847, %broadcast_in_dim3A_854 : vector<16xi1>, vector<16xf32>
    %reduce_sum3A_856 = arith.constant true
    %reduce_sum3A_857 = vector.broadcast %reduce_sum3A_856 : i1 to vector<16xi1>
    %reduce_sum3A_858 = tpu.scan <sum>, %select_n3A_855 masked %reduce_sum3A_857 : vector<16xf32>, vector<16xi1> -> vector<16xf32>
    %reduce_sum3A_859 = vector.extract %reduce_sum3A_858[15] : f32 from vector<16xf32>
    %swap3A_860 = arith.constant 64 : i32
    %swap3A_861 = arith.index_cast %swap3A_860 : i32 to index
    %swap3A_862 = memref.load %arg7[%swap3A_861] : memref<128xf32, #tpu.memory_space<smem>>
    memref.store %reduce_sum3A_859, %arg7[%swap3A_861] : memref<128xf32, #tpu.memory_space<smem>>
    %eq3A_863 = arith.constant 1 : i32
    %eq3A_864 = vector.broadcast %eq3A_863 : i32 to vector<16xi32>
    %eq3A_865 = arith.cmpi eq, %iota3A, %eq3A_864 : vector<16xi32>
    %jit3A_866 = arith.constant 0.000000e+00 : f32
    %broadcast_in_dim3A_867 = vector.broadcast %jit3A_866 : f32 to vector<16xf32>
    %select_n3A_868 = arith.select %eq3A_865, %get3A_847, %broadcast_in_dim3A_867 : vector<16xi1>, vector<16xf32>
    %reduce_sum3A_869 = arith.constant true
    %reduce_sum3A_870 = vector.broadcast %reduce_sum3A_869 : i1 to vector<16xi1>
    %reduce_sum3A_871 = tpu.scan <sum>, %select_n3A_868 masked %reduce_sum3A_870 : vector<16xf32>, vector<16xi1> -> vector<16xf32>
    %reduce_sum3A_872 = vector.extract %reduce_sum3A_871[15] : f32 from vector<16xf32>
    %swap3A_873 = arith.constant 65 : i32
    %swap3A_874 = arith.index_cast %swap3A_873 : i32 to index
    %swap3A_875 = memref.load %arg7[%swap3A_874] : memref<128xf32, #tpu.memory_space<smem>>
    memref.store %reduce_sum3A_872, %arg7[%swap3A_874] : memref<128xf32, #tpu.memory_space<smem>>
    %eq3A_876 = arith.constant 2 : i32
    %eq3A_877 = vector.broadcast %eq3A_876 : i32 to vector<16xi32>
    %eq3A_878 = arith.cmpi eq, %iota3A, %eq3A_877 : vector<16xi32>
    %jit3A_879 = arith.constant 0.000000e+00 : f32
    %broadcast_in_dim3A_880 = vector.broadcast %jit3A_879 : f32 to vector<16xf32>
    %select_n3A_881 = arith.select %eq3A_878, %get3A_847, %broadcast_in_dim3A_880 : vector<16xi1>, vector<16xf32>
    %reduce_sum3A_882 = arith.constant true
    %reduce_sum3A_883 = vector.broadcast %reduce_sum3A_882 : i1 to vector<16xi1>
    %reduce_sum3A_884 = tpu.scan <sum>, %select_n3A_881 masked %reduce_sum3A_883 : vector<16xf32>, vector<16xi1> -> vector<16xf32>
    %reduce_sum3A_885 = vector.extract %reduce_sum3A_884[15] : f32 from vector<16xf32>
    %swap3A_886 = arith.constant 66 : i32
    %swap3A_887 = arith.index_cast %swap3A_886 : i32 to index
    %swap3A_888 = memref.load %arg7[%swap3A_887] : memref<128xf32, #tpu.memory_space<smem>>
    memref.store %reduce_sum3A_885, %arg7[%swap3A_887] : memref<128xf32, #tpu.memory_space<smem>>
    %eq3A_889 = arith.constant 3 : i32
    %eq3A_890 = vector.broadcast %eq3A_889 : i32 to vector<16xi32>
    %eq3A_891 = arith.cmpi eq, %iota3A, %eq3A_890 : vector<16xi32>
    %jit3A_892 = arith.constant 0.000000e+00 : f32
    %broadcast_in_dim3A_893 = vector.broadcast %jit3A_892 : f32 to vector<16xf32>
    %select_n3A_894 = arith.select %eq3A_891, %get3A_847, %broadcast_in_dim3A_893 : vector<16xi1>, vector<16xf32>
    %reduce_sum3A_895 = arith.constant true
    %reduce_sum3A_896 = vector.broadcast %reduce_sum3A_895 : i1 to vector<16xi1>
    %reduce_sum3A_897 = tpu.scan <sum>, %select_n3A_894 masked %reduce_sum3A_896 : vector<16xf32>, vector<16xi1> -> vector<16xf32>
    %reduce_sum3A_898 = vector.extract %reduce_sum3A_897[15] : f32 from vector<16xf32>
    %swap3A_899 = arith.constant 67 : i32
    %swap3A_900 = arith.index_cast %swap3A_899 : i32 to index
    %swap3A_901 = memref.load %arg7[%swap3A_900] : memref<128xf32, #tpu.memory_space<smem>>
    memref.store %reduce_sum3A_898, %arg7[%swap3A_900] : memref<128xf32, #tpu.memory_space<smem>>
    %eq3A_902 = arith.constant 4 : i32
    %eq3A_903 = vector.broadcast %eq3A_902 : i32 to vector<16xi32>
    %eq3A_904 = arith.cmpi eq, %iota3A, %eq3A_903 : vector<16xi32>
    %jit3A_905 = arith.constant 0.000000e+00 : f32
    %broadcast_in_dim3A_906 = vector.broadcast %jit3A_905 : f32 to vector<16xf32>
    %select_n3A_907 = arith.select %eq3A_904, %get3A_847, %broadcast_in_dim3A_906 : vector<16xi1>, vector<16xf32>
    %reduce_sum3A_908 = arith.constant true
    %reduce_sum3A_909 = vector.broadcast %reduce_sum3A_908 : i1 to vector<16xi1>
    %reduce_sum3A_910 = tpu.scan <sum>, %select_n3A_907 masked %reduce_sum3A_909 : vector<16xf32>, vector<16xi1> -> vector<16xf32>
    %reduce_sum3A_911 = vector.extract %reduce_sum3A_910[15] : f32 from vector<16xf32>
    %swap3A_912 = arith.constant 68 : i32
    %swap3A_913 = arith.index_cast %swap3A_912 : i32 to index
    %swap3A_914 = memref.load %arg7[%swap3A_913] : memref<128xf32, #tpu.memory_space<smem>>
    memref.store %reduce_sum3A_911, %arg7[%swap3A_913] : memref<128xf32, #tpu.memory_space<smem>>
    %eq3A_915 = arith.constant 5 : i32
    %eq3A_916 = vector.broadcast %eq3A_915 : i32 to vector<16xi32>
    %eq3A_917 = arith.cmpi eq, %iota3A, %eq3A_916 : vector<16xi32>
    %jit3A_918 = arith.constant 0.000000e+00 : f32
    %broadcast_in_dim3A_919 = vector.broadcast %jit3A_918 : f32 to vector<16xf32>
    %select_n3A_920 = arith.select %eq3A_917, %get3A_847, %broadcast_in_dim3A_919 : vector<16xi1>, vector<16xf32>
    %reduce_sum3A_921 = arith.constant true
    %reduce_sum3A_922 = vector.broadcast %reduce_sum3A_921 : i1 to vector<16xi1>
    %reduce_sum3A_923 = tpu.scan <sum>, %select_n3A_920 masked %reduce_sum3A_922 : vector<16xf32>, vector<16xi1> -> vector<16xf32>
    %reduce_sum3A_924 = vector.extract %reduce_sum3A_923[15] : f32 from vector<16xf32>
    %swap3A_925 = arith.constant 69 : i32
    %swap3A_926 = arith.index_cast %swap3A_925 : i32 to index
    %swap3A_927 = memref.load %arg7[%swap3A_926] : memref<128xf32, #tpu.memory_space<smem>>
    memref.store %reduce_sum3A_924, %arg7[%swap3A_926] : memref<128xf32, #tpu.memory_space<smem>>
    %eq3A_928 = arith.constant 6 : i32
    %eq3A_929 = vector.broadcast %eq3A_928 : i32 to vector<16xi32>
    %eq3A_930 = arith.cmpi eq, %iota3A, %eq3A_929 : vector<16xi32>
    %jit3A_931 = arith.constant 0.000000e+00 : f32
    %broadcast_in_dim3A_932 = vector.broadcast %jit3A_931 : f32 to vector<16xf32>
    %select_n3A_933 = arith.select %eq3A_930, %get3A_847, %broadcast_in_dim3A_932 : vector<16xi1>, vector<16xf32>
    %reduce_sum3A_934 = arith.constant true
    %reduce_sum3A_935 = vector.broadcast %reduce_sum3A_934 : i1 to vector<16xi1>
    %reduce_sum3A_936 = tpu.scan <sum>, %select_n3A_933 masked %reduce_sum3A_935 : vector<16xf32>, vector<16xi1> -> vector<16xf32>
    %reduce_sum3A_937 = vector.extract %reduce_sum3A_936[15] : f32 from vector<16xf32>
    %swap3A_938 = arith.constant 70 : i32
    %swap3A_939 = arith.index_cast %swap3A_938 : i32 to index
    %swap3A_940 = memref.load %arg7[%swap3A_939] : memref<128xf32, #tpu.memory_space<smem>>
    memref.store %reduce_sum3A_937, %arg7[%swap3A_939] : memref<128xf32, #tpu.memory_space<smem>>
    %eq3A_941 = arith.constant 7 : i32
    %eq3A_942 = vector.broadcast %eq3A_941 : i32 to vector<16xi32>
    %eq3A_943 = arith.cmpi eq, %iota3A, %eq3A_942 : vector<16xi32>
    %jit3A_944 = arith.constant 0.000000e+00 : f32
    %broadcast_in_dim3A_945 = vector.broadcast %jit3A_944 : f32 to vector<16xf32>
    %select_n3A_946 = arith.select %eq3A_943, %get3A_847, %broadcast_in_dim3A_945 : vector<16xi1>, vector<16xf32>
    %reduce_sum3A_947 = arith.constant true
    %reduce_sum3A_948 = vector.broadcast %reduce_sum3A_947 : i1 to vector<16xi1>
    %reduce_sum3A_949 = tpu.scan <sum>, %select_n3A_946 masked %reduce_sum3A_948 : vector<16xf32>, vector<16xi1> -> vector<16xf32>
    %reduce_sum3A_950 = vector.extract %reduce_sum3A_949[15] : f32 from vector<16xf32>
    %swap3A_951 = arith.constant 71 : i32
    %swap3A_952 = arith.index_cast %swap3A_951 : i32 to index
    %swap3A_953 = memref.load %arg7[%swap3A_952] : memref<128xf32, #tpu.memory_space<smem>>
    memref.store %reduce_sum3A_950, %arg7[%swap3A_952] : memref<128xf32, #tpu.memory_space<smem>>
    %eq3A_954 = arith.constant 8 : i32
    %eq3A_955 = vector.broadcast %eq3A_954 : i32 to vector<16xi32>
    %eq3A_956 = arith.cmpi eq, %iota3A, %eq3A_955 : vector<16xi32>
    %jit3A_957 = arith.constant 0.000000e+00 : f32
    %broadcast_in_dim3A_958 = vector.broadcast %jit3A_957 : f32 to vector<16xf32>
    %select_n3A_959 = arith.select %eq3A_956, %get3A_847, %broadcast_in_dim3A_958 : vector<16xi1>, vector<16xf32>
    %reduce_sum3A_960 = arith.constant true
    %reduce_sum3A_961 = vector.broadcast %reduce_sum3A_960 : i1 to vector<16xi1>
    %reduce_sum3A_962 = tpu.scan <sum>, %select_n3A_959 masked %reduce_sum3A_961 : vector<16xf32>, vector<16xi1> -> vector<16xf32>
    %reduce_sum3A_963 = vector.extract %reduce_sum3A_962[15] : f32 from vector<16xf32>
    %swap3A_964 = arith.constant 72 : i32
    %swap3A_965 = arith.index_cast %swap3A_964 : i32 to index
    %swap3A_966 = memref.load %arg7[%swap3A_965] : memref<128xf32, #tpu.memory_space<smem>>
    memref.store %reduce_sum3A_963, %arg7[%swap3A_965] : memref<128xf32, #tpu.memory_space<smem>>
    %eq3A_967 = arith.constant 9 : i32
    %eq3A_968 = vector.broadcast %eq3A_967 : i32 to vector<16xi32>
    %eq3A_969 = arith.cmpi eq, %iota3A, %eq3A_968 : vector<16xi32>
    %jit3A_970 = arith.constant 0.000000e+00 : f32
    %broadcast_in_dim3A_971 = vector.broadcast %jit3A_970 : f32 to vector<16xf32>
    %select_n3A_972 = arith.select %eq3A_969, %get3A_847, %broadcast_in_dim3A_971 : vector<16xi1>, vector<16xf32>
    %reduce_sum3A_973 = arith.constant true
    %reduce_sum3A_974 = vector.broadcast %reduce_sum3A_973 : i1 to vector<16xi1>
    %reduce_sum3A_975 = tpu.scan <sum>, %select_n3A_972 masked %reduce_sum3A_974 : vector<16xf32>, vector<16xi1> -> vector<16xf32>
    %reduce_sum3A_976 = vector.extract %reduce_sum3A_975[15] : f32 from vector<16xf32>
    %swap3A_977 = arith.constant 73 : i32
    %swap3A_978 = arith.index_cast %swap3A_977 : i32 to index
    %swap3A_979 = memref.load %arg7[%swap3A_978] : memref<128xf32, #tpu.memory_space<smem>>
    memref.store %reduce_sum3A_976, %arg7[%swap3A_978] : memref<128xf32, #tpu.memory_space<smem>>
    %eq3A_980 = arith.constant 10 : i32
    %eq3A_981 = vector.broadcast %eq3A_980 : i32 to vector<16xi32>
    %eq3A_982 = arith.cmpi eq, %iota3A, %eq3A_981 : vector<16xi32>
    %jit3A_983 = arith.constant 0.000000e+00 : f32
    %broadcast_in_dim3A_984 = vector.broadcast %jit3A_983 : f32 to vector<16xf32>
    %select_n3A_985 = arith.select %eq3A_982, %get3A_847, %broadcast_in_dim3A_984 : vector<16xi1>, vector<16xf32>
    %reduce_sum3A_986 = arith.constant true
    %reduce_sum3A_987 = vector.broadcast %reduce_sum3A_986 : i1 to vector<16xi1>
    %reduce_sum3A_988 = tpu.scan <sum>, %select_n3A_985 masked %reduce_sum3A_987 : vector<16xf32>, vector<16xi1> -> vector<16xf32>
    %reduce_sum3A_989 = vector.extract %reduce_sum3A_988[15] : f32 from vector<16xf32>
    %swap3A_990 = arith.constant 74 : i32
    %swap3A_991 = arith.index_cast %swap3A_990 : i32 to index
    %swap3A_992 = memref.load %arg7[%swap3A_991] : memref<128xf32, #tpu.memory_space<smem>>
    memref.store %reduce_sum3A_989, %arg7[%swap3A_991] : memref<128xf32, #tpu.memory_space<smem>>
    %eq3A_993 = arith.constant 11 : i32
    %eq3A_994 = vector.broadcast %eq3A_993 : i32 to vector<16xi32>
    %eq3A_995 = arith.cmpi eq, %iota3A, %eq3A_994 : vector<16xi32>
    %jit3A_996 = arith.constant 0.000000e+00 : f32
    %broadcast_in_dim3A_997 = vector.broadcast %jit3A_996 : f32 to vector<16xf32>
    %select_n3A_998 = arith.select %eq3A_995, %get3A_847, %broadcast_in_dim3A_997 : vector<16xi1>, vector<16xf32>
    %reduce_sum3A_999 = arith.constant true
    %reduce_sum3A_1000 = vector.broadcast %reduce_sum3A_999 : i1 to vector<16xi1>
    %reduce_sum3A_1001 = tpu.scan <sum>, %select_n3A_998 masked %reduce_sum3A_1000 : vector<16xf32>, vector<16xi1> -> vector<16xf32>
    %reduce_sum3A_1002 = vector.extract %reduce_sum3A_1001[15] : f32 from vector<16xf32>
    %swap3A_1003 = arith.constant 75 : i32
    %swap3A_1004 = arith.index_cast %swap3A_1003 : i32 to index
    %swap3A_1005 = memref.load %arg7[%swap3A_1004] : memref<128xf32, #tpu.memory_space<smem>>
    memref.store %reduce_sum3A_1002, %arg7[%swap3A_1004] : memref<128xf32, #tpu.memory_space<smem>>
    %eq3A_1006 = arith.constant 12 : i32
    %eq3A_1007 = vector.broadcast %eq3A_1006 : i32 to vector<16xi32>
    %eq3A_1008 = arith.cmpi eq, %iota3A, %eq3A_1007 : vector<16xi32>
    %jit3A_1009 = arith.constant 0.000000e+00 : f32
    %broadcast_in_dim3A_1010 = vector.broadcast %jit3A_1009 : f32 to vector<16xf32>
    %select_n3A_1011 = arith.select %eq3A_1008, %get3A_847, %broadcast_in_dim3A_1010 : vector<16xi1>, vector<16xf32>
    %reduce_sum3A_1012 = arith.constant true
    %reduce_sum3A_1013 = vector.broadcast %reduce_sum3A_1012 : i1 to vector<16xi1>
    %reduce_sum3A_1014 = tpu.scan <sum>, %select_n3A_1011 masked %reduce_sum3A_1013 : vector<16xf32>, vector<16xi1> -> vector<16xf32>
    %reduce_sum3A_1015 = vector.extract %reduce_sum3A_1014[15] : f32 from vector<16xf32>
    %swap3A_1016 = arith.constant 76 : i32
    %swap3A_1017 = arith.index_cast %swap3A_1016 : i32 to index
    %swap3A_1018 = memref.load %arg7[%swap3A_1017] : memref<128xf32, #tpu.memory_space<smem>>
    memref.store %reduce_sum3A_1015, %arg7[%swap3A_1017] : memref<128xf32, #tpu.memory_space<smem>>
    %eq3A_1019 = arith.constant 13 : i32
    %eq3A_1020 = vector.broadcast %eq3A_1019 : i32 to vector<16xi32>
    %eq3A_1021 = arith.cmpi eq, %iota3A, %eq3A_1020 : vector<16xi32>
    %jit3A_1022 = arith.constant 0.000000e+00 : f32
    %broadcast_in_dim3A_1023 = vector.broadcast %jit3A_1022 : f32 to vector<16xf32>
    %select_n3A_1024 = arith.select %eq3A_1021, %get3A_847, %broadcast_in_dim3A_1023 : vector<16xi1>, vector<16xf32>
    %reduce_sum3A_1025 = arith.constant true
    %reduce_sum3A_1026 = vector.broadcast %reduce_sum3A_1025 : i1 to vector<16xi1>
    %reduce_sum3A_1027 = tpu.scan <sum>, %select_n3A_1024 masked %reduce_sum3A_1026 : vector<16xf32>, vector<16xi1> -> vector<16xf32>
    %reduce_sum3A_1028 = vector.extract %reduce_sum3A_1027[15] : f32 from vector<16xf32>
    %swap3A_1029 = arith.constant 77 : i32
    %swap3A_1030 = arith.index_cast %swap3A_1029 : i32 to index
    %swap3A_1031 = memref.load %arg7[%swap3A_1030] : memref<128xf32, #tpu.memory_space<smem>>
    memref.store %reduce_sum3A_1028, %arg7[%swap3A_1030] : memref<128xf32, #tpu.memory_space<smem>>
    %eq3A_1032 = arith.constant 14 : i32
    %eq3A_1033 = vector.broadcast %eq3A_1032 : i32 to vector<16xi32>
    %eq3A_1034 = arith.cmpi eq, %iota3A, %eq3A_1033 : vector<16xi32>
    %jit3A_1035 = arith.constant 0.000000e+00 : f32
    %broadcast_in_dim3A_1036 = vector.broadcast %jit3A_1035 : f32 to vector<16xf32>
    %select_n3A_1037 = arith.select %eq3A_1034, %get3A_847, %broadcast_in_dim3A_1036 : vector<16xi1>, vector<16xf32>
    %reduce_sum3A_1038 = arith.constant true
    %reduce_sum3A_1039 = vector.broadcast %reduce_sum3A_1038 : i1 to vector<16xi1>
    %reduce_sum3A_1040 = tpu.scan <sum>, %select_n3A_1037 masked %reduce_sum3A_1039 : vector<16xf32>, vector<16xi1> -> vector<16xf32>
    %reduce_sum3A_1041 = vector.extract %reduce_sum3A_1040[15] : f32 from vector<16xf32>
    %swap3A_1042 = arith.constant 78 : i32
    %swap3A_1043 = arith.index_cast %swap3A_1042 : i32 to index
    %swap3A_1044 = memref.load %arg7[%swap3A_1043] : memref<128xf32, #tpu.memory_space<smem>>
    memref.store %reduce_sum3A_1041, %arg7[%swap3A_1043] : memref<128xf32, #tpu.memory_space<smem>>
    %eq3A_1045 = arith.constant 15 : i32
    %eq3A_1046 = vector.broadcast %eq3A_1045 : i32 to vector<16xi32>
    %eq3A_1047 = arith.cmpi eq, %iota3A, %eq3A_1046 : vector<16xi32>
    %jit3A_1048 = arith.constant 0.000000e+00 : f32
    %broadcast_in_dim3A_1049 = vector.broadcast %jit3A_1048 : f32 to vector<16xf32>
    %select_n3A_1050 = arith.select %eq3A_1047, %get3A_847, %broadcast_in_dim3A_1049 : vector<16xi1>, vector<16xf32>
    %reduce_sum3A_1051 = arith.constant true
    %reduce_sum3A_1052 = vector.broadcast %reduce_sum3A_1051 : i1 to vector<16xi1>
    %reduce_sum3A_1053 = tpu.scan <sum>, %select_n3A_1050 masked %reduce_sum3A_1052 : vector<16xf32>, vector<16xi1> -> vector<16xf32>
    %reduce_sum3A_1054 = vector.extract %reduce_sum3A_1053[15] : f32 from vector<16xf32>
    %swap3A_1055 = arith.constant 79 : i32
    %swap3A_1056 = arith.index_cast %swap3A_1055 : i32 to index
    %swap3A_1057 = memref.load %arg7[%swap3A_1056] : memref<128xf32, #tpu.memory_space<smem>>
    memref.store %reduce_sum3A_1054, %arg7[%swap3A_1056] : memref<128xf32, #tpu.memory_space<smem>>
    %get3A_1058 = arith.constant 80 : index
    %get3A_1059 = tpu.vector_load %arg6[%get3A_1058] {strides = array<i32>} : memref<128xf32, #tpu.memory_space<vmem>>, vector<16xf32>,
    %mul3A_1060 = arith.mulf %get3A_1059, %get3A_1059 : vector<16xf32>
    %add3A_1061 = arith.addf %add3A_849, %mul3A_1060 : vector<16xf32>
    %eq3A_1062 = arith.constant 0 : i32
    %eq3A_1063 = vector.broadcast %eq3A_1062 : i32 to vector<16xi32>
    %eq3A_1064 = arith.cmpi eq, %iota3A, %eq3A_1063 : vector<16xi32>
    %jit3A_1065 = arith.constant 0.000000e+00 : f32
    %broadcast_in_dim3A_1066 = vector.broadcast %jit3A_1065 : f32 to vector<16xf32>
    %select_n3A_1067 = arith.select %eq3A_1064, %get3A_1059, %broadcast_in_dim3A_1066 : vector<16xi1>, vector<16xf32>
    %reduce_sum3A_1068 = arith.constant true
    %reduce_sum3A_1069 = vector.broadcast %reduce_sum3A_1068 : i1 to vector<16xi1>
    %reduce_sum3A_1070 = tpu.scan <sum>, %select_n3A_1067 masked %reduce_sum3A_1069 : vector<16xf32>, vector<16xi1> -> vector<16xf32>
    %reduce_sum3A_1071 = vector.extract %reduce_sum3A_1070[15] : f32 from vector<16xf32>
    %swap3A_1072 = arith.constant 80 : i32
    %swap3A_1073 = arith.index_cast %swap3A_1072 : i32 to index
    %swap3A_1074 = memref.load %arg7[%swap3A_1073] : memref<128xf32, #tpu.memory_space<smem>>
    memref.store %reduce_sum3A_1071, %arg7[%swap3A_1073] : memref<128xf32, #tpu.memory_space<smem>>
    %eq3A_1075 = arith.constant 1 : i32
    %eq3A_1076 = vector.broadcast %eq3A_1075 : i32 to vector<16xi32>
    %eq3A_1077 = arith.cmpi eq, %iota3A, %eq3A_1076 : vector<16xi32>
    %jit3A_1078 = arith.constant 0.000000e+00 : f32
    %broadcast_in_dim3A_1079 = vector.broadcast %jit3A_1078 : f32 to vector<16xf32>
    %select_n3A_1080 = arith.select %eq3A_1077, %get3A_1059, %broadcast_in_dim3A_1079 : vector<16xi1>, vector<16xf32>
    %reduce_sum3A_1081 = arith.constant true
    %reduce_sum3A_1082 = vector.broadcast %reduce_sum3A_1081 : i1 to vector<16xi1>
    %reduce_sum3A_1083 = tpu.scan <sum>, %select_n3A_1080 masked %reduce_sum3A_1082 : vector<16xf32>, vector<16xi1> -> vector<16xf32>
    %reduce_sum3A_1084 = vector.extract %reduce_sum3A_1083[15] : f32 from vector<16xf32>
    %swap3A_1085 = arith.constant 81 : i32
    %swap3A_1086 = arith.index_cast %swap3A_1085 : i32 to index
    %swap3A_1087 = memref.load %arg7[%swap3A_1086] : memref<128xf32, #tpu.memory_space<smem>>
    memref.store %reduce_sum3A_1084, %arg7[%swap3A_1086] : memref<128xf32, #tpu.memory_space<smem>>
    %eq3A_1088 = arith.constant 2 : i32
    %eq3A_1089 = vector.broadcast %eq3A_1088 : i32 to vector<16xi32>
    %eq3A_1090 = arith.cmpi eq, %iota3A, %eq3A_1089 : vector<16xi32>
    %jit3A_1091 = arith.constant 0.000000e+00 : f32
    %broadcast_in_dim3A_1092 = vector.broadcast %jit3A_1091 : f32 to vector<16xf32>
    %select_n3A_1093 = arith.select %eq3A_1090, %get3A_1059, %broadcast_in_dim3A_1092 : vector<16xi1>, vector<16xf32>
    %reduce_sum3A_1094 = arith.constant true
    %reduce_sum3A_1095 = vector.broadcast %reduce_sum3A_1094 : i1 to vector<16xi1>
    %reduce_sum3A_1096 = tpu.scan <sum>, %select_n3A_1093 masked %reduce_sum3A_1095 : vector<16xf32>, vector<16xi1> -> vector<16xf32>
    %reduce_sum3A_1097 = vector.extract %reduce_sum3A_1096[15] : f32 from vector<16xf32>
    %swap3A_1098 = arith.constant 82 : i32
    %swap3A_1099 = arith.index_cast %swap3A_1098 : i32 to index
    %swap3A_1100 = memref.load %arg7[%swap3A_1099] : memref<128xf32, #tpu.memory_space<smem>>
    memref.store %reduce_sum3A_1097, %arg7[%swap3A_1099] : memref<128xf32, #tpu.memory_space<smem>>
    %eq3A_1101 = arith.constant 3 : i32
    %eq3A_1102 = vector.broadcast %eq3A_1101 : i32 to vector<16xi32>
    %eq3A_1103 = arith.cmpi eq, %iota3A, %eq3A_1102 : vector<16xi32>
    %jit3A_1104 = arith.constant 0.000000e+00 : f32
    %broadcast_in_dim3A_1105 = vector.broadcast %jit3A_1104 : f32 to vector<16xf32>
    %select_n3A_1106 = arith.select %eq3A_1103, %get3A_1059, %broadcast_in_dim3A_1105 : vector<16xi1>, vector<16xf32>
    %reduce_sum3A_1107 = arith.constant true
    %reduce_sum3A_1108 = vector.broadcast %reduce_sum3A_1107 : i1 to vector<16xi1>
    %reduce_sum3A_1109 = tpu.scan <sum>, %select_n3A_1106 masked %reduce_sum3A_1108 : vector<16xf32>, vector<16xi1> -> vector<16xf32>
    %reduce_sum3A_1110 = vector.extract %reduce_sum3A_1109[15] : f32 from vector<16xf32>
    %swap3A_1111 = arith.constant 83 : i32
    %swap3A_1112 = arith.index_cast %swap3A_1111 : i32 to index
    %swap3A_1113 = memref.load %arg7[%swap3A_1112] : memref<128xf32, #tpu.memory_space<smem>>
    memref.store %reduce_sum3A_1110, %arg7[%swap3A_1112] : memref<128xf32, #tpu.memory_space<smem>>
    %eq3A_1114 = arith.constant 4 : i32
    %eq3A_1115 = vector.broadcast %eq3A_1114 : i32 to vector<16xi32>
    %eq3A_1116 = arith.cmpi eq, %iota3A, %eq3A_1115 : vector<16xi32>
    %jit3A_1117 = arith.constant 0.000000e+00 : f32
    %broadcast_in_dim3A_1118 = vector.broadcast %jit3A_1117 : f32 to vector<16xf32>
    %select_n3A_1119 = arith.select %eq3A_1116, %get3A_1059, %broadcast_in_dim3A_1118 : vector<16xi1>, vector<16xf32>
    %reduce_sum3A_1120 = arith.constant true
    %reduce_sum3A_1121 = vector.broadcast %reduce_sum3A_1120 : i1 to vector<16xi1>
    %reduce_sum3A_1122 = tpu.scan <sum>, %select_n3A_1119 masked %reduce_sum3A_1121 : vector<16xf32>, vector<16xi1> -> vector<16xf32>
    %reduce_sum3A_1123 = vector.extract %reduce_sum3A_1122[15] : f32 from vector<16xf32>
    %swap3A_1124 = arith.constant 84 : i32
    %swap3A_1125 = arith.index_cast %swap3A_1124 : i32 to index
    %swap3A_1126 = memref.load %arg7[%swap3A_1125] : memref<128xf32, #tpu.memory_space<smem>>
    memref.store %reduce_sum3A_1123, %arg7[%swap3A_1125] : memref<128xf32, #tpu.memory_space<smem>>
    %eq3A_1127 = arith.constant 5 : i32
    %eq3A_1128 = vector.broadcast %eq3A_1127 : i32 to vector<16xi32>
    %eq3A_1129 = arith.cmpi eq, %iota3A, %eq3A_1128 : vector<16xi32>
    %jit3A_1130 = arith.constant 0.000000e+00 : f32
    %broadcast_in_dim3A_1131 = vector.broadcast %jit3A_1130 : f32 to vector<16xf32>
    %select_n3A_1132 = arith.select %eq3A_1129, %get3A_1059, %broadcast_in_dim3A_1131 : vector<16xi1>, vector<16xf32>
    %reduce_sum3A_1133 = arith.constant true
    %reduce_sum3A_1134 = vector.broadcast %reduce_sum3A_1133 : i1 to vector<16xi1>
    %reduce_sum3A_1135 = tpu.scan <sum>, %select_n3A_1132 masked %reduce_sum3A_1134 : vector<16xf32>, vector<16xi1> -> vector<16xf32>
    %reduce_sum3A_1136 = vector.extract %reduce_sum3A_1135[15] : f32 from vector<16xf32>
    %swap3A_1137 = arith.constant 85 : i32
    %swap3A_1138 = arith.index_cast %swap3A_1137 : i32 to index
    %swap3A_1139 = memref.load %arg7[%swap3A_1138] : memref<128xf32, #tpu.memory_space<smem>>
    memref.store %reduce_sum3A_1136, %arg7[%swap3A_1138] : memref<128xf32, #tpu.memory_space<smem>>
    %eq3A_1140 = arith.constant 6 : i32
    %eq3A_1141 = vector.broadcast %eq3A_1140 : i32 to vector<16xi32>
    %eq3A_1142 = arith.cmpi eq, %iota3A, %eq3A_1141 : vector<16xi32>
    %jit3A_1143 = arith.constant 0.000000e+00 : f32
    %broadcast_in_dim3A_1144 = vector.broadcast %jit3A_1143 : f32 to vector<16xf32>
    %select_n3A_1145 = arith.select %eq3A_1142, %get3A_1059, %broadcast_in_dim3A_1144 : vector<16xi1>, vector<16xf32>
    %reduce_sum3A_1146 = arith.constant true
    %reduce_sum3A_1147 = vector.broadcast %reduce_sum3A_1146 : i1 to vector<16xi1>
    %reduce_sum3A_1148 = tpu.scan <sum>, %select_n3A_1145 masked %reduce_sum3A_1147 : vector<16xf32>, vector<16xi1> -> vector<16xf32>
    %reduce_sum3A_1149 = vector.extract %reduce_sum3A_1148[15] : f32 from vector<16xf32>
    %swap3A_1150 = arith.constant 86 : i32
    %swap3A_1151 = arith.index_cast %swap3A_1150 : i32 to index
    %swap3A_1152 = memref.load %arg7[%swap3A_1151] : memref<128xf32, #tpu.memory_space<smem>>
    memref.store %reduce_sum3A_1149, %arg7[%swap3A_1151] : memref<128xf32, #tpu.memory_space<smem>>
    %eq3A_1153 = arith.constant 7 : i32
    %eq3A_1154 = vector.broadcast %eq3A_1153 : i32 to vector<16xi32>
    %eq3A_1155 = arith.cmpi eq, %iota3A, %eq3A_1154 : vector<16xi32>
    %jit3A_1156 = arith.constant 0.000000e+00 : f32
    %broadcast_in_dim3A_1157 = vector.broadcast %jit3A_1156 : f32 to vector<16xf32>
    %select_n3A_1158 = arith.select %eq3A_1155, %get3A_1059, %broadcast_in_dim3A_1157 : vector<16xi1>, vector<16xf32>
    %reduce_sum3A_1159 = arith.constant true
    %reduce_sum3A_1160 = vector.broadcast %reduce_sum3A_1159 : i1 to vector<16xi1>
    %reduce_sum3A_1161 = tpu.scan <sum>, %select_n3A_1158 masked %reduce_sum3A_1160 : vector<16xf32>, vector<16xi1> -> vector<16xf32>
    %reduce_sum3A_1162 = vector.extract %reduce_sum3A_1161[15] : f32 from vector<16xf32>
    %swap3A_1163 = arith.constant 87 : i32
    %swap3A_1164 = arith.index_cast %swap3A_1163 : i32 to index
    %swap3A_1165 = memref.load %arg7[%swap3A_1164] : memref<128xf32, #tpu.memory_space<smem>>
    memref.store %reduce_sum3A_1162, %arg7[%swap3A_1164] : memref<128xf32, #tpu.memory_space<smem>>
    %eq3A_1166 = arith.constant 8 : i32
    %eq3A_1167 = vector.broadcast %eq3A_1166 : i32 to vector<16xi32>
    %eq3A_1168 = arith.cmpi eq, %iota3A, %eq3A_1167 : vector<16xi32>
    %jit3A_1169 = arith.constant 0.000000e+00 : f32
    %broadcast_in_dim3A_1170 = vector.broadcast %jit3A_1169 : f32 to vector<16xf32>
    %select_n3A_1171 = arith.select %eq3A_1168, %get3A_1059, %broadcast_in_dim3A_1170 : vector<16xi1>, vector<16xf32>
    %reduce_sum3A_1172 = arith.constant true
    %reduce_sum3A_1173 = vector.broadcast %reduce_sum3A_1172 : i1 to vector<16xi1>
    %reduce_sum3A_1174 = tpu.scan <sum>, %select_n3A_1171 masked %reduce_sum3A_1173 : vector<16xf32>, vector<16xi1> -> vector<16xf32>
    %reduce_sum3A_1175 = vector.extract %reduce_sum3A_1174[15] : f32 from vector<16xf32>
    %swap3A_1176 = arith.constant 88 : i32
    %swap3A_1177 = arith.index_cast %swap3A_1176 : i32 to index
    %swap3A_1178 = memref.load %arg7[%swap3A_1177] : memref<128xf32, #tpu.memory_space<smem>>
    memref.store %reduce_sum3A_1175, %arg7[%swap3A_1177] : memref<128xf32, #tpu.memory_space<smem>>
    %eq3A_1179 = arith.constant 9 : i32
    %eq3A_1180 = vector.broadcast %eq3A_1179 : i32 to vector<16xi32>
    %eq3A_1181 = arith.cmpi eq, %iota3A, %eq3A_1180 : vector<16xi32>
    %jit3A_1182 = arith.constant 0.000000e+00 : f32
    %broadcast_in_dim3A_1183 = vector.broadcast %jit3A_1182 : f32 to vector<16xf32>
    %select_n3A_1184 = arith.select %eq3A_1181, %get3A_1059, %broadcast_in_dim3A_1183 : vector<16xi1>, vector<16xf32>
    %reduce_sum3A_1185 = arith.constant true
    %reduce_sum3A_1186 = vector.broadcast %reduce_sum3A_1185 : i1 to vector<16xi1>
    %reduce_sum3A_1187 = tpu.scan <sum>, %select_n3A_1184 masked %reduce_sum3A_1186 : vector<16xf32>, vector<16xi1> -> vector<16xf32>
    %reduce_sum3A_1188 = vector.extract %reduce_sum3A_1187[15] : f32 from vector<16xf32>
    %swap3A_1189 = arith.constant 89 : i32
    %swap3A_1190 = arith.index_cast %swap3A_1189 : i32 to index
    %swap3A_1191 = memref.load %arg7[%swap3A_1190] : memref<128xf32, #tpu.memory_space<smem>>
    memref.store %reduce_sum3A_1188, %arg7[%swap3A_1190] : memref<128xf32, #tpu.memory_space<smem>>
    %eq3A_1192 = arith.constant 10 : i32
    %eq3A_1193 = vector.broadcast %eq3A_1192 : i32 to vector<16xi32>
    %eq3A_1194 = arith.cmpi eq, %iota3A, %eq3A_1193 : vector<16xi32>
    %jit3A_1195 = arith.constant 0.000000e+00 : f32
    %broadcast_in_dim3A_1196 = vector.broadcast %jit3A_1195 : f32 to vector<16xf32>
    %select_n3A_1197 = arith.select %eq3A_1194, %get3A_1059, %broadcast_in_dim3A_1196 : vector<16xi1>, vector<16xf32>
    %reduce_sum3A_1198 = arith.constant true
    %reduce_sum3A_1199 = vector.broadcast %reduce_sum3A_1198 : i1 to vector<16xi1>
    %reduce_sum3A_1200 = tpu.scan <sum>, %select_n3A_1197 masked %reduce_sum3A_1199 : vector<16xf32>, vector<16xi1> -> vector<16xf32>
    %reduce_sum3A_1201 = vector.extract %reduce_sum3A_1200[15] : f32 from vector<16xf32>
    %swap3A_1202 = arith.constant 90 : i32
    %swap3A_1203 = arith.index_cast %swap3A_1202 : i32 to index
    %swap3A_1204 = memref.load %arg7[%swap3A_1203] : memref<128xf32, #tpu.memory_space<smem>>
    memref.store %reduce_sum3A_1201, %arg7[%swap3A_1203] : memref<128xf32, #tpu.memory_space<smem>>
    %eq3A_1205 = arith.constant 11 : i32
    %eq3A_1206 = vector.broadcast %eq3A_1205 : i32 to vector<16xi32>
    %eq3A_1207 = arith.cmpi eq, %iota3A, %eq3A_1206 : vector<16xi32>
    %jit3A_1208 = arith.constant 0.000000e+00 : f32
    %broadcast_in_dim3A_1209 = vector.broadcast %jit3A_1208 : f32 to vector<16xf32>
    %select_n3A_1210 = arith.select %eq3A_1207, %get3A_1059, %broadcast_in_dim3A_1209 : vector<16xi1>, vector<16xf32>
    %reduce_sum3A_1211 = arith.constant true
    %reduce_sum3A_1212 = vector.broadcast %reduce_sum3A_1211 : i1 to vector<16xi1>
    %reduce_sum3A_1213 = tpu.scan <sum>, %select_n3A_1210 masked %reduce_sum3A_1212 : vector<16xf32>, vector<16xi1> -> vector<16xf32>
    %reduce_sum3A_1214 = vector.extract %reduce_sum3A_1213[15] : f32 from vector<16xf32>
    %swap3A_1215 = arith.constant 91 : i32
    %swap3A_1216 = arith.index_cast %swap3A_1215 : i32 to index
    %swap3A_1217 = memref.load %arg7[%swap3A_1216] : memref<128xf32, #tpu.memory_space<smem>>
    memref.store %reduce_sum3A_1214, %arg7[%swap3A_1216] : memref<128xf32, #tpu.memory_space<smem>>
    %eq3A_1218 = arith.constant 12 : i32
    %eq3A_1219 = vector.broadcast %eq3A_1218 : i32 to vector<16xi32>
    %eq3A_1220 = arith.cmpi eq, %iota3A, %eq3A_1219 : vector<16xi32>
    %jit3A_1221 = arith.constant 0.000000e+00 : f32
    %broadcast_in_dim3A_1222 = vector.broadcast %jit3A_1221 : f32 to vector<16xf32>
    %select_n3A_1223 = arith.select %eq3A_1220, %get3A_1059, %broadcast_in_dim3A_1222 : vector<16xi1>, vector<16xf32>
    %reduce_sum3A_1224 = arith.constant true
    %reduce_sum3A_1225 = vector.broadcast %reduce_sum3A_1224 : i1 to vector<16xi1>
    %reduce_sum3A_1226 = tpu.scan <sum>, %select_n3A_1223 masked %reduce_sum3A_1225 : vector<16xf32>, vector<16xi1> -> vector<16xf32>
    %reduce_sum3A_1227 = vector.extract %reduce_sum3A_1226[15] : f32 from vector<16xf32>
    %swap3A_1228 = arith.constant 92 : i32
    %swap3A_1229 = arith.index_cast %swap3A_1228 : i32 to index
    %swap3A_1230 = memref.load %arg7[%swap3A_1229] : memref<128xf32, #tpu.memory_space<smem>>
    memref.store %reduce_sum3A_1227, %arg7[%swap3A_1229] : memref<128xf32, #tpu.memory_space<smem>>
    %eq3A_1231 = arith.constant 13 : i32
    %eq3A_1232 = vector.broadcast %eq3A_1231 : i32 to vector<16xi32>
    %eq3A_1233 = arith.cmpi eq, %iota3A, %eq3A_1232 : vector<16xi32>
    %jit3A_1234 = arith.constant 0.000000e+00 : f32
    %broadcast_in_dim3A_1235 = vector.broadcast %jit3A_1234 : f32 to vector<16xf32>
    %select_n3A_1236 = arith.select %eq3A_1233, %get3A_1059, %broadcast_in_dim3A_1235 : vector<16xi1>, vector<16xf32>
    %reduce_sum3A_1237 = arith.constant true
    %reduce_sum3A_1238 = vector.broadcast %reduce_sum3A_1237 : i1 to vector<16xi1>
    %reduce_sum3A_1239 = tpu.scan <sum>, %select_n3A_1236 masked %reduce_sum3A_1238 : vector<16xf32>, vector<16xi1> -> vector<16xf32>
    %reduce_sum3A_1240 = vector.extract %reduce_sum3A_1239[15] : f32 from vector<16xf32>
    %swap3A_1241 = arith.constant 93 : i32
    %swap3A_1242 = arith.index_cast %swap3A_1241 : i32 to index
    %swap3A_1243 = memref.load %arg7[%swap3A_1242] : memref<128xf32, #tpu.memory_space<smem>>
    memref.store %reduce_sum3A_1240, %arg7[%swap3A_1242] : memref<128xf32, #tpu.memory_space<smem>>
    %eq3A_1244 = arith.constant 14 : i32
    %eq3A_1245 = vector.broadcast %eq3A_1244 : i32 to vector<16xi32>
    %eq3A_1246 = arith.cmpi eq, %iota3A, %eq3A_1245 : vector<16xi32>
    %jit3A_1247 = arith.constant 0.000000e+00 : f32
    %broadcast_in_dim3A_1248 = vector.broadcast %jit3A_1247 : f32 to vector<16xf32>
    %select_n3A_1249 = arith.select %eq3A_1246, %get3A_1059, %broadcast_in_dim3A_1248 : vector<16xi1>, vector<16xf32>
    %reduce_sum3A_1250 = arith.constant true
    %reduce_sum3A_1251 = vector.broadcast %reduce_sum3A_1250 : i1 to vector<16xi1>
    %reduce_sum3A_1252 = tpu.scan <sum>, %select_n3A_1249 masked %reduce_sum3A_1251 : vector<16xf32>, vector<16xi1> -> vector<16xf32>
    %reduce_sum3A_1253 = vector.extract %reduce_sum3A_1252[15] : f32 from vector<16xf32>
    %swap3A_1254 = arith.constant 94 : i32
    %swap3A_1255 = arith.index_cast %swap3A_1254 : i32 to index
    %swap3A_1256 = memref.load %arg7[%swap3A_1255] : memref<128xf32, #tpu.memory_space<smem>>
    memref.store %reduce_sum3A_1253, %arg7[%swap3A_1255] : memref<128xf32, #tpu.memory_space<smem>>
    %eq3A_1257 = arith.constant 15 : i32
    %eq3A_1258 = vector.broadcast %eq3A_1257 : i32 to vector<16xi32>
    %eq3A_1259 = arith.cmpi eq, %iota3A, %eq3A_1258 : vector<16xi32>
    %jit3A_1260 = arith.constant 0.000000e+00 : f32
    %broadcast_in_dim3A_1261 = vector.broadcast %jit3A_1260 : f32 to vector<16xf32>
    %select_n3A_1262 = arith.select %eq3A_1259, %get3A_1059, %broadcast_in_dim3A_1261 : vector<16xi1>, vector<16xf32>
    %reduce_sum3A_1263 = arith.constant true
    %reduce_sum3A_1264 = vector.broadcast %reduce_sum3A_1263 : i1 to vector<16xi1>
    %reduce_sum3A_1265 = tpu.scan <sum>, %select_n3A_1262 masked %reduce_sum3A_1264 : vector<16xf32>, vector<16xi1> -> vector<16xf32>
    %reduce_sum3A_1266 = vector.extract %reduce_sum3A_1265[15] : f32 from vector<16xf32>
    %swap3A_1267 = arith.constant 95 : i32
    %swap3A_1268 = arith.index_cast %swap3A_1267 : i32 to index
    %swap3A_1269 = memref.load %arg7[%swap3A_1268] : memref<128xf32, #tpu.memory_space<smem>>
    memref.store %reduce_sum3A_1266, %arg7[%swap3A_1268] : memref<128xf32, #tpu.memory_space<smem>>
    %get3A_1270 = arith.constant 96 : index
    %get3A_1271 = tpu.vector_load %arg6[%get3A_1270] {strides = array<i32>} : memref<128xf32, #tpu.memory_space<vmem>>, vector<16xf32>,
    %mul3A_1272 = arith.mulf %get3A_1271, %get3A_1271 : vector<16xf32>
    %add3A_1273 = arith.addf %add3A_1061, %mul3A_1272 : vector<16xf32>
    %eq3A_1274 = arith.constant 0 : i32
    %eq3A_1275 = vector.broadcast %eq3A_1274 : i32 to vector<16xi32>
    %eq3A_1276 = arith.cmpi eq, %iota3A, %eq3A_1275 : vector<16xi32>
    %jit3A_1277 = arith.constant 0.000000e+00 : f32
    %broadcast_in_dim3A_1278 = vector.broadcast %jit3A_1277 : f32 to vector<16xf32>
    %select_n3A_1279 = arith.select %eq3A_1276, %get3A_1271, %broadcast_in_dim3A_1278 : vector<16xi1>, vector<16xf32>
    %reduce_sum3A_1280 = arith.constant true
    %reduce_sum3A_1281 = vector.broadcast %reduce_sum3A_1280 : i1 to vector<16xi1>
    %reduce_sum3A_1282 = tpu.scan <sum>, %select_n3A_1279 masked %reduce_sum3A_1281 : vector<16xf32>, vector<16xi1> -> vector<16xf32>
    %reduce_sum3A_1283 = vector.extract %reduce_sum3A_1282[15] : f32 from vector<16xf32>
    %swap3A_1284 = arith.constant 96 : i32
    %swap3A_1285 = arith.index_cast %swap3A_1284 : i32 to index
    %swap3A_1286 = memref.load %arg7[%swap3A_1285] : memref<128xf32, #tpu.memory_space<smem>>
    memref.store %reduce_sum3A_1283, %arg7[%swap3A_1285] : memref<128xf32, #tpu.memory_space<smem>>
    %eq3A_1287 = arith.constant 1 : i32
    %eq3A_1288 = vector.broadcast %eq3A_1287 : i32 to vector<16xi32>
    %eq3A_1289 = arith.cmpi eq, %iota3A, %eq3A_1288 : vector<16xi32>
    %jit3A_1290 = arith.constant 0.000000e+00 : f32
    %broadcast_in_dim3A_1291 = vector.broadcast %jit3A_1290 : f32 to vector<16xf32>
    %select_n3A_1292 = arith.select %eq3A_1289, %get3A_1271, %broadcast_in_dim3A_1291 : vector<16xi1>, vector<16xf32>
    %reduce_sum3A_1293 = arith.constant true
    %reduce_sum3A_1294 = vector.broadcast %reduce_sum3A_1293 : i1 to vector<16xi1>
    %reduce_sum3A_1295 = tpu.scan <sum>, %select_n3A_1292 masked %reduce_sum3A_1294 : vector<16xf32>, vector<16xi1> -> vector<16xf32>
    %reduce_sum3A_1296 = vector.extract %reduce_sum3A_1295[15] : f32 from vector<16xf32>
    %swap3A_1297 = arith.constant 97 : i32
    %swap3A_1298 = arith.index_cast %swap3A_1297 : i32 to index
    %swap3A_1299 = memref.load %arg7[%swap3A_1298] : memref<128xf32, #tpu.memory_space<smem>>
    memref.store %reduce_sum3A_1296, %arg7[%swap3A_1298] : memref<128xf32, #tpu.memory_space<smem>>
    %eq3A_1300 = arith.constant 2 : i32
    %eq3A_1301 = vector.broadcast %eq3A_1300 : i32 to vector<16xi32>
    %eq3A_1302 = arith.cmpi eq, %iota3A, %eq3A_1301 : vector<16xi32>
    %jit3A_1303 = arith.constant 0.000000e+00 : f32
    %broadcast_in_dim3A_1304 = vector.broadcast %jit3A_1303 : f32 to vector<16xf32>
    %select_n3A_1305 = arith.select %eq3A_1302, %get3A_1271, %broadcast_in_dim3A_1304 : vector<16xi1>, vector<16xf32>
    %reduce_sum3A_1306 = arith.constant true
    %reduce_sum3A_1307 = vector.broadcast %reduce_sum3A_1306 : i1 to vector<16xi1>
    %reduce_sum3A_1308 = tpu.scan <sum>, %select_n3A_1305 masked %reduce_sum3A_1307 : vector<16xf32>, vector<16xi1> -> vector<16xf32>
    %reduce_sum3A_1309 = vector.extract %reduce_sum3A_1308[15] : f32 from vector<16xf32>
    %swap3A_1310 = arith.constant 98 : i32
    %swap3A_1311 = arith.index_cast %swap3A_1310 : i32 to index
    %swap3A_1312 = memref.load %arg7[%swap3A_1311] : memref<128xf32, #tpu.memory_space<smem>>
    memref.store %reduce_sum3A_1309, %arg7[%swap3A_1311] : memref<128xf32, #tpu.memory_space<smem>>
    %eq3A_1313 = arith.constant 3 : i32
    %eq3A_1314 = vector.broadcast %eq3A_1313 : i32 to vector<16xi32>
    %eq3A_1315 = arith.cmpi eq, %iota3A, %eq3A_1314 : vector<16xi32>
    %jit3A_1316 = arith.constant 0.000000e+00 : f32
    %broadcast_in_dim3A_1317 = vector.broadcast %jit3A_1316 : f32 to vector<16xf32>
    %select_n3A_1318 = arith.select %eq3A_1315, %get3A_1271, %broadcast_in_dim3A_1317 : vector<16xi1>, vector<16xf32>
    %reduce_sum3A_1319 = arith.constant true
    %reduce_sum3A_1320 = vector.broadcast %reduce_sum3A_1319 : i1 to vector<16xi1>
    %reduce_sum3A_1321 = tpu.scan <sum>, %select_n3A_1318 masked %reduce_sum3A_1320 : vector<16xf32>, vector<16xi1> -> vector<16xf32>
    %reduce_sum3A_1322 = vector.extract %reduce_sum3A_1321[15] : f32 from vector<16xf32>
    %swap3A_1323 = arith.constant 99 : i32
    %swap3A_1324 = arith.index_cast %swap3A_1323 : i32 to index
    %swap3A_1325 = memref.load %arg7[%swap3A_1324] : memref<128xf32, #tpu.memory_space<smem>>
    memref.store %reduce_sum3A_1322, %arg7[%swap3A_1324] : memref<128xf32, #tpu.memory_space<smem>>
    %eq3A_1326 = arith.constant 4 : i32
    %eq3A_1327 = vector.broadcast %eq3A_1326 : i32 to vector<16xi32>
    %eq3A_1328 = arith.cmpi eq, %iota3A, %eq3A_1327 : vector<16xi32>
    %jit3A_1329 = arith.constant 0.000000e+00 : f32
    %broadcast_in_dim3A_1330 = vector.broadcast %jit3A_1329 : f32 to vector<16xf32>
    %select_n3A_1331 = arith.select %eq3A_1328, %get3A_1271, %broadcast_in_dim3A_1330 : vector<16xi1>, vector<16xf32>
    %reduce_sum3A_1332 = arith.constant true
    %reduce_sum3A_1333 = vector.broadcast %reduce_sum3A_1332 : i1 to vector<16xi1>
    %reduce_sum3A_1334 = tpu.scan <sum>, %select_n3A_1331 masked %reduce_sum3A_1333 : vector<16xf32>, vector<16xi1> -> vector<16xf32>
    %reduce_sum3A_1335 = vector.extract %reduce_sum3A_1334[15] : f32 from vector<16xf32>
    %swap3A_1336 = arith.constant 100 : i32
    %swap3A_1337 = arith.index_cast %swap3A_1336 : i32 to index
    %swap3A_1338 = memref.load %arg7[%swap3A_1337] : memref<128xf32, #tpu.memory_space<smem>>
    memref.store %reduce_sum3A_1335, %arg7[%swap3A_1337] : memref<128xf32, #tpu.memory_space<smem>>
    %eq3A_1339 = arith.constant 5 : i32
    %eq3A_1340 = vector.broadcast %eq3A_1339 : i32 to vector<16xi32>
    %eq3A_1341 = arith.cmpi eq, %iota3A, %eq3A_1340 : vector<16xi32>
    %jit3A_1342 = arith.constant 0.000000e+00 : f32
    %broadcast_in_dim3A_1343 = vector.broadcast %jit3A_1342 : f32 to vector<16xf32>
    %select_n3A_1344 = arith.select %eq3A_1341, %get3A_1271, %broadcast_in_dim3A_1343 : vector<16xi1>, vector<16xf32>
    %reduce_sum3A_1345 = arith.constant true
    %reduce_sum3A_1346 = vector.broadcast %reduce_sum3A_1345 : i1 to vector<16xi1>
    %reduce_sum3A_1347 = tpu.scan <sum>, %select_n3A_1344 masked %reduce_sum3A_1346 : vector<16xf32>, vector<16xi1> -> vector<16xf32>
    %reduce_sum3A_1348 = vector.extract %reduce_sum3A_1347[15] : f32 from vector<16xf32>
    %swap3A_1349 = arith.constant 101 : i32
    %swap3A_1350 = arith.index_cast %swap3A_1349 : i32 to index
    %swap3A_1351 = memref.load %arg7[%swap3A_1350] : memref<128xf32, #tpu.memory_space<smem>>
    memref.store %reduce_sum3A_1348, %arg7[%swap3A_1350] : memref<128xf32, #tpu.memory_space<smem>>
    %eq3A_1352 = arith.constant 6 : i32
    %eq3A_1353 = vector.broadcast %eq3A_1352 : i32 to vector<16xi32>
    %eq3A_1354 = arith.cmpi eq, %iota3A, %eq3A_1353 : vector<16xi32>
    %jit3A_1355 = arith.constant 0.000000e+00 : f32
    %broadcast_in_dim3A_1356 = vector.broadcast %jit3A_1355 : f32 to vector<16xf32>
    %select_n3A_1357 = arith.select %eq3A_1354, %get3A_1271, %broadcast_in_dim3A_1356 : vector<16xi1>, vector<16xf32>
    %reduce_sum3A_1358 = arith.constant true
    %reduce_sum3A_1359 = vector.broadcast %reduce_sum3A_1358 : i1 to vector<16xi1>
    %reduce_sum3A_1360 = tpu.scan <sum>, %select_n3A_1357 masked %reduce_sum3A_1359 : vector<16xf32>, vector<16xi1> -> vector<16xf32>
    %reduce_sum3A_1361 = vector.extract %reduce_sum3A_1360[15] : f32 from vector<16xf32>
    %swap3A_1362 = arith.constant 102 : i32
    %swap3A_1363 = arith.index_cast %swap3A_1362 : i32 to index
    %swap3A_1364 = memref.load %arg7[%swap3A_1363] : memref<128xf32, #tpu.memory_space<smem>>
    memref.store %reduce_sum3A_1361, %arg7[%swap3A_1363] : memref<128xf32, #tpu.memory_space<smem>>
    %eq3A_1365 = arith.constant 7 : i32
    %eq3A_1366 = vector.broadcast %eq3A_1365 : i32 to vector<16xi32>
    %eq3A_1367 = arith.cmpi eq, %iota3A, %eq3A_1366 : vector<16xi32>
    %jit3A_1368 = arith.constant 0.000000e+00 : f32
    %broadcast_in_dim3A_1369 = vector.broadcast %jit3A_1368 : f32 to vector<16xf32>
    %select_n3A_1370 = arith.select %eq3A_1367, %get3A_1271, %broadcast_in_dim3A_1369 : vector<16xi1>, vector<16xf32>
    %reduce_sum3A_1371 = arith.constant true
    %reduce_sum3A_1372 = vector.broadcast %reduce_sum3A_1371 : i1 to vector<16xi1>
    %reduce_sum3A_1373 = tpu.scan <sum>, %select_n3A_1370 masked %reduce_sum3A_1372 : vector<16xf32>, vector<16xi1> -> vector<16xf32>
    %reduce_sum3A_1374 = vector.extract %reduce_sum3A_1373[15] : f32 from vector<16xf32>
    %swap3A_1375 = arith.constant 103 : i32
    %swap3A_1376 = arith.index_cast %swap3A_1375 : i32 to index
    %swap3A_1377 = memref.load %arg7[%swap3A_1376] : memref<128xf32, #tpu.memory_space<smem>>
    memref.store %reduce_sum3A_1374, %arg7[%swap3A_1376] : memref<128xf32, #tpu.memory_space<smem>>
    %eq3A_1378 = arith.constant 8 : i32
    %eq3A_1379 = vector.broadcast %eq3A_1378 : i32 to vector<16xi32>
    %eq3A_1380 = arith.cmpi eq, %iota3A, %eq3A_1379 : vector<16xi32>
    %jit3A_1381 = arith.constant 0.000000e+00 : f32
    %broadcast_in_dim3A_1382 = vector.broadcast %jit3A_1381 : f32 to vector<16xf32>
    %select_n3A_1383 = arith.select %eq3A_1380, %get3A_1271, %broadcast_in_dim3A_1382 : vector<16xi1>, vector<16xf32>
    %reduce_sum3A_1384 = arith.constant true
    %reduce_sum3A_1385 = vector.broadcast %reduce_sum3A_1384 : i1 to vector<16xi1>
    %reduce_sum3A_1386 = tpu.scan <sum>, %select_n3A_1383 masked %reduce_sum3A_1385 : vector<16xf32>, vector<16xi1> -> vector<16xf32>
    %reduce_sum3A_1387 = vector.extract %reduce_sum3A_1386[15] : f32 from vector<16xf32>
    %swap3A_1388 = arith.constant 104 : i32
    %swap3A_1389 = arith.index_cast %swap3A_1388 : i32 to index
    %swap3A_1390 = memref.load %arg7[%swap3A_1389] : memref<128xf32, #tpu.memory_space<smem>>
    memref.store %reduce_sum3A_1387, %arg7[%swap3A_1389] : memref<128xf32, #tpu.memory_space<smem>>
    %eq3A_1391 = arith.constant 9 : i32
    %eq3A_1392 = vector.broadcast %eq3A_1391 : i32 to vector<16xi32>
    %eq3A_1393 = arith.cmpi eq, %iota3A, %eq3A_1392 : vector<16xi32>
    %jit3A_1394 = arith.constant 0.000000e+00 : f32
    %broadcast_in_dim3A_1395 = vector.broadcast %jit3A_1394 : f32 to vector<16xf32>
    %select_n3A_1396 = arith.select %eq3A_1393, %get3A_1271, %broadcast_in_dim3A_1395 : vector<16xi1>, vector<16xf32>
    %reduce_sum3A_1397 = arith.constant true
    %reduce_sum3A_1398 = vector.broadcast %reduce_sum3A_1397 : i1 to vector<16xi1>
    %reduce_sum3A_1399 = tpu.scan <sum>, %select_n3A_1396 masked %reduce_sum3A_1398 : vector<16xf32>, vector<16xi1> -> vector<16xf32>
    %reduce_sum3A_1400 = vector.extract %reduce_sum3A_1399[15] : f32 from vector<16xf32>
    %swap3A_1401 = arith.constant 105 : i32
    %swap3A_1402 = arith.index_cast %swap3A_1401 : i32 to index
    %swap3A_1403 = memref.load %arg7[%swap3A_1402] : memref<128xf32, #tpu.memory_space<smem>>
    memref.store %reduce_sum3A_1400, %arg7[%swap3A_1402] : memref<128xf32, #tpu.memory_space<smem>>
    %eq3A_1404 = arith.constant 10 : i32
    %eq3A_1405 = vector.broadcast %eq3A_1404 : i32 to vector<16xi32>
    %eq3A_1406 = arith.cmpi eq, %iota3A, %eq3A_1405 : vector<16xi32>
    %jit3A_1407 = arith.constant 0.000000e+00 : f32
    %broadcast_in_dim3A_1408 = vector.broadcast %jit3A_1407 : f32 to vector<16xf32>
    %select_n3A_1409 = arith.select %eq3A_1406, %get3A_1271, %broadcast_in_dim3A_1408 : vector<16xi1>, vector<16xf32>
    %reduce_sum3A_1410 = arith.constant true
    %reduce_sum3A_1411 = vector.broadcast %reduce_sum3A_1410 : i1 to vector<16xi1>
    %reduce_sum3A_1412 = tpu.scan <sum>, %select_n3A_1409 masked %reduce_sum3A_1411 : vector<16xf32>, vector<16xi1> -> vector<16xf32>
    %reduce_sum3A_1413 = vector.extract %reduce_sum3A_1412[15] : f32 from vector<16xf32>
    %swap3A_1414 = arith.constant 106 : i32
    %swap3A_1415 = arith.index_cast %swap3A_1414 : i32 to index
    %swap3A_1416 = memref.load %arg7[%swap3A_1415] : memref<128xf32, #tpu.memory_space<smem>>
    memref.store %reduce_sum3A_1413, %arg7[%swap3A_1415] : memref<128xf32, #tpu.memory_space<smem>>
    %eq3A_1417 = arith.constant 11 : i32
    %eq3A_1418 = vector.broadcast %eq3A_1417 : i32 to vector<16xi32>
    %eq3A_1419 = arith.cmpi eq, %iota3A, %eq3A_1418 : vector<16xi32>
    %jit3A_1420 = arith.constant 0.000000e+00 : f32
    %broadcast_in_dim3A_1421 = vector.broadcast %jit3A_1420 : f32 to vector<16xf32>
    %select_n3A_1422 = arith.select %eq3A_1419, %get3A_1271, %broadcast_in_dim3A_1421 : vector<16xi1>, vector<16xf32>
    %reduce_sum3A_1423 = arith.constant true
    %reduce_sum3A_1424 = vector.broadcast %reduce_sum3A_1423 : i1 to vector<16xi1>
    %reduce_sum3A_1425 = tpu.scan <sum>, %select_n3A_1422 masked %reduce_sum3A_1424 : vector<16xf32>, vector<16xi1> -> vector<16xf32>
    %reduce_sum3A_1426 = vector.extract %reduce_sum3A_1425[15] : f32 from vector<16xf32>
    %swap3A_1427 = arith.constant 107 : i32
    %swap3A_1428 = arith.index_cast %swap3A_1427 : i32 to index
    %swap3A_1429 = memref.load %arg7[%swap3A_1428] : memref<128xf32, #tpu.memory_space<smem>>
    memref.store %reduce_sum3A_1426, %arg7[%swap3A_1428] : memref<128xf32, #tpu.memory_space<smem>>
    %eq3A_1430 = arith.constant 12 : i32
    %eq3A_1431 = vector.broadcast %eq3A_1430 : i32 to vector<16xi32>
    %eq3A_1432 = arith.cmpi eq, %iota3A, %eq3A_1431 : vector<16xi32>
    %jit3A_1433 = arith.constant 0.000000e+00 : f32
    %broadcast_in_dim3A_1434 = vector.broadcast %jit3A_1433 : f32 to vector<16xf32>
    %select_n3A_1435 = arith.select %eq3A_1432, %get3A_1271, %broadcast_in_dim3A_1434 : vector<16xi1>, vector<16xf32>
    %reduce_sum3A_1436 = arith.constant true
    %reduce_sum3A_1437 = vector.broadcast %reduce_sum3A_1436 : i1 to vector<16xi1>
    %reduce_sum3A_1438 = tpu.scan <sum>, %select_n3A_1435 masked %reduce_sum3A_1437 : vector<16xf32>, vector<16xi1> -> vector<16xf32>
    %reduce_sum3A_1439 = vector.extract %reduce_sum3A_1438[15] : f32 from vector<16xf32>
    %swap3A_1440 = arith.constant 108 : i32
    %swap3A_1441 = arith.index_cast %swap3A_1440 : i32 to index
    %swap3A_1442 = memref.load %arg7[%swap3A_1441] : memref<128xf32, #tpu.memory_space<smem>>
    memref.store %reduce_sum3A_1439, %arg7[%swap3A_1441] : memref<128xf32, #tpu.memory_space<smem>>
    %eq3A_1443 = arith.constant 13 : i32
    %eq3A_1444 = vector.broadcast %eq3A_1443 : i32 to vector<16xi32>
    %eq3A_1445 = arith.cmpi eq, %iota3A, %eq3A_1444 : vector<16xi32>
    %jit3A_1446 = arith.constant 0.000000e+00 : f32
    %broadcast_in_dim3A_1447 = vector.broadcast %jit3A_1446 : f32 to vector<16xf32>
    %select_n3A_1448 = arith.select %eq3A_1445, %get3A_1271, %broadcast_in_dim3A_1447 : vector<16xi1>, vector<16xf32>
    %reduce_sum3A_1449 = arith.constant true
    %reduce_sum3A_1450 = vector.broadcast %reduce_sum3A_1449 : i1 to vector<16xi1>
    %reduce_sum3A_1451 = tpu.scan <sum>, %select_n3A_1448 masked %reduce_sum3A_1450 : vector<16xf32>, vector<16xi1> -> vector<16xf32>
    %reduce_sum3A_1452 = vector.extract %reduce_sum3A_1451[15] : f32 from vector<16xf32>
    %swap3A_1453 = arith.constant 109 : i32
    %swap3A_1454 = arith.index_cast %swap3A_1453 : i32 to index
    %swap3A_1455 = memref.load %arg7[%swap3A_1454] : memref<128xf32, #tpu.memory_space<smem>>
    memref.store %reduce_sum3A_1452, %arg7[%swap3A_1454] : memref<128xf32, #tpu.memory_space<smem>>
    %eq3A_1456 = arith.constant 14 : i32
    %eq3A_1457 = vector.broadcast %eq3A_1456 : i32 to vector<16xi32>
    %eq3A_1458 = arith.cmpi eq, %iota3A, %eq3A_1457 : vector<16xi32>
    %jit3A_1459 = arith.constant 0.000000e+00 : f32
    %broadcast_in_dim3A_1460 = vector.broadcast %jit3A_1459 : f32 to vector<16xf32>
    %select_n3A_1461 = arith.select %eq3A_1458, %get3A_1271, %broadcast_in_dim3A_1460 : vector<16xi1>, vector<16xf32>
    %reduce_sum3A_1462 = arith.constant true
    %reduce_sum3A_1463 = vector.broadcast %reduce_sum3A_1462 : i1 to vector<16xi1>
    %reduce_sum3A_1464 = tpu.scan <sum>, %select_n3A_1461 masked %reduce_sum3A_1463 : vector<16xf32>, vector<16xi1> -> vector<16xf32>
    %reduce_sum3A_1465 = vector.extract %reduce_sum3A_1464[15] : f32 from vector<16xf32>
    %swap3A_1466 = arith.constant 110 : i32
    %swap3A_1467 = arith.index_cast %swap3A_1466 : i32 to index
    %swap3A_1468 = memref.load %arg7[%swap3A_1467] : memref<128xf32, #tpu.memory_space<smem>>
    memref.store %reduce_sum3A_1465, %arg7[%swap3A_1467] : memref<128xf32, #tpu.memory_space<smem>>
    %eq3A_1469 = arith.constant 15 : i32
    %eq3A_1470 = vector.broadcast %eq3A_1469 : i32 to vector<16xi32>
    %eq3A_1471 = arith.cmpi eq, %iota3A, %eq3A_1470 : vector<16xi32>
    %jit3A_1472 = arith.constant 0.000000e+00 : f32
    %broadcast_in_dim3A_1473 = vector.broadcast %jit3A_1472 : f32 to vector<16xf32>
    %select_n3A_1474 = arith.select %eq3A_1471, %get3A_1271, %broadcast_in_dim3A_1473 : vector<16xi1>, vector<16xf32>
    %reduce_sum3A_1475 = arith.constant true
    %reduce_sum3A_1476 = vector.broadcast %reduce_sum3A_1475 : i1 to vector<16xi1>
    %reduce_sum3A_1477 = tpu.scan <sum>, %select_n3A_1474 masked %reduce_sum3A_1476 : vector<16xf32>, vector<16xi1> -> vector<16xf32>
    %reduce_sum3A_1478 = vector.extract %reduce_sum3A_1477[15] : f32 from vector<16xf32>
    %swap3A_1479 = arith.constant 111 : i32
    %swap3A_1480 = arith.index_cast %swap3A_1479 : i32 to index
    %swap3A_1481 = memref.load %arg7[%swap3A_1480] : memref<128xf32, #tpu.memory_space<smem>>
    memref.store %reduce_sum3A_1478, %arg7[%swap3A_1480] : memref<128xf32, #tpu.memory_space<smem>>
    %get3A_1482 = arith.constant 112 : index
    %get3A_1483 = tpu.vector_load %arg6[%get3A_1482] {strides = array<i32>} : memref<128xf32, #tpu.memory_space<vmem>>, vector<16xf32>,
    %mul3A_1484 = arith.mulf %get3A_1483, %get3A_1483 : vector<16xf32>
    %add3A_1485 = arith.addf %add3A_1273, %mul3A_1484 : vector<16xf32>
    %eq3A_1486 = arith.constant 0 : i32
    %eq3A_1487 = vector.broadcast %eq3A_1486 : i32 to vector<16xi32>
    %eq3A_1488 = arith.cmpi eq, %iota3A, %eq3A_1487 : vector<16xi32>
    %jit3A_1489 = arith.constant 0.000000e+00 : f32
    %broadcast_in_dim3A_1490 = vector.broadcast %jit3A_1489 : f32 to vector<16xf32>
    %select_n3A_1491 = arith.select %eq3A_1488, %get3A_1483, %broadcast_in_dim3A_1490 : vector<16xi1>, vector<16xf32>
    %reduce_sum3A_1492 = arith.constant true
    %reduce_sum3A_1493 = vector.broadcast %reduce_sum3A_1492 : i1 to vector<16xi1>
    %reduce_sum3A_1494 = tpu.scan <sum>, %select_n3A_1491 masked %reduce_sum3A_1493 : vector<16xf32>, vector<16xi1> -> vector<16xf32>
    %reduce_sum3A_1495 = vector.extract %reduce_sum3A_1494[15] : f32 from vector<16xf32>
    %swap3A_1496 = arith.constant 112 : i32
    %swap3A_1497 = arith.index_cast %swap3A_1496 : i32 to index
    %swap3A_1498 = memref.load %arg7[%swap3A_1497] : memref<128xf32, #tpu.memory_space<smem>>
    memref.store %reduce_sum3A_1495, %arg7[%swap3A_1497] : memref<128xf32, #tpu.memory_space<smem>>
    %eq3A_1499 = arith.constant 1 : i32
    %eq3A_1500 = vector.broadcast %eq3A_1499 : i32 to vector<16xi32>
    %eq3A_1501 = arith.cmpi eq, %iota3A, %eq3A_1500 : vector<16xi32>
    %jit3A_1502 = arith.constant 0.000000e+00 : f32
    %broadcast_in_dim3A_1503 = vector.broadcast %jit3A_1502 : f32 to vector<16xf32>
    %select_n3A_1504 = arith.select %eq3A_1501, %get3A_1483, %broadcast_in_dim3A_1503 : vector<16xi1>, vector<16xf32>
    %reduce_sum3A_1505 = arith.constant true
    %reduce_sum3A_1506 = vector.broadcast %reduce_sum3A_1505 : i1 to vector<16xi1>
    %reduce_sum3A_1507 = tpu.scan <sum>, %select_n3A_1504 masked %reduce_sum3A_1506 : vector<16xf32>, vector<16xi1> -> vector<16xf32>
    %reduce_sum3A_1508 = vector.extract %reduce_sum3A_1507[15] : f32 from vector<16xf32>
    %swap3A_1509 = arith.constant 113 : i32
    %swap3A_1510 = arith.index_cast %swap3A_1509 : i32 to index
    %swap3A_1511 = memref.load %arg7[%swap3A_1510] : memref<128xf32, #tpu.memory_space<smem>>
    memref.store %reduce_sum3A_1508, %arg7[%swap3A_1510] : memref<128xf32, #tpu.memory_space<smem>>
    %eq3A_1512 = arith.constant 2 : i32
    %eq3A_1513 = vector.broadcast %eq3A_1512 : i32 to vector<16xi32>
    %eq3A_1514 = arith.cmpi eq, %iota3A, %eq3A_1513 : vector<16xi32>
    %jit3A_1515 = arith.constant 0.000000e+00 : f32
    %broadcast_in_dim3A_1516 = vector.broadcast %jit3A_1515 : f32 to vector<16xf32>
    %select_n3A_1517 = arith.select %eq3A_1514, %get3A_1483, %broadcast_in_dim3A_1516 : vector<16xi1>, vector<16xf32>
    %reduce_sum3A_1518 = arith.constant true
    %reduce_sum3A_1519 = vector.broadcast %reduce_sum3A_1518 : i1 to vector<16xi1>
    %reduce_sum3A_1520 = tpu.scan <sum>, %select_n3A_1517 masked %reduce_sum3A_1519 : vector<16xf32>, vector<16xi1> -> vector<16xf32>
    %reduce_sum3A_1521 = vector.extract %reduce_sum3A_1520[15] : f32 from vector<16xf32>
    %swap3A_1522 = arith.constant 114 : i32
    %swap3A_1523 = arith.index_cast %swap3A_1522 : i32 to index
    %swap3A_1524 = memref.load %arg7[%swap3A_1523] : memref<128xf32, #tpu.memory_space<smem>>
    memref.store %reduce_sum3A_1521, %arg7[%swap3A_1523] : memref<128xf32, #tpu.memory_space<smem>>
    %eq3A_1525 = arith.constant 3 : i32
    %eq3A_1526 = vector.broadcast %eq3A_1525 : i32 to vector<16xi32>
    %eq3A_1527 = arith.cmpi eq, %iota3A, %eq3A_1526 : vector<16xi32>
    %jit3A_1528 = arith.constant 0.000000e+00 : f32
    %broadcast_in_dim3A_1529 = vector.broadcast %jit3A_1528 : f32 to vector<16xf32>
    %select_n3A_1530 = arith.select %eq3A_1527, %get3A_1483, %broadcast_in_dim3A_1529 : vector<16xi1>, vector<16xf32>
    %reduce_sum3A_1531 = arith.constant true
    %reduce_sum3A_1532 = vector.broadcast %reduce_sum3A_1531 : i1 to vector<16xi1>
    %reduce_sum3A_1533 = tpu.scan <sum>, %select_n3A_1530 masked %reduce_sum3A_1532 : vector<16xf32>, vector<16xi1> -> vector<16xf32>
    %reduce_sum3A_1534 = vector.extract %reduce_sum3A_1533[15] : f32 from vector<16xf32>
    %swap3A_1535 = arith.constant 115 : i32
    %swap3A_1536 = arith.index_cast %swap3A_1535 : i32 to index
    %swap3A_1537 = memref.load %arg7[%swap3A_1536] : memref<128xf32, #tpu.memory_space<smem>>
    memref.store %reduce_sum3A_1534, %arg7[%swap3A_1536] : memref<128xf32, #tpu.memory_space<smem>>
    %eq3A_1538 = arith.constant 4 : i32
    %eq3A_1539 = vector.broadcast %eq3A_1538 : i32 to vector<16xi32>
    %eq3A_1540 = arith.cmpi eq, %iota3A, %eq3A_1539 : vector<16xi32>
    %jit3A_1541 = arith.constant 0.000000e+00 : f32
    %broadcast_in_dim3A_1542 = vector.broadcast %jit3A_1541 : f32 to vector<16xf32>
    %select_n3A_1543 = arith.select %eq3A_1540, %get3A_1483, %broadcast_in_dim3A_1542 : vector<16xi1>, vector<16xf32>
    %reduce_sum3A_1544 = arith.constant true
    %reduce_sum3A_1545 = vector.broadcast %reduce_sum3A_1544 : i1 to vector<16xi1>
    %reduce_sum3A_1546 = tpu.scan <sum>, %select_n3A_1543 masked %reduce_sum3A_1545 : vector<16xf32>, vector<16xi1> -> vector<16xf32>
    %reduce_sum3A_1547 = vector.extract %reduce_sum3A_1546[15] : f32 from vector<16xf32>
    %swap3A_1548 = arith.constant 116 : i32
    %swap3A_1549 = arith.index_cast %swap3A_1548 : i32 to index
    %swap3A_1550 = memref.load %arg7[%swap3A_1549] : memref<128xf32, #tpu.memory_space<smem>>
    memref.store %reduce_sum3A_1547, %arg7[%swap3A_1549] : memref<128xf32, #tpu.memory_space<smem>>
    %eq3A_1551 = arith.constant 5 : i32
    %eq3A_1552 = vector.broadcast %eq3A_1551 : i32 to vector<16xi32>
    %eq3A_1553 = arith.cmpi eq, %iota3A, %eq3A_1552 : vector<16xi32>
    %jit3A_1554 = arith.constant 0.000000e+00 : f32
    %broadcast_in_dim3A_1555 = vector.broadcast %jit3A_1554 : f32 to vector<16xf32>
    %select_n3A_1556 = arith.select %eq3A_1553, %get3A_1483, %broadcast_in_dim3A_1555 : vector<16xi1>, vector<16xf32>
    %reduce_sum3A_1557 = arith.constant true
    %reduce_sum3A_1558 = vector.broadcast %reduce_sum3A_1557 : i1 to vector<16xi1>
    %reduce_sum3A_1559 = tpu.scan <sum>, %select_n3A_1556 masked %reduce_sum3A_1558 : vector<16xf32>, vector<16xi1> -> vector<16xf32>
    %reduce_sum3A_1560 = vector.extract %reduce_sum3A_1559[15] : f32 from vector<16xf32>
    %swap3A_1561 = arith.constant 117 : i32
    %swap3A_1562 = arith.index_cast %swap3A_1561 : i32 to index
    %swap3A_1563 = memref.load %arg7[%swap3A_1562] : memref<128xf32, #tpu.memory_space<smem>>
    memref.store %reduce_sum3A_1560, %arg7[%swap3A_1562] : memref<128xf32, #tpu.memory_space<smem>>
    %eq3A_1564 = arith.constant 6 : i32
    %eq3A_1565 = vector.broadcast %eq3A_1564 : i32 to vector<16xi32>
    %eq3A_1566 = arith.cmpi eq, %iota3A, %eq3A_1565 : vector<16xi32>
    %jit3A_1567 = arith.constant 0.000000e+00 : f32
    %broadcast_in_dim3A_1568 = vector.broadcast %jit3A_1567 : f32 to vector<16xf32>
    %select_n3A_1569 = arith.select %eq3A_1566, %get3A_1483, %broadcast_in_dim3A_1568 : vector<16xi1>, vector<16xf32>
    %reduce_sum3A_1570 = arith.constant true
    %reduce_sum3A_1571 = vector.broadcast %reduce_sum3A_1570 : i1 to vector<16xi1>
    %reduce_sum3A_1572 = tpu.scan <sum>, %select_n3A_1569 masked %reduce_sum3A_1571 : vector<16xf32>, vector<16xi1> -> vector<16xf32>
    %reduce_sum3A_1573 = vector.extract %reduce_sum3A_1572[15] : f32 from vector<16xf32>
    %swap3A_1574 = arith.constant 118 : i32
    %swap3A_1575 = arith.index_cast %swap3A_1574 : i32 to index
    %swap3A_1576 = memref.load %arg7[%swap3A_1575] : memref<128xf32, #tpu.memory_space<smem>>
    memref.store %reduce_sum3A_1573, %arg7[%swap3A_1575] : memref<128xf32, #tpu.memory_space<smem>>
    %eq3A_1577 = arith.constant 7 : i32
    %eq3A_1578 = vector.broadcast %eq3A_1577 : i32 to vector<16xi32>
    %eq3A_1579 = arith.cmpi eq, %iota3A, %eq3A_1578 : vector<16xi32>
    %jit3A_1580 = arith.constant 0.000000e+00 : f32
    %broadcast_in_dim3A_1581 = vector.broadcast %jit3A_1580 : f32 to vector<16xf32>
    %select_n3A_1582 = arith.select %eq3A_1579, %get3A_1483, %broadcast_in_dim3A_1581 : vector<16xi1>, vector<16xf32>
    %reduce_sum3A_1583 = arith.constant true
    %reduce_sum3A_1584 = vector.broadcast %reduce_sum3A_1583 : i1 to vector<16xi1>
    %reduce_sum3A_1585 = tpu.scan <sum>, %select_n3A_1582 masked %reduce_sum3A_1584 : vector<16xf32>, vector<16xi1> -> vector<16xf32>
    %reduce_sum3A_1586 = vector.extract %reduce_sum3A_1585[15] : f32 from vector<16xf32>
    %swap3A_1587 = arith.constant 119 : i32
    %swap3A_1588 = arith.index_cast %swap3A_1587 : i32 to index
    %swap3A_1589 = memref.load %arg7[%swap3A_1588] : memref<128xf32, #tpu.memory_space<smem>>
    memref.store %reduce_sum3A_1586, %arg7[%swap3A_1588] : memref<128xf32, #tpu.memory_space<smem>>
    %eq3A_1590 = arith.constant 8 : i32
    %eq3A_1591 = vector.broadcast %eq3A_1590 : i32 to vector<16xi32>
    %eq3A_1592 = arith.cmpi eq, %iota3A, %eq3A_1591 : vector<16xi32>
    %jit3A_1593 = arith.constant 0.000000e+00 : f32
    %broadcast_in_dim3A_1594 = vector.broadcast %jit3A_1593 : f32 to vector<16xf32>
    %select_n3A_1595 = arith.select %eq3A_1592, %get3A_1483, %broadcast_in_dim3A_1594 : vector<16xi1>, vector<16xf32>
    %reduce_sum3A_1596 = arith.constant true
    %reduce_sum3A_1597 = vector.broadcast %reduce_sum3A_1596 : i1 to vector<16xi1>
    %reduce_sum3A_1598 = tpu.scan <sum>, %select_n3A_1595 masked %reduce_sum3A_1597 : vector<16xf32>, vector<16xi1> -> vector<16xf32>
    %reduce_sum3A_1599 = vector.extract %reduce_sum3A_1598[15] : f32 from vector<16xf32>
    %swap3A_1600 = arith.constant 120 : i32
    %swap3A_1601 = arith.index_cast %swap3A_1600 : i32 to index
    %swap3A_1602 = memref.load %arg7[%swap3A_1601] : memref<128xf32, #tpu.memory_space<smem>>
    memref.store %reduce_sum3A_1599, %arg7[%swap3A_1601] : memref<128xf32, #tpu.memory_space<smem>>
    %eq3A_1603 = arith.constant 9 : i32
    %eq3A_1604 = vector.broadcast %eq3A_1603 : i32 to vector<16xi32>
    %eq3A_1605 = arith.cmpi eq, %iota3A, %eq3A_1604 : vector<16xi32>
    %jit3A_1606 = arith.constant 0.000000e+00 : f32
    %broadcast_in_dim3A_1607 = vector.broadcast %jit3A_1606 : f32 to vector<16xf32>
    %select_n3A_1608 = arith.select %eq3A_1605, %get3A_1483, %broadcast_in_dim3A_1607 : vector<16xi1>, vector<16xf32>
    %reduce_sum3A_1609 = arith.constant true
    %reduce_sum3A_1610 = vector.broadcast %reduce_sum3A_1609 : i1 to vector<16xi1>
    %reduce_sum3A_1611 = tpu.scan <sum>, %select_n3A_1608 masked %reduce_sum3A_1610 : vector<16xf32>, vector<16xi1> -> vector<16xf32>
    %reduce_sum3A_1612 = vector.extract %reduce_sum3A_1611[15] : f32 from vector<16xf32>
    %swap3A_1613 = arith.constant 121 : i32
    %swap3A_1614 = arith.index_cast %swap3A_1613 : i32 to index
    %swap3A_1615 = memref.load %arg7[%swap3A_1614] : memref<128xf32, #tpu.memory_space<smem>>
    memref.store %reduce_sum3A_1612, %arg7[%swap3A_1614] : memref<128xf32, #tpu.memory_space<smem>>
    %eq3A_1616 = arith.constant 10 : i32
    %eq3A_1617 = vector.broadcast %eq3A_1616 : i32 to vector<16xi32>
    %eq3A_1618 = arith.cmpi eq, %iota3A, %eq3A_1617 : vector<16xi32>
    %jit3A_1619 = arith.constant 0.000000e+00 : f32
    %broadcast_in_dim3A_1620 = vector.broadcast %jit3A_1619 : f32 to vector<16xf32>
    %select_n3A_1621 = arith.select %eq3A_1618, %get3A_1483, %broadcast_in_dim3A_1620 : vector<16xi1>, vector<16xf32>
    %reduce_sum3A_1622 = arith.constant true
    %reduce_sum3A_1623 = vector.broadcast %reduce_sum3A_1622 : i1 to vector<16xi1>
    %reduce_sum3A_1624 = tpu.scan <sum>, %select_n3A_1621 masked %reduce_sum3A_1623 : vector<16xf32>, vector<16xi1> -> vector<16xf32>
    %reduce_sum3A_1625 = vector.extract %reduce_sum3A_1624[15] : f32 from vector<16xf32>
    %swap3A_1626 = arith.constant 122 : i32
    %swap3A_1627 = arith.index_cast %swap3A_1626 : i32 to index
    %swap3A_1628 = memref.load %arg7[%swap3A_1627] : memref<128xf32, #tpu.memory_space<smem>>
    memref.store %reduce_sum3A_1625, %arg7[%swap3A_1627] : memref<128xf32, #tpu.memory_space<smem>>
    %eq3A_1629 = arith.constant 11 : i32
    %eq3A_1630 = vector.broadcast %eq3A_1629 : i32 to vector<16xi32>
    %eq3A_1631 = arith.cmpi eq, %iota3A, %eq3A_1630 : vector<16xi32>
    %jit3A_1632 = arith.constant 0.000000e+00 : f32
    %broadcast_in_dim3A_1633 = vector.broadcast %jit3A_1632 : f32 to vector<16xf32>
    %select_n3A_1634 = arith.select %eq3A_1631, %get3A_1483, %broadcast_in_dim3A_1633 : vector<16xi1>, vector<16xf32>
    %reduce_sum3A_1635 = arith.constant true
    %reduce_sum3A_1636 = vector.broadcast %reduce_sum3A_1635 : i1 to vector<16xi1>
    %reduce_sum3A_1637 = tpu.scan <sum>, %select_n3A_1634 masked %reduce_sum3A_1636 : vector<16xf32>, vector<16xi1> -> vector<16xf32>
    %reduce_sum3A_1638 = vector.extract %reduce_sum3A_1637[15] : f32 from vector<16xf32>
    %swap3A_1639 = arith.constant 123 : i32
    %swap3A_1640 = arith.index_cast %swap3A_1639 : i32 to index
    %swap3A_1641 = memref.load %arg7[%swap3A_1640] : memref<128xf32, #tpu.memory_space<smem>>
    memref.store %reduce_sum3A_1638, %arg7[%swap3A_1640] : memref<128xf32, #tpu.memory_space<smem>>
    %eq3A_1642 = arith.constant 12 : i32
    %eq3A_1643 = vector.broadcast %eq3A_1642 : i32 to vector<16xi32>
    %eq3A_1644 = arith.cmpi eq, %iota3A, %eq3A_1643 : vector<16xi32>
    %jit3A_1645 = arith.constant 0.000000e+00 : f32
    %broadcast_in_dim3A_1646 = vector.broadcast %jit3A_1645 : f32 to vector<16xf32>
    %select_n3A_1647 = arith.select %eq3A_1644, %get3A_1483, %broadcast_in_dim3A_1646 : vector<16xi1>, vector<16xf32>
    %reduce_sum3A_1648 = arith.constant true
    %reduce_sum3A_1649 = vector.broadcast %reduce_sum3A_1648 : i1 to vector<16xi1>
    %reduce_sum3A_1650 = tpu.scan <sum>, %select_n3A_1647 masked %reduce_sum3A_1649 : vector<16xf32>, vector<16xi1> -> vector<16xf32>
    %reduce_sum3A_1651 = vector.extract %reduce_sum3A_1650[15] : f32 from vector<16xf32>
    %swap3A_1652 = arith.constant 124 : i32
    %swap3A_1653 = arith.index_cast %swap3A_1652 : i32 to index
    %swap3A_1654 = memref.load %arg7[%swap3A_1653] : memref<128xf32, #tpu.memory_space<smem>>
    memref.store %reduce_sum3A_1651, %arg7[%swap3A_1653] : memref<128xf32, #tpu.memory_space<smem>>
    %eq3A_1655 = arith.constant 13 : i32
    %eq3A_1656 = vector.broadcast %eq3A_1655 : i32 to vector<16xi32>
    %eq3A_1657 = arith.cmpi eq, %iota3A, %eq3A_1656 : vector<16xi32>
    %jit3A_1658 = arith.constant 0.000000e+00 : f32
    %broadcast_in_dim3A_1659 = vector.broadcast %jit3A_1658 : f32 to vector<16xf32>
    %select_n3A_1660 = arith.select %eq3A_1657, %get3A_1483, %broadcast_in_dim3A_1659 : vector<16xi1>, vector<16xf32>
    %reduce_sum3A_1661 = arith.constant true
    %reduce_sum3A_1662 = vector.broadcast %reduce_sum3A_1661 : i1 to vector<16xi1>
    %reduce_sum3A_1663 = tpu.scan <sum>, %select_n3A_1660 masked %reduce_sum3A_1662 : vector<16xf32>, vector<16xi1> -> vector<16xf32>
    %reduce_sum3A_1664 = vector.extract %reduce_sum3A_1663[15] : f32 from vector<16xf32>
    %swap3A_1665 = arith.constant 125 : i32
    %swap3A_1666 = arith.index_cast %swap3A_1665 : i32 to index
    %swap3A_1667 = memref.load %arg7[%swap3A_1666] : memref<128xf32, #tpu.memory_space<smem>>
    memref.store %reduce_sum3A_1664, %arg7[%swap3A_1666] : memref<128xf32, #tpu.memory_space<smem>>
    %eq3A_1668 = arith.constant 14 : i32
    %eq3A_1669 = vector.broadcast %eq3A_1668 : i32 to vector<16xi32>
    %eq3A_1670 = arith.cmpi eq, %iota3A, %eq3A_1669 : vector<16xi32>
    %jit3A_1671 = arith.constant 0.000000e+00 : f32
    %broadcast_in_dim3A_1672 = vector.broadcast %jit3A_1671 : f32 to vector<16xf32>
    %select_n3A_1673 = arith.select %eq3A_1670, %get3A_1483, %broadcast_in_dim3A_1672 : vector<16xi1>, vector<16xf32>
    %reduce_sum3A_1674 = arith.constant true
    %reduce_sum3A_1675 = vector.broadcast %reduce_sum3A_1674 : i1 to vector<16xi1>
    %reduce_sum3A_1676 = tpu.scan <sum>, %select_n3A_1673 masked %reduce_sum3A_1675 : vector<16xf32>, vector<16xi1> -> vector<16xf32>
    %reduce_sum3A_1677 = vector.extract %reduce_sum3A_1676[15] : f32 from vector<16xf32>
    %swap3A_1678 = arith.constant 126 : i32
    %swap3A_1679 = arith.index_cast %swap3A_1678 : i32 to index
    %swap3A_1680 = memref.load %arg7[%swap3A_1679] : memref<128xf32, #tpu.memory_space<smem>>
    memref.store %reduce_sum3A_1677, %arg7[%swap3A_1679] : memref<128xf32, #tpu.memory_space<smem>>
    %eq3A_1681 = arith.constant 15 : i32
    %eq3A_1682 = vector.broadcast %eq3A_1681 : i32 to vector<16xi32>
    %eq3A_1683 = arith.cmpi eq, %iota3A, %eq3A_1682 : vector<16xi32>
    %jit3A_1684 = arith.constant 0.000000e+00 : f32
    %broadcast_in_dim3A_1685 = vector.broadcast %jit3A_1684 : f32 to vector<16xf32>
    %select_n3A_1686 = arith.select %eq3A_1683, %get3A_1483, %broadcast_in_dim3A_1685 : vector<16xi1>, vector<16xf32>
    %reduce_sum3A_1687 = arith.constant true
    %reduce_sum3A_1688 = vector.broadcast %reduce_sum3A_1687 : i1 to vector<16xi1>
    %reduce_sum3A_1689 = tpu.scan <sum>, %select_n3A_1686 masked %reduce_sum3A_1688 : vector<16xf32>, vector<16xi1> -> vector<16xf32>
    %reduce_sum3A_1690 = vector.extract %reduce_sum3A_1689[15] : f32 from vector<16xf32>
    %swap3A_1691 = arith.constant 127 : i32
    %swap3A_1692 = arith.index_cast %swap3A_1691 : i32 to index
    %swap3A_1693 = memref.load %arg7[%swap3A_1692] : memref<128xf32, #tpu.memory_space<smem>>
    memref.store %reduce_sum3A_1690, %arg7[%swap3A_1692] : memref<128xf32, #tpu.memory_space<smem>>
    %reduce_sum3A_1694 = arith.constant true
    %reduce_sum3A_1695 = vector.broadcast %reduce_sum3A_1694 : i1 to vector<16xi1>
    %reduce_sum3A_1696 = tpu.scan <sum>, %add3A_1485 masked %reduce_sum3A_1695 : vector<16xf32>, vector<16xi1> -> vector<16xf32>
    %reduce_sum3A_1697 = vector.extract %reduce_sum3A_1696[15] : f32 from vector<16xf32>
    %broadcast_in_dim3A_1698 = vector.broadcast %reduce_sum3A_1697 : f32 to vector<16xf32>
    %bitcast3A = vector.bitcast %broadcast_in_dim3A_1698 : vector<16xf32> to vector<16xi32>
    %shift_right_arithmetic3A = arith.constant 1 : i32
    %shift_right_arithmetic3A_1699 = vector.broadcast %shift_right_arithmetic3A : i32 to vector<16xi32>
    %shift_right_arithmetic3A_1700 = arith.shrsi %bitcast3A, %shift_right_arithmetic3A_1699 : vector<16xi32>
    %sub3A = arith.constant 1597463007 : i32
    %sub3A_1701 = vector.broadcast %sub3A : i32 to vector<16xi32>
    %sub3A_1702 = arith.subi %sub3A_1701, %shift_right_arithmetic3A_1700 : vector<16xi32>
    %bitcast3A_1703 = vector.bitcast %sub3A_1702 : vector<16xi32> to vector<16xf32>
    %mul3A_1704 = arith.constant 5.000000e-01 : f32
    %mul3A_1705 = vector.broadcast %mul3A_1704 : f32 to vector<16xf32>
    %mul3A_1706 = arith.mulf %mul3A_1705, %broadcast_in_dim3A_1698 : vector<16xf32>
    %mul3A_1707 = arith.mulf %mul3A_1706, %bitcast3A_1703 : vector<16xf32>
    %mul3A_1708 = arith.mulf %mul3A_1707, %bitcast3A_1703 : vector<16xf32>
    %sub3A_1709 = arith.constant 1.500000e+00 : f32
    %sub3A_1710 = vector.broadcast %sub3A_1709 : f32 to vector<16xf32>
    %sub3A_1711 = arith.subf %sub3A_1710, %mul3A_1708 : vector<16xf32>
    %mul3A_1712 = arith.mulf %bitcast3A_1703, %sub3A_1711 : vector<16xf32>
    %mul3A_1713 = arith.constant 5.000000e-01 : f32
    %mul3A_1714 = vector.broadcast %mul3A_1713 : f32 to vector<16xf32>
    %mul3A_1715 = arith.mulf %mul3A_1714, %broadcast_in_dim3A_1698 : vector<16xf32>
    %mul3A_1716 = arith.mulf %mul3A_1715, %mul3A_1712 : vector<16xf32>
    %mul3A_1717 = arith.mulf %mul3A_1716, %mul3A_1712 : vector<16xf32>
    %sub3A_1718 = arith.constant 1.500000e+00 : f32
    %sub3A_1719 = vector.broadcast %sub3A_1718 : f32 to vector<16xf32>
    %sub3A_1720 = arith.subf %sub3A_1719, %mul3A_1717 : vector<16xf32>
    %mul3A_1721 = arith.mulf %mul3A_1712, %sub3A_1720 : vector<16xf32>
    %mul3A_1722 = arith.constant 5.000000e-01 : f32
    %mul3A_1723 = vector.broadcast %mul3A_1722 : f32 to vector<16xf32>
    %mul3A_1724 = arith.mulf %mul3A_1723, %broadcast_in_dim3A_1698 : vector<16xf32>
    %mul3A_1725 = arith.mulf %mul3A_1724, %mul3A_1721 : vector<16xf32>
    %mul3A_1726 = arith.mulf %mul3A_1725, %mul3A_1721 : vector<16xf32>
    %sub3A_1727 = arith.constant 1.500000e+00 : f32
    %sub3A_1728 = vector.broadcast %sub3A_1727 : f32 to vector<16xf32>
    %sub3A_1729 = arith.subf %sub3A_1728, %mul3A_1726 : vector<16xf32>
    %mul3A_1730 = arith.mulf %mul3A_1721, %sub3A_1729 : vector<16xf32>
    %mul3A_1731 = arith.constant 5.000000e-01 : f32
    %mul3A_1732 = vector.broadcast %mul3A_1731 : f32 to vector<16xf32>
    %mul3A_1733 = arith.mulf %mul3A_1732, %broadcast_in_dim3A_1698 : vector<16xf32>
    %mul3A_1734 = arith.mulf %mul3A_1733, %mul3A_1730 : vector<16xf32>
    %mul3A_1735 = arith.mulf %mul3A_1734, %mul3A_1730 : vector<16xf32>
    %sub3A_1736 = arith.constant 1.500000e+00 : f32
    %sub3A_1737 = vector.broadcast %sub3A_1736 : f32 to vector<16xf32>
    %sub3A_1738 = arith.subf %sub3A_1737, %mul3A_1735 : vector<16xf32>
    %mul3A_1739 = arith.mulf %mul3A_1730, %sub3A_1738 : vector<16xf32>
    %mul3A_1740 = arith.mulf %broadcast_in_dim3A_1698, %mul3A_1739 : vector<16xf32>
    %broadcast_in_dim3A_1741 = arith.constant 0xFF800000 : f32
    %broadcast_in_dim3A_1742 = vector.broadcast %broadcast_in_dim3A_1741 : f32 to vector<16xf32>
    %swap3A_1743 = arith.constant 0 : index
    %swap3A_1744 = tpu.vector_load %arg9[%swap3A_1743] {strides = array<i32>} : memref<16xf32, #tpu.memory_space<vmem>>, vector<16xf32>,
    tpu.vector_store %arg9[%swap3A_1743], %broadcast_in_dim3A_1742 {strides = array<i32>} : memref<16xf32, #tpu.memory_space<vmem>>, vector<16xf32>,
    %broadcast_in_dim3A_1745 = arith.constant 2147483647 : i32
    %broadcast_in_dim3A_1746 = vector.broadcast %broadcast_in_dim3A_1745 : i32 to vector<16xi32>
    %swap3A_1747 = arith.constant 0 : index
    %swap3A_1748 = tpu.vector_load %arg10[%swap3A_1747] {strides = array<i32>} : memref<16xi32, #tpu.memory_space<vmem>>, vector<16xi32>,
    tpu.vector_store %arg10[%swap3A_1747], %broadcast_in_dim3A_1746 {strides = array<i32>} : memref<16xi32, #tpu.memory_space<vmem>>, vector<16xi32>,
    %dma_start3A = arith.constant 0 : i32
    %dma_start3A_1749 = arith.constant 0 : i32
    %dma_start3A_1750 = arith.constant 0 : i32
    %dma_start3A_1751 = arith.constant 0 : i32
    %dma_start3A_1752 = tpu.memref_slice %arg8[%dma_start3A, %dma_start3A_1750, %dma_start3A_1751] : memref<2x125x128xf32, #tpu.memory_space<vmem>> -> memref<1x125x128xf32, #tpu.memory_space<vmem>>
    %dma_start3A_1753 = tpu.memref_squeeze %dma_start3A_1752 : memref<1x125x128xf32, #tpu.memory_space<vmem>> -> memref<125x128xf32, #tpu.memory_space<vmem>>
    %dma_start3A_1754 = arith.constant 0 : i32
    %dma_start3A_1755 = tpu.memref_slice %arg3[%mul3A_2, %dma_start3A_1754] : memref<100000x128xf32, #tpu.memory_space<hbm>> -> memref<125x128xf32, #tpu.memory_space<hbm>>
    %dma_start3A_1756 = tpu.memref_slice %arg11[%dma_start3A_1749] : memref<2x!tpu.dma_semaphore, #tpu.memory_space<semaphore_mem>> -> memref<1x!tpu.dma_semaphore, #tpu.memory_space<semaphore_mem>>
    %dma_start3A_1757 = tpu.memref_squeeze %dma_start3A_1756 : memref<1x!tpu.dma_semaphore, #tpu.memory_space<semaphore_mem>> -> memref<!tpu.dma_semaphore, #tpu.memory_space<semaphore_mem>>
    %dma_start3A_1758 = arith.constant 0 : i32
    %dma_start3A_1759 = arith.constant 0 : i32
    %dma_start3A_1760 = tpu.memref_slice %arg8[%dma_start3A, %dma_start3A_1758, %dma_start3A_1759] : memref<2x125x128xf32, #tpu.memory_space<vmem>> -> memref<1x125x128xf32, #tpu.memory_space<vmem>>
    %dma_start3A_1761 = tpu.memref_squeeze %dma_start3A_1760 : memref<1x125x128xf32, #tpu.memory_space<vmem>> -> memref<125x128xf32, #tpu.memory_space<vmem>>
    %dma_start3A_1762 = arith.constant 0 : i32
    %dma_start3A_1763 = tpu.memref_slice %arg3[%mul3A_2, %dma_start3A_1762] : memref<100000x128xf32, #tpu.memory_space<hbm>> -> memref<125x128xf32, #tpu.memory_space<hbm>>
    tpu.enqueue_dma source(%dma_start3A_1763 : memref<125x128xf32, #tpu.memory_space<hbm>>) target(%dma_start3A_1761 : memref<125x128xf32, #tpu.memory_space<vmem>>) target_semaphore(%dma_start3A_1757 : memref<!tpu.dma_semaphore, #tpu.memory_space<semaphore_mem>>)
    %scan3A = arith.constant 0 : i32
    %scan3A_1764 = arith.constant 0 : i32
    %scan3A_1765 = arith.constant 25 : i32
    %scan3A_1766 = arith.addi %scan3A_1764, %scan3A_1765 : i32
    %scan3A_1767 = arith.constant 1 : i32
    %scan3A_1768 = scf.for %scan3A_1770 = %scan3A_1764 to %scan3A_1766 step %scan3A_1767 iter_args(%scan3A_1771 = %scan3A) -> (i32)  : i32 {
      %rem3A = arith.constant 2 : i32
      %rem3A_1772 = arith.remsi %scan3A_1770, %rem3A : i32
      %mul3A_1773 = arith.constant 125 : i32
      %mul3A_1774 = arith.muli %scan3A_1770, %mul3A_1773 : i32
      %add3A_1775 = arith.addi %mul3A_2, %mul3A_1774 : i32
      %dma_wait3A = arith.constant 0 : i32
      %dma_wait3A_1776 = arith.constant 0 : i32
      %dma_wait3A_1777 = tpu.memref_slice %arg8[%rem3A_1772, %dma_wait3A, %dma_wait3A_1776] : memref<2x125x128xf32, #tpu.memory_space<vmem>> -> memref<1x125x128xf32, #tpu.memory_space<vmem>>
      %dma_wait3A_1778 = tpu.memref_squeeze %dma_wait3A_1777 : memref<1x125x128xf32, #tpu.memory_space<vmem>> -> memref<125x128xf32, #tpu.memory_space<vmem>>
      %dma_wait3A_1779 = arith.constant 0 : i32
      %dma_wait3A_1780 = tpu.memref_slice %arg3[%add3A_1775, %dma_wait3A_1779] : memref<100000x128xf32, #tpu.memory_space<hbm>> -> memref<125x128xf32, #tpu.memory_space<hbm>>
      %dma_wait3A_1781 = tpu.memref_slice %arg11[%rem3A_1772] : memref<2x!tpu.dma_semaphore, #tpu.memory_space<semaphore_mem>> -> memref<1x!tpu.dma_semaphore, #tpu.memory_space<semaphore_mem>>
      %dma_wait3A_1782 = tpu.memref_squeeze %dma_wait3A_1781 : memref<1x!tpu.dma_semaphore, #tpu.memory_space<semaphore_mem>> -> memref<!tpu.dma_semaphore, #tpu.memory_space<semaphore_mem>>
      %dma_wait3A_1783 = arith.constant 0 : i32
      %dma_wait3A_1784 = arith.constant 0 : i32
      %dma_wait3A_1785 = tpu.memref_slice %arg8[%rem3A_1772, %dma_wait3A_1783, %dma_wait3A_1784] : memref<2x125x128xf32, #tpu.memory_space<vmem>> -> memref<1x125x128xf32, #tpu.memory_space<vmem>>
      %dma_wait3A_1786 = tpu.memref_squeeze %dma_wait3A_1785 : memref<1x125x128xf32, #tpu.memory_space<vmem>> -> memref<125x128xf32, #tpu.memory_space<vmem>>
      %dma_wait3A_1787 = arith.constant 0 : i32
      %dma_wait3A_1788 = tpu.memref_slice %arg3[%add3A_1775, %dma_wait3A_1787] : memref<100000x128xf32, #tpu.memory_space<hbm>> -> memref<125x128xf32, #tpu.memory_space<hbm>>
      tpu.wait_dma2 semaphore(%dma_wait3A_1782 : memref<!tpu.dma_semaphore, #tpu.memory_space<semaphore_mem>>) src(%dma_wait3A_1788 : memref<125x128xf32, #tpu.memory_space<hbm>>) dst(%dma_wait3A_1786 : memref<125x128xf32, #tpu.memory_space<vmem>>)
      %add3A_1789 = arith.constant 1 : i32
      %add3A_1790 = arith.addi %scan3A_1770, %add3A_1789 : i32
      %lt3A = arith.constant 25 : i32
      %lt3A_1791 = arith.cmpi slt, %add3A_1790, %lt3A : i32
      %convert_element_type3A = arith.extui %lt3A_1791 : i1 to i32
      %cond3A = arith.constant 0 : i32
      %cond3A_1792 = arith.cmpi ne, %convert_element_type3A, %cond3A : i32
      scf.if %cond3A_1792 {
        %add3A_1802 = arith.constant 1 : i32
        %add3A_1803 = arith.addi %scan3A_1770, %add3A_1802 : i32
        %mul3A_1804 = arith.constant 125 : i32
        %mul3A_1805 = arith.muli %add3A_1803, %mul3A_1804 : i32
        %add3A_1806 = arith.addi %mul3A_2, %mul3A_1805 : i32
        %sub3A_1807 = arith.constant 1 : i32
        %sub3A_1808 = arith.subi %sub3A_1807, %rem3A_1772 : i32
        %sub3A_1809 = arith.constant 1 : i32
        %sub3A_1810 = arith.subi %sub3A_1809, %rem3A_1772 : i32
        %dma_start3A_1811 = arith.constant 0 : i32
        %dma_start3A_1812 = arith.constant 0 : i32
        %dma_start3A_1813 = tpu.memref_slice %arg8[%sub3A_1808, %dma_start3A_1811, %dma_start3A_1812] : memref<2x125x128xf32, #tpu.memory_space<vmem>> -> memref<1x125x128xf32, #tpu.memory_space<vmem>>
        %dma_start3A_1814 = tpu.memref_squeeze %dma_start3A_1813 : memref<1x125x128xf32, #tpu.memory_space<vmem>> -> memref<125x128xf32, #tpu.memory_space<vmem>>
        %dma_start3A_1815 = arith.constant 0 : i32
        %dma_start3A_1816 = tpu.memref_slice %arg3[%add3A_1806, %dma_start3A_1815] : memref<100000x128xf32, #tpu.memory_space<hbm>> -> memref<125x128xf32, #tpu.memory_space<hbm>>
        %dma_start3A_1817 = tpu.memref_slice %arg11[%sub3A_1810] : memref<2x!tpu.dma_semaphore, #tpu.memory_space<semaphore_mem>> -> memref<1x!tpu.dma_semaphore, #tpu.memory_space<semaphore_mem>>
        %dma_start3A_1818 = tpu.memref_squeeze %dma_start3A_1817 : memref<1x!tpu.dma_semaphore, #tpu.memory_space<semaphore_mem>> -> memref<!tpu.dma_semaphore, #tpu.memory_space<semaphore_mem>>
        %dma_start3A_1819 = arith.constant 0 : i32
        %dma_start3A_1820 = arith.constant 0 : i32
        %dma_start3A_1821 = tpu.memref_slice %arg8[%sub3A_1808, %dma_start3A_1819, %dma_start3A_1820] : memref<2x125x128xf32, #tpu.memory_space<vmem>> -> memref<1x125x128xf32, #tpu.memory_space<vmem>>
        %dma_start3A_1822 = tpu.memref_squeeze %dma_start3A_1821 : memref<1x125x128xf32, #tpu.memory_space<vmem>> -> memref<125x128xf32, #tpu.memory_space<vmem>>
        %dma_start3A_1823 = arith.constant 0 : i32
        %dma_start3A_1824 = tpu.memref_slice %arg3[%add3A_1806, %dma_start3A_1823] : memref<100000x128xf32, #tpu.memory_space<hbm>> -> memref<125x128xf32, #tpu.memory_space<hbm>>
        tpu.enqueue_dma source(%dma_start3A_1824 : memref<125x128xf32, #tpu.memory_space<hbm>>) target(%dma_start3A_1822 : memref<125x128xf32, #tpu.memory_space<vmem>>) target_semaphore(%dma_start3A_1818 : memref<!tpu.dma_semaphore, #tpu.memory_space<semaphore_mem>>)
      } else {
      }
      %broadcast_in_dim3A_1793 = vector.broadcast %rem3A_1772 : i32 to vector<16xi32>
      %scan3A_1794 = arith.constant 0 : i32
      %scan3A_1795 = arith.constant 0 : i32
      %scan3A_1796 = arith.constant 8 : i32
      %scan3A_1797 = arith.addi %scan3A_1795, %scan3A_1796 : i32
      %scan3A_1798 = arith.constant 1 : i32
      %scan3A_1799 = scf.for %scan3A_1802 = %scan3A_1795 to %scan3A_1797 step %scan3A_1798 iter_args(%scan3A_1803 = %scan3A_1794) -> (i32)  : i32 {
        %mul3A_1804 = arith.constant 16 : i32
        %mul3A_1805 = arith.muli %scan3A_1802, %mul3A_1804 : i32
        %add3A_1806 = vector.broadcast %mul3A_1805 : i32 to vector<16xi32>
        %add3A_1807 = arith.addi %add3A_1806, %iota3A : vector<16xi32>
        %min3A = arith.constant 124 : i32
        %min3A_1808 = vector.broadcast %min3A : i32 to vector<16xi32>
        %min3A_1809 = arith.minsi %add3A_1807, %min3A_1808 : vector<16xi32>
        %broadcast_in_dim3A_1810 = arith.constant 0.000000e+00 : f32
        %broadcast_in_dim3A_1811 = vector.broadcast %broadcast_in_dim3A_1810 : f32 to vector<16xf32>
        %broadcast_in_dim3A_1812 = arith.constant 0.000000e+00 : f32
        %broadcast_in_dim3A_1813 = vector.broadcast %broadcast_in_dim3A_1812 : f32 to vector<16xf32>
        %broadcast_in_dim3A_1814 = arith.constant 0 : i32
        %broadcast_in_dim3A_1815 = vector.broadcast %broadcast_in_dim3A_1814 : i32 to vector<16xi32>
        %gather3A = tpu.vector_load_idx %arg8[%broadcast_in_dim3A_1793, %min3A_1809, %broadcast_in_dim3A_1815] : memref<2x125x128xf32, #tpu.memory_space<vmem>>[vector<16xi32>, vector<16xi32>, vector<16xi32>], vector<16xf32>,
        %get3A_1816 = arith.constant 0 : i32
        %get3A_1817 = arith.index_cast %get3A_1816 : i32 to index
        %get3A_1818 = memref.load %arg7[%get3A_1817] : memref<128xf32, #tpu.memory_space<smem>>
        %mul3A_1819 = vector.broadcast %get3A_1818 : f32 to vector<16xf32>
        %mul3A_1820 = arith.mulf %gather3A, %mul3A_1819 : vector<16xf32>
        %add3A_1821 = arith.addf %broadcast_in_dim3A_1811, %mul3A_1820 : vector<16xf32>
        %mul3A_1822 = arith.mulf %gather3A, %gather3A : vector<16xf32>
        %add3A_1823 = arith.addf %broadcast_in_dim3A_1813, %mul3A_1822 : vector<16xf32>
        %broadcast_in_dim3A_1824 = arith.constant 1 : i32
        %broadcast_in_dim3A_1825 = vector.broadcast %broadcast_in_dim3A_1824 : i32 to vector<16xi32>
        %gather3A_1826 = tpu.vector_load_idx %arg8[%broadcast_in_dim3A_1793, %min3A_1809, %broadcast_in_dim3A_1825] : memref<2x125x128xf32, #tpu.memory_space<vmem>>[vector<16xi32>, vector<16xi32>, vector<16xi32>], vector<16xf32>,
        %get3A_1827 = arith.constant 1 : i32
        %get3A_1828 = arith.index_cast %get3A_1827 : i32 to index
        %get3A_1829 = memref.load %arg7[%get3A_1828] : memref<128xf32, #tpu.memory_space<smem>>
        %mul3A_1830 = vector.broadcast %get3A_1829 : f32 to vector<16xf32>
        %mul3A_1831 = arith.mulf %gather3A_1826, %mul3A_1830 : vector<16xf32>
        %add3A_1832 = arith.addf %add3A_1821, %mul3A_1831 : vector<16xf32>
        %mul3A_1833 = arith.mulf %gather3A_1826, %gather3A_1826 : vector<16xf32>
        %add3A_1834 = arith.addf %add3A_1823, %mul3A_1833 : vector<16xf32>
        %broadcast_in_dim3A_1835 = arith.constant 2 : i32
        %broadcast_in_dim3A_1836 = vector.broadcast %broadcast_in_dim3A_1835 : i32 to vector<16xi32>
        %gather3A_1837 = tpu.vector_load_idx %arg8[%broadcast_in_dim3A_1793, %min3A_1809, %broadcast_in_dim3A_1836] : memref<2x125x128xf32, #tpu.memory_space<vmem>>[vector<16xi32>, vector<16xi32>, vector<16xi32>], vector<16xf32>,
        %get3A_1838 = arith.constant 2 : i32
        %get3A_1839 = arith.index_cast %get3A_1838 : i32 to index
        %get3A_1840 = memref.load %arg7[%get3A_1839] : memref<128xf32, #tpu.memory_space<smem>>
        %mul3A_1841 = vector.broadcast %get3A_1840 : f32 to vector<16xf32>
        %mul3A_1842 = arith.mulf %gather3A_1837, %mul3A_1841 : vector<16xf32>
        %add3A_1843 = arith.addf %add3A_1832, %mul3A_1842 : vector<16xf32>
        %mul3A_1844 = arith.mulf %gather3A_1837, %gather3A_1837 : vector<16xf32>
        %add3A_1845 = arith.addf %add3A_1834, %mul3A_1844 : vector<16xf32>
        %broadcast_in_dim3A_1846 = arith.constant 3 : i32
        %broadcast_in_dim3A_1847 = vector.broadcast %broadcast_in_dim3A_1846 : i32 to vector<16xi32>
        %gather3A_1848 = tpu.vector_load_idx %arg8[%broadcast_in_dim3A_1793, %min3A_1809, %broadcast_in_dim3A_1847] : memref<2x125x128xf32, #tpu.memory_space<vmem>>[vector<16xi32>, vector<16xi32>, vector<16xi32>], vector<16xf32>,
        %get3A_1849 = arith.constant 3 : i32
        %get3A_1850 = arith.index_cast %get3A_1849 : i32 to index
        %get3A_1851 = memref.load %arg7[%get3A_1850] : memref<128xf32, #tpu.memory_space<smem>>
        %mul3A_1852 = vector.broadcast %get3A_1851 : f32 to vector<16xf32>
        %mul3A_1853 = arith.mulf %gather3A_1848, %mul3A_1852 : vector<16xf32>
        %add3A_1854 = arith.addf %add3A_1843, %mul3A_1853 : vector<16xf32>
        %mul3A_1855 = arith.mulf %gather3A_1848, %gather3A_1848 : vector<16xf32>
        %add3A_1856 = arith.addf %add3A_1845, %mul3A_1855 : vector<16xf32>
        %broadcast_in_dim3A_1857 = arith.constant 4 : i32
        %broadcast_in_dim3A_1858 = vector.broadcast %broadcast_in_dim3A_1857 : i32 to vector<16xi32>
        %gather3A_1859 = tpu.vector_load_idx %arg8[%broadcast_in_dim3A_1793, %min3A_1809, %broadcast_in_dim3A_1858] : memref<2x125x128xf32, #tpu.memory_space<vmem>>[vector<16xi32>, vector<16xi32>, vector<16xi32>], vector<16xf32>,
        %get3A_1860 = arith.constant 4 : i32
        %get3A_1861 = arith.index_cast %get3A_1860 : i32 to index
        %get3A_1862 = memref.load %arg7[%get3A_1861] : memref<128xf32, #tpu.memory_space<smem>>
        %mul3A_1863 = vector.broadcast %get3A_1862 : f32 to vector<16xf32>
        %mul3A_1864 = arith.mulf %gather3A_1859, %mul3A_1863 : vector<16xf32>
        %add3A_1865 = arith.addf %add3A_1854, %mul3A_1864 : vector<16xf32>
        %mul3A_1866 = arith.mulf %gather3A_1859, %gather3A_1859 : vector<16xf32>
        %add3A_1867 = arith.addf %add3A_1856, %mul3A_1866 : vector<16xf32>
        %broadcast_in_dim3A_1868 = arith.constant 5 : i32
        %broadcast_in_dim3A_1869 = vector.broadcast %broadcast_in_dim3A_1868 : i32 to vector<16xi32>
        %gather3A_1870 = tpu.vector_load_idx %arg8[%broadcast_in_dim3A_1793, %min3A_1809, %broadcast_in_dim3A_1869] : memref<2x125x128xf32, #tpu.memory_space<vmem>>[vector<16xi32>, vector<16xi32>, vector<16xi32>], vector<16xf32>,
        %get3A_1871 = arith.constant 5 : i32
        %get3A_1872 = arith.index_cast %get3A_1871 : i32 to index
        %get3A_1873 = memref.load %arg7[%get3A_1872] : memref<128xf32, #tpu.memory_space<smem>>
        %mul3A_1874 = vector.broadcast %get3A_1873 : f32 to vector<16xf32>
        %mul3A_1875 = arith.mulf %gather3A_1870, %mul3A_1874 : vector<16xf32>
        %add3A_1876 = arith.addf %add3A_1865, %mul3A_1875 : vector<16xf32>
        %mul3A_1877 = arith.mulf %gather3A_1870, %gather3A_1870 : vector<16xf32>
        %add3A_1878 = arith.addf %add3A_1867, %mul3A_1877 : vector<16xf32>
        %broadcast_in_dim3A_1879 = arith.constant 6 : i32
        %broadcast_in_dim3A_1880 = vector.broadcast %broadcast_in_dim3A_1879 : i32 to vector<16xi32>
        %gather3A_1881 = tpu.vector_load_idx %arg8[%broadcast_in_dim3A_1793, %min3A_1809, %broadcast_in_dim3A_1880] : memref<2x125x128xf32, #tpu.memory_space<vmem>>[vector<16xi32>, vector<16xi32>, vector<16xi32>], vector<16xf32>,
        %get3A_1882 = arith.constant 6 : i32
        %get3A_1883 = arith.index_cast %get3A_1882 : i32 to index
        %get3A_1884 = memref.load %arg7[%get3A_1883] : memref<128xf32, #tpu.memory_space<smem>>
        %mul3A_1885 = vector.broadcast %get3A_1884 : f32 to vector<16xf32>
        %mul3A_1886 = arith.mulf %gather3A_1881, %mul3A_1885 : vector<16xf32>
        %add3A_1887 = arith.addf %add3A_1876, %mul3A_1886 : vector<16xf32>
        %mul3A_1888 = arith.mulf %gather3A_1881, %gather3A_1881 : vector<16xf32>
        %add3A_1889 = arith.addf %add3A_1878, %mul3A_1888 : vector<16xf32>
        %broadcast_in_dim3A_1890 = arith.constant 7 : i32
        %broadcast_in_dim3A_1891 = vector.broadcast %broadcast_in_dim3A_1890 : i32 to vector<16xi32>
        %gather3A_1892 = tpu.vector_load_idx %arg8[%broadcast_in_dim3A_1793, %min3A_1809, %broadcast_in_dim3A_1891] : memref<2x125x128xf32, #tpu.memory_space<vmem>>[vector<16xi32>, vector<16xi32>, vector<16xi32>], vector<16xf32>,
        %get3A_1893 = arith.constant 7 : i32
        %get3A_1894 = arith.index_cast %get3A_1893 : i32 to index
        %get3A_1895 = memref.load %arg7[%get3A_1894] : memref<128xf32, #tpu.memory_space<smem>>
        %mul3A_1896 = vector.broadcast %get3A_1895 : f32 to vector<16xf32>
        %mul3A_1897 = arith.mulf %gather3A_1892, %mul3A_1896 : vector<16xf32>
        %add3A_1898 = arith.addf %add3A_1887, %mul3A_1897 : vector<16xf32>
        %mul3A_1899 = arith.mulf %gather3A_1892, %gather3A_1892 : vector<16xf32>
        %add3A_1900 = arith.addf %add3A_1889, %mul3A_1899 : vector<16xf32>
        %broadcast_in_dim3A_1901 = arith.constant 8 : i32
        %broadcast_in_dim3A_1902 = vector.broadcast %broadcast_in_dim3A_1901 : i32 to vector<16xi32>
        %gather3A_1903 = tpu.vector_load_idx %arg8[%broadcast_in_dim3A_1793, %min3A_1809, %broadcast_in_dim3A_1902] : memref<2x125x128xf32, #tpu.memory_space<vmem>>[vector<16xi32>, vector<16xi32>, vector<16xi32>], vector<16xf32>,
        %get3A_1904 = arith.constant 8 : i32
        %get3A_1905 = arith.index_cast %get3A_1904 : i32 to index
        %get3A_1906 = memref.load %arg7[%get3A_1905] : memref<128xf32, #tpu.memory_space<smem>>
        %mul3A_1907 = vector.broadcast %get3A_1906 : f32 to vector<16xf32>
        %mul3A_1908 = arith.mulf %gather3A_1903, %mul3A_1907 : vector<16xf32>
        %add3A_1909 = arith.addf %add3A_1898, %mul3A_1908 : vector<16xf32>
        %mul3A_1910 = arith.mulf %gather3A_1903, %gather3A_1903 : vector<16xf32>
        %add3A_1911 = arith.addf %add3A_1900, %mul3A_1910 : vector<16xf32>
        %broadcast_in_dim3A_1912 = arith.constant 9 : i32
        %broadcast_in_dim3A_1913 = vector.broadcast %broadcast_in_dim3A_1912 : i32 to vector<16xi32>
        %gather3A_1914 = tpu.vector_load_idx %arg8[%broadcast_in_dim3A_1793, %min3A_1809, %broadcast_in_dim3A_1913] : memref<2x125x128xf32, #tpu.memory_space<vmem>>[vector<16xi32>, vector<16xi32>, vector<16xi32>], vector<16xf32>,
        %get3A_1915 = arith.constant 9 : i32
        %get3A_1916 = arith.index_cast %get3A_1915 : i32 to index
        %get3A_1917 = memref.load %arg7[%get3A_1916] : memref<128xf32, #tpu.memory_space<smem>>
        %mul3A_1918 = vector.broadcast %get3A_1917 : f32 to vector<16xf32>
        %mul3A_1919 = arith.mulf %gather3A_1914, %mul3A_1918 : vector<16xf32>
        %add3A_1920 = arith.addf %add3A_1909, %mul3A_1919 : vector<16xf32>
        %mul3A_1921 = arith.mulf %gather3A_1914, %gather3A_1914 : vector<16xf32>
        %add3A_1922 = arith.addf %add3A_1911, %mul3A_1921 : vector<16xf32>
        %broadcast_in_dim3A_1923 = arith.constant 10 : i32
        %broadcast_in_dim3A_1924 = vector.broadcast %broadcast_in_dim3A_1923 : i32 to vector<16xi32>
        %gather3A_1925 = tpu.vector_load_idx %arg8[%broadcast_in_dim3A_1793, %min3A_1809, %broadcast_in_dim3A_1924] : memref<2x125x128xf32, #tpu.memory_space<vmem>>[vector<16xi32>, vector<16xi32>, vector<16xi32>], vector<16xf32>,
        %get3A_1926 = arith.constant 10 : i32
        %get3A_1927 = arith.index_cast %get3A_1926 : i32 to index
        %get3A_1928 = memref.load %arg7[%get3A_1927] : memref<128xf32, #tpu.memory_space<smem>>
        %mul3A_1929 = vector.broadcast %get3A_1928 : f32 to vector<16xf32>
        %mul3A_1930 = arith.mulf %gather3A_1925, %mul3A_1929 : vector<16xf32>
        %add3A_1931 = arith.addf %add3A_1920, %mul3A_1930 : vector<16xf32>
        %mul3A_1932 = arith.mulf %gather3A_1925, %gather3A_1925 : vector<16xf32>
        %add3A_1933 = arith.addf %add3A_1922, %mul3A_1932 : vector<16xf32>
        %broadcast_in_dim3A_1934 = arith.constant 11 : i32
        %broadcast_in_dim3A_1935 = vector.broadcast %broadcast_in_dim3A_1934 : i32 to vector<16xi32>
        %gather3A_1936 = tpu.vector_load_idx %arg8[%broadcast_in_dim3A_1793, %min3A_1809, %broadcast_in_dim3A_1935] : memref<2x125x128xf32, #tpu.memory_space<vmem>>[vector<16xi32>, vector<16xi32>, vector<16xi32>], vector<16xf32>,
        %get3A_1937 = arith.constant 11 : i32
        %get3A_1938 = arith.index_cast %get3A_1937 : i32 to index
        %get3A_1939 = memref.load %arg7[%get3A_1938] : memref<128xf32, #tpu.memory_space<smem>>
        %mul3A_1940 = vector.broadcast %get3A_1939 : f32 to vector<16xf32>
        %mul3A_1941 = arith.mulf %gather3A_1936, %mul3A_1940 : vector<16xf32>
        %add3A_1942 = arith.addf %add3A_1931, %mul3A_1941 : vector<16xf32>
        %mul3A_1943 = arith.mulf %gather3A_1936, %gather3A_1936 : vector<16xf32>
        %add3A_1944 = arith.addf %add3A_1933, %mul3A_1943 : vector<16xf32>
        %broadcast_in_dim3A_1945 = arith.constant 12 : i32
        %broadcast_in_dim3A_1946 = vector.broadcast %broadcast_in_dim3A_1945 : i32 to vector<16xi32>
        %gather3A_1947 = tpu.vector_load_idx %arg8[%broadcast_in_dim3A_1793, %min3A_1809, %broadcast_in_dim3A_1946] : memref<2x125x128xf32, #tpu.memory_space<vmem>>[vector<16xi32>, vector<16xi32>, vector<16xi32>], vector<16xf32>,
        %get3A_1948 = arith.constant 12 : i32
        %get3A_1949 = arith.index_cast %get3A_1948 : i32 to index
        %get3A_1950 = memref.load %arg7[%get3A_1949] : memref<128xf32, #tpu.memory_space<smem>>
        %mul3A_1951 = vector.broadcast %get3A_1950 : f32 to vector<16xf32>
        %mul3A_1952 = arith.mulf %gather3A_1947, %mul3A_1951 : vector<16xf32>
        %add3A_1953 = arith.addf %add3A_1942, %mul3A_1952 : vector<16xf32>
        %mul3A_1954 = arith.mulf %gather3A_1947, %gather3A_1947 : vector<16xf32>
        %add3A_1955 = arith.addf %add3A_1944, %mul3A_1954 : vector<16xf32>
        %broadcast_in_dim3A_1956 = arith.constant 13 : i32
        %broadcast_in_dim3A_1957 = vector.broadcast %broadcast_in_dim3A_1956 : i32 to vector<16xi32>
        %gather3A_1958 = tpu.vector_load_idx %arg8[%broadcast_in_dim3A_1793, %min3A_1809, %broadcast_in_dim3A_1957] : memref<2x125x128xf32, #tpu.memory_space<vmem>>[vector<16xi32>, vector<16xi32>, vector<16xi32>], vector<16xf32>,
        %get3A_1959 = arith.constant 13 : i32
        %get3A_1960 = arith.index_cast %get3A_1959 : i32 to index
        %get3A_1961 = memref.load %arg7[%get3A_1960] : memref<128xf32, #tpu.memory_space<smem>>
        %mul3A_1962 = vector.broadcast %get3A_1961 : f32 to vector<16xf32>
        %mul3A_1963 = arith.mulf %gather3A_1958, %mul3A_1962 : vector<16xf32>
        %add3A_1964 = arith.addf %add3A_1953, %mul3A_1963 : vector<16xf32>
        %mul3A_1965 = arith.mulf %gather3A_1958, %gather3A_1958 : vector<16xf32>
        %add3A_1966 = arith.addf %add3A_1955, %mul3A_1965 : vector<16xf32>
        %broadcast_in_dim3A_1967 = arith.constant 14 : i32
        %broadcast_in_dim3A_1968 = vector.broadcast %broadcast_in_dim3A_1967 : i32 to vector<16xi32>
        %gather3A_1969 = tpu.vector_load_idx %arg8[%broadcast_in_dim3A_1793, %min3A_1809, %broadcast_in_dim3A_1968] : memref<2x125x128xf32, #tpu.memory_space<vmem>>[vector<16xi32>, vector<16xi32>, vector<16xi32>], vector<16xf32>,
        %get3A_1970 = arith.constant 14 : i32
        %get3A_1971 = arith.index_cast %get3A_1970 : i32 to index
        %get3A_1972 = memref.load %arg7[%get3A_1971] : memref<128xf32, #tpu.memory_space<smem>>
        %mul3A_1973 = vector.broadcast %get3A_1972 : f32 to vector<16xf32>
        %mul3A_1974 = arith.mulf %gather3A_1969, %mul3A_1973 : vector<16xf32>
        %add3A_1975 = arith.addf %add3A_1964, %mul3A_1974 : vector<16xf32>
        %mul3A_1976 = arith.mulf %gather3A_1969, %gather3A_1969 : vector<16xf32>
        %add3A_1977 = arith.addf %add3A_1966, %mul3A_1976 : vector<16xf32>
        %broadcast_in_dim3A_1978 = arith.constant 15 : i32
        %broadcast_in_dim3A_1979 = vector.broadcast %broadcast_in_dim3A_1978 : i32 to vector<16xi32>
        %gather3A_1980 = tpu.vector_load_idx %arg8[%broadcast_in_dim3A_1793, %min3A_1809, %broadcast_in_dim3A_1979] : memref<2x125x128xf32, #tpu.memory_space<vmem>>[vector<16xi32>, vector<16xi32>, vector<16xi32>], vector<16xf32>,
        %get3A_1981 = arith.constant 15 : i32
        %get3A_1982 = arith.index_cast %get3A_1981 : i32 to index
        %get3A_1983 = memref.load %arg7[%get3A_1982] : memref<128xf32, #tpu.memory_space<smem>>
        %mul3A_1984 = vector.broadcast %get3A_1983 : f32 to vector<16xf32>
        %mul3A_1985 = arith.mulf %gather3A_1980, %mul3A_1984 : vector<16xf32>
        %add3A_1986 = arith.addf %add3A_1975, %mul3A_1985 : vector<16xf32>
        %mul3A_1987 = arith.mulf %gather3A_1980, %gather3A_1980 : vector<16xf32>
        %add3A_1988 = arith.addf %add3A_1977, %mul3A_1987 : vector<16xf32>
        %broadcast_in_dim3A_1989 = arith.constant 16 : i32
        %broadcast_in_dim3A_1990 = vector.broadcast %broadcast_in_dim3A_1989 : i32 to vector<16xi32>
        %gather3A_1991 = tpu.vector_load_idx %arg8[%broadcast_in_dim3A_1793, %min3A_1809, %broadcast_in_dim3A_1990] : memref<2x125x128xf32, #tpu.memory_space<vmem>>[vector<16xi32>, vector<16xi32>, vector<16xi32>], vector<16xf32>,
        %get3A_1992 = arith.constant 16 : i32
        %get3A_1993 = arith.index_cast %get3A_1992 : i32 to index
        %get3A_1994 = memref.load %arg7[%get3A_1993] : memref<128xf32, #tpu.memory_space<smem>>
        %mul3A_1995 = vector.broadcast %get3A_1994 : f32 to vector<16xf32>
        %mul3A_1996 = arith.mulf %gather3A_1991, %mul3A_1995 : vector<16xf32>
        %add3A_1997 = arith.addf %add3A_1986, %mul3A_1996 : vector<16xf32>
        %mul3A_1998 = arith.mulf %gather3A_1991, %gather3A_1991 : vector<16xf32>
        %add3A_1999 = arith.addf %add3A_1988, %mul3A_1998 : vector<16xf32>
        %broadcast_in_dim3A_2000 = arith.constant 17 : i32
        %broadcast_in_dim3A_2001 = vector.broadcast %broadcast_in_dim3A_2000 : i32 to vector<16xi32>
        %gather3A_2002 = tpu.vector_load_idx %arg8[%broadcast_in_dim3A_1793, %min3A_1809, %broadcast_in_dim3A_2001] : memref<2x125x128xf32, #tpu.memory_space<vmem>>[vector<16xi32>, vector<16xi32>, vector<16xi32>], vector<16xf32>,
        %get3A_2003 = arith.constant 17 : i32
        %get3A_2004 = arith.index_cast %get3A_2003 : i32 to index
        %get3A_2005 = memref.load %arg7[%get3A_2004] : memref<128xf32, #tpu.memory_space<smem>>
        %mul3A_2006 = vector.broadcast %get3A_2005 : f32 to vector<16xf32>
        %mul3A_2007 = arith.mulf %gather3A_2002, %mul3A_2006 : vector<16xf32>
        %add3A_2008 = arith.addf %add3A_1997, %mul3A_2007 : vector<16xf32>
        %mul3A_2009 = arith.mulf %gather3A_2002, %gather3A_2002 : vector<16xf32>
        %add3A_2010 = arith.addf %add3A_1999, %mul3A_2009 : vector<16xf32>
        %broadcast_in_dim3A_2011 = arith.constant 18 : i32
        %broadcast_in_dim3A_2012 = vector.broadcast %broadcast_in_dim3A_2011 : i32 to vector<16xi32>
        %gather3A_2013 = tpu.vector_load_idx %arg8[%broadcast_in_dim3A_1793, %min3A_1809, %broadcast_in_dim3A_2012] : memref<2x125x128xf32, #tpu.memory_space<vmem>>[vector<16xi32>, vector<16xi32>, vector<16xi32>], vector<16xf32>,
        %get3A_2014 = arith.constant 18 : i32
        %get3A_2015 = arith.index_cast %get3A_2014 : i32 to index
        %get3A_2016 = memref.load %arg7[%get3A_2015] : memref<128xf32, #tpu.memory_space<smem>>
        %mul3A_2017 = vector.broadcast %get3A_2016 : f32 to vector<16xf32>
        %mul3A_2018 = arith.mulf %gather3A_2013, %mul3A_2017 : vector<16xf32>
        %add3A_2019 = arith.addf %add3A_2008, %mul3A_2018 : vector<16xf32>
        %mul3A_2020 = arith.mulf %gather3A_2013, %gather3A_2013 : vector<16xf32>
        %add3A_2021 = arith.addf %add3A_2010, %mul3A_2020 : vector<16xf32>
        %broadcast_in_dim3A_2022 = arith.constant 19 : i32
        %broadcast_in_dim3A_2023 = vector.broadcast %broadcast_in_dim3A_2022 : i32 to vector<16xi32>
        %gather3A_2024 = tpu.vector_load_idx %arg8[%broadcast_in_dim3A_1793, %min3A_1809, %broadcast_in_dim3A_2023] : memref<2x125x128xf32, #tpu.memory_space<vmem>>[vector<16xi32>, vector<16xi32>, vector<16xi32>], vector<16xf32>,
        %get3A_2025 = arith.constant 19 : i32
        %get3A_2026 = arith.index_cast %get3A_2025 : i32 to index
        %get3A_2027 = memref.load %arg7[%get3A_2026] : memref<128xf32, #tpu.memory_space<smem>>
        %mul3A_2028 = vector.broadcast %get3A_2027 : f32 to vector<16xf32>
        %mul3A_2029 = arith.mulf %gather3A_2024, %mul3A_2028 : vector<16xf32>
        %add3A_2030 = arith.addf %add3A_2019, %mul3A_2029 : vector<16xf32>
        %mul3A_2031 = arith.mulf %gather3A_2024, %gather3A_2024 : vector<16xf32>
        %add3A_2032 = arith.addf %add3A_2021, %mul3A_2031 : vector<16xf32>
        %broadcast_in_dim3A_2033 = arith.constant 20 : i32
        %broadcast_in_dim3A_2034 = vector.broadcast %broadcast_in_dim3A_2033 : i32 to vector<16xi32>
        %gather3A_2035 = tpu.vector_load_idx %arg8[%broadcast_in_dim3A_1793, %min3A_1809, %broadcast_in_dim3A_2034] : memref<2x125x128xf32, #tpu.memory_space<vmem>>[vector<16xi32>, vector<16xi32>, vector<16xi32>], vector<16xf32>,
        %get3A_2036 = arith.constant 20 : i32
        %get3A_2037 = arith.index_cast %get3A_2036 : i32 to index
        %get3A_2038 = memref.load %arg7[%get3A_2037] : memref<128xf32, #tpu.memory_space<smem>>
        %mul3A_2039 = vector.broadcast %get3A_2038 : f32 to vector<16xf32>
        %mul3A_2040 = arith.mulf %gather3A_2035, %mul3A_2039 : vector<16xf32>
        %add3A_2041 = arith.addf %add3A_2030, %mul3A_2040 : vector<16xf32>
        %mul3A_2042 = arith.mulf %gather3A_2035, %gather3A_2035 : vector<16xf32>
        %add3A_2043 = arith.addf %add3A_2032, %mul3A_2042 : vector<16xf32>
        %broadcast_in_dim3A_2044 = arith.constant 21 : i32
        %broadcast_in_dim3A_2045 = vector.broadcast %broadcast_in_dim3A_2044 : i32 to vector<16xi32>
        %gather3A_2046 = tpu.vector_load_idx %arg8[%broadcast_in_dim3A_1793, %min3A_1809, %broadcast_in_dim3A_2045] : memref<2x125x128xf32, #tpu.memory_space<vmem>>[vector<16xi32>, vector<16xi32>, vector<16xi32>], vector<16xf32>,
        %get3A_2047 = arith.constant 21 : i32
        %get3A_2048 = arith.index_cast %get3A_2047 : i32 to index
        %get3A_2049 = memref.load %arg7[%get3A_2048] : memref<128xf32, #tpu.memory_space<smem>>
        %mul3A_2050 = vector.broadcast %get3A_2049 : f32 to vector<16xf32>
        %mul3A_2051 = arith.mulf %gather3A_2046, %mul3A_2050 : vector<16xf32>
        %add3A_2052 = arith.addf %add3A_2041, %mul3A_2051 : vector<16xf32>
        %mul3A_2053 = arith.mulf %gather3A_2046, %gather3A_2046 : vector<16xf32>
        %add3A_2054 = arith.addf %add3A_2043, %mul3A_2053 : vector<16xf32>
        %broadcast_in_dim3A_2055 = arith.constant 22 : i32
        %broadcast_in_dim3A_2056 = vector.broadcast %broadcast_in_dim3A_2055 : i32 to vector<16xi32>
        %gather3A_2057 = tpu.vector_load_idx %arg8[%broadcast_in_dim3A_1793, %min3A_1809, %broadcast_in_dim3A_2056] : memref<2x125x128xf32, #tpu.memory_space<vmem>>[vector<16xi32>, vector<16xi32>, vector<16xi32>], vector<16xf32>,
        %get3A_2058 = arith.constant 22 : i32
        %get3A_2059 = arith.index_cast %get3A_2058 : i32 to index
        %get3A_2060 = memref.load %arg7[%get3A_2059] : memref<128xf32, #tpu.memory_space<smem>>
        %mul3A_2061 = vector.broadcast %get3A_2060 : f32 to vector<16xf32>
        %mul3A_2062 = arith.mulf %gather3A_2057, %mul3A_2061 : vector<16xf32>
        %add3A_2063 = arith.addf %add3A_2052, %mul3A_2062 : vector<16xf32>
        %mul3A_2064 = arith.mulf %gather3A_2057, %gather3A_2057 : vector<16xf32>
        %add3A_2065 = arith.addf %add3A_2054, %mul3A_2064 : vector<16xf32>
        %broadcast_in_dim3A_2066 = arith.constant 23 : i32
        %broadcast_in_dim3A_2067 = vector.broadcast %broadcast_in_dim3A_2066 : i32 to vector<16xi32>
        %gather3A_2068 = tpu.vector_load_idx %arg8[%broadcast_in_dim3A_1793, %min3A_1809, %broadcast_in_dim3A_2067] : memref<2x125x128xf32, #tpu.memory_space<vmem>>[vector<16xi32>, vector<16xi32>, vector<16xi32>], vector<16xf32>,
        %get3A_2069 = arith.constant 23 : i32
        %get3A_2070 = arith.index_cast %get3A_2069 : i32 to index
        %get3A_2071 = memref.load %arg7[%get3A_2070] : memref<128xf32, #tpu.memory_space<smem>>
        %mul3A_2072 = vector.broadcast %get3A_2071 : f32 to vector<16xf32>
        %mul3A_2073 = arith.mulf %gather3A_2068, %mul3A_2072 : vector<16xf32>
        %add3A_2074 = arith.addf %add3A_2063, %mul3A_2073 : vector<16xf32>
        %mul3A_2075 = arith.mulf %gather3A_2068, %gather3A_2068 : vector<16xf32>
        %add3A_2076 = arith.addf %add3A_2065, %mul3A_2075 : vector<16xf32>
        %broadcast_in_dim3A_2077 = arith.constant 24 : i32
        %broadcast_in_dim3A_2078 = vector.broadcast %broadcast_in_dim3A_2077 : i32 to vector<16xi32>
        %gather3A_2079 = tpu.vector_load_idx %arg8[%broadcast_in_dim3A_1793, %min3A_1809, %broadcast_in_dim3A_2078] : memref<2x125x128xf32, #tpu.memory_space<vmem>>[vector<16xi32>, vector<16xi32>, vector<16xi32>], vector<16xf32>,
        %get3A_2080 = arith.constant 24 : i32
        %get3A_2081 = arith.index_cast %get3A_2080 : i32 to index
        %get3A_2082 = memref.load %arg7[%get3A_2081] : memref<128xf32, #tpu.memory_space<smem>>
        %mul3A_2083 = vector.broadcast %get3A_2082 : f32 to vector<16xf32>
        %mul3A_2084 = arith.mulf %gather3A_2079, %mul3A_2083 : vector<16xf32>
        %add3A_2085 = arith.addf %add3A_2074, %mul3A_2084 : vector<16xf32>
        %mul3A_2086 = arith.mulf %gather3A_2079, %gather3A_2079 : vector<16xf32>
        %add3A_2087 = arith.addf %add3A_2076, %mul3A_2086 : vector<16xf32>
        %broadcast_in_dim3A_2088 = arith.constant 25 : i32
        %broadcast_in_dim3A_2089 = vector.broadcast %broadcast_in_dim3A_2088 : i32 to vector<16xi32>
        %gather3A_2090 = tpu.vector_load_idx %arg8[%broadcast_in_dim3A_1793, %min3A_1809, %broadcast_in_dim3A_2089] : memref<2x125x128xf32, #tpu.memory_space<vmem>>[vector<16xi32>, vector<16xi32>, vector<16xi32>], vector<16xf32>,
        %get3A_2091 = arith.constant 25 : i32
        %get3A_2092 = arith.index_cast %get3A_2091 : i32 to index
        %get3A_2093 = memref.load %arg7[%get3A_2092] : memref<128xf32, #tpu.memory_space<smem>>
        %mul3A_2094 = vector.broadcast %get3A_2093 : f32 to vector<16xf32>
        %mul3A_2095 = arith.mulf %gather3A_2090, %mul3A_2094 : vector<16xf32>
        %add3A_2096 = arith.addf %add3A_2085, %mul3A_2095 : vector<16xf32>
        %mul3A_2097 = arith.mulf %gather3A_2090, %gather3A_2090 : vector<16xf32>
        %add3A_2098 = arith.addf %add3A_2087, %mul3A_2097 : vector<16xf32>
        %broadcast_in_dim3A_2099 = arith.constant 26 : i32
        %broadcast_in_dim3A_2100 = vector.broadcast %broadcast_in_dim3A_2099 : i32 to vector<16xi32>
        %gather3A_2101 = tpu.vector_load_idx %arg8[%broadcast_in_dim3A_1793, %min3A_1809, %broadcast_in_dim3A_2100] : memref<2x125x128xf32, #tpu.memory_space<vmem>>[vector<16xi32>, vector<16xi32>, vector<16xi32>], vector<16xf32>,
        %get3A_2102 = arith.constant 26 : i32
        %get3A_2103 = arith.index_cast %get3A_2102 : i32 to index
        %get3A_2104 = memref.load %arg7[%get3A_2103] : memref<128xf32, #tpu.memory_space<smem>>
        %mul3A_2105 = vector.broadcast %get3A_2104 : f32 to vector<16xf32>
        %mul3A_2106 = arith.mulf %gather3A_2101, %mul3A_2105 : vector<16xf32>
        %add3A_2107 = arith.addf %add3A_2096, %mul3A_2106 : vector<16xf32>
        %mul3A_2108 = arith.mulf %gather3A_2101, %gather3A_2101 : vector<16xf32>
        %add3A_2109 = arith.addf %add3A_2098, %mul3A_2108 : vector<16xf32>
        %broadcast_in_dim3A_2110 = arith.constant 27 : i32
        %broadcast_in_dim3A_2111 = vector.broadcast %broadcast_in_dim3A_2110 : i32 to vector<16xi32>
        %gather3A_2112 = tpu.vector_load_idx %arg8[%broadcast_in_dim3A_1793, %min3A_1809, %broadcast_in_dim3A_2111] : memref<2x125x128xf32, #tpu.memory_space<vmem>>[vector<16xi32>, vector<16xi32>, vector<16xi32>], vector<16xf32>,
        %get3A_2113 = arith.constant 27 : i32
        %get3A_2114 = arith.index_cast %get3A_2113 : i32 to index
        %get3A_2115 = memref.load %arg7[%get3A_2114] : memref<128xf32, #tpu.memory_space<smem>>
        %mul3A_2116 = vector.broadcast %get3A_2115 : f32 to vector<16xf32>
        %mul3A_2117 = arith.mulf %gather3A_2112, %mul3A_2116 : vector<16xf32>
        %add3A_2118 = arith.addf %add3A_2107, %mul3A_2117 : vector<16xf32>
        %mul3A_2119 = arith.mulf %gather3A_2112, %gather3A_2112 : vector<16xf32>
        %add3A_2120 = arith.addf %add3A_2109, %mul3A_2119 : vector<16xf32>
        %broadcast_in_dim3A_2121 = arith.constant 28 : i32
        %broadcast_in_dim3A_2122 = vector.broadcast %broadcast_in_dim3A_2121 : i32 to vector<16xi32>
        %gather3A_2123 = tpu.vector_load_idx %arg8[%broadcast_in_dim3A_1793, %min3A_1809, %broadcast_in_dim3A_2122] : memref<2x125x128xf32, #tpu.memory_space<vmem>>[vector<16xi32>, vector<16xi32>, vector<16xi32>], vector<16xf32>,
        %get3A_2124 = arith.constant 28 : i32
        %get3A_2125 = arith.index_cast %get3A_2124 : i32 to index
        %get3A_2126 = memref.load %arg7[%get3A_2125] : memref<128xf32, #tpu.memory_space<smem>>
        %mul3A_2127 = vector.broadcast %get3A_2126 : f32 to vector<16xf32>
        %mul3A_2128 = arith.mulf %gather3A_2123, %mul3A_2127 : vector<16xf32>
        %add3A_2129 = arith.addf %add3A_2118, %mul3A_2128 : vector<16xf32>
        %mul3A_2130 = arith.mulf %gather3A_2123, %gather3A_2123 : vector<16xf32>
        %add3A_2131 = arith.addf %add3A_2120, %mul3A_2130 : vector<16xf32>
        %broadcast_in_dim3A_2132 = arith.constant 29 : i32
        %broadcast_in_dim3A_2133 = vector.broadcast %broadcast_in_dim3A_2132 : i32 to vector<16xi32>
        %gather3A_2134 = tpu.vector_load_idx %arg8[%broadcast_in_dim3A_1793, %min3A_1809, %broadcast_in_dim3A_2133] : memref<2x125x128xf32, #tpu.memory_space<vmem>>[vector<16xi32>, vector<16xi32>, vector<16xi32>], vector<16xf32>,
        %get3A_2135 = arith.constant 29 : i32
        %get3A_2136 = arith.index_cast %get3A_2135 : i32 to index
        %get3A_2137 = memref.load %arg7[%get3A_2136] : memref<128xf32, #tpu.memory_space<smem>>
        %mul3A_2138 = vector.broadcast %get3A_2137 : f32 to vector<16xf32>
        %mul3A_2139 = arith.mulf %gather3A_2134, %mul3A_2138 : vector<16xf32>
        %add3A_2140 = arith.addf %add3A_2129, %mul3A_2139 : vector<16xf32>
        %mul3A_2141 = arith.mulf %gather3A_2134, %gather3A_2134 : vector<16xf32>
        %add3A_2142 = arith.addf %add3A_2131, %mul3A_2141 : vector<16xf32>
        %broadcast_in_dim3A_2143 = arith.constant 30 : i32
        %broadcast_in_dim3A_2144 = vector.broadcast %broadcast_in_dim3A_2143 : i32 to vector<16xi32>
        %gather3A_2145 = tpu.vector_load_idx %arg8[%broadcast_in_dim3A_1793, %min3A_1809, %broadcast_in_dim3A_2144] : memref<2x125x128xf32, #tpu.memory_space<vmem>>[vector<16xi32>, vector<16xi32>, vector<16xi32>], vector<16xf32>,
        %get3A_2146 = arith.constant 30 : i32
        %get3A_2147 = arith.index_cast %get3A_2146 : i32 to index
        %get3A_2148 = memref.load %arg7[%get3A_2147] : memref<128xf32, #tpu.memory_space<smem>>
        %mul3A_2149 = vector.broadcast %get3A_2148 : f32 to vector<16xf32>
        %mul3A_2150 = arith.mulf %gather3A_2145, %mul3A_2149 : vector<16xf32>
        %add3A_2151 = arith.addf %add3A_2140, %mul3A_2150 : vector<16xf32>
        %mul3A_2152 = arith.mulf %gather3A_2145, %gather3A_2145 : vector<16xf32>
        %add3A_2153 = arith.addf %add3A_2142, %mul3A_2152 : vector<16xf32>
        %broadcast_in_dim3A_2154 = arith.constant 31 : i32
        %broadcast_in_dim3A_2155 = vector.broadcast %broadcast_in_dim3A_2154 : i32 to vector<16xi32>
        %gather3A_2156 = tpu.vector_load_idx %arg8[%broadcast_in_dim3A_1793, %min3A_1809, %broadcast_in_dim3A_2155] : memref<2x125x128xf32, #tpu.memory_space<vmem>>[vector<16xi32>, vector<16xi32>, vector<16xi32>], vector<16xf32>,
        %get3A_2157 = arith.constant 31 : i32
        %get3A_2158 = arith.index_cast %get3A_2157 : i32 to index
        %get3A_2159 = memref.load %arg7[%get3A_2158] : memref<128xf32, #tpu.memory_space<smem>>
        %mul3A_2160 = vector.broadcast %get3A_2159 : f32 to vector<16xf32>
        %mul3A_2161 = arith.mulf %gather3A_2156, %mul3A_2160 : vector<16xf32>
        %add3A_2162 = arith.addf %add3A_2151, %mul3A_2161 : vector<16xf32>
        %mul3A_2163 = arith.mulf %gather3A_2156, %gather3A_2156 : vector<16xf32>
        %add3A_2164 = arith.addf %add3A_2153, %mul3A_2163 : vector<16xf32>
        %broadcast_in_dim3A_2165 = arith.constant 32 : i32
        %broadcast_in_dim3A_2166 = vector.broadcast %broadcast_in_dim3A_2165 : i32 to vector<16xi32>
        %gather3A_2167 = tpu.vector_load_idx %arg8[%broadcast_in_dim3A_1793, %min3A_1809, %broadcast_in_dim3A_2166] : memref<2x125x128xf32, #tpu.memory_space<vmem>>[vector<16xi32>, vector<16xi32>, vector<16xi32>], vector<16xf32>,
        %get3A_2168 = arith.constant 32 : i32
        %get3A_2169 = arith.index_cast %get3A_2168 : i32 to index
        %get3A_2170 = memref.load %arg7[%get3A_2169] : memref<128xf32, #tpu.memory_space<smem>>
        %mul3A_2171 = vector.broadcast %get3A_2170 : f32 to vector<16xf32>
        %mul3A_2172 = arith.mulf %gather3A_2167, %mul3A_2171 : vector<16xf32>
        %add3A_2173 = arith.addf %add3A_2162, %mul3A_2172 : vector<16xf32>
        %mul3A_2174 = arith.mulf %gather3A_2167, %gather3A_2167 : vector<16xf32>
        %add3A_2175 = arith.addf %add3A_2164, %mul3A_2174 : vector<16xf32>
        %broadcast_in_dim3A_2176 = arith.constant 33 : i32
        %broadcast_in_dim3A_2177 = vector.broadcast %broadcast_in_dim3A_2176 : i32 to vector<16xi32>
        %gather3A_2178 = tpu.vector_load_idx %arg8[%broadcast_in_dim3A_1793, %min3A_1809, %broadcast_in_dim3A_2177] : memref<2x125x128xf32, #tpu.memory_space<vmem>>[vector<16xi32>, vector<16xi32>, vector<16xi32>], vector<16xf32>,
        %get3A_2179 = arith.constant 33 : i32
        %get3A_2180 = arith.index_cast %get3A_2179 : i32 to index
        %get3A_2181 = memref.load %arg7[%get3A_2180] : memref<128xf32, #tpu.memory_space<smem>>
        %mul3A_2182 = vector.broadcast %get3A_2181 : f32 to vector<16xf32>
        %mul3A_2183 = arith.mulf %gather3A_2178, %mul3A_2182 : vector<16xf32>
        %add3A_2184 = arith.addf %add3A_2173, %mul3A_2183 : vector<16xf32>
        %mul3A_2185 = arith.mulf %gather3A_2178, %gather3A_2178 : vector<16xf32>
        %add3A_2186 = arith.addf %add3A_2175, %mul3A_2185 : vector<16xf32>
        %broadcast_in_dim3A_2187 = arith.constant 34 : i32
        %broadcast_in_dim3A_2188 = vector.broadcast %broadcast_in_dim3A_2187 : i32 to vector<16xi32>
        %gather3A_2189 = tpu.vector_load_idx %arg8[%broadcast_in_dim3A_1793, %min3A_1809, %broadcast_in_dim3A_2188] : memref<2x125x128xf32, #tpu.memory_space<vmem>>[vector<16xi32>, vector<16xi32>, vector<16xi32>], vector<16xf32>,
        %get3A_2190 = arith.constant 34 : i32
        %get3A_2191 = arith.index_cast %get3A_2190 : i32 to index
        %get3A_2192 = memref.load %arg7[%get3A_2191] : memref<128xf32, #tpu.memory_space<smem>>
        %mul3A_2193 = vector.broadcast %get3A_2192 : f32 to vector<16xf32>
        %mul3A_2194 = arith.mulf %gather3A_2189, %mul3A_2193 : vector<16xf32>
        %add3A_2195 = arith.addf %add3A_2184, %mul3A_2194 : vector<16xf32>
        %mul3A_2196 = arith.mulf %gather3A_2189, %gather3A_2189 : vector<16xf32>
        %add3A_2197 = arith.addf %add3A_2186, %mul3A_2196 : vector<16xf32>
        %broadcast_in_dim3A_2198 = arith.constant 35 : i32
        %broadcast_in_dim3A_2199 = vector.broadcast %broadcast_in_dim3A_2198 : i32 to vector<16xi32>
        %gather3A_2200 = tpu.vector_load_idx %arg8[%broadcast_in_dim3A_1793, %min3A_1809, %broadcast_in_dim3A_2199] : memref<2x125x128xf32, #tpu.memory_space<vmem>>[vector<16xi32>, vector<16xi32>, vector<16xi32>], vector<16xf32>,
        %get3A_2201 = arith.constant 35 : i32
        %get3A_2202 = arith.index_cast %get3A_2201 : i32 to index
        %get3A_2203 = memref.load %arg7[%get3A_2202] : memref<128xf32, #tpu.memory_space<smem>>
        %mul3A_2204 = vector.broadcast %get3A_2203 : f32 to vector<16xf32>
        %mul3A_2205 = arith.mulf %gather3A_2200, %mul3A_2204 : vector<16xf32>
        %add3A_2206 = arith.addf %add3A_2195, %mul3A_2205 : vector<16xf32>
        %mul3A_2207 = arith.mulf %gather3A_2200, %gather3A_2200 : vector<16xf32>
        %add3A_2208 = arith.addf %add3A_2197, %mul3A_2207 : vector<16xf32>
        %broadcast_in_dim3A_2209 = arith.constant 36 : i32
        %broadcast_in_dim3A_2210 = vector.broadcast %broadcast_in_dim3A_2209 : i32 to vector<16xi32>
        %gather3A_2211 = tpu.vector_load_idx %arg8[%broadcast_in_dim3A_1793, %min3A_1809, %broadcast_in_dim3A_2210] : memref<2x125x128xf32, #tpu.memory_space<vmem>>[vector<16xi32>, vector<16xi32>, vector<16xi32>], vector<16xf32>,
        %get3A_2212 = arith.constant 36 : i32
        %get3A_2213 = arith.index_cast %get3A_2212 : i32 to index
        %get3A_2214 = memref.load %arg7[%get3A_2213] : memref<128xf32, #tpu.memory_space<smem>>
        %mul3A_2215 = vector.broadcast %get3A_2214 : f32 to vector<16xf32>
        %mul3A_2216 = arith.mulf %gather3A_2211, %mul3A_2215 : vector<16xf32>
        %add3A_2217 = arith.addf %add3A_2206, %mul3A_2216 : vector<16xf32>
        %mul3A_2218 = arith.mulf %gather3A_2211, %gather3A_2211 : vector<16xf32>
        %add3A_2219 = arith.addf %add3A_2208, %mul3A_2218 : vector<16xf32>
        %broadcast_in_dim3A_2220 = arith.constant 37 : i32
        %broadcast_in_dim3A_2221 = vector.broadcast %broadcast_in_dim3A_2220 : i32 to vector<16xi32>
        %gather3A_2222 = tpu.vector_load_idx %arg8[%broadcast_in_dim3A_1793, %min3A_1809, %broadcast_in_dim3A_2221] : memref<2x125x128xf32, #tpu.memory_space<vmem>>[vector<16xi32>, vector<16xi32>, vector<16xi32>], vector<16xf32>,
        %get3A_2223 = arith.constant 37 : i32
        %get3A_2224 = arith.index_cast %get3A_2223 : i32 to index
        %get3A_2225 = memref.load %arg7[%get3A_2224] : memref<128xf32, #tpu.memory_space<smem>>
        %mul3A_2226 = vector.broadcast %get3A_2225 : f32 to vector<16xf32>
        %mul3A_2227 = arith.mulf %gather3A_2222, %mul3A_2226 : vector<16xf32>
        %add3A_2228 = arith.addf %add3A_2217, %mul3A_2227 : vector<16xf32>
        %mul3A_2229 = arith.mulf %gather3A_2222, %gather3A_2222 : vector<16xf32>
        %add3A_2230 = arith.addf %add3A_2219, %mul3A_2229 : vector<16xf32>
        %broadcast_in_dim3A_2231 = arith.constant 38 : i32
        %broadcast_in_dim3A_2232 = vector.broadcast %broadcast_in_dim3A_2231 : i32 to vector<16xi32>
        %gather3A_2233 = tpu.vector_load_idx %arg8[%broadcast_in_dim3A_1793, %min3A_1809, %broadcast_in_dim3A_2232] : memref<2x125x128xf32, #tpu.memory_space<vmem>>[vector<16xi32>, vector<16xi32>, vector<16xi32>], vector<16xf32>,
        %get3A_2234 = arith.constant 38 : i32
        %get3A_2235 = arith.index_cast %get3A_2234 : i32 to index
        %get3A_2236 = memref.load %arg7[%get3A_2235] : memref<128xf32, #tpu.memory_space<smem>>
        %mul3A_2237 = vector.broadcast %get3A_2236 : f32 to vector<16xf32>
        %mul3A_2238 = arith.mulf %gather3A_2233, %mul3A_2237 : vector<16xf32>
        %add3A_2239 = arith.addf %add3A_2228, %mul3A_2238 : vector<16xf32>
        %mul3A_2240 = arith.mulf %gather3A_2233, %gather3A_2233 : vector<16xf32>
        %add3A_2241 = arith.addf %add3A_2230, %mul3A_2240 : vector<16xf32>
        %broadcast_in_dim3A_2242 = arith.constant 39 : i32
        %broadcast_in_dim3A_2243 = vector.broadcast %broadcast_in_dim3A_2242 : i32 to vector<16xi32>
        %gather3A_2244 = tpu.vector_load_idx %arg8[%broadcast_in_dim3A_1793, %min3A_1809, %broadcast_in_dim3A_2243] : memref<2x125x128xf32, #tpu.memory_space<vmem>>[vector<16xi32>, vector<16xi32>, vector<16xi32>], vector<16xf32>,
        %get3A_2245 = arith.constant 39 : i32
        %get3A_2246 = arith.index_cast %get3A_2245 : i32 to index
        %get3A_2247 = memref.load %arg7[%get3A_2246] : memref<128xf32, #tpu.memory_space<smem>>
        %mul3A_2248 = vector.broadcast %get3A_2247 : f32 to vector<16xf32>
        %mul3A_2249 = arith.mulf %gather3A_2244, %mul3A_2248 : vector<16xf32>
        %add3A_2250 = arith.addf %add3A_2239, %mul3A_2249 : vector<16xf32>
        %mul3A_2251 = arith.mulf %gather3A_2244, %gather3A_2244 : vector<16xf32>
        %add3A_2252 = arith.addf %add3A_2241, %mul3A_2251 : vector<16xf32>
        %broadcast_in_dim3A_2253 = arith.constant 40 : i32
        %broadcast_in_dim3A_2254 = vector.broadcast %broadcast_in_dim3A_2253 : i32 to vector<16xi32>
        %gather3A_2255 = tpu.vector_load_idx %arg8[%broadcast_in_dim3A_1793, %min3A_1809, %broadcast_in_dim3A_2254] : memref<2x125x128xf32, #tpu.memory_space<vmem>>[vector<16xi32>, vector<16xi32>, vector<16xi32>], vector<16xf32>,
        %get3A_2256 = arith.constant 40 : i32
        %get3A_2257 = arith.index_cast %get3A_2256 : i32 to index
        %get3A_2258 = memref.load %arg7[%get3A_2257] : memref<128xf32, #tpu.memory_space<smem>>
        %mul3A_2259 = vector.broadcast %get3A_2258 : f32 to vector<16xf32>
        %mul3A_2260 = arith.mulf %gather3A_2255, %mul3A_2259 : vector<16xf32>
        %add3A_2261 = arith.addf %add3A_2250, %mul3A_2260 : vector<16xf32>
        %mul3A_2262 = arith.mulf %gather3A_2255, %gather3A_2255 : vector<16xf32>
        %add3A_2263 = arith.addf %add3A_2252, %mul3A_2262 : vector<16xf32>
        %broadcast_in_dim3A_2264 = arith.constant 41 : i32
        %broadcast_in_dim3A_2265 = vector.broadcast %broadcast_in_dim3A_2264 : i32 to vector<16xi32>
        %gather3A_2266 = tpu.vector_load_idx %arg8[%broadcast_in_dim3A_1793, %min3A_1809, %broadcast_in_dim3A_2265] : memref<2x125x128xf32, #tpu.memory_space<vmem>>[vector<16xi32>, vector<16xi32>, vector<16xi32>], vector<16xf32>,
        %get3A_2267 = arith.constant 41 : i32
        %get3A_2268 = arith.index_cast %get3A_2267 : i32 to index
        %get3A_2269 = memref.load %arg7[%get3A_2268] : memref<128xf32, #tpu.memory_space<smem>>
        %mul3A_2270 = vector.broadcast %get3A_2269 : f32 to vector<16xf32>
        %mul3A_2271 = arith.mulf %gather3A_2266, %mul3A_2270 : vector<16xf32>
        %add3A_2272 = arith.addf %add3A_2261, %mul3A_2271 : vector<16xf32>
        %mul3A_2273 = arith.mulf %gather3A_2266, %gather3A_2266 : vector<16xf32>
        %add3A_2274 = arith.addf %add3A_2263, %mul3A_2273 : vector<16xf32>
        %broadcast_in_dim3A_2275 = arith.constant 42 : i32
        %broadcast_in_dim3A_2276 = vector.broadcast %broadcast_in_dim3A_2275 : i32 to vector<16xi32>
        %gather3A_2277 = tpu.vector_load_idx %arg8[%broadcast_in_dim3A_1793, %min3A_1809, %broadcast_in_dim3A_2276] : memref<2x125x128xf32, #tpu.memory_space<vmem>>[vector<16xi32>, vector<16xi32>, vector<16xi32>], vector<16xf32>,
        %get3A_2278 = arith.constant 42 : i32
        %get3A_2279 = arith.index_cast %get3A_2278 : i32 to index
        %get3A_2280 = memref.load %arg7[%get3A_2279] : memref<128xf32, #tpu.memory_space<smem>>
        %mul3A_2281 = vector.broadcast %get3A_2280 : f32 to vector<16xf32>
        %mul3A_2282 = arith.mulf %gather3A_2277, %mul3A_2281 : vector<16xf32>
        %add3A_2283 = arith.addf %add3A_2272, %mul3A_2282 : vector<16xf32>
        %mul3A_2284 = arith.mulf %gather3A_2277, %gather3A_2277 : vector<16xf32>
        %add3A_2285 = arith.addf %add3A_2274, %mul3A_2284 : vector<16xf32>
        %broadcast_in_dim3A_2286 = arith.constant 43 : i32
        %broadcast_in_dim3A_2287 = vector.broadcast %broadcast_in_dim3A_2286 : i32 to vector<16xi32>
        %gather3A_2288 = tpu.vector_load_idx %arg8[%broadcast_in_dim3A_1793, %min3A_1809, %broadcast_in_dim3A_2287] : memref<2x125x128xf32, #tpu.memory_space<vmem>>[vector<16xi32>, vector<16xi32>, vector<16xi32>], vector<16xf32>,
        %get3A_2289 = arith.constant 43 : i32
        %get3A_2290 = arith.index_cast %get3A_2289 : i32 to index
        %get3A_2291 = memref.load %arg7[%get3A_2290] : memref<128xf32, #tpu.memory_space<smem>>
        %mul3A_2292 = vector.broadcast %get3A_2291 : f32 to vector<16xf32>
        %mul3A_2293 = arith.mulf %gather3A_2288, %mul3A_2292 : vector<16xf32>
        %add3A_2294 = arith.addf %add3A_2283, %mul3A_2293 : vector<16xf32>
        %mul3A_2295 = arith.mulf %gather3A_2288, %gather3A_2288 : vector<16xf32>
        %add3A_2296 = arith.addf %add3A_2285, %mul3A_2295 : vector<16xf32>
        %broadcast_in_dim3A_2297 = arith.constant 44 : i32
        %broadcast_in_dim3A_2298 = vector.broadcast %broadcast_in_dim3A_2297 : i32 to vector<16xi32>
        %gather3A_2299 = tpu.vector_load_idx %arg8[%broadcast_in_dim3A_1793, %min3A_1809, %broadcast_in_dim3A_2298] : memref<2x125x128xf32, #tpu.memory_space<vmem>>[vector<16xi32>, vector<16xi32>, vector<16xi32>], vector<16xf32>,
        %get3A_2300 = arith.constant 44 : i32
        %get3A_2301 = arith.index_cast %get3A_2300 : i32 to index
        %get3A_2302 = memref.load %arg7[%get3A_2301] : memref<128xf32, #tpu.memory_space<smem>>
        %mul3A_2303 = vector.broadcast %get3A_2302 : f32 to vector<16xf32>
        %mul3A_2304 = arith.mulf %gather3A_2299, %mul3A_2303 : vector<16xf32>
        %add3A_2305 = arith.addf %add3A_2294, %mul3A_2304 : vector<16xf32>
        %mul3A_2306 = arith.mulf %gather3A_2299, %gather3A_2299 : vector<16xf32>
        %add3A_2307 = arith.addf %add3A_2296, %mul3A_2306 : vector<16xf32>
        %broadcast_in_dim3A_2308 = arith.constant 45 : i32
        %broadcast_in_dim3A_2309 = vector.broadcast %broadcast_in_dim3A_2308 : i32 to vector<16xi32>
        %gather3A_2310 = tpu.vector_load_idx %arg8[%broadcast_in_dim3A_1793, %min3A_1809, %broadcast_in_dim3A_2309] : memref<2x125x128xf32, #tpu.memory_space<vmem>>[vector<16xi32>, vector<16xi32>, vector<16xi32>], vector<16xf32>,
        %get3A_2311 = arith.constant 45 : i32
        %get3A_2312 = arith.index_cast %get3A_2311 : i32 to index
        %get3A_2313 = memref.load %arg7[%get3A_2312] : memref<128xf32, #tpu.memory_space<smem>>
        %mul3A_2314 = vector.broadcast %get3A_2313 : f32 to vector<16xf32>
        %mul3A_2315 = arith.mulf %gather3A_2310, %mul3A_2314 : vector<16xf32>
        %add3A_2316 = arith.addf %add3A_2305, %mul3A_2315 : vector<16xf32>
        %mul3A_2317 = arith.mulf %gather3A_2310, %gather3A_2310 : vector<16xf32>
        %add3A_2318 = arith.addf %add3A_2307, %mul3A_2317 : vector<16xf32>
        %broadcast_in_dim3A_2319 = arith.constant 46 : i32
        %broadcast_in_dim3A_2320 = vector.broadcast %broadcast_in_dim3A_2319 : i32 to vector<16xi32>
        %gather3A_2321 = tpu.vector_load_idx %arg8[%broadcast_in_dim3A_1793, %min3A_1809, %broadcast_in_dim3A_2320] : memref<2x125x128xf32, #tpu.memory_space<vmem>>[vector<16xi32>, vector<16xi32>, vector<16xi32>], vector<16xf32>,
        %get3A_2322 = arith.constant 46 : i32
        %get3A_2323 = arith.index_cast %get3A_2322 : i32 to index
        %get3A_2324 = memref.load %arg7[%get3A_2323] : memref<128xf32, #tpu.memory_space<smem>>
        %mul3A_2325 = vector.broadcast %get3A_2324 : f32 to vector<16xf32>
        %mul3A_2326 = arith.mulf %gather3A_2321, %mul3A_2325 : vector<16xf32>
        %add3A_2327 = arith.addf %add3A_2316, %mul3A_2326 : vector<16xf32>
        %mul3A_2328 = arith.mulf %gather3A_2321, %gather3A_2321 : vector<16xf32>
        %add3A_2329 = arith.addf %add3A_2318, %mul3A_2328 : vector<16xf32>
        %broadcast_in_dim3A_2330 = arith.constant 47 : i32
        %broadcast_in_dim3A_2331 = vector.broadcast %broadcast_in_dim3A_2330 : i32 to vector<16xi32>
        %gather3A_2332 = tpu.vector_load_idx %arg8[%broadcast_in_dim3A_1793, %min3A_1809, %broadcast_in_dim3A_2331] : memref<2x125x128xf32, #tpu.memory_space<vmem>>[vector<16xi32>, vector<16xi32>, vector<16xi32>], vector<16xf32>,
        %get3A_2333 = arith.constant 47 : i32
        %get3A_2334 = arith.index_cast %get3A_2333 : i32 to index
        %get3A_2335 = memref.load %arg7[%get3A_2334] : memref<128xf32, #tpu.memory_space<smem>>
        %mul3A_2336 = vector.broadcast %get3A_2335 : f32 to vector<16xf32>
        %mul3A_2337 = arith.mulf %gather3A_2332, %mul3A_2336 : vector<16xf32>
        %add3A_2338 = arith.addf %add3A_2327, %mul3A_2337 : vector<16xf32>
        %mul3A_2339 = arith.mulf %gather3A_2332, %gather3A_2332 : vector<16xf32>
        %add3A_2340 = arith.addf %add3A_2329, %mul3A_2339 : vector<16xf32>
        %broadcast_in_dim3A_2341 = arith.constant 48 : i32
        %broadcast_in_dim3A_2342 = vector.broadcast %broadcast_in_dim3A_2341 : i32 to vector<16xi32>
        %gather3A_2343 = tpu.vector_load_idx %arg8[%broadcast_in_dim3A_1793, %min3A_1809, %broadcast_in_dim3A_2342] : memref<2x125x128xf32, #tpu.memory_space<vmem>>[vector<16xi32>, vector<16xi32>, vector<16xi32>], vector<16xf32>,
        %get3A_2344 = arith.constant 48 : i32
        %get3A_2345 = arith.index_cast %get3A_2344 : i32 to index
        %get3A_2346 = memref.load %arg7[%get3A_2345] : memref<128xf32, #tpu.memory_space<smem>>
        %mul3A_2347 = vector.broadcast %get3A_2346 : f32 to vector<16xf32>
        %mul3A_2348 = arith.mulf %gather3A_2343, %mul3A_2347 : vector<16xf32>
        %add3A_2349 = arith.addf %add3A_2338, %mul3A_2348 : vector<16xf32>
        %mul3A_2350 = arith.mulf %gather3A_2343, %gather3A_2343 : vector<16xf32>
        %add3A_2351 = arith.addf %add3A_2340, %mul3A_2350 : vector<16xf32>
        %broadcast_in_dim3A_2352 = arith.constant 49 : i32
        %broadcast_in_dim3A_2353 = vector.broadcast %broadcast_in_dim3A_2352 : i32 to vector<16xi32>
        %gather3A_2354 = tpu.vector_load_idx %arg8[%broadcast_in_dim3A_1793, %min3A_1809, %broadcast_in_dim3A_2353] : memref<2x125x128xf32, #tpu.memory_space<vmem>>[vector<16xi32>, vector<16xi32>, vector<16xi32>], vector<16xf32>,
        %get3A_2355 = arith.constant 49 : i32
        %get3A_2356 = arith.index_cast %get3A_2355 : i32 to index
        %get3A_2357 = memref.load %arg7[%get3A_2356] : memref<128xf32, #tpu.memory_space<smem>>
        %mul3A_2358 = vector.broadcast %get3A_2357 : f32 to vector<16xf32>
        %mul3A_2359 = arith.mulf %gather3A_2354, %mul3A_2358 : vector<16xf32>
        %add3A_2360 = arith.addf %add3A_2349, %mul3A_2359 : vector<16xf32>
        %mul3A_2361 = arith.mulf %gather3A_2354, %gather3A_2354 : vector<16xf32>
        %add3A_2362 = arith.addf %add3A_2351, %mul3A_2361 : vector<16xf32>
        %broadcast_in_dim3A_2363 = arith.constant 50 : i32
        %broadcast_in_dim3A_2364 = vector.broadcast %broadcast_in_dim3A_2363 : i32 to vector<16xi32>
        %gather3A_2365 = tpu.vector_load_idx %arg8[%broadcast_in_dim3A_1793, %min3A_1809, %broadcast_in_dim3A_2364] : memref<2x125x128xf32, #tpu.memory_space<vmem>>[vector<16xi32>, vector<16xi32>, vector<16xi32>], vector<16xf32>,
        %get3A_2366 = arith.constant 50 : i32
        %get3A_2367 = arith.index_cast %get3A_2366 : i32 to index
        %get3A_2368 = memref.load %arg7[%get3A_2367] : memref<128xf32, #tpu.memory_space<smem>>
        %mul3A_2369 = vector.broadcast %get3A_2368 : f32 to vector<16xf32>
        %mul3A_2370 = arith.mulf %gather3A_2365, %mul3A_2369 : vector<16xf32>
        %add3A_2371 = arith.addf %add3A_2360, %mul3A_2370 : vector<16xf32>
        %mul3A_2372 = arith.mulf %gather3A_2365, %gather3A_2365 : vector<16xf32>
        %add3A_2373 = arith.addf %add3A_2362, %mul3A_2372 : vector<16xf32>
        %broadcast_in_dim3A_2374 = arith.constant 51 : i32
        %broadcast_in_dim3A_2375 = vector.broadcast %broadcast_in_dim3A_2374 : i32 to vector<16xi32>
        %gather3A_2376 = tpu.vector_load_idx %arg8[%broadcast_in_dim3A_1793, %min3A_1809, %broadcast_in_dim3A_2375] : memref<2x125x128xf32, #tpu.memory_space<vmem>>[vector<16xi32>, vector<16xi32>, vector<16xi32>], vector<16xf32>,
        %get3A_2377 = arith.constant 51 : i32
        %get3A_2378 = arith.index_cast %get3A_2377 : i32 to index
        %get3A_2379 = memref.load %arg7[%get3A_2378] : memref<128xf32, #tpu.memory_space<smem>>
        %mul3A_2380 = vector.broadcast %get3A_2379 : f32 to vector<16xf32>
        %mul3A_2381 = arith.mulf %gather3A_2376, %mul3A_2380 : vector<16xf32>
        %add3A_2382 = arith.addf %add3A_2371, %mul3A_2381 : vector<16xf32>
        %mul3A_2383 = arith.mulf %gather3A_2376, %gather3A_2376 : vector<16xf32>
        %add3A_2384 = arith.addf %add3A_2373, %mul3A_2383 : vector<16xf32>
        %broadcast_in_dim3A_2385 = arith.constant 52 : i32
        %broadcast_in_dim3A_2386 = vector.broadcast %broadcast_in_dim3A_2385 : i32 to vector<16xi32>
        %gather3A_2387 = tpu.vector_load_idx %arg8[%broadcast_in_dim3A_1793, %min3A_1809, %broadcast_in_dim3A_2386] : memref<2x125x128xf32, #tpu.memory_space<vmem>>[vector<16xi32>, vector<16xi32>, vector<16xi32>], vector<16xf32>,
        %get3A_2388 = arith.constant 52 : i32
        %get3A_2389 = arith.index_cast %get3A_2388 : i32 to index
        %get3A_2390 = memref.load %arg7[%get3A_2389] : memref<128xf32, #tpu.memory_space<smem>>
        %mul3A_2391 = vector.broadcast %get3A_2390 : f32 to vector<16xf32>
        %mul3A_2392 = arith.mulf %gather3A_2387, %mul3A_2391 : vector<16xf32>
        %add3A_2393 = arith.addf %add3A_2382, %mul3A_2392 : vector<16xf32>
        %mul3A_2394 = arith.mulf %gather3A_2387, %gather3A_2387 : vector<16xf32>
        %add3A_2395 = arith.addf %add3A_2384, %mul3A_2394 : vector<16xf32>
        %broadcast_in_dim3A_2396 = arith.constant 53 : i32
        %broadcast_in_dim3A_2397 = vector.broadcast %broadcast_in_dim3A_2396 : i32 to vector<16xi32>
        %gather3A_2398 = tpu.vector_load_idx %arg8[%broadcast_in_dim3A_1793, %min3A_1809, %broadcast_in_dim3A_2397] : memref<2x125x128xf32, #tpu.memory_space<vmem>>[vector<16xi32>, vector<16xi32>, vector<16xi32>], vector<16xf32>,
        %get3A_2399 = arith.constant 53 : i32
        %get3A_2400 = arith.index_cast %get3A_2399 : i32 to index
        %get3A_2401 = memref.load %arg7[%get3A_2400] : memref<128xf32, #tpu.memory_space<smem>>
        %mul3A_2402 = vector.broadcast %get3A_2401 : f32 to vector<16xf32>
        %mul3A_2403 = arith.mulf %gather3A_2398, %mul3A_2402 : vector<16xf32>
        %add3A_2404 = arith.addf %add3A_2393, %mul3A_2403 : vector<16xf32>
        %mul3A_2405 = arith.mulf %gather3A_2398, %gather3A_2398 : vector<16xf32>
        %add3A_2406 = arith.addf %add3A_2395, %mul3A_2405 : vector<16xf32>
        %broadcast_in_dim3A_2407 = arith.constant 54 : i32
        %broadcast_in_dim3A_2408 = vector.broadcast %broadcast_in_dim3A_2407 : i32 to vector<16xi32>
        %gather3A_2409 = tpu.vector_load_idx %arg8[%broadcast_in_dim3A_1793, %min3A_1809, %broadcast_in_dim3A_2408] : memref<2x125x128xf32, #tpu.memory_space<vmem>>[vector<16xi32>, vector<16xi32>, vector<16xi32>], vector<16xf32>,
        %get3A_2410 = arith.constant 54 : i32
        %get3A_2411 = arith.index_cast %get3A_2410 : i32 to index
        %get3A_2412 = memref.load %arg7[%get3A_2411] : memref<128xf32, #tpu.memory_space<smem>>
        %mul3A_2413 = vector.broadcast %get3A_2412 : f32 to vector<16xf32>
        %mul3A_2414 = arith.mulf %gather3A_2409, %mul3A_2413 : vector<16xf32>
        %add3A_2415 = arith.addf %add3A_2404, %mul3A_2414 : vector<16xf32>
        %mul3A_2416 = arith.mulf %gather3A_2409, %gather3A_2409 : vector<16xf32>
        %add3A_2417 = arith.addf %add3A_2406, %mul3A_2416 : vector<16xf32>
        %broadcast_in_dim3A_2418 = arith.constant 55 : i32
        %broadcast_in_dim3A_2419 = vector.broadcast %broadcast_in_dim3A_2418 : i32 to vector<16xi32>
        %gather3A_2420 = tpu.vector_load_idx %arg8[%broadcast_in_dim3A_1793, %min3A_1809, %broadcast_in_dim3A_2419] : memref<2x125x128xf32, #tpu.memory_space<vmem>>[vector<16xi32>, vector<16xi32>, vector<16xi32>], vector<16xf32>,
        %get3A_2421 = arith.constant 55 : i32
        %get3A_2422 = arith.index_cast %get3A_2421 : i32 to index
        %get3A_2423 = memref.load %arg7[%get3A_2422] : memref<128xf32, #tpu.memory_space<smem>>
        %mul3A_2424 = vector.broadcast %get3A_2423 : f32 to vector<16xf32>
        %mul3A_2425 = arith.mulf %gather3A_2420, %mul3A_2424 : vector<16xf32>
        %add3A_2426 = arith.addf %add3A_2415, %mul3A_2425 : vector<16xf32>
        %mul3A_2427 = arith.mulf %gather3A_2420, %gather3A_2420 : vector<16xf32>
        %add3A_2428 = arith.addf %add3A_2417, %mul3A_2427 : vector<16xf32>
        %broadcast_in_dim3A_2429 = arith.constant 56 : i32
        %broadcast_in_dim3A_2430 = vector.broadcast %broadcast_in_dim3A_2429 : i32 to vector<16xi32>
        %gather3A_2431 = tpu.vector_load_idx %arg8[%broadcast_in_dim3A_1793, %min3A_1809, %broadcast_in_dim3A_2430] : memref<2x125x128xf32, #tpu.memory_space<vmem>>[vector<16xi32>, vector<16xi32>, vector<16xi32>], vector<16xf32>,
        %get3A_2432 = arith.constant 56 : i32
        %get3A_2433 = arith.index_cast %get3A_2432 : i32 to index
        %get3A_2434 = memref.load %arg7[%get3A_2433] : memref<128xf32, #tpu.memory_space<smem>>
        %mul3A_2435 = vector.broadcast %get3A_2434 : f32 to vector<16xf32>
        %mul3A_2436 = arith.mulf %gather3A_2431, %mul3A_2435 : vector<16xf32>
        %add3A_2437 = arith.addf %add3A_2426, %mul3A_2436 : vector<16xf32>
        %mul3A_2438 = arith.mulf %gather3A_2431, %gather3A_2431 : vector<16xf32>
        %add3A_2439 = arith.addf %add3A_2428, %mul3A_2438 : vector<16xf32>
        %broadcast_in_dim3A_2440 = arith.constant 57 : i32
        %broadcast_in_dim3A_2441 = vector.broadcast %broadcast_in_dim3A_2440 : i32 to vector<16xi32>
        %gather3A_2442 = tpu.vector_load_idx %arg8[%broadcast_in_dim3A_1793, %min3A_1809, %broadcast_in_dim3A_2441] : memref<2x125x128xf32, #tpu.memory_space<vmem>>[vector<16xi32>, vector<16xi32>, vector<16xi32>], vector<16xf32>,
        %get3A_2443 = arith.constant 57 : i32
        %get3A_2444 = arith.index_cast %get3A_2443 : i32 to index
        %get3A_2445 = memref.load %arg7[%get3A_2444] : memref<128xf32, #tpu.memory_space<smem>>
        %mul3A_2446 = vector.broadcast %get3A_2445 : f32 to vector<16xf32>
        %mul3A_2447 = arith.mulf %gather3A_2442, %mul3A_2446 : vector<16xf32>
        %add3A_2448 = arith.addf %add3A_2437, %mul3A_2447 : vector<16xf32>
        %mul3A_2449 = arith.mulf %gather3A_2442, %gather3A_2442 : vector<16xf32>
        %add3A_2450 = arith.addf %add3A_2439, %mul3A_2449 : vector<16xf32>
        %broadcast_in_dim3A_2451 = arith.constant 58 : i32
        %broadcast_in_dim3A_2452 = vector.broadcast %broadcast_in_dim3A_2451 : i32 to vector<16xi32>
        %gather3A_2453 = tpu.vector_load_idx %arg8[%broadcast_in_dim3A_1793, %min3A_1809, %broadcast_in_dim3A_2452] : memref<2x125x128xf32, #tpu.memory_space<vmem>>[vector<16xi32>, vector<16xi32>, vector<16xi32>], vector<16xf32>,
        %get3A_2454 = arith.constant 58 : i32
        %get3A_2455 = arith.index_cast %get3A_2454 : i32 to index
        %get3A_2456 = memref.load %arg7[%get3A_2455] : memref<128xf32, #tpu.memory_space<smem>>
        %mul3A_2457 = vector.broadcast %get3A_2456 : f32 to vector<16xf32>
        %mul3A_2458 = arith.mulf %gather3A_2453, %mul3A_2457 : vector<16xf32>
        %add3A_2459 = arith.addf %add3A_2448, %mul3A_2458 : vector<16xf32>
        %mul3A_2460 = arith.mulf %gather3A_2453, %gather3A_2453 : vector<16xf32>
        %add3A_2461 = arith.addf %add3A_2450, %mul3A_2460 : vector<16xf32>
        %broadcast_in_dim3A_2462 = arith.constant 59 : i32
        %broadcast_in_dim3A_2463 = vector.broadcast %broadcast_in_dim3A_2462 : i32 to vector<16xi32>
        %gather3A_2464 = tpu.vector_load_idx %arg8[%broadcast_in_dim3A_1793, %min3A_1809, %broadcast_in_dim3A_2463] : memref<2x125x128xf32, #tpu.memory_space<vmem>>[vector<16xi32>, vector<16xi32>, vector<16xi32>], vector<16xf32>,
        %get3A_2465 = arith.constant 59 : i32
        %get3A_2466 = arith.index_cast %get3A_2465 : i32 to index
        %get3A_2467 = memref.load %arg7[%get3A_2466] : memref<128xf32, #tpu.memory_space<smem>>
        %mul3A_2468 = vector.broadcast %get3A_2467 : f32 to vector<16xf32>
        %mul3A_2469 = arith.mulf %gather3A_2464, %mul3A_2468 : vector<16xf32>
        %add3A_2470 = arith.addf %add3A_2459, %mul3A_2469 : vector<16xf32>
        %mul3A_2471 = arith.mulf %gather3A_2464, %gather3A_2464 : vector<16xf32>
        %add3A_2472 = arith.addf %add3A_2461, %mul3A_2471 : vector<16xf32>
        %broadcast_in_dim3A_2473 = arith.constant 60 : i32
        %broadcast_in_dim3A_2474 = vector.broadcast %broadcast_in_dim3A_2473 : i32 to vector<16xi32>
        %gather3A_2475 = tpu.vector_load_idx %arg8[%broadcast_in_dim3A_1793, %min3A_1809, %broadcast_in_dim3A_2474] : memref<2x125x128xf32, #tpu.memory_space<vmem>>[vector<16xi32>, vector<16xi32>, vector<16xi32>], vector<16xf32>,
        %get3A_2476 = arith.constant 60 : i32
        %get3A_2477 = arith.index_cast %get3A_2476 : i32 to index
        %get3A_2478 = memref.load %arg7[%get3A_2477] : memref<128xf32, #tpu.memory_space<smem>>
        %mul3A_2479 = vector.broadcast %get3A_2478 : f32 to vector<16xf32>
        %mul3A_2480 = arith.mulf %gather3A_2475, %mul3A_2479 : vector<16xf32>
        %add3A_2481 = arith.addf %add3A_2470, %mul3A_2480 : vector<16xf32>
        %mul3A_2482 = arith.mulf %gather3A_2475, %gather3A_2475 : vector<16xf32>
        %add3A_2483 = arith.addf %add3A_2472, %mul3A_2482 : vector<16xf32>
        %broadcast_in_dim3A_2484 = arith.constant 61 : i32
        %broadcast_in_dim3A_2485 = vector.broadcast %broadcast_in_dim3A_2484 : i32 to vector<16xi32>
        %gather3A_2486 = tpu.vector_load_idx %arg8[%broadcast_in_dim3A_1793, %min3A_1809, %broadcast_in_dim3A_2485] : memref<2x125x128xf32, #tpu.memory_space<vmem>>[vector<16xi32>, vector<16xi32>, vector<16xi32>], vector<16xf32>,
        %get3A_2487 = arith.constant 61 : i32
        %get3A_2488 = arith.index_cast %get3A_2487 : i32 to index
        %get3A_2489 = memref.load %arg7[%get3A_2488] : memref<128xf32, #tpu.memory_space<smem>>
        %mul3A_2490 = vector.broadcast %get3A_2489 : f32 to vector<16xf32>
        %mul3A_2491 = arith.mulf %gather3A_2486, %mul3A_2490 : vector<16xf32>
        %add3A_2492 = arith.addf %add3A_2481, %mul3A_2491 : vector<16xf32>
        %mul3A_2493 = arith.mulf %gather3A_2486, %gather3A_2486 : vector<16xf32>
        %add3A_2494 = arith.addf %add3A_2483, %mul3A_2493 : vector<16xf32>
        %broadcast_in_dim3A_2495 = arith.constant 62 : i32
        %broadcast_in_dim3A_2496 = vector.broadcast %broadcast_in_dim3A_2495 : i32 to vector<16xi32>
        %gather3A_2497 = tpu.vector_load_idx %arg8[%broadcast_in_dim3A_1793, %min3A_1809, %broadcast_in_dim3A_2496] : memref<2x125x128xf32, #tpu.memory_space<vmem>>[vector<16xi32>, vector<16xi32>, vector<16xi32>], vector<16xf32>,
        %get3A_2498 = arith.constant 62 : i32
        %get3A_2499 = arith.index_cast %get3A_2498 : i32 to index
        %get3A_2500 = memref.load %arg7[%get3A_2499] : memref<128xf32, #tpu.memory_space<smem>>
        %mul3A_2501 = vector.broadcast %get3A_2500 : f32 to vector<16xf32>
        %mul3A_2502 = arith.mulf %gather3A_2497, %mul3A_2501 : vector<16xf32>
        %add3A_2503 = arith.addf %add3A_2492, %mul3A_2502 : vector<16xf32>
        %mul3A_2504 = arith.mulf %gather3A_2497, %gather3A_2497 : vector<16xf32>
        %add3A_2505 = arith.addf %add3A_2494, %mul3A_2504 : vector<16xf32>
        %broadcast_in_dim3A_2506 = arith.constant 63 : i32
        %broadcast_in_dim3A_2507 = vector.broadcast %broadcast_in_dim3A_2506 : i32 to vector<16xi32>
        %gather3A_2508 = tpu.vector_load_idx %arg8[%broadcast_in_dim3A_1793, %min3A_1809, %broadcast_in_dim3A_2507] : memref<2x125x128xf32, #tpu.memory_space<vmem>>[vector<16xi32>, vector<16xi32>, vector<16xi32>], vector<16xf32>,
        %get3A_2509 = arith.constant 63 : i32
        %get3A_2510 = arith.index_cast %get3A_2509 : i32 to index
        %get3A_2511 = memref.load %arg7[%get3A_2510] : memref<128xf32, #tpu.memory_space<smem>>
        %mul3A_2512 = vector.broadcast %get3A_2511 : f32 to vector<16xf32>
        %mul3A_2513 = arith.mulf %gather3A_2508, %mul3A_2512 : vector<16xf32>
        %add3A_2514 = arith.addf %add3A_2503, %mul3A_2513 : vector<16xf32>
        %mul3A_2515 = arith.mulf %gather3A_2508, %gather3A_2508 : vector<16xf32>
        %add3A_2516 = arith.addf %add3A_2505, %mul3A_2515 : vector<16xf32>
        %broadcast_in_dim3A_2517 = arith.constant 64 : i32
        %broadcast_in_dim3A_2518 = vector.broadcast %broadcast_in_dim3A_2517 : i32 to vector<16xi32>
        %gather3A_2519 = tpu.vector_load_idx %arg8[%broadcast_in_dim3A_1793, %min3A_1809, %broadcast_in_dim3A_2518] : memref<2x125x128xf32, #tpu.memory_space<vmem>>[vector<16xi32>, vector<16xi32>, vector<16xi32>], vector<16xf32>,
        %get3A_2520 = arith.constant 64 : i32
        %get3A_2521 = arith.index_cast %get3A_2520 : i32 to index
        %get3A_2522 = memref.load %arg7[%get3A_2521] : memref<128xf32, #tpu.memory_space<smem>>
        %mul3A_2523 = vector.broadcast %get3A_2522 : f32 to vector<16xf32>
        %mul3A_2524 = arith.mulf %gather3A_2519, %mul3A_2523 : vector<16xf32>
        %add3A_2525 = arith.addf %add3A_2514, %mul3A_2524 : vector<16xf32>
        %mul3A_2526 = arith.mulf %gather3A_2519, %gather3A_2519 : vector<16xf32>
        %add3A_2527 = arith.addf %add3A_2516, %mul3A_2526 : vector<16xf32>
        %broadcast_in_dim3A_2528 = arith.constant 65 : i32
        %broadcast_in_dim3A_2529 = vector.broadcast %broadcast_in_dim3A_2528 : i32 to vector<16xi32>
        %gather3A_2530 = tpu.vector_load_idx %arg8[%broadcast_in_dim3A_1793, %min3A_1809, %broadcast_in_dim3A_2529] : memref<2x125x128xf32, #tpu.memory_space<vmem>>[vector<16xi32>, vector<16xi32>, vector<16xi32>], vector<16xf32>,
        %get3A_2531 = arith.constant 65 : i32
        %get3A_2532 = arith.index_cast %get3A_2531 : i32 to index
        %get3A_2533 = memref.load %arg7[%get3A_2532] : memref<128xf32, #tpu.memory_space<smem>>
        %mul3A_2534 = vector.broadcast %get3A_2533 : f32 to vector<16xf32>
        %mul3A_2535 = arith.mulf %gather3A_2530, %mul3A_2534 : vector<16xf32>
        %add3A_2536 = arith.addf %add3A_2525, %mul3A_2535 : vector<16xf32>
        %mul3A_2537 = arith.mulf %gather3A_2530, %gather3A_2530 : vector<16xf32>
        %add3A_2538 = arith.addf %add3A_2527, %mul3A_2537 : vector<16xf32>
        %broadcast_in_dim3A_2539 = arith.constant 66 : i32
        %broadcast_in_dim3A_2540 = vector.broadcast %broadcast_in_dim3A_2539 : i32 to vector<16xi32>
        %gather3A_2541 = tpu.vector_load_idx %arg8[%broadcast_in_dim3A_1793, %min3A_1809, %broadcast_in_dim3A_2540] : memref<2x125x128xf32, #tpu.memory_space<vmem>>[vector<16xi32>, vector<16xi32>, vector<16xi32>], vector<16xf32>,
        %get3A_2542 = arith.constant 66 : i32
        %get3A_2543 = arith.index_cast %get3A_2542 : i32 to index
        %get3A_2544 = memref.load %arg7[%get3A_2543] : memref<128xf32, #tpu.memory_space<smem>>
        %mul3A_2545 = vector.broadcast %get3A_2544 : f32 to vector<16xf32>
        %mul3A_2546 = arith.mulf %gather3A_2541, %mul3A_2545 : vector<16xf32>
        %add3A_2547 = arith.addf %add3A_2536, %mul3A_2546 : vector<16xf32>
        %mul3A_2548 = arith.mulf %gather3A_2541, %gather3A_2541 : vector<16xf32>
        %add3A_2549 = arith.addf %add3A_2538, %mul3A_2548 : vector<16xf32>
        %broadcast_in_dim3A_2550 = arith.constant 67 : i32
        %broadcast_in_dim3A_2551 = vector.broadcast %broadcast_in_dim3A_2550 : i32 to vector<16xi32>
        %gather3A_2552 = tpu.vector_load_idx %arg8[%broadcast_in_dim3A_1793, %min3A_1809, %broadcast_in_dim3A_2551] : memref<2x125x128xf32, #tpu.memory_space<vmem>>[vector<16xi32>, vector<16xi32>, vector<16xi32>], vector<16xf32>,
        %get3A_2553 = arith.constant 67 : i32
        %get3A_2554 = arith.index_cast %get3A_2553 : i32 to index
        %get3A_2555 = memref.load %arg7[%get3A_2554] : memref<128xf32, #tpu.memory_space<smem>>
        %mul3A_2556 = vector.broadcast %get3A_2555 : f32 to vector<16xf32>
        %mul3A_2557 = arith.mulf %gather3A_2552, %mul3A_2556 : vector<16xf32>
        %add3A_2558 = arith.addf %add3A_2547, %mul3A_2557 : vector<16xf32>
        %mul3A_2559 = arith.mulf %gather3A_2552, %gather3A_2552 : vector<16xf32>
        %add3A_2560 = arith.addf %add3A_2549, %mul3A_2559 : vector<16xf32>
        %broadcast_in_dim3A_2561 = arith.constant 68 : i32
        %broadcast_in_dim3A_2562 = vector.broadcast %broadcast_in_dim3A_2561 : i32 to vector<16xi32>
        %gather3A_2563 = tpu.vector_load_idx %arg8[%broadcast_in_dim3A_1793, %min3A_1809, %broadcast_in_dim3A_2562] : memref<2x125x128xf32, #tpu.memory_space<vmem>>[vector<16xi32>, vector<16xi32>, vector<16xi32>], vector<16xf32>,
        %get3A_2564 = arith.constant 68 : i32
        %get3A_2565 = arith.index_cast %get3A_2564 : i32 to index
        %get3A_2566 = memref.load %arg7[%get3A_2565] : memref<128xf32, #tpu.memory_space<smem>>
        %mul3A_2567 = vector.broadcast %get3A_2566 : f32 to vector<16xf32>
        %mul3A_2568 = arith.mulf %gather3A_2563, %mul3A_2567 : vector<16xf32>
        %add3A_2569 = arith.addf %add3A_2558, %mul3A_2568 : vector<16xf32>
        %mul3A_2570 = arith.mulf %gather3A_2563, %gather3A_2563 : vector<16xf32>
        %add3A_2571 = arith.addf %add3A_2560, %mul3A_2570 : vector<16xf32>
        %broadcast_in_dim3A_2572 = arith.constant 69 : i32
        %broadcast_in_dim3A_2573 = vector.broadcast %broadcast_in_dim3A_2572 : i32 to vector<16xi32>
        %gather3A_2574 = tpu.vector_load_idx %arg8[%broadcast_in_dim3A_1793, %min3A_1809, %broadcast_in_dim3A_2573] : memref<2x125x128xf32, #tpu.memory_space<vmem>>[vector<16xi32>, vector<16xi32>, vector<16xi32>], vector<16xf32>,
        %get3A_2575 = arith.constant 69 : i32
        %get3A_2576 = arith.index_cast %get3A_2575 : i32 to index
        %get3A_2577 = memref.load %arg7[%get3A_2576] : memref<128xf32, #tpu.memory_space<smem>>
        %mul3A_2578 = vector.broadcast %get3A_2577 : f32 to vector<16xf32>
        %mul3A_2579 = arith.mulf %gather3A_2574, %mul3A_2578 : vector<16xf32>
        %add3A_2580 = arith.addf %add3A_2569, %mul3A_2579 : vector<16xf32>
        %mul3A_2581 = arith.mulf %gather3A_2574, %gather3A_2574 : vector<16xf32>
        %add3A_2582 = arith.addf %add3A_2571, %mul3A_2581 : vector<16xf32>
        %broadcast_in_dim3A_2583 = arith.constant 70 : i32
        %broadcast_in_dim3A_2584 = vector.broadcast %broadcast_in_dim3A_2583 : i32 to vector<16xi32>
        %gather3A_2585 = tpu.vector_load_idx %arg8[%broadcast_in_dim3A_1793, %min3A_1809, %broadcast_in_dim3A_2584] : memref<2x125x128xf32, #tpu.memory_space<vmem>>[vector<16xi32>, vector<16xi32>, vector<16xi32>], vector<16xf32>,
        %get3A_2586 = arith.constant 70 : i32
        %get3A_2587 = arith.index_cast %get3A_2586 : i32 to index
        %get3A_2588 = memref.load %arg7[%get3A_2587] : memref<128xf32, #tpu.memory_space<smem>>
        %mul3A_2589 = vector.broadcast %get3A_2588 : f32 to vector<16xf32>
        %mul3A_2590 = arith.mulf %gather3A_2585, %mul3A_2589 : vector<16xf32>
        %add3A_2591 = arith.addf %add3A_2580, %mul3A_2590 : vector<16xf32>
        %mul3A_2592 = arith.mulf %gather3A_2585, %gather3A_2585 : vector<16xf32>
        %add3A_2593 = arith.addf %add3A_2582, %mul3A_2592 : vector<16xf32>
        %broadcast_in_dim3A_2594 = arith.constant 71 : i32
        %broadcast_in_dim3A_2595 = vector.broadcast %broadcast_in_dim3A_2594 : i32 to vector<16xi32>
        %gather3A_2596 = tpu.vector_load_idx %arg8[%broadcast_in_dim3A_1793, %min3A_1809, %broadcast_in_dim3A_2595] : memref<2x125x128xf32, #tpu.memory_space<vmem>>[vector<16xi32>, vector<16xi32>, vector<16xi32>], vector<16xf32>,
        %get3A_2597 = arith.constant 71 : i32
        %get3A_2598 = arith.index_cast %get3A_2597 : i32 to index
        %get3A_2599 = memref.load %arg7[%get3A_2598] : memref<128xf32, #tpu.memory_space<smem>>
        %mul3A_2600 = vector.broadcast %get3A_2599 : f32 to vector<16xf32>
        %mul3A_2601 = arith.mulf %gather3A_2596, %mul3A_2600 : vector<16xf32>
        %add3A_2602 = arith.addf %add3A_2591, %mul3A_2601 : vector<16xf32>
        %mul3A_2603 = arith.mulf %gather3A_2596, %gather3A_2596 : vector<16xf32>
        %add3A_2604 = arith.addf %add3A_2593, %mul3A_2603 : vector<16xf32>
        %broadcast_in_dim3A_2605 = arith.constant 72 : i32
        %broadcast_in_dim3A_2606 = vector.broadcast %broadcast_in_dim3A_2605 : i32 to vector<16xi32>
        %gather3A_2607 = tpu.vector_load_idx %arg8[%broadcast_in_dim3A_1793, %min3A_1809, %broadcast_in_dim3A_2606] : memref<2x125x128xf32, #tpu.memory_space<vmem>>[vector<16xi32>, vector<16xi32>, vector<16xi32>], vector<16xf32>,
        %get3A_2608 = arith.constant 72 : i32
        %get3A_2609 = arith.index_cast %get3A_2608 : i32 to index
        %get3A_2610 = memref.load %arg7[%get3A_2609] : memref<128xf32, #tpu.memory_space<smem>>
        %mul3A_2611 = vector.broadcast %get3A_2610 : f32 to vector<16xf32>
        %mul3A_2612 = arith.mulf %gather3A_2607, %mul3A_2611 : vector<16xf32>
        %add3A_2613 = arith.addf %add3A_2602, %mul3A_2612 : vector<16xf32>
        %mul3A_2614 = arith.mulf %gather3A_2607, %gather3A_2607 : vector<16xf32>
        %add3A_2615 = arith.addf %add3A_2604, %mul3A_2614 : vector<16xf32>
        %broadcast_in_dim3A_2616 = arith.constant 73 : i32
        %broadcast_in_dim3A_2617 = vector.broadcast %broadcast_in_dim3A_2616 : i32 to vector<16xi32>
        %gather3A_2618 = tpu.vector_load_idx %arg8[%broadcast_in_dim3A_1793, %min3A_1809, %broadcast_in_dim3A_2617] : memref<2x125x128xf32, #tpu.memory_space<vmem>>[vector<16xi32>, vector<16xi32>, vector<16xi32>], vector<16xf32>,
        %get3A_2619 = arith.constant 73 : i32
        %get3A_2620 = arith.index_cast %get3A_2619 : i32 to index
        %get3A_2621 = memref.load %arg7[%get3A_2620] : memref<128xf32, #tpu.memory_space<smem>>
        %mul3A_2622 = vector.broadcast %get3A_2621 : f32 to vector<16xf32>
        %mul3A_2623 = arith.mulf %gather3A_2618, %mul3A_2622 : vector<16xf32>
        %add3A_2624 = arith.addf %add3A_2613, %mul3A_2623 : vector<16xf32>
        %mul3A_2625 = arith.mulf %gather3A_2618, %gather3A_2618 : vector<16xf32>
        %add3A_2626 = arith.addf %add3A_2615, %mul3A_2625 : vector<16xf32>
        %broadcast_in_dim3A_2627 = arith.constant 74 : i32
        %broadcast_in_dim3A_2628 = vector.broadcast %broadcast_in_dim3A_2627 : i32 to vector<16xi32>
        %gather3A_2629 = tpu.vector_load_idx %arg8[%broadcast_in_dim3A_1793, %min3A_1809, %broadcast_in_dim3A_2628] : memref<2x125x128xf32, #tpu.memory_space<vmem>>[vector<16xi32>, vector<16xi32>, vector<16xi32>], vector<16xf32>,
        %get3A_2630 = arith.constant 74 : i32
        %get3A_2631 = arith.index_cast %get3A_2630 : i32 to index
        %get3A_2632 = memref.load %arg7[%get3A_2631] : memref<128xf32, #tpu.memory_space<smem>>
        %mul3A_2633 = vector.broadcast %get3A_2632 : f32 to vector<16xf32>
        %mul3A_2634 = arith.mulf %gather3A_2629, %mul3A_2633 : vector<16xf32>
        %add3A_2635 = arith.addf %add3A_2624, %mul3A_2634 : vector<16xf32>
        %mul3A_2636 = arith.mulf %gather3A_2629, %gather3A_2629 : vector<16xf32>
        %add3A_2637 = arith.addf %add3A_2626, %mul3A_2636 : vector<16xf32>
        %broadcast_in_dim3A_2638 = arith.constant 75 : i32
        %broadcast_in_dim3A_2639 = vector.broadcast %broadcast_in_dim3A_2638 : i32 to vector<16xi32>
        %gather3A_2640 = tpu.vector_load_idx %arg8[%broadcast_in_dim3A_1793, %min3A_1809, %broadcast_in_dim3A_2639] : memref<2x125x128xf32, #tpu.memory_space<vmem>>[vector<16xi32>, vector<16xi32>, vector<16xi32>], vector<16xf32>,
        %get3A_2641 = arith.constant 75 : i32
        %get3A_2642 = arith.index_cast %get3A_2641 : i32 to index
        %get3A_2643 = memref.load %arg7[%get3A_2642] : memref<128xf32, #tpu.memory_space<smem>>
        %mul3A_2644 = vector.broadcast %get3A_2643 : f32 to vector<16xf32>
        %mul3A_2645 = arith.mulf %gather3A_2640, %mul3A_2644 : vector<16xf32>
        %add3A_2646 = arith.addf %add3A_2635, %mul3A_2645 : vector<16xf32>
        %mul3A_2647 = arith.mulf %gather3A_2640, %gather3A_2640 : vector<16xf32>
        %add3A_2648 = arith.addf %add3A_2637, %mul3A_2647 : vector<16xf32>
        %broadcast_in_dim3A_2649 = arith.constant 76 : i32
        %broadcast_in_dim3A_2650 = vector.broadcast %broadcast_in_dim3A_2649 : i32 to vector<16xi32>
        %gather3A_2651 = tpu.vector_load_idx %arg8[%broadcast_in_dim3A_1793, %min3A_1809, %broadcast_in_dim3A_2650] : memref<2x125x128xf32, #tpu.memory_space<vmem>>[vector<16xi32>, vector<16xi32>, vector<16xi32>], vector<16xf32>,
        %get3A_2652 = arith.constant 76 : i32
        %get3A_2653 = arith.index_cast %get3A_2652 : i32 to index
        %get3A_2654 = memref.load %arg7[%get3A_2653] : memref<128xf32, #tpu.memory_space<smem>>
        %mul3A_2655 = vector.broadcast %get3A_2654 : f32 to vector<16xf32>
        %mul3A_2656 = arith.mulf %gather3A_2651, %mul3A_2655 : vector<16xf32>
        %add3A_2657 = arith.addf %add3A_2646, %mul3A_2656 : vector<16xf32>
        %mul3A_2658 = arith.mulf %gather3A_2651, %gather3A_2651 : vector<16xf32>
        %add3A_2659 = arith.addf %add3A_2648, %mul3A_2658 : vector<16xf32>
        %broadcast_in_dim3A_2660 = arith.constant 77 : i32
        %broadcast_in_dim3A_2661 = vector.broadcast %broadcast_in_dim3A_2660 : i32 to vector<16xi32>
        %gather3A_2662 = tpu.vector_load_idx %arg8[%broadcast_in_dim3A_1793, %min3A_1809, %broadcast_in_dim3A_2661] : memref<2x125x128xf32, #tpu.memory_space<vmem>>[vector<16xi32>, vector<16xi32>, vector<16xi32>], vector<16xf32>,
        %get3A_2663 = arith.constant 77 : i32
        %get3A_2664 = arith.index_cast %get3A_2663 : i32 to index
        %get3A_2665 = memref.load %arg7[%get3A_2664] : memref<128xf32, #tpu.memory_space<smem>>
        %mul3A_2666 = vector.broadcast %get3A_2665 : f32 to vector<16xf32>
        %mul3A_2667 = arith.mulf %gather3A_2662, %mul3A_2666 : vector<16xf32>
        %add3A_2668 = arith.addf %add3A_2657, %mul3A_2667 : vector<16xf32>
        %mul3A_2669 = arith.mulf %gather3A_2662, %gather3A_2662 : vector<16xf32>
        %add3A_2670 = arith.addf %add3A_2659, %mul3A_2669 : vector<16xf32>
        %broadcast_in_dim3A_2671 = arith.constant 78 : i32
        %broadcast_in_dim3A_2672 = vector.broadcast %broadcast_in_dim3A_2671 : i32 to vector<16xi32>
        %gather3A_2673 = tpu.vector_load_idx %arg8[%broadcast_in_dim3A_1793, %min3A_1809, %broadcast_in_dim3A_2672] : memref<2x125x128xf32, #tpu.memory_space<vmem>>[vector<16xi32>, vector<16xi32>, vector<16xi32>], vector<16xf32>,
        %get3A_2674 = arith.constant 78 : i32
        %get3A_2675 = arith.index_cast %get3A_2674 : i32 to index
        %get3A_2676 = memref.load %arg7[%get3A_2675] : memref<128xf32, #tpu.memory_space<smem>>
        %mul3A_2677 = vector.broadcast %get3A_2676 : f32 to vector<16xf32>
        %mul3A_2678 = arith.mulf %gather3A_2673, %mul3A_2677 : vector<16xf32>
        %add3A_2679 = arith.addf %add3A_2668, %mul3A_2678 : vector<16xf32>
        %mul3A_2680 = arith.mulf %gather3A_2673, %gather3A_2673 : vector<16xf32>
        %add3A_2681 = arith.addf %add3A_2670, %mul3A_2680 : vector<16xf32>
        %broadcast_in_dim3A_2682 = arith.constant 79 : i32
        %broadcast_in_dim3A_2683 = vector.broadcast %broadcast_in_dim3A_2682 : i32 to vector<16xi32>
        %gather3A_2684 = tpu.vector_load_idx %arg8[%broadcast_in_dim3A_1793, %min3A_1809, %broadcast_in_dim3A_2683] : memref<2x125x128xf32, #tpu.memory_space<vmem>>[vector<16xi32>, vector<16xi32>, vector<16xi32>], vector<16xf32>,
        %get3A_2685 = arith.constant 79 : i32
        %get3A_2686 = arith.index_cast %get3A_2685 : i32 to index
        %get3A_2687 = memref.load %arg7[%get3A_2686] : memref<128xf32, #tpu.memory_space<smem>>
        %mul3A_2688 = vector.broadcast %get3A_2687 : f32 to vector<16xf32>
        %mul3A_2689 = arith.mulf %gather3A_2684, %mul3A_2688 : vector<16xf32>
        %add3A_2690 = arith.addf %add3A_2679, %mul3A_2689 : vector<16xf32>
        %mul3A_2691 = arith.mulf %gather3A_2684, %gather3A_2684 : vector<16xf32>
        %add3A_2692 = arith.addf %add3A_2681, %mul3A_2691 : vector<16xf32>
        %broadcast_in_dim3A_2693 = arith.constant 80 : i32
        %broadcast_in_dim3A_2694 = vector.broadcast %broadcast_in_dim3A_2693 : i32 to vector<16xi32>
        %gather3A_2695 = tpu.vector_load_idx %arg8[%broadcast_in_dim3A_1793, %min3A_1809, %broadcast_in_dim3A_2694] : memref<2x125x128xf32, #tpu.memory_space<vmem>>[vector<16xi32>, vector<16xi32>, vector<16xi32>], vector<16xf32>,
        %get3A_2696 = arith.constant 80 : i32
        %get3A_2697 = arith.index_cast %get3A_2696 : i32 to index
        %get3A_2698 = memref.load %arg7[%get3A_2697] : memref<128xf32, #tpu.memory_space<smem>>
        %mul3A_2699 = vector.broadcast %get3A_2698 : f32 to vector<16xf32>
        %mul3A_2700 = arith.mulf %gather3A_2695, %mul3A_2699 : vector<16xf32>
        %add3A_2701 = arith.addf %add3A_2690, %mul3A_2700 : vector<16xf32>
        %mul3A_2702 = arith.mulf %gather3A_2695, %gather3A_2695 : vector<16xf32>
        %add3A_2703 = arith.addf %add3A_2692, %mul3A_2702 : vector<16xf32>
        %broadcast_in_dim3A_2704 = arith.constant 81 : i32
        %broadcast_in_dim3A_2705 = vector.broadcast %broadcast_in_dim3A_2704 : i32 to vector<16xi32>
        %gather3A_2706 = tpu.vector_load_idx %arg8[%broadcast_in_dim3A_1793, %min3A_1809, %broadcast_in_dim3A_2705] : memref<2x125x128xf32, #tpu.memory_space<vmem>>[vector<16xi32>, vector<16xi32>, vector<16xi32>], vector<16xf32>,
        %get3A_2707 = arith.constant 81 : i32
        %get3A_2708 = arith.index_cast %get3A_2707 : i32 to index
        %get3A_2709 = memref.load %arg7[%get3A_2708] : memref<128xf32, #tpu.memory_space<smem>>
        %mul3A_2710 = vector.broadcast %get3A_2709 : f32 to vector<16xf32>
        %mul3A_2711 = arith.mulf %gather3A_2706, %mul3A_2710 : vector<16xf32>
        %add3A_2712 = arith.addf %add3A_2701, %mul3A_2711 : vector<16xf32>
        %mul3A_2713 = arith.mulf %gather3A_2706, %gather3A_2706 : vector<16xf32>
        %add3A_2714 = arith.addf %add3A_2703, %mul3A_2713 : vector<16xf32>
        %broadcast_in_dim3A_2715 = arith.constant 82 : i32
        %broadcast_in_dim3A_2716 = vector.broadcast %broadcast_in_dim3A_2715 : i32 to vector<16xi32>
        %gather3A_2717 = tpu.vector_load_idx %arg8[%broadcast_in_dim3A_1793, %min3A_1809, %broadcast_in_dim3A_2716] : memref<2x125x128xf32, #tpu.memory_space<vmem>>[vector<16xi32>, vector<16xi32>, vector<16xi32>], vector<16xf32>,
        %get3A_2718 = arith.constant 82 : i32
        %get3A_2719 = arith.index_cast %get3A_2718 : i32 to index
        %get3A_2720 = memref.load %arg7[%get3A_2719] : memref<128xf32, #tpu.memory_space<smem>>
        %mul3A_2721 = vector.broadcast %get3A_2720 : f32 to vector<16xf32>
        %mul3A_2722 = arith.mulf %gather3A_2717, %mul3A_2721 : vector<16xf32>
        %add3A_2723 = arith.addf %add3A_2712, %mul3A_2722 : vector<16xf32>
        %mul3A_2724 = arith.mulf %gather3A_2717, %gather3A_2717 : vector<16xf32>
        %add3A_2725 = arith.addf %add3A_2714, %mul3A_2724 : vector<16xf32>
        %broadcast_in_dim3A_2726 = arith.constant 83 : i32
        %broadcast_in_dim3A_2727 = vector.broadcast %broadcast_in_dim3A_2726 : i32 to vector<16xi32>
        %gather3A_2728 = tpu.vector_load_idx %arg8[%broadcast_in_dim3A_1793, %min3A_1809, %broadcast_in_dim3A_2727] : memref<2x125x128xf32, #tpu.memory_space<vmem>>[vector<16xi32>, vector<16xi32>, vector<16xi32>], vector<16xf32>,
        %get3A_2729 = arith.constant 83 : i32
        %get3A_2730 = arith.index_cast %get3A_2729 : i32 to index
        %get3A_2731 = memref.load %arg7[%get3A_2730] : memref<128xf32, #tpu.memory_space<smem>>
        %mul3A_2732 = vector.broadcast %get3A_2731 : f32 to vector<16xf32>
        %mul3A_2733 = arith.mulf %gather3A_2728, %mul3A_2732 : vector<16xf32>
        %add3A_2734 = arith.addf %add3A_2723, %mul3A_2733 : vector<16xf32>
        %mul3A_2735 = arith.mulf %gather3A_2728, %gather3A_2728 : vector<16xf32>
        %add3A_2736 = arith.addf %add3A_2725, %mul3A_2735 : vector<16xf32>
        %broadcast_in_dim3A_2737 = arith.constant 84 : i32
        %broadcast_in_dim3A_2738 = vector.broadcast %broadcast_in_dim3A_2737 : i32 to vector<16xi32>
        %gather3A_2739 = tpu.vector_load_idx %arg8[%broadcast_in_dim3A_1793, %min3A_1809, %broadcast_in_dim3A_2738] : memref<2x125x128xf32, #tpu.memory_space<vmem>>[vector<16xi32>, vector<16xi32>, vector<16xi32>], vector<16xf32>,
        %get3A_2740 = arith.constant 84 : i32
        %get3A_2741 = arith.index_cast %get3A_2740 : i32 to index
        %get3A_2742 = memref.load %arg7[%get3A_2741] : memref<128xf32, #tpu.memory_space<smem>>
        %mul3A_2743 = vector.broadcast %get3A_2742 : f32 to vector<16xf32>
        %mul3A_2744 = arith.mulf %gather3A_2739, %mul3A_2743 : vector<16xf32>
        %add3A_2745 = arith.addf %add3A_2734, %mul3A_2744 : vector<16xf32>
        %mul3A_2746 = arith.mulf %gather3A_2739, %gather3A_2739 : vector<16xf32>
        %add3A_2747 = arith.addf %add3A_2736, %mul3A_2746 : vector<16xf32>
        %broadcast_in_dim3A_2748 = arith.constant 85 : i32
        %broadcast_in_dim3A_2749 = vector.broadcast %broadcast_in_dim3A_2748 : i32 to vector<16xi32>
        %gather3A_2750 = tpu.vector_load_idx %arg8[%broadcast_in_dim3A_1793, %min3A_1809, %broadcast_in_dim3A_2749] : memref<2x125x128xf32, #tpu.memory_space<vmem>>[vector<16xi32>, vector<16xi32>, vector<16xi32>], vector<16xf32>,
        %get3A_2751 = arith.constant 85 : i32
        %get3A_2752 = arith.index_cast %get3A_2751 : i32 to index
        %get3A_2753 = memref.load %arg7[%get3A_2752] : memref<128xf32, #tpu.memory_space<smem>>
        %mul3A_2754 = vector.broadcast %get3A_2753 : f32 to vector<16xf32>
        %mul3A_2755 = arith.mulf %gather3A_2750, %mul3A_2754 : vector<16xf32>
        %add3A_2756 = arith.addf %add3A_2745, %mul3A_2755 : vector<16xf32>
        %mul3A_2757 = arith.mulf %gather3A_2750, %gather3A_2750 : vector<16xf32>
        %add3A_2758 = arith.addf %add3A_2747, %mul3A_2757 : vector<16xf32>
        %broadcast_in_dim3A_2759 = arith.constant 86 : i32
        %broadcast_in_dim3A_2760 = vector.broadcast %broadcast_in_dim3A_2759 : i32 to vector<16xi32>
        %gather3A_2761 = tpu.vector_load_idx %arg8[%broadcast_in_dim3A_1793, %min3A_1809, %broadcast_in_dim3A_2760] : memref<2x125x128xf32, #tpu.memory_space<vmem>>[vector<16xi32>, vector<16xi32>, vector<16xi32>], vector<16xf32>,
        %get3A_2762 = arith.constant 86 : i32
        %get3A_2763 = arith.index_cast %get3A_2762 : i32 to index
        %get3A_2764 = memref.load %arg7[%get3A_2763] : memref<128xf32, #tpu.memory_space<smem>>
        %mul3A_2765 = vector.broadcast %get3A_2764 : f32 to vector<16xf32>
        %mul3A_2766 = arith.mulf %gather3A_2761, %mul3A_2765 : vector<16xf32>
        %add3A_2767 = arith.addf %add3A_2756, %mul3A_2766 : vector<16xf32>
        %mul3A_2768 = arith.mulf %gather3A_2761, %gather3A_2761 : vector<16xf32>
        %add3A_2769 = arith.addf %add3A_2758, %mul3A_2768 : vector<16xf32>
        %broadcast_in_dim3A_2770 = arith.constant 87 : i32
        %broadcast_in_dim3A_2771 = vector.broadcast %broadcast_in_dim3A_2770 : i32 to vector<16xi32>
        %gather3A_2772 = tpu.vector_load_idx %arg8[%broadcast_in_dim3A_1793, %min3A_1809, %broadcast_in_dim3A_2771] : memref<2x125x128xf32, #tpu.memory_space<vmem>>[vector<16xi32>, vector<16xi32>, vector<16xi32>], vector<16xf32>,
        %get3A_2773 = arith.constant 87 : i32
        %get3A_2774 = arith.index_cast %get3A_2773 : i32 to index
        %get3A_2775 = memref.load %arg7[%get3A_2774] : memref<128xf32, #tpu.memory_space<smem>>
        %mul3A_2776 = vector.broadcast %get3A_2775 : f32 to vector<16xf32>
        %mul3A_2777 = arith.mulf %gather3A_2772, %mul3A_2776 : vector<16xf32>
        %add3A_2778 = arith.addf %add3A_2767, %mul3A_2777 : vector<16xf32>
        %mul3A_2779 = arith.mulf %gather3A_2772, %gather3A_2772 : vector<16xf32>
        %add3A_2780 = arith.addf %add3A_2769, %mul3A_2779 : vector<16xf32>
        %broadcast_in_dim3A_2781 = arith.constant 88 : i32
        %broadcast_in_dim3A_2782 = vector.broadcast %broadcast_in_dim3A_2781 : i32 to vector<16xi32>
        %gather3A_2783 = tpu.vector_load_idx %arg8[%broadcast_in_dim3A_1793, %min3A_1809, %broadcast_in_dim3A_2782] : memref<2x125x128xf32, #tpu.memory_space<vmem>>[vector<16xi32>, vector<16xi32>, vector<16xi32>], vector<16xf32>,
        %get3A_2784 = arith.constant 88 : i32
        %get3A_2785 = arith.index_cast %get3A_2784 : i32 to index
        %get3A_2786 = memref.load %arg7[%get3A_2785] : memref<128xf32, #tpu.memory_space<smem>>
        %mul3A_2787 = vector.broadcast %get3A_2786 : f32 to vector<16xf32>
        %mul3A_2788 = arith.mulf %gather3A_2783, %mul3A_2787 : vector<16xf32>
        %add3A_2789 = arith.addf %add3A_2778, %mul3A_2788 : vector<16xf32>
        %mul3A_2790 = arith.mulf %gather3A_2783, %gather3A_2783 : vector<16xf32>
        %add3A_2791 = arith.addf %add3A_2780, %mul3A_2790 : vector<16xf32>
        %broadcast_in_dim3A_2792 = arith.constant 89 : i32
        %broadcast_in_dim3A_2793 = vector.broadcast %broadcast_in_dim3A_2792 : i32 to vector<16xi32>
        %gather3A_2794 = tpu.vector_load_idx %arg8[%broadcast_in_dim3A_1793, %min3A_1809, %broadcast_in_dim3A_2793] : memref<2x125x128xf32, #tpu.memory_space<vmem>>[vector<16xi32>, vector<16xi32>, vector<16xi32>], vector<16xf32>,
        %get3A_2795 = arith.constant 89 : i32
        %get3A_2796 = arith.index_cast %get3A_2795 : i32 to index
        %get3A_2797 = memref.load %arg7[%get3A_2796] : memref<128xf32, #tpu.memory_space<smem>>
        %mul3A_2798 = vector.broadcast %get3A_2797 : f32 to vector<16xf32>
        %mul3A_2799 = arith.mulf %gather3A_2794, %mul3A_2798 : vector<16xf32>
        %add3A_2800 = arith.addf %add3A_2789, %mul3A_2799 : vector<16xf32>
        %mul3A_2801 = arith.mulf %gather3A_2794, %gather3A_2794 : vector<16xf32>
        %add3A_2802 = arith.addf %add3A_2791, %mul3A_2801 : vector<16xf32>
        %broadcast_in_dim3A_2803 = arith.constant 90 : i32
        %broadcast_in_dim3A_2804 = vector.broadcast %broadcast_in_dim3A_2803 : i32 to vector<16xi32>
        %gather3A_2805 = tpu.vector_load_idx %arg8[%broadcast_in_dim3A_1793, %min3A_1809, %broadcast_in_dim3A_2804] : memref<2x125x128xf32, #tpu.memory_space<vmem>>[vector<16xi32>, vector<16xi32>, vector<16xi32>], vector<16xf32>,
        %get3A_2806 = arith.constant 90 : i32
        %get3A_2807 = arith.index_cast %get3A_2806 : i32 to index
        %get3A_2808 = memref.load %arg7[%get3A_2807] : memref<128xf32, #tpu.memory_space<smem>>
        %mul3A_2809 = vector.broadcast %get3A_2808 : f32 to vector<16xf32>
        %mul3A_2810 = arith.mulf %gather3A_2805, %mul3A_2809 : vector<16xf32>
        %add3A_2811 = arith.addf %add3A_2800, %mul3A_2810 : vector<16xf32>
        %mul3A_2812 = arith.mulf %gather3A_2805, %gather3A_2805 : vector<16xf32>
        %add3A_2813 = arith.addf %add3A_2802, %mul3A_2812 : vector<16xf32>
        %broadcast_in_dim3A_2814 = arith.constant 91 : i32
        %broadcast_in_dim3A_2815 = vector.broadcast %broadcast_in_dim3A_2814 : i32 to vector<16xi32>
        %gather3A_2816 = tpu.vector_load_idx %arg8[%broadcast_in_dim3A_1793, %min3A_1809, %broadcast_in_dim3A_2815] : memref<2x125x128xf32, #tpu.memory_space<vmem>>[vector<16xi32>, vector<16xi32>, vector<16xi32>], vector<16xf32>,
        %get3A_2817 = arith.constant 91 : i32
        %get3A_2818 = arith.index_cast %get3A_2817 : i32 to index
        %get3A_2819 = memref.load %arg7[%get3A_2818] : memref<128xf32, #tpu.memory_space<smem>>
        %mul3A_2820 = vector.broadcast %get3A_2819 : f32 to vector<16xf32>
        %mul3A_2821 = arith.mulf %gather3A_2816, %mul3A_2820 : vector<16xf32>
        %add3A_2822 = arith.addf %add3A_2811, %mul3A_2821 : vector<16xf32>
        %mul3A_2823 = arith.mulf %gather3A_2816, %gather3A_2816 : vector<16xf32>
        %add3A_2824 = arith.addf %add3A_2813, %mul3A_2823 : vector<16xf32>
        %broadcast_in_dim3A_2825 = arith.constant 92 : i32
        %broadcast_in_dim3A_2826 = vector.broadcast %broadcast_in_dim3A_2825 : i32 to vector<16xi32>
        %gather3A_2827 = tpu.vector_load_idx %arg8[%broadcast_in_dim3A_1793, %min3A_1809, %broadcast_in_dim3A_2826] : memref<2x125x128xf32, #tpu.memory_space<vmem>>[vector<16xi32>, vector<16xi32>, vector<16xi32>], vector<16xf32>,
        %get3A_2828 = arith.constant 92 : i32
        %get3A_2829 = arith.index_cast %get3A_2828 : i32 to index
        %get3A_2830 = memref.load %arg7[%get3A_2829] : memref<128xf32, #tpu.memory_space<smem>>
        %mul3A_2831 = vector.broadcast %get3A_2830 : f32 to vector<16xf32>
        %mul3A_2832 = arith.mulf %gather3A_2827, %mul3A_2831 : vector<16xf32>
        %add3A_2833 = arith.addf %add3A_2822, %mul3A_2832 : vector<16xf32>
        %mul3A_2834 = arith.mulf %gather3A_2827, %gather3A_2827 : vector<16xf32>
        %add3A_2835 = arith.addf %add3A_2824, %mul3A_2834 : vector<16xf32>
        %broadcast_in_dim3A_2836 = arith.constant 93 : i32
        %broadcast_in_dim3A_2837 = vector.broadcast %broadcast_in_dim3A_2836 : i32 to vector<16xi32>
        %gather3A_2838 = tpu.vector_load_idx %arg8[%broadcast_in_dim3A_1793, %min3A_1809, %broadcast_in_dim3A_2837] : memref<2x125x128xf32, #tpu.memory_space<vmem>>[vector<16xi32>, vector<16xi32>, vector<16xi32>], vector<16xf32>,
        %get3A_2839 = arith.constant 93 : i32
        %get3A_2840 = arith.index_cast %get3A_2839 : i32 to index
        %get3A_2841 = memref.load %arg7[%get3A_2840] : memref<128xf32, #tpu.memory_space<smem>>
        %mul3A_2842 = vector.broadcast %get3A_2841 : f32 to vector<16xf32>
        %mul3A_2843 = arith.mulf %gather3A_2838, %mul3A_2842 : vector<16xf32>
        %add3A_2844 = arith.addf %add3A_2833, %mul3A_2843 : vector<16xf32>
        %mul3A_2845 = arith.mulf %gather3A_2838, %gather3A_2838 : vector<16xf32>
        %add3A_2846 = arith.addf %add3A_2835, %mul3A_2845 : vector<16xf32>
        %broadcast_in_dim3A_2847 = arith.constant 94 : i32
        %broadcast_in_dim3A_2848 = vector.broadcast %broadcast_in_dim3A_2847 : i32 to vector<16xi32>
        %gather3A_2849 = tpu.vector_load_idx %arg8[%broadcast_in_dim3A_1793, %min3A_1809, %broadcast_in_dim3A_2848] : memref<2x125x128xf32, #tpu.memory_space<vmem>>[vector<16xi32>, vector<16xi32>, vector<16xi32>], vector<16xf32>,
        %get3A_2850 = arith.constant 94 : i32
        %get3A_2851 = arith.index_cast %get3A_2850 : i32 to index
        %get3A_2852 = memref.load %arg7[%get3A_2851] : memref<128xf32, #tpu.memory_space<smem>>
        %mul3A_2853 = vector.broadcast %get3A_2852 : f32 to vector<16xf32>
        %mul3A_2854 = arith.mulf %gather3A_2849, %mul3A_2853 : vector<16xf32>
        %add3A_2855 = arith.addf %add3A_2844, %mul3A_2854 : vector<16xf32>
        %mul3A_2856 = arith.mulf %gather3A_2849, %gather3A_2849 : vector<16xf32>
        %add3A_2857 = arith.addf %add3A_2846, %mul3A_2856 : vector<16xf32>
        %broadcast_in_dim3A_2858 = arith.constant 95 : i32
        %broadcast_in_dim3A_2859 = vector.broadcast %broadcast_in_dim3A_2858 : i32 to vector<16xi32>
        %gather3A_2860 = tpu.vector_load_idx %arg8[%broadcast_in_dim3A_1793, %min3A_1809, %broadcast_in_dim3A_2859] : memref<2x125x128xf32, #tpu.memory_space<vmem>>[vector<16xi32>, vector<16xi32>, vector<16xi32>], vector<16xf32>,
        %get3A_2861 = arith.constant 95 : i32
        %get3A_2862 = arith.index_cast %get3A_2861 : i32 to index
        %get3A_2863 = memref.load %arg7[%get3A_2862] : memref<128xf32, #tpu.memory_space<smem>>
        %mul3A_2864 = vector.broadcast %get3A_2863 : f32 to vector<16xf32>
        %mul3A_2865 = arith.mulf %gather3A_2860, %mul3A_2864 : vector<16xf32>
        %add3A_2866 = arith.addf %add3A_2855, %mul3A_2865 : vector<16xf32>
        %mul3A_2867 = arith.mulf %gather3A_2860, %gather3A_2860 : vector<16xf32>
        %add3A_2868 = arith.addf %add3A_2857, %mul3A_2867 : vector<16xf32>
        %broadcast_in_dim3A_2869 = arith.constant 96 : i32
        %broadcast_in_dim3A_2870 = vector.broadcast %broadcast_in_dim3A_2869 : i32 to vector<16xi32>
        %gather3A_2871 = tpu.vector_load_idx %arg8[%broadcast_in_dim3A_1793, %min3A_1809, %broadcast_in_dim3A_2870] : memref<2x125x128xf32, #tpu.memory_space<vmem>>[vector<16xi32>, vector<16xi32>, vector<16xi32>], vector<16xf32>,
        %get3A_2872 = arith.constant 96 : i32
        %get3A_2873 = arith.index_cast %get3A_2872 : i32 to index
        %get3A_2874 = memref.load %arg7[%get3A_2873] : memref<128xf32, #tpu.memory_space<smem>>
        %mul3A_2875 = vector.broadcast %get3A_2874 : f32 to vector<16xf32>
        %mul3A_2876 = arith.mulf %gather3A_2871, %mul3A_2875 : vector<16xf32>
        %add3A_2877 = arith.addf %add3A_2866, %mul3A_2876 : vector<16xf32>
        %mul3A_2878 = arith.mulf %gather3A_2871, %gather3A_2871 : vector<16xf32>
        %add3A_2879 = arith.addf %add3A_2868, %mul3A_2878 : vector<16xf32>
        %broadcast_in_dim3A_2880 = arith.constant 97 : i32
        %broadcast_in_dim3A_2881 = vector.broadcast %broadcast_in_dim3A_2880 : i32 to vector<16xi32>
        %gather3A_2882 = tpu.vector_load_idx %arg8[%broadcast_in_dim3A_1793, %min3A_1809, %broadcast_in_dim3A_2881] : memref<2x125x128xf32, #tpu.memory_space<vmem>>[vector<16xi32>, vector<16xi32>, vector<16xi32>], vector<16xf32>,
        %get3A_2883 = arith.constant 97 : i32
        %get3A_2884 = arith.index_cast %get3A_2883 : i32 to index
        %get3A_2885 = memref.load %arg7[%get3A_2884] : memref<128xf32, #tpu.memory_space<smem>>
        %mul3A_2886 = vector.broadcast %get3A_2885 : f32 to vector<16xf32>
        %mul3A_2887 = arith.mulf %gather3A_2882, %mul3A_2886 : vector<16xf32>
        %add3A_2888 = arith.addf %add3A_2877, %mul3A_2887 : vector<16xf32>
        %mul3A_2889 = arith.mulf %gather3A_2882, %gather3A_2882 : vector<16xf32>
        %add3A_2890 = arith.addf %add3A_2879, %mul3A_2889 : vector<16xf32>
        %broadcast_in_dim3A_2891 = arith.constant 98 : i32
        %broadcast_in_dim3A_2892 = vector.broadcast %broadcast_in_dim3A_2891 : i32 to vector<16xi32>
        %gather3A_2893 = tpu.vector_load_idx %arg8[%broadcast_in_dim3A_1793, %min3A_1809, %broadcast_in_dim3A_2892] : memref<2x125x128xf32, #tpu.memory_space<vmem>>[vector<16xi32>, vector<16xi32>, vector<16xi32>], vector<16xf32>,
        %get3A_2894 = arith.constant 98 : i32
        %get3A_2895 = arith.index_cast %get3A_2894 : i32 to index
        %get3A_2896 = memref.load %arg7[%get3A_2895] : memref<128xf32, #tpu.memory_space<smem>>
        %mul3A_2897 = vector.broadcast %get3A_2896 : f32 to vector<16xf32>
        %mul3A_2898 = arith.mulf %gather3A_2893, %mul3A_2897 : vector<16xf32>
        %add3A_2899 = arith.addf %add3A_2888, %mul3A_2898 : vector<16xf32>
        %mul3A_2900 = arith.mulf %gather3A_2893, %gather3A_2893 : vector<16xf32>
        %add3A_2901 = arith.addf %add3A_2890, %mul3A_2900 : vector<16xf32>
        %broadcast_in_dim3A_2902 = arith.constant 99 : i32
        %broadcast_in_dim3A_2903 = vector.broadcast %broadcast_in_dim3A_2902 : i32 to vector<16xi32>
        %gather3A_2904 = tpu.vector_load_idx %arg8[%broadcast_in_dim3A_1793, %min3A_1809, %broadcast_in_dim3A_2903] : memref<2x125x128xf32, #tpu.memory_space<vmem>>[vector<16xi32>, vector<16xi32>, vector<16xi32>], vector<16xf32>,
        %get3A_2905 = arith.constant 99 : i32
        %get3A_2906 = arith.index_cast %get3A_2905 : i32 to index
        %get3A_2907 = memref.load %arg7[%get3A_2906] : memref<128xf32, #tpu.memory_space<smem>>
        %mul3A_2908 = vector.broadcast %get3A_2907 : f32 to vector<16xf32>
        %mul3A_2909 = arith.mulf %gather3A_2904, %mul3A_2908 : vector<16xf32>
        %add3A_2910 = arith.addf %add3A_2899, %mul3A_2909 : vector<16xf32>
        %mul3A_2911 = arith.mulf %gather3A_2904, %gather3A_2904 : vector<16xf32>
        %add3A_2912 = arith.addf %add3A_2901, %mul3A_2911 : vector<16xf32>
        %broadcast_in_dim3A_2913 = arith.constant 100 : i32
        %broadcast_in_dim3A_2914 = vector.broadcast %broadcast_in_dim3A_2913 : i32 to vector<16xi32>
        %gather3A_2915 = tpu.vector_load_idx %arg8[%broadcast_in_dim3A_1793, %min3A_1809, %broadcast_in_dim3A_2914] : memref<2x125x128xf32, #tpu.memory_space<vmem>>[vector<16xi32>, vector<16xi32>, vector<16xi32>], vector<16xf32>,
        %get3A_2916 = arith.constant 100 : i32
        %get3A_2917 = arith.index_cast %get3A_2916 : i32 to index
        %get3A_2918 = memref.load %arg7[%get3A_2917] : memref<128xf32, #tpu.memory_space<smem>>
        %mul3A_2919 = vector.broadcast %get3A_2918 : f32 to vector<16xf32>
        %mul3A_2920 = arith.mulf %gather3A_2915, %mul3A_2919 : vector<16xf32>
        %add3A_2921 = arith.addf %add3A_2910, %mul3A_2920 : vector<16xf32>
        %mul3A_2922 = arith.mulf %gather3A_2915, %gather3A_2915 : vector<16xf32>
        %add3A_2923 = arith.addf %add3A_2912, %mul3A_2922 : vector<16xf32>
        %broadcast_in_dim3A_2924 = arith.constant 101 : i32
        %broadcast_in_dim3A_2925 = vector.broadcast %broadcast_in_dim3A_2924 : i32 to vector<16xi32>
        %gather3A_2926 = tpu.vector_load_idx %arg8[%broadcast_in_dim3A_1793, %min3A_1809, %broadcast_in_dim3A_2925] : memref<2x125x128xf32, #tpu.memory_space<vmem>>[vector<16xi32>, vector<16xi32>, vector<16xi32>], vector<16xf32>,
        %get3A_2927 = arith.constant 101 : i32
        %get3A_2928 = arith.index_cast %get3A_2927 : i32 to index
        %get3A_2929 = memref.load %arg7[%get3A_2928] : memref<128xf32, #tpu.memory_space<smem>>
        %mul3A_2930 = vector.broadcast %get3A_2929 : f32 to vector<16xf32>
        %mul3A_2931 = arith.mulf %gather3A_2926, %mul3A_2930 : vector<16xf32>
        %add3A_2932 = arith.addf %add3A_2921, %mul3A_2931 : vector<16xf32>
        %mul3A_2933 = arith.mulf %gather3A_2926, %gather3A_2926 : vector<16xf32>
        %add3A_2934 = arith.addf %add3A_2923, %mul3A_2933 : vector<16xf32>
        %broadcast_in_dim3A_2935 = arith.constant 102 : i32
        %broadcast_in_dim3A_2936 = vector.broadcast %broadcast_in_dim3A_2935 : i32 to vector<16xi32>
        %gather3A_2937 = tpu.vector_load_idx %arg8[%broadcast_in_dim3A_1793, %min3A_1809, %broadcast_in_dim3A_2936] : memref<2x125x128xf32, #tpu.memory_space<vmem>>[vector<16xi32>, vector<16xi32>, vector<16xi32>], vector<16xf32>,
        %get3A_2938 = arith.constant 102 : i32
        %get3A_2939 = arith.index_cast %get3A_2938 : i32 to index
        %get3A_2940 = memref.load %arg7[%get3A_2939] : memref<128xf32, #tpu.memory_space<smem>>
        %mul3A_2941 = vector.broadcast %get3A_2940 : f32 to vector<16xf32>
        %mul3A_2942 = arith.mulf %gather3A_2937, %mul3A_2941 : vector<16xf32>
        %add3A_2943 = arith.addf %add3A_2932, %mul3A_2942 : vector<16xf32>
        %mul3A_2944 = arith.mulf %gather3A_2937, %gather3A_2937 : vector<16xf32>
        %add3A_2945 = arith.addf %add3A_2934, %mul3A_2944 : vector<16xf32>
        %broadcast_in_dim3A_2946 = arith.constant 103 : i32
        %broadcast_in_dim3A_2947 = vector.broadcast %broadcast_in_dim3A_2946 : i32 to vector<16xi32>
        %gather3A_2948 = tpu.vector_load_idx %arg8[%broadcast_in_dim3A_1793, %min3A_1809, %broadcast_in_dim3A_2947] : memref<2x125x128xf32, #tpu.memory_space<vmem>>[vector<16xi32>, vector<16xi32>, vector<16xi32>], vector<16xf32>,
        %get3A_2949 = arith.constant 103 : i32
        %get3A_2950 = arith.index_cast %get3A_2949 : i32 to index
        %get3A_2951 = memref.load %arg7[%get3A_2950] : memref<128xf32, #tpu.memory_space<smem>>
        %mul3A_2952 = vector.broadcast %get3A_2951 : f32 to vector<16xf32>
        %mul3A_2953 = arith.mulf %gather3A_2948, %mul3A_2952 : vector<16xf32>
        %add3A_2954 = arith.addf %add3A_2943, %mul3A_2953 : vector<16xf32>
        %mul3A_2955 = arith.mulf %gather3A_2948, %gather3A_2948 : vector<16xf32>
        %add3A_2956 = arith.addf %add3A_2945, %mul3A_2955 : vector<16xf32>
        %broadcast_in_dim3A_2957 = arith.constant 104 : i32
        %broadcast_in_dim3A_2958 = vector.broadcast %broadcast_in_dim3A_2957 : i32 to vector<16xi32>
        %gather3A_2959 = tpu.vector_load_idx %arg8[%broadcast_in_dim3A_1793, %min3A_1809, %broadcast_in_dim3A_2958] : memref<2x125x128xf32, #tpu.memory_space<vmem>>[vector<16xi32>, vector<16xi32>, vector<16xi32>], vector<16xf32>,
        %get3A_2960 = arith.constant 104 : i32
        %get3A_2961 = arith.index_cast %get3A_2960 : i32 to index
        %get3A_2962 = memref.load %arg7[%get3A_2961] : memref<128xf32, #tpu.memory_space<smem>>
        %mul3A_2963 = vector.broadcast %get3A_2962 : f32 to vector<16xf32>
        %mul3A_2964 = arith.mulf %gather3A_2959, %mul3A_2963 : vector<16xf32>
        %add3A_2965 = arith.addf %add3A_2954, %mul3A_2964 : vector<16xf32>
        %mul3A_2966 = arith.mulf %gather3A_2959, %gather3A_2959 : vector<16xf32>
        %add3A_2967 = arith.addf %add3A_2956, %mul3A_2966 : vector<16xf32>
        %broadcast_in_dim3A_2968 = arith.constant 105 : i32
        %broadcast_in_dim3A_2969 = vector.broadcast %broadcast_in_dim3A_2968 : i32 to vector<16xi32>
        %gather3A_2970 = tpu.vector_load_idx %arg8[%broadcast_in_dim3A_1793, %min3A_1809, %broadcast_in_dim3A_2969] : memref<2x125x128xf32, #tpu.memory_space<vmem>>[vector<16xi32>, vector<16xi32>, vector<16xi32>], vector<16xf32>,
        %get3A_2971 = arith.constant 105 : i32
        %get3A_2972 = arith.index_cast %get3A_2971 : i32 to index
        %get3A_2973 = memref.load %arg7[%get3A_2972] : memref<128xf32, #tpu.memory_space<smem>>
        %mul3A_2974 = vector.broadcast %get3A_2973 : f32 to vector<16xf32>
        %mul3A_2975 = arith.mulf %gather3A_2970, %mul3A_2974 : vector<16xf32>
        %add3A_2976 = arith.addf %add3A_2965, %mul3A_2975 : vector<16xf32>
        %mul3A_2977 = arith.mulf %gather3A_2970, %gather3A_2970 : vector<16xf32>
        %add3A_2978 = arith.addf %add3A_2967, %mul3A_2977 : vector<16xf32>
        %broadcast_in_dim3A_2979 = arith.constant 106 : i32
        %broadcast_in_dim3A_2980 = vector.broadcast %broadcast_in_dim3A_2979 : i32 to vector<16xi32>
        %gather3A_2981 = tpu.vector_load_idx %arg8[%broadcast_in_dim3A_1793, %min3A_1809, %broadcast_in_dim3A_2980] : memref<2x125x128xf32, #tpu.memory_space<vmem>>[vector<16xi32>, vector<16xi32>, vector<16xi32>], vector<16xf32>,
        %get3A_2982 = arith.constant 106 : i32
        %get3A_2983 = arith.index_cast %get3A_2982 : i32 to index
        %get3A_2984 = memref.load %arg7[%get3A_2983] : memref<128xf32, #tpu.memory_space<smem>>
        %mul3A_2985 = vector.broadcast %get3A_2984 : f32 to vector<16xf32>
        %mul3A_2986 = arith.mulf %gather3A_2981, %mul3A_2985 : vector<16xf32>
        %add3A_2987 = arith.addf %add3A_2976, %mul3A_2986 : vector<16xf32>
        %mul3A_2988 = arith.mulf %gather3A_2981, %gather3A_2981 : vector<16xf32>
        %add3A_2989 = arith.addf %add3A_2978, %mul3A_2988 : vector<16xf32>
        %broadcast_in_dim3A_2990 = arith.constant 107 : i32
        %broadcast_in_dim3A_2991 = vector.broadcast %broadcast_in_dim3A_2990 : i32 to vector<16xi32>
        %gather3A_2992 = tpu.vector_load_idx %arg8[%broadcast_in_dim3A_1793, %min3A_1809, %broadcast_in_dim3A_2991] : memref<2x125x128xf32, #tpu.memory_space<vmem>>[vector<16xi32>, vector<16xi32>, vector<16xi32>], vector<16xf32>,
        %get3A_2993 = arith.constant 107 : i32
        %get3A_2994 = arith.index_cast %get3A_2993 : i32 to index
        %get3A_2995 = memref.load %arg7[%get3A_2994] : memref<128xf32, #tpu.memory_space<smem>>
        %mul3A_2996 = vector.broadcast %get3A_2995 : f32 to vector<16xf32>
        %mul3A_2997 = arith.mulf %gather3A_2992, %mul3A_2996 : vector<16xf32>
        %add3A_2998 = arith.addf %add3A_2987, %mul3A_2997 : vector<16xf32>
        %mul3A_2999 = arith.mulf %gather3A_2992, %gather3A_2992 : vector<16xf32>
        %add3A_3000 = arith.addf %add3A_2989, %mul3A_2999 : vector<16xf32>
        %broadcast_in_dim3A_3001 = arith.constant 108 : i32
        %broadcast_in_dim3A_3002 = vector.broadcast %broadcast_in_dim3A_3001 : i32 to vector<16xi32>
        %gather3A_3003 = tpu.vector_load_idx %arg8[%broadcast_in_dim3A_1793, %min3A_1809, %broadcast_in_dim3A_3002] : memref<2x125x128xf32, #tpu.memory_space<vmem>>[vector<16xi32>, vector<16xi32>, vector<16xi32>], vector<16xf32>,
        %get3A_3004 = arith.constant 108 : i32
        %get3A_3005 = arith.index_cast %get3A_3004 : i32 to index
        %get3A_3006 = memref.load %arg7[%get3A_3005] : memref<128xf32, #tpu.memory_space<smem>>
        %mul3A_3007 = vector.broadcast %get3A_3006 : f32 to vector<16xf32>
        %mul3A_3008 = arith.mulf %gather3A_3003, %mul3A_3007 : vector<16xf32>
        %add3A_3009 = arith.addf %add3A_2998, %mul3A_3008 : vector<16xf32>
        %mul3A_3010 = arith.mulf %gather3A_3003, %gather3A_3003 : vector<16xf32>
        %add3A_3011 = arith.addf %add3A_3000, %mul3A_3010 : vector<16xf32>
        %broadcast_in_dim3A_3012 = arith.constant 109 : i32
        %broadcast_in_dim3A_3013 = vector.broadcast %broadcast_in_dim3A_3012 : i32 to vector<16xi32>
        %gather3A_3014 = tpu.vector_load_idx %arg8[%broadcast_in_dim3A_1793, %min3A_1809, %broadcast_in_dim3A_3013] : memref<2x125x128xf32, #tpu.memory_space<vmem>>[vector<16xi32>, vector<16xi32>, vector<16xi32>], vector<16xf32>,
        %get3A_3015 = arith.constant 109 : i32
        %get3A_3016 = arith.index_cast %get3A_3015 : i32 to index
        %get3A_3017 = memref.load %arg7[%get3A_3016] : memref<128xf32, #tpu.memory_space<smem>>
        %mul3A_3018 = vector.broadcast %get3A_3017 : f32 to vector<16xf32>
        %mul3A_3019 = arith.mulf %gather3A_3014, %mul3A_3018 : vector<16xf32>
        %add3A_3020 = arith.addf %add3A_3009, %mul3A_3019 : vector<16xf32>
        %mul3A_3021 = arith.mulf %gather3A_3014, %gather3A_3014 : vector<16xf32>
        %add3A_3022 = arith.addf %add3A_3011, %mul3A_3021 : vector<16xf32>
        %broadcast_in_dim3A_3023 = arith.constant 110 : i32
        %broadcast_in_dim3A_3024 = vector.broadcast %broadcast_in_dim3A_3023 : i32 to vector<16xi32>
        %gather3A_3025 = tpu.vector_load_idx %arg8[%broadcast_in_dim3A_1793, %min3A_1809, %broadcast_in_dim3A_3024] : memref<2x125x128xf32, #tpu.memory_space<vmem>>[vector<16xi32>, vector<16xi32>, vector<16xi32>], vector<16xf32>,
        %get3A_3026 = arith.constant 110 : i32
        %get3A_3027 = arith.index_cast %get3A_3026 : i32 to index
        %get3A_3028 = memref.load %arg7[%get3A_3027] : memref<128xf32, #tpu.memory_space<smem>>
        %mul3A_3029 = vector.broadcast %get3A_3028 : f32 to vector<16xf32>
        %mul3A_3030 = arith.mulf %gather3A_3025, %mul3A_3029 : vector<16xf32>
        %add3A_3031 = arith.addf %add3A_3020, %mul3A_3030 : vector<16xf32>
        %mul3A_3032 = arith.mulf %gather3A_3025, %gather3A_3025 : vector<16xf32>
        %add3A_3033 = arith.addf %add3A_3022, %mul3A_3032 : vector<16xf32>
        %broadcast_in_dim3A_3034 = arith.constant 111 : i32
        %broadcast_in_dim3A_3035 = vector.broadcast %broadcast_in_dim3A_3034 : i32 to vector<16xi32>
        %gather3A_3036 = tpu.vector_load_idx %arg8[%broadcast_in_dim3A_1793, %min3A_1809, %broadcast_in_dim3A_3035] : memref<2x125x128xf32, #tpu.memory_space<vmem>>[vector<16xi32>, vector<16xi32>, vector<16xi32>], vector<16xf32>,
        %get3A_3037 = arith.constant 111 : i32
        %get3A_3038 = arith.index_cast %get3A_3037 : i32 to index
        %get3A_3039 = memref.load %arg7[%get3A_3038] : memref<128xf32, #tpu.memory_space<smem>>
        %mul3A_3040 = vector.broadcast %get3A_3039 : f32 to vector<16xf32>
        %mul3A_3041 = arith.mulf %gather3A_3036, %mul3A_3040 : vector<16xf32>
        %add3A_3042 = arith.addf %add3A_3031, %mul3A_3041 : vector<16xf32>
        %mul3A_3043 = arith.mulf %gather3A_3036, %gather3A_3036 : vector<16xf32>
        %add3A_3044 = arith.addf %add3A_3033, %mul3A_3043 : vector<16xf32>
        %broadcast_in_dim3A_3045 = arith.constant 112 : i32
        %broadcast_in_dim3A_3046 = vector.broadcast %broadcast_in_dim3A_3045 : i32 to vector<16xi32>
        %gather3A_3047 = tpu.vector_load_idx %arg8[%broadcast_in_dim3A_1793, %min3A_1809, %broadcast_in_dim3A_3046] : memref<2x125x128xf32, #tpu.memory_space<vmem>>[vector<16xi32>, vector<16xi32>, vector<16xi32>], vector<16xf32>,
        %get3A_3048 = arith.constant 112 : i32
        %get3A_3049 = arith.index_cast %get3A_3048 : i32 to index
        %get3A_3050 = memref.load %arg7[%get3A_3049] : memref<128xf32, #tpu.memory_space<smem>>
        %mul3A_3051 = vector.broadcast %get3A_3050 : f32 to vector<16xf32>
        %mul3A_3052 = arith.mulf %gather3A_3047, %mul3A_3051 : vector<16xf32>
        %add3A_3053 = arith.addf %add3A_3042, %mul3A_3052 : vector<16xf32>
        %mul3A_3054 = arith.mulf %gather3A_3047, %gather3A_3047 : vector<16xf32>
        %add3A_3055 = arith.addf %add3A_3044, %mul3A_3054 : vector<16xf32>
        %broadcast_in_dim3A_3056 = arith.constant 113 : i32
        %broadcast_in_dim3A_3057 = vector.broadcast %broadcast_in_dim3A_3056 : i32 to vector<16xi32>
        %gather3A_3058 = tpu.vector_load_idx %arg8[%broadcast_in_dim3A_1793, %min3A_1809, %broadcast_in_dim3A_3057] : memref<2x125x128xf32, #tpu.memory_space<vmem>>[vector<16xi32>, vector<16xi32>, vector<16xi32>], vector<16xf32>,
        %get3A_3059 = arith.constant 113 : i32
        %get3A_3060 = arith.index_cast %get3A_3059 : i32 to index
        %get3A_3061 = memref.load %arg7[%get3A_3060] : memref<128xf32, #tpu.memory_space<smem>>
        %mul3A_3062 = vector.broadcast %get3A_3061 : f32 to vector<16xf32>
        %mul3A_3063 = arith.mulf %gather3A_3058, %mul3A_3062 : vector<16xf32>
        %add3A_3064 = arith.addf %add3A_3053, %mul3A_3063 : vector<16xf32>
        %mul3A_3065 = arith.mulf %gather3A_3058, %gather3A_3058 : vector<16xf32>
        %add3A_3066 = arith.addf %add3A_3055, %mul3A_3065 : vector<16xf32>
        %broadcast_in_dim3A_3067 = arith.constant 114 : i32
        %broadcast_in_dim3A_3068 = vector.broadcast %broadcast_in_dim3A_3067 : i32 to vector<16xi32>
        %gather3A_3069 = tpu.vector_load_idx %arg8[%broadcast_in_dim3A_1793, %min3A_1809, %broadcast_in_dim3A_3068] : memref<2x125x128xf32, #tpu.memory_space<vmem>>[vector<16xi32>, vector<16xi32>, vector<16xi32>], vector<16xf32>,
        %get3A_3070 = arith.constant 114 : i32
        %get3A_3071 = arith.index_cast %get3A_3070 : i32 to index
        %get3A_3072 = memref.load %arg7[%get3A_3071] : memref<128xf32, #tpu.memory_space<smem>>
        %mul3A_3073 = vector.broadcast %get3A_3072 : f32 to vector<16xf32>
        %mul3A_3074 = arith.mulf %gather3A_3069, %mul3A_3073 : vector<16xf32>
        %add3A_3075 = arith.addf %add3A_3064, %mul3A_3074 : vector<16xf32>
        %mul3A_3076 = arith.mulf %gather3A_3069, %gather3A_3069 : vector<16xf32>
        %add3A_3077 = arith.addf %add3A_3066, %mul3A_3076 : vector<16xf32>
        %broadcast_in_dim3A_3078 = arith.constant 115 : i32
        %broadcast_in_dim3A_3079 = vector.broadcast %broadcast_in_dim3A_3078 : i32 to vector<16xi32>
        %gather3A_3080 = tpu.vector_load_idx %arg8[%broadcast_in_dim3A_1793, %min3A_1809, %broadcast_in_dim3A_3079] : memref<2x125x128xf32, #tpu.memory_space<vmem>>[vector<16xi32>, vector<16xi32>, vector<16xi32>], vector<16xf32>,
        %get3A_3081 = arith.constant 115 : i32
        %get3A_3082 = arith.index_cast %get3A_3081 : i32 to index
        %get3A_3083 = memref.load %arg7[%get3A_3082] : memref<128xf32, #tpu.memory_space<smem>>
        %mul3A_3084 = vector.broadcast %get3A_3083 : f32 to vector<16xf32>
        %mul3A_3085 = arith.mulf %gather3A_3080, %mul3A_3084 : vector<16xf32>
        %add3A_3086 = arith.addf %add3A_3075, %mul3A_3085 : vector<16xf32>
        %mul3A_3087 = arith.mulf %gather3A_3080, %gather3A_3080 : vector<16xf32>
        %add3A_3088 = arith.addf %add3A_3077, %mul3A_3087 : vector<16xf32>
        %broadcast_in_dim3A_3089 = arith.constant 116 : i32
        %broadcast_in_dim3A_3090 = vector.broadcast %broadcast_in_dim3A_3089 : i32 to vector<16xi32>
        %gather3A_3091 = tpu.vector_load_idx %arg8[%broadcast_in_dim3A_1793, %min3A_1809, %broadcast_in_dim3A_3090] : memref<2x125x128xf32, #tpu.memory_space<vmem>>[vector<16xi32>, vector<16xi32>, vector<16xi32>], vector<16xf32>,
        %get3A_3092 = arith.constant 116 : i32
        %get3A_3093 = arith.index_cast %get3A_3092 : i32 to index
        %get3A_3094 = memref.load %arg7[%get3A_3093] : memref<128xf32, #tpu.memory_space<smem>>
        %mul3A_3095 = vector.broadcast %get3A_3094 : f32 to vector<16xf32>
        %mul3A_3096 = arith.mulf %gather3A_3091, %mul3A_3095 : vector<16xf32>
        %add3A_3097 = arith.addf %add3A_3086, %mul3A_3096 : vector<16xf32>
        %mul3A_3098 = arith.mulf %gather3A_3091, %gather3A_3091 : vector<16xf32>
        %add3A_3099 = arith.addf %add3A_3088, %mul3A_3098 : vector<16xf32>
        %broadcast_in_dim3A_3100 = arith.constant 117 : i32
        %broadcast_in_dim3A_3101 = vector.broadcast %broadcast_in_dim3A_3100 : i32 to vector<16xi32>
        %gather3A_3102 = tpu.vector_load_idx %arg8[%broadcast_in_dim3A_1793, %min3A_1809, %broadcast_in_dim3A_3101] : memref<2x125x128xf32, #tpu.memory_space<vmem>>[vector<16xi32>, vector<16xi32>, vector<16xi32>], vector<16xf32>,
        %get3A_3103 = arith.constant 117 : i32
        %get3A_3104 = arith.index_cast %get3A_3103 : i32 to index
        %get3A_3105 = memref.load %arg7[%get3A_3104] : memref<128xf32, #tpu.memory_space<smem>>
        %mul3A_3106 = vector.broadcast %get3A_3105 : f32 to vector<16xf32>
        %mul3A_3107 = arith.mulf %gather3A_3102, %mul3A_3106 : vector<16xf32>
        %add3A_3108 = arith.addf %add3A_3097, %mul3A_3107 : vector<16xf32>
        %mul3A_3109 = arith.mulf %gather3A_3102, %gather3A_3102 : vector<16xf32>
        %add3A_3110 = arith.addf %add3A_3099, %mul3A_3109 : vector<16xf32>
        %broadcast_in_dim3A_3111 = arith.constant 118 : i32
        %broadcast_in_dim3A_3112 = vector.broadcast %broadcast_in_dim3A_3111 : i32 to vector<16xi32>
        %gather3A_3113 = tpu.vector_load_idx %arg8[%broadcast_in_dim3A_1793, %min3A_1809, %broadcast_in_dim3A_3112] : memref<2x125x128xf32, #tpu.memory_space<vmem>>[vector<16xi32>, vector<16xi32>, vector<16xi32>], vector<16xf32>,
        %get3A_3114 = arith.constant 118 : i32
        %get3A_3115 = arith.index_cast %get3A_3114 : i32 to index
        %get3A_3116 = memref.load %arg7[%get3A_3115] : memref<128xf32, #tpu.memory_space<smem>>
        %mul3A_3117 = vector.broadcast %get3A_3116 : f32 to vector<16xf32>
        %mul3A_3118 = arith.mulf %gather3A_3113, %mul3A_3117 : vector<16xf32>
        %add3A_3119 = arith.addf %add3A_3108, %mul3A_3118 : vector<16xf32>
        %mul3A_3120 = arith.mulf %gather3A_3113, %gather3A_3113 : vector<16xf32>
        %add3A_3121 = arith.addf %add3A_3110, %mul3A_3120 : vector<16xf32>
        %broadcast_in_dim3A_3122 = arith.constant 119 : i32
        %broadcast_in_dim3A_3123 = vector.broadcast %broadcast_in_dim3A_3122 : i32 to vector<16xi32>
        %gather3A_3124 = tpu.vector_load_idx %arg8[%broadcast_in_dim3A_1793, %min3A_1809, %broadcast_in_dim3A_3123] : memref<2x125x128xf32, #tpu.memory_space<vmem>>[vector<16xi32>, vector<16xi32>, vector<16xi32>], vector<16xf32>,
        %get3A_3125 = arith.constant 119 : i32
        %get3A_3126 = arith.index_cast %get3A_3125 : i32 to index
        %get3A_3127 = memref.load %arg7[%get3A_3126] : memref<128xf32, #tpu.memory_space<smem>>
        %mul3A_3128 = vector.broadcast %get3A_3127 : f32 to vector<16xf32>
        %mul3A_3129 = arith.mulf %gather3A_3124, %mul3A_3128 : vector<16xf32>
        %add3A_3130 = arith.addf %add3A_3119, %mul3A_3129 : vector<16xf32>
        %mul3A_3131 = arith.mulf %gather3A_3124, %gather3A_3124 : vector<16xf32>
        %add3A_3132 = arith.addf %add3A_3121, %mul3A_3131 : vector<16xf32>
        %broadcast_in_dim3A_3133 = arith.constant 120 : i32
        %broadcast_in_dim3A_3134 = vector.broadcast %broadcast_in_dim3A_3133 : i32 to vector<16xi32>
        %gather3A_3135 = tpu.vector_load_idx %arg8[%broadcast_in_dim3A_1793, %min3A_1809, %broadcast_in_dim3A_3134] : memref<2x125x128xf32, #tpu.memory_space<vmem>>[vector<16xi32>, vector<16xi32>, vector<16xi32>], vector<16xf32>,
        %get3A_3136 = arith.constant 120 : i32
        %get3A_3137 = arith.index_cast %get3A_3136 : i32 to index
        %get3A_3138 = memref.load %arg7[%get3A_3137] : memref<128xf32, #tpu.memory_space<smem>>
        %mul3A_3139 = vector.broadcast %get3A_3138 : f32 to vector<16xf32>
        %mul3A_3140 = arith.mulf %gather3A_3135, %mul3A_3139 : vector<16xf32>
        %add3A_3141 = arith.addf %add3A_3130, %mul3A_3140 : vector<16xf32>
        %mul3A_3142 = arith.mulf %gather3A_3135, %gather3A_3135 : vector<16xf32>
        %add3A_3143 = arith.addf %add3A_3132, %mul3A_3142 : vector<16xf32>
        %broadcast_in_dim3A_3144 = arith.constant 121 : i32
        %broadcast_in_dim3A_3145 = vector.broadcast %broadcast_in_dim3A_3144 : i32 to vector<16xi32>
        %gather3A_3146 = tpu.vector_load_idx %arg8[%broadcast_in_dim3A_1793, %min3A_1809, %broadcast_in_dim3A_3145] : memref<2x125x128xf32, #tpu.memory_space<vmem>>[vector<16xi32>, vector<16xi32>, vector<16xi32>], vector<16xf32>,
        %get3A_3147 = arith.constant 121 : i32
        %get3A_3148 = arith.index_cast %get3A_3147 : i32 to index
        %get3A_3149 = memref.load %arg7[%get3A_3148] : memref<128xf32, #tpu.memory_space<smem>>
        %mul3A_3150 = vector.broadcast %get3A_3149 : f32 to vector<16xf32>
        %mul3A_3151 = arith.mulf %gather3A_3146, %mul3A_3150 : vector<16xf32>
        %add3A_3152 = arith.addf %add3A_3141, %mul3A_3151 : vector<16xf32>
        %mul3A_3153 = arith.mulf %gather3A_3146, %gather3A_3146 : vector<16xf32>
        %add3A_3154 = arith.addf %add3A_3143, %mul3A_3153 : vector<16xf32>
        %broadcast_in_dim3A_3155 = arith.constant 122 : i32
        %broadcast_in_dim3A_3156 = vector.broadcast %broadcast_in_dim3A_3155 : i32 to vector<16xi32>
        %gather3A_3157 = tpu.vector_load_idx %arg8[%broadcast_in_dim3A_1793, %min3A_1809, %broadcast_in_dim3A_3156] : memref<2x125x128xf32, #tpu.memory_space<vmem>>[vector<16xi32>, vector<16xi32>, vector<16xi32>], vector<16xf32>,
        %get3A_3158 = arith.constant 122 : i32
        %get3A_3159 = arith.index_cast %get3A_3158 : i32 to index
        %get3A_3160 = memref.load %arg7[%get3A_3159] : memref<128xf32, #tpu.memory_space<smem>>
        %mul3A_3161 = vector.broadcast %get3A_3160 : f32 to vector<16xf32>
        %mul3A_3162 = arith.mulf %gather3A_3157, %mul3A_3161 : vector<16xf32>
        %add3A_3163 = arith.addf %add3A_3152, %mul3A_3162 : vector<16xf32>
        %mul3A_3164 = arith.mulf %gather3A_3157, %gather3A_3157 : vector<16xf32>
        %add3A_3165 = arith.addf %add3A_3154, %mul3A_3164 : vector<16xf32>
        %broadcast_in_dim3A_3166 = arith.constant 123 : i32
        %broadcast_in_dim3A_3167 = vector.broadcast %broadcast_in_dim3A_3166 : i32 to vector<16xi32>
        %gather3A_3168 = tpu.vector_load_idx %arg8[%broadcast_in_dim3A_1793, %min3A_1809, %broadcast_in_dim3A_3167] : memref<2x125x128xf32, #tpu.memory_space<vmem>>[vector<16xi32>, vector<16xi32>, vector<16xi32>], vector<16xf32>,
        %get3A_3169 = arith.constant 123 : i32
        %get3A_3170 = arith.index_cast %get3A_3169 : i32 to index
        %get3A_3171 = memref.load %arg7[%get3A_3170] : memref<128xf32, #tpu.memory_space<smem>>
        %mul3A_3172 = vector.broadcast %get3A_3171 : f32 to vector<16xf32>
        %mul3A_3173 = arith.mulf %gather3A_3168, %mul3A_3172 : vector<16xf32>
        %add3A_3174 = arith.addf %add3A_3163, %mul3A_3173 : vector<16xf32>
        %mul3A_3175 = arith.mulf %gather3A_3168, %gather3A_3168 : vector<16xf32>
        %add3A_3176 = arith.addf %add3A_3165, %mul3A_3175 : vector<16xf32>
        %broadcast_in_dim3A_3177 = arith.constant 124 : i32
        %broadcast_in_dim3A_3178 = vector.broadcast %broadcast_in_dim3A_3177 : i32 to vector<16xi32>
        %gather3A_3179 = tpu.vector_load_idx %arg8[%broadcast_in_dim3A_1793, %min3A_1809, %broadcast_in_dim3A_3178] : memref<2x125x128xf32, #tpu.memory_space<vmem>>[vector<16xi32>, vector<16xi32>, vector<16xi32>], vector<16xf32>,
        %get3A_3180 = arith.constant 124 : i32
        %get3A_3181 = arith.index_cast %get3A_3180 : i32 to index
        %get3A_3182 = memref.load %arg7[%get3A_3181] : memref<128xf32, #tpu.memory_space<smem>>
        %mul3A_3183 = vector.broadcast %get3A_3182 : f32 to vector<16xf32>
        %mul3A_3184 = arith.mulf %gather3A_3179, %mul3A_3183 : vector<16xf32>
        %add3A_3185 = arith.addf %add3A_3174, %mul3A_3184 : vector<16xf32>
        %mul3A_3186 = arith.mulf %gather3A_3179, %gather3A_3179 : vector<16xf32>
        %add3A_3187 = arith.addf %add3A_3176, %mul3A_3186 : vector<16xf32>
        %broadcast_in_dim3A_3188 = arith.constant 125 : i32
        %broadcast_in_dim3A_3189 = vector.broadcast %broadcast_in_dim3A_3188 : i32 to vector<16xi32>
        %gather3A_3190 = tpu.vector_load_idx %arg8[%broadcast_in_dim3A_1793, %min3A_1809, %broadcast_in_dim3A_3189] : memref<2x125x128xf32, #tpu.memory_space<vmem>>[vector<16xi32>, vector<16xi32>, vector<16xi32>], vector<16xf32>,
        %get3A_3191 = arith.constant 125 : i32
        %get3A_3192 = arith.index_cast %get3A_3191 : i32 to index
        %get3A_3193 = memref.load %arg7[%get3A_3192] : memref<128xf32, #tpu.memory_space<smem>>
        %mul3A_3194 = vector.broadcast %get3A_3193 : f32 to vector<16xf32>
        %mul3A_3195 = arith.mulf %gather3A_3190, %mul3A_3194 : vector<16xf32>
        %add3A_3196 = arith.addf %add3A_3185, %mul3A_3195 : vector<16xf32>
        %mul3A_3197 = arith.mulf %gather3A_3190, %gather3A_3190 : vector<16xf32>
        %add3A_3198 = arith.addf %add3A_3187, %mul3A_3197 : vector<16xf32>
        %broadcast_in_dim3A_3199 = arith.constant 126 : i32
        %broadcast_in_dim3A_3200 = vector.broadcast %broadcast_in_dim3A_3199 : i32 to vector<16xi32>
        %gather3A_3201 = tpu.vector_load_idx %arg8[%broadcast_in_dim3A_1793, %min3A_1809, %broadcast_in_dim3A_3200] : memref<2x125x128xf32, #tpu.memory_space<vmem>>[vector<16xi32>, vector<16xi32>, vector<16xi32>], vector<16xf32>,
        %get3A_3202 = arith.constant 126 : i32
        %get3A_3203 = arith.index_cast %get3A_3202 : i32 to index
        %get3A_3204 = memref.load %arg7[%get3A_3203] : memref<128xf32, #tpu.memory_space<smem>>
        %mul3A_3205 = vector.broadcast %get3A_3204 : f32 to vector<16xf32>
        %mul3A_3206 = arith.mulf %gather3A_3201, %mul3A_3205 : vector<16xf32>
        %add3A_3207 = arith.addf %add3A_3196, %mul3A_3206 : vector<16xf32>
        %mul3A_3208 = arith.mulf %gather3A_3201, %gather3A_3201 : vector<16xf32>
        %add3A_3209 = arith.addf %add3A_3198, %mul3A_3208 : vector<16xf32>
        %broadcast_in_dim3A_3210 = arith.constant 127 : i32
        %broadcast_in_dim3A_3211 = vector.broadcast %broadcast_in_dim3A_3210 : i32 to vector<16xi32>
        %gather3A_3212 = tpu.vector_load_idx %arg8[%broadcast_in_dim3A_1793, %min3A_1809, %broadcast_in_dim3A_3211] : memref<2x125x128xf32, #tpu.memory_space<vmem>>[vector<16xi32>, vector<16xi32>, vector<16xi32>], vector<16xf32>,
        %get3A_3213 = arith.constant 127 : i32
        %get3A_3214 = arith.index_cast %get3A_3213 : i32 to index
        %get3A_3215 = memref.load %arg7[%get3A_3214] : memref<128xf32, #tpu.memory_space<smem>>
        %mul3A_3216 = vector.broadcast %get3A_3215 : f32 to vector<16xf32>
        %mul3A_3217 = arith.mulf %gather3A_3212, %mul3A_3216 : vector<16xf32>
        %add3A_3218 = arith.addf %add3A_3207, %mul3A_3217 : vector<16xf32>
        %mul3A_3219 = arith.mulf %gather3A_3212, %gather3A_3212 : vector<16xf32>
        %add3A_3220 = arith.addf %add3A_3209, %mul3A_3219 : vector<16xf32>
        %bitcast3A_3221 = vector.bitcast %add3A_3220 : vector<16xf32> to vector<16xi32>
        %shift_right_arithmetic3A_3222 = arith.constant 1 : i32
        %shift_right_arithmetic3A_3223 = vector.broadcast %shift_right_arithmetic3A_3222 : i32 to vector<16xi32>
        %shift_right_arithmetic3A_3224 = arith.shrsi %bitcast3A_3221, %shift_right_arithmetic3A_3223 : vector<16xi32>
        %sub3A_3225 = arith.constant 1597463007 : i32
        %sub3A_3226 = vector.broadcast %sub3A_3225 : i32 to vector<16xi32>
        %sub3A_3227 = arith.subi %sub3A_3226, %shift_right_arithmetic3A_3224 : vector<16xi32>
        %bitcast3A_3228 = vector.bitcast %sub3A_3227 : vector<16xi32> to vector<16xf32>
        %mul3A_3229 = arith.constant 5.000000e-01 : f32
        %mul3A_3230 = vector.broadcast %mul3A_3229 : f32 to vector<16xf32>
        %mul3A_3231 = arith.mulf %mul3A_3230, %add3A_3220 : vector<16xf32>
        %mul3A_3232 = arith.mulf %mul3A_3231, %bitcast3A_3228 : vector<16xf32>
        %mul3A_3233 = arith.mulf %mul3A_3232, %bitcast3A_3228 : vector<16xf32>
        %sub3A_3234 = arith.constant 1.500000e+00 : f32
        %sub3A_3235 = vector.broadcast %sub3A_3234 : f32 to vector<16xf32>
        %sub3A_3236 = arith.subf %sub3A_3235, %mul3A_3233 : vector<16xf32>
        %mul3A_3237 = arith.mulf %bitcast3A_3228, %sub3A_3236 : vector<16xf32>
        %mul3A_3238 = arith.constant 5.000000e-01 : f32
        %mul3A_3239 = vector.broadcast %mul3A_3238 : f32 to vector<16xf32>
        %mul3A_3240 = arith.mulf %mul3A_3239, %add3A_3220 : vector<16xf32>
        %mul3A_3241 = arith.mulf %mul3A_3240, %mul3A_3237 : vector<16xf32>
        %mul3A_3242 = arith.mulf %mul3A_3241, %mul3A_3237 : vector<16xf32>
        %sub3A_3243 = arith.constant 1.500000e+00 : f32
        %sub3A_3244 = vector.broadcast %sub3A_3243 : f32 to vector<16xf32>
        %sub3A_3245 = arith.subf %sub3A_3244, %mul3A_3242 : vector<16xf32>
        %mul3A_3246 = arith.mulf %mul3A_3237, %sub3A_3245 : vector<16xf32>
        %mul3A_3247 = arith.constant 5.000000e-01 : f32
        %mul3A_3248 = vector.broadcast %mul3A_3247 : f32 to vector<16xf32>
        %mul3A_3249 = arith.mulf %mul3A_3248, %add3A_3220 : vector<16xf32>
        %mul3A_3250 = arith.mulf %mul3A_3249, %mul3A_3246 : vector<16xf32>
        %mul3A_3251 = arith.mulf %mul3A_3250, %mul3A_3246 : vector<16xf32>
        %sub3A_3252 = arith.constant 1.500000e+00 : f32
        %sub3A_3253 = vector.broadcast %sub3A_3252 : f32 to vector<16xf32>
        %sub3A_3254 = arith.subf %sub3A_3253, %mul3A_3251 : vector<16xf32>
        %mul3A_3255 = arith.mulf %mul3A_3246, %sub3A_3254 : vector<16xf32>
        %mul3A_3256 = arith.constant 5.000000e-01 : f32
        %mul3A_3257 = vector.broadcast %mul3A_3256 : f32 to vector<16xf32>
        %mul3A_3258 = arith.mulf %mul3A_3257, %add3A_3220 : vector<16xf32>
        %mul3A_3259 = arith.mulf %mul3A_3258, %mul3A_3255 : vector<16xf32>
        %mul3A_3260 = arith.mulf %mul3A_3259, %mul3A_3255 : vector<16xf32>
        %sub3A_3261 = arith.constant 1.500000e+00 : f32
        %sub3A_3262 = vector.broadcast %sub3A_3261 : f32 to vector<16xf32>
        %sub3A_3263 = arith.subf %sub3A_3262, %mul3A_3260 : vector<16xf32>
        %mul3A_3264 = arith.mulf %mul3A_3255, %sub3A_3263 : vector<16xf32>
        %mul3A_3265 = arith.mulf %add3A_3220, %mul3A_3264 : vector<16xf32>
        %mul3A_3266 = arith.mulf %mul3A_1740, %mul3A_3265 : vector<16xf32>
        %max3A = arith.constant 9.99999993E-9 : f32
        %max3A_3267 = vector.broadcast %max3A : f32 to vector<16xf32>
        %max3A_3268 = arith.maximumf %mul3A_3266, %max3A_3267 : vector<16xf32>
        %div3A = arith.divf %add3A_3218, %max3A_3268 : vector<16xf32>
        %add3A_3269 = vector.broadcast %mul3A_1805 : i32 to vector<16xi32>
        %add3A_3270 = arith.addi %add3A_3269, %iota3A : vector<16xi32>
        %lt3A_3271 = arith.constant 125 : i32
        %lt3A_3272 = vector.broadcast %lt3A_3271 : i32 to vector<16xi32>
        %lt3A_3273 = arith.cmpi slt, %add3A_3270, %lt3A_3272 : vector<16xi32>
        %jit3A_3274 = arith.constant 0xFF800000 : f32
        %broadcast_in_dim3A_3275 = vector.broadcast %jit3A_3274 : f32 to vector<16xf32>
        %select_n3A_3276 = arith.select %lt3A_3273, %div3A, %broadcast_in_dim3A_3275 : vector<16xi1>, vector<16xf32>
        %mul3A_3277 = arith.constant 125 : i32
        %mul3A_3278 = arith.muli %scan3A_1770, %mul3A_3277 : i32
        %add3A_3279 = arith.addi %mul3A_2, %mul3A_3278 : i32
        %add3A_3280 = arith.addi %add3A_3279, %mul3A_1805 : i32
        %add3A_3281 = vector.broadcast %add3A_3280 : i32 to vector<16xi32>
        %add3A_3282 = arith.addi %add3A_3281, %iota3A : vector<16xi32>
        %get3A_3283 = arith.constant 0 : index
        %get3A_3284 = tpu.vector_load %arg9[%get3A_3283] {strides = array<i32>} : memref<16xf32, #tpu.memory_space<vmem>>, vector<16xf32>,
        %gt3A = arith.cmpf ogt, %select_n3A_3276, %get3A_3284 : vector<16xf32>
        %select_n3A_3285 = arith.select %gt3A, %select_n3A_3276, %get3A_3284 : vector<16xi1>, vector<16xf32>
        %swap3A_3286 = arith.constant 0 : index
        %swap3A_3287 = tpu.vector_load %arg9[%swap3A_3286] {strides = array<i32>} : memref<16xf32, #tpu.memory_space<vmem>>, vector<16xf32>,
        tpu.vector_store %arg9[%swap3A_3286], %select_n3A_3285 {strides = array<i32>} : memref<16xf32, #tpu.memory_space<vmem>>, vector<16xf32>,
        %get3A_3288 = arith.constant 0 : index
        %get3A_3289 = tpu.vector_load %arg10[%get3A_3288] {strides = array<i32>} : memref<16xi32, #tpu.memory_space<vmem>>, vector<16xi32>,
        %select_n3A_3290 = arith.select %gt3A, %add3A_3282, %get3A_3289 : vector<16xi1>, vector<16xi32>
        %swap3A_3291 = arith.constant 0 : index
        %swap3A_3292 = tpu.vector_load %arg10[%swap3A_3291] {strides = array<i32>} : memref<16xi32, #tpu.memory_space<vmem>>, vector<16xi32>,
        tpu.vector_store %arg10[%swap3A_3291], %select_n3A_3290 {strides = array<i32>} : memref<16xi32, #tpu.memory_space<vmem>>, vector<16xi32>,
        %scan3A_3293 = arith.constant 0 : i32
        scf.yield %scan3A_3293 : i32
      }
      %scan3A_1800 = arith.constant 8 : i32
      %scan3A_1801 = arith.constant 0 : i32
      scf.yield %scan3A_1801 : i32
    }
    %scan3A_1769 = arith.constant 25 : i32
    "tpu.region"() ({
      %run_scoped3A = tpu.sem_alloc : memref<!tpu.dma_semaphore, #tpu.memory_space<semaphore_mem>>
      %dma_start3A_1770 = arith.constant 0 : i32
      %dma_start3A_1771 = tpu.memref_slice %arg4[%add3A, %dma_start3A_1770] : memref<32x16xf32, #tpu.memory_space<hbm>> -> memref<1x16xf32, #tpu.memory_space<hbm>>
      %dma_start3A_1772 = tpu.memref_squeeze %dma_start3A_1771 : memref<1x16xf32, #tpu.memory_space<hbm>> -> memref<16xf32, #tpu.memory_space<hbm>>
      %dma_start3A_1773 = arith.constant 0 : i32
      %dma_start3A_1774 = tpu.memref_slice %arg4[%add3A, %dma_start3A_1773] : memref<32x16xf32, #tpu.memory_space<hbm>> -> memref<1x16xf32, #tpu.memory_space<hbm>>
      %dma_start3A_1775 = tpu.memref_squeeze %dma_start3A_1774 : memref<1x16xf32, #tpu.memory_space<hbm>> -> memref<16xf32, #tpu.memory_space<hbm>>
      tpu.enqueue_dma source(%arg9 : memref<16xf32, #tpu.memory_space<vmem>>) target(%dma_start3A_1775 : memref<16xf32, #tpu.memory_space<hbm>>) target_semaphore(%run_scoped3A : memref<!tpu.dma_semaphore, #tpu.memory_space<semaphore_mem>>)
      %dma_wait3A = arith.constant 0 : i32
      %dma_wait3A_1776 = tpu.memref_slice %arg4[%add3A, %dma_wait3A] : memref<32x16xf32, #tpu.memory_space<hbm>> -> memref<1x16xf32, #tpu.memory_space<hbm>>
      %dma_wait3A_1777 = tpu.memref_squeeze %dma_wait3A_1776 : memref<1x16xf32, #tpu.memory_space<hbm>> -> memref<16xf32, #tpu.memory_space<hbm>>
      %dma_wait3A_1778 = arith.constant 0 : i32
      %dma_wait3A_1779 = tpu.memref_slice %arg4[%add3A, %dma_wait3A_1778] : memref<32x16xf32, #tpu.memory_space<hbm>> -> memref<1x16xf32, #tpu.memory_space<hbm>>
      %dma_wait3A_1780 = tpu.memref_squeeze %dma_wait3A_1779 : memref<1x16xf32, #tpu.memory_space<hbm>> -> memref<16xf32, #tpu.memory_space<hbm>>
      tpu.wait_dma2 semaphore(%run_scoped3A : memref<!tpu.dma_semaphore, #tpu.memory_space<semaphore_mem>>) src(%arg9 : memref<16xf32, #tpu.memory_space<vmem>>) dst(%dma_wait3A_1780 : memref<16xf32, #tpu.memory_space<hbm>>)
      tpu.yield
    }) : () -> ()
    "tpu.region"() ({
      %run_scoped3A = tpu.sem_alloc : memref<!tpu.dma_semaphore, #tpu.memory_space<semaphore_mem>>
      %dma_start3A_1770 = arith.constant 0 : i32
      %dma_start3A_1771 = tpu.memref_slice %arg5[%add3A, %dma_start3A_1770] : memref<32x16xi32, #tpu.memory_space<hbm>> -> memref<1x16xi32, #tpu.memory_space<hbm>>
      %dma_start3A_1772 = tpu.memref_squeeze %dma_start3A_1771 : memref<1x16xi32, #tpu.memory_space<hbm>> -> memref<16xi32, #tpu.memory_space<hbm>>
      %dma_start3A_1773 = arith.constant 0 : i32
      %dma_start3A_1774 = tpu.memref_slice %arg5[%add3A, %dma_start3A_1773] : memref<32x16xi32, #tpu.memory_space<hbm>> -> memref<1x16xi32, #tpu.memory_space<hbm>>
      %dma_start3A_1775 = tpu.memref_squeeze %dma_start3A_1774 : memref<1x16xi32, #tpu.memory_space<hbm>> -> memref<16xi32, #tpu.memory_space<hbm>>
      tpu.enqueue_dma source(%arg10 : memref<16xi32, #tpu.memory_space<vmem>>) target(%dma_start3A_1775 : memref<16xi32, #tpu.memory_space<hbm>>) target_semaphore(%run_scoped3A : memref<!tpu.dma_semaphore, #tpu.memory_space<semaphore_mem>>)
      %dma_wait3A = arith.constant 0 : i32
      %dma_wait3A_1776 = tpu.memref_slice %arg5[%add3A, %dma_wait3A] : memref<32x16xi32, #tpu.memory_space<hbm>> -> memref<1x16xi32, #tpu.memory_space<hbm>>
      %dma_wait3A_1777 = tpu.memref_squeeze %dma_wait3A_1776 : memref<1x16xi32, #tpu.memory_space<hbm>> -> memref<16xi32, #tpu.memory_space<hbm>>
      %dma_wait3A_1778 = arith.constant 0 : i32
      %dma_wait3A_1779 = tpu.memref_slice %arg5[%add3A, %dma_wait3A_1778] : memref<32x16xi32, #tpu.memory_space<hbm>> -> memref<1x16xi32, #tpu.memory_space<hbm>>
      %dma_wait3A_1780 = tpu.memref_squeeze %dma_wait3A_1779 : memref<1x16xi32, #tpu.memory_space<hbm>> -> memref<16xi32, #tpu.memory_space<hbm>>
      tpu.wait_dma2 semaphore(%run_scoped3A : memref<!tpu.dma_semaphore, #tpu.memory_space<semaphore_mem>>) src(%arg10 : memref<16xi32, #tpu.memory_space<vmem>>) dst(%dma_wait3A_1780 : memref<16xi32, #tpu.memory_space<hbm>>)
      tpu.yield
    }) : () -> ()
    return
  }
}

module attributes {stable_mosaic.version = 14 : i64} {
  func.func @_merge_body(%arg0: memref<32x16xf32, #tpu.memory_space<vmem>>, %arg1: memref<32x16xi32, #tpu.memory_space<vmem>>, %arg2: memref<1x1xi32, #tpu.memory_space<smem>>) attributes {dimension_semantics = [], scalar_prefetch = 0 : i64, scratch_operands = 0 : i64, tpu.core_type = #tpu.core_type<tc>} {
    %get3A = arith.constant 0 : index
    %get3A_0 = arith.constant 0 : index
    %get3A_1 = vector.load %arg0[%get3A, %get3A_0] : memref<32x16xf32, #tpu.memory_space<vmem>>, vector<32x16xf32>
    %get3A_2 = arith.constant 0 : index
    %get3A_3 = arith.constant 0 : index
    %get3A_4 = vector.load %arg1[%get3A_2, %get3A_3] : memref<32x16xi32, #tpu.memory_space<vmem>>, vector<32x16xi32>
    %reduce_max3A = vector.shape_cast %get3A_1 : vector<32x16xf32> to vector<1x32x16xf32>
    %reduce_max3A_5 = arith.constant dense<0xFF800000> : vector<1xf32>
    %reduce_max3A_6 = vector.multi_reduction <maximumf>, %reduce_max3A, %reduce_max3A_5 [1, 2] : vector<1x32x16xf32> to vector<1xf32>
    %reduce_max3A_7 = vector.shape_cast %reduce_max3A_6 : vector<1xf32> to vector<1x1x1xf32>
    %reduce_max3A_8 = vector.extract %reduce_max3A_7[0, 0, 0] : f32 from vector<1x1x1xf32>
    %eq3A = vector.broadcast %reduce_max3A_8 : f32 to vector<32x16xf32>
    %eq3A_9 = arith.cmpf oeq, %get3A_1, %eq3A : vector<32x16xf32>
    %jit3A = arith.constant 2147483647 : i32
    %broadcast_in_dim3A = vector.broadcast %jit3A : i32 to vector<32x16xi32>
    %select_n3A = arith.select %eq3A_9, %get3A_4, %broadcast_in_dim3A : vector<32x16xi1>, vector<32x16xi32>
    %reduce_min3A = vector.shape_cast %select_n3A : vector<32x16xi32> to vector<1x32x16xi32>
    %reduce_min3A_10 = arith.constant dense<2147483647> : vector<1xi32>
    %reduce_min3A_11 = vector.multi_reduction <minsi>, %reduce_min3A, %reduce_min3A_10 [1, 2] : vector<1x32x16xi32> to vector<1xi32>
    %reduce_min3A_12 = vector.shape_cast %reduce_min3A_11 : vector<1xi32> to vector<1x1x1xi32>
    %reduce_min3A_13 = vector.extract %reduce_min3A_12[0, 0, 0] : i32 from vector<1x1x1xi32>
    %swap3A = arith.constant 0 : index
    %swap3A_14 = arith.constant 0 : index
    %swap3A_15 = memref.load %arg2[%swap3A, %swap3A_14] : memref<1x1xi32, #tpu.memory_space<smem>>
    memref.store %reduce_min3A_13, %arg2[%swap3A, %swap3A_14] : memref<1x1xi32, #tpu.memory_space<smem>>
    return
  }
}

</mosaic_0001>

<sc_bundles>
// kernel: kernel.4.cloned.1.call-start
scs
__scs_entry_jumppad:
0x0: {  	(pc) =	sbr.rel $0x88, $3  }
0x1: {  	(tag) =	ssettag $0x0;
	lr =	simm.s32 $0x1  }
0x2: {  	[smem:$0x3F9F] =	sst lr;
	_ =	strace $0xD0000000  }
0x3: {  	_ = 	snop  }
0x4: {  	_ = 	snop  }
0x5: {  	_ = 	snop  }
0x6: {  	_ = 	snop  }
0x7: {  	_ = 	snop  }
__scs_overlays_trampoline_lowered:
0x8: {  	[smem:$0x3FAE] =	sst s0  }
0x9: {  	[smem:$0x3FAF] =	sst s1  }
0xa: {  	[smem:$0x3FB0] =	sst s2  }
0xb: {  	[smem:$0x3FB1] =	sst s3  }
0xc: {  	[smem:$0x3FB2] =	sst s4  }
0xd: {  	[smem:$0x3FB3] =	sst s5  }
0xe: {  	[smem:$0x3FB4] =	sst s6  }
0xf: {  	[smem:$0x3FB5] =	sst s7  }
0x10: {  	[smem:$0x3FB6] =	sst s8  }
0x11: {  	[smem:$0x3FB7] =	sst s9;
	s0 =	simm.s32 @!p0 $0x0  }
0x12: {  	s1 =	sld [smem:$0x3F9D];
	s0 =	simm.s32 @p0 $0x1  }
0x13: {  	[smem:$0x3FB8] =	sst s0;
	s0 =	simm.s32 @!p1 $0x0  }
0x14: {  	s2 =	sld [smem:$0x3F9C];
	s0 =	simm.s32 @p1 $0x1  }
0x15: {  	[smem:$0x3FB9] =	sst s0;
	s0 =	simm.s32 @!p2 $0x0  }
0x16: {  	s3 =	sld [smem:$0x3FDB];
	s0 =	simm.s32 @p2 $0x1  }
0x17: {  	s4 =	simm.s32 $0x1BF5;
	[smem:$0x3FBB] =	sst s0  }
0x18: {  	s0 =	sld [smem:$0x3F9E];
	_ =	swait.ge [sflag:s4], $0x0  }
0x19: {  	s7 =	sld [smem:$0x3F9F]  }
0x1a: {  	s8 =	sadd.s32 $0xFFFFE003, lr  }
0x1b: {  	s9 =	sadd.s32 $0xFFFFFEF7, lr;
	s5 =	simm.s32 $0xFFFFFFFF;
	p2 =	slt.u32 s8, $0xFFFFF086  }
0x1c: {  	p1 =	slt.u32 s9, $0xF7A;
	s5 =	simm.s32 @!p2 $0x0  }
0x1d: {  	s5 =	simm.s32 @p1 $0x1;
	p0 =	seq.s32 s7, s2  }
0x1e: {  	s7 =	smul.u32 @!p0 $0xF7A, s2;
	p2 =	seq.s32 @!p0 s5, $0x0  }
0x1f: {  	s9 =	smul.u32 $0xF7A, s1;
	s8 =	simm.s32 @!p0 $0x1BF5;
	p2 =	por !p2, p0  }
0x20: {  	[sflag:s8] =	ssyncset.s32 @!p0 $0xFFFFF086;
	s6 =	sadd.s32 @!p0 s3, s7;
	s7 =	simm.s32 @!p0 $0x108  }
0x21: {  	s3 =	sadd.s32 s3, s9;
	s6 =	sadd.s32 @!p0 $0x88, s6;
	s7 =	simm.s32 @p2 $0x1082  }
0x22: {  	[simem:s7], [sflag:s8] =	dma.local @!p0 [hbm:s6], $0xF7A  }
0x23: {  	s9 =	sor.u32 $0xD0000000, s2;
	s6 =	simm.s32 $0x108;
	_ =	swait.ge @!p0 [sflag:s8], $0x0  }
0x24: {  	s3 =	sadd.s32 $0x88, s3;
	s6 =	simm.s32 @!p1 $0x1082;
	[sflag:s4] =	ssyncset.s32 $0xFFFFF086  }
0x25: {  	[simem:s6], [sflag:s4] =	dma.local [hbm:s3], $0xF7A  }
0x26: {  	[smem:$0x3F9F] =	sst s1;
	(tag) =	ssettag s2;
	_ =	strace s9  }
0x27: {  	s1 =	sld [smem:$0x3FAF]  }
0x28: {  	s2 =	sld [smem:$0x3FB0]  }
0x29: {  	s4 =	sld [smem:$0x3FB2]  }
0x2a: {  	p0 =	seq.s32 s5, $0x0;
	s5 =	sld [smem:$0x3FB3]  }
0x2b: {  	s6 =	sld [smem:$0x3FB4]  }
0x2c: {  	s7 =	sld [smem:$0x3FB5]  }
0x2d: {  	s3 =	simm.s32 $0x108;
	s8 =	sld [smem:$0x3FB6]  }
0x2e: {  	s3 =	simm.s32 @!p0 $0x1082;
	s9 =	sld [smem:$0x3FB7]  }
0x2f: {  	lr =	sadd.s32 s0, s3;
	s0 =	sld [smem:$0x3FAE]  }
0x30: {  	s3 =	sld [smem:$0x3FB1]  }
0x31: {  	[smem:$0x3FBA] =	sst s10  }
0x32: {  	s10 =	sld [smem:$0x3FB8];
	_ =	sdelay $0x3  }
0x33: {  	p0 =	seq.s32 s10, $0x1;
	s10 =	sld [smem:$0x3FBA];
	_ =	sdelay $0x3  }
0x34: {  	[smem:$0x3FBA] =	sst s10  }
0x35: {  	s10 =	sld [smem:$0x3FB9];
	_ =	sdelay $0x3  }
0x36: {  	p1 =	seq.s32 s10, $0x1;
	s10 =	sld [smem:$0x3FBA];
	_ =	sdelay $0x3  }
0x37: {  	[smem:$0x3FBA] =	sst s10  }
0x38: {  	s10 =	sld [smem:$0x3FBB]  }
0x39: {  	_ = 	snop;
	(pc) =	sbr.ind lr, $3  }
0x3a: {  	_ = 	snop  }
0x3b: {  	_ = 	snop  }
0x3c: {  	p2 =	seq.s32 s10, $0x1;
	s10 =	sld [smem:$0x3FBA]  }
0x3d: {  	_ =	shalt  }
0x3e: {  	_ =	shalt  }
0x3f: {  	_ =	shalt  }
0x40: {  	_ =	shalt  }
0x41: {  	_ =	shalt  }
0x42: {  	_ =	shalt  }
0x43: {  	_ =	shalt  }
0x44: {  	_ =	shalt  }
0x45: {  	_ =	shalt  }
0x46: {  	_ =	shalt  }
0x47: {  	_ =	shalt  }
0x48: {  	_ =	shalt  }
0x49: {  	_ =	shalt  }
0x4a: {  	_ =	shalt  }
0x4b: {  	_ =	shalt  }
0x4c: {  	_ =	shalt  }
0x4d: {  	_ =	shalt  }
0x4e: {  	_ =	shalt  }
0x4f: {  	_ =	shalt  }
0x50: {  	_ =	shalt  }
0x51: {  	_ =	shalt  }
0x52: {  	_ =	shalt  }
0x53: {  	_ =	shalt  }
0x54: {  	_ =	shalt  }
0x55: {  	_ =	shalt  }
0x56: {  	_ =	shalt  }
0x57: {  	_ =	shalt  }
0x58: {  	_ =	shalt  }
0x59: {  	_ =	shalt  }
0x5a: {  	_ =	shalt  }
0x5b: {  	_ =	shalt  }
0x5c: {  	_ =	shalt  }
0x5d: {  	_ =	shalt  }
0x5e: {  	_ =	shalt  }
0x5f: {  	_ =	shalt  }
0x60: {  	_ =	shalt  }
0x61: {  	_ =	shalt  }
0x62: {  	_ =	shalt  }
0x63: {  	_ =	shalt  }
0x64: {  	_ =	shalt  }
0x65: {  	_ =	shalt  }
0x66: {  	_ =	shalt  }
0x67: {  	_ =	shalt  }
0x68: {  	_ =	shalt  }
0x69: {  	_ =	shalt  }
0x6a: {  	_ =	shalt  }
0x6b: {  	_ =	shalt  }
0x6c: {  	_ =	shalt  }
0x6d: {  	_ =	shalt  }
0x6e: {  	_ =	shalt  }
0x6f: {  	_ =	shalt  }
0x70: {  	_ =	shalt  }
0x71: {  	_ =	shalt  }
0x72: {  	_ =	shalt  }
0x73: {  	_ =	shalt  }
0x74: {  	_ =	shalt  }
0x75: {  	_ =	shalt  }
0x76: {  	_ =	shalt  }
0x77: {  	_ =	shalt  }
0x78: {  	_ =	shalt  }
0x79: {  	_ =	shalt  }
0x7a: {  	_ =	shalt  }
0x7b: {  	_ =	shalt  }
0x7c: {  	_ =	shalt  }
0x7d: {  	_ =	shalt  }
0x7e: {  	_ =	shalt  }
0x7f: {  	_ =	shalt  }
0x80: {  	_ =	shalt  }
0x81: {  	_ =	shalt  }
0x82: {  	_ =	shalt  }
0x83: {  	_ =	shalt  }
0x84: {  	_ =	shalt  }
0x85: {  	_ =	shalt  }
0x86: {  	_ =	shalt  }
0x87: {  	_ =	shalt  }
.Lfunc_end0:
.L_simem_size_0:
called_computation_lowered:
.L_overlay_start_0:
0x88: {  	s2 =	sld [smem:$0x3FD9]  }
0x89: {  	s3 =	sld [smem:$0x3FFE];
	_ =	sdelay $0x1  }
0x8a: {  	s1 =	srdreg.scid  }
0x8b: {  	s0 =	sand.u32 $0x1, s1  }
0x8c: {  	s17 =	sshll.u32 s0, $0xA;
	s2 =	sadd.s32 s3, s2  }
0x8d: {  	s2 =	sadd.s32 s2, s17  }
0x8e: {  	[smem:$0x3FC6] =	sst s2  }
0x8f: {  	_ = 	snop  }
0x90: {  	s2 =	sld [smem:$0x3FC9]  }
0x91: {  	s18 =	sld [smem:$0x3FC8];
	(tm) =	ssettm $0x1  }
0x92: {  	s4 =	sld [smem:$0x3FFB];
	_ =	sdelay $0x3  }
0x93: {  	_ =	strace s4  }
0x94: {  	s4 =	sld [smem:$0x3FFC];
	_ =	sdelay $0x3  }
0x95: {  	_ =	strace s4  }
0x96: {  	s4 =	sld [smem:$0x3FFD];
	_ =	sdelay $0x3  }
0x97: {  	_ =	strace s4  }
0x98: {  	_ =	strace $0x8FFFFFFF  }
0x99: {  	s19 =	sld [smem:$0x3FDB];
	_ =	sdelay $0x1  }
0x9a: {  	s5 =	simm.s32 $_scs_section_size  }
0x9b: {  	s6 =	simm.s32 $_size__tile_overlayer_lowered;
	s7 =	simm.s32 $_tile_overlayer_lowered  }
0x9c: {  	s22 =	simm.s32 $0x1BFF;
	s21 =	sshll.u32 s7, $0x1;
	s4 =	sadd.s32 s5, s19  }
0x9d: {  	s8 =	simm.s32 $0x0;
	s20 =	sshll.u32 s6, $0x1;
	s6 =	sadd.s32 s21, s4  }
0x9e: {  	[timem:s8], [sflag:s22] =	dma.local [hbm:s6], s20  }
0x9f: {  	_ =	swait.ge [sflag:s22], s20  }
0xa0: {  	s5 =	ssub.s32 $0x0, s20;
	[sflag:s22] =	ssyncset.done $0x0  }
0xa1: {  	[sflag:s22] =	ssyncadd.s32 s5;
	_ =	sdelay $0x1  }
0xa2: {  	s23 =	simm.s32 $0x1B8B  }
0xa3: {  	_ =	swait.ge [sflag:s23], $0x1  }
0xa4: {  	[sflag:s23] =	ssyncset.done $0x0  }
0xa5: {  	s25 =	simm.s32 $0x1B8E;
	s24 =	sld [smem:$0x3FFE];
	[sflag:s23] =	ssyncadd.s32 $0xFFFFFFFF  }
0xa6: {  	s26 =	simm.s32 $execute0_lowered;
	[smem:$0x3FD2] =	sst s25  }
0xa7: {  	s6 =	sshll.u32 s26, $0x1;
	_ =	strace $0x80000046;
	[dreg:$0x1] =	wrdreg $0xFFFFFFFF  }
0xa8: {  	s28 =	simm.s32 $_size_execute0_lowered;
	s4 =	sadd.s32 s4, s6;
	[dreg:$0x0] =	wrdreg $0x0  }
0xa9: {  	s6 =	sshll.u32 s28, $0x1;
	[dreg:$0x2] =	wrdreg s4  }
0xaa: {  	[dreg:$0x3] =	wrdreg s6  }
0xab: {  	[dreg:$0x4] =	wrdreg $0xC0  }
0xac: {  	_ =	task [dreg:s8], $0x5FFFF  }
0xad: {  	[dreg:$0x1] =	wrdreg $0xFFFFFFFF  }
0xae: {  	[dreg:$0x0] =	wrdreg $0x60  }
0xaf: {  	[dreg:$0x2] =	wrdreg s2  }
0xb0: {  	[dreg:$0x3] =	wrdreg s18  }
0xb1: {  	[dreg:$0x4] =	wrdreg s24  }
0xb2: {  	[dreg:$0x5] =	wrdreg $0x9  }
0xb3: {  	_ =	task.clear_ibuf [dreg:s8], $0x6FFFF;
	_ =	strace $0x90000046  }
0xb4: {  	s29 =	simm.s32 $0x9;
	_ =	strace $0x80000048  }
0xb5: {  	_ =	swait.ge [sflag:s29], $0x1  }
0xb6: {  	[sflag:s29] =	ssyncadd.s32 $0xFFFFFFFF  }
0xb7: {  	_ =	strace $0x90000048  }
0xb8: {  	_ =	sfence  }
0xb9: {  	s30 =	sld [smem:$0x0];
	_ =	sdelay $0x2  }
0xba: {  	s31 =	sshll.u32 s1, $0xD;
	s1 =	sshrl.u32 s1, $0x2  }
0xbb: {  	s3 =	sand.u32 $0x4000, s31;
	s1 =	sadd.s32 s1, s30  }
0xbc: {  	s0 =	sor.u32 s3, s0;
	s1 =	sshll.u32 s1, $0x11  }
0xbd: {  	s0 =	sor.u32 s1, s0  }
0xbe: {  	s0 =	sadd.s32 $0x8F2B, s0  }
0xbf: {  	[sflag:s0] =	ssyncadd.remote.s32 $0x1  }
0xc0: {  	_ =	sfence.sel $0xFFFF  }
0xc1: {  	[dreg:$0x0] =	wrdreg $0xFFFFFFFF;
	(pc) =	sbr.abs _section_cstart, $3  }
0xc2: {  	[dreg:$0x1] =	wrdreg $0xFFFFFFFF  }
0xc3: {  	_ =	task.clear_ibuf [dreg:s8], $0x2FFFF;
	_ =	strace $0x9FFFFFFF  }
0xc4: {  	(tm) =	ssettm $0x7FFFFFFF  }
0xc5: {  	_ =	shalt  }
tec
execute0_lowered:
.L_overlay_start_1:
0x0: {  	(tag) =	ssettag $0x1  }
0x1: {  	s1 =	rddreg [dreg:$0x0]  }
0x2: {  	s3 =	rddreg [dreg:$0x1]  }
0x3: {  	s6 =	rddreg [dreg:$0x2]  }
0x4: {  	s0 =	rddreg [dreg:$0x3]  }
0x5: {  	s5 =	srdreg.scid;
	s2 =	stileid.u32;
	s4 =	simm.s32 $0x0  }
0x6: {  	s13 =	simm.s32 $0x7D80;
	s7 =	sand.u32 $0x1, s5;
	s30 =	sshll.u32 s2, $0x1  }
0x7: {  	s14 =	simm.s32 $0x7D90;
	s11 =	smul.u32 $0x186A, s2;
	s8 =	sor.u32 s7, s30  }
0x8: {  	vm0 =	vmmov $0x1;
	s15 =	simm.s32 $0x0;
	[smem:$0x7FF] =	sst s4;
	s5 =	smul.u32 $0xC35, s8  }
0x9: {  	vm2 =	vcmask $0x70C;
	vm3 =	vcmask $0xB10;
	vm4 =	vcmask $0xF14;
	s10 =	ssub.s32 $0x2, s7;
	s9 =	sshll.u32 s8, $0x1;
	s8 =	smul.u32 $0xC350, s8  }
0xa: {  	vm5 =	vcmask $0x1318;
	vm6 =	vcmask $0x171C;
	vm7 =	vcmask $0x1B20;
	_ =	strace $0x80000047;
	s12 =	smul.u32 $0xC35, s7;
	s31 =	sshrl.u32 s10, $0x1  }
0xb: {  	vm8 =	vcmask $0x1F24;
	vm9 =	vcmask $0x2328;
	vm10 =	vcmask $0x272C;
	s9 =	sadd.s32 s9, s6;
	s10 =	ssub.s32 s10, s31;
	s6 =	sadd.s32 s3, s8  }
0xc: {  	vm11 =	vcmask $0x2B30;
	vm12 =	vcmask $0x2F34;
	vm13 =	vcmask $0x3338;
	s7 =	sadd.s32 $0xA00, s9;
	s8 =	sadd.s32 $0x800, s9;
	s9 =	smax.u32 s10, $0x1  }
0xd: {  	vm14 =	vcmask $0x373C;
	vm15 =	vmmov $0x7fff;
	v37 =	vlaneseq.u32;
	s10 =	sadd.s32 s12, s11;
	s11 =	simm.s32 $0x3;
	s12 =	simm.s32 $0x80  }
.LBB2_1:
0xe: {  	[tilespmem:s4], [sflag:$0x3] =	stream.linear.gather [hbm4b:s1+s4], $0x80, $0x38;
	[tilespmem:$0x7DA0] =	vst v63  }
0xf: {  	_ =	swait.ge [sflag:s11], $0x80  }
0x10: {  	[sflag:s11] =	ssyncset.done $0x0  }
0x11: {  	[sflag:s11] =	ssyncadd.s32 $0xFFFFFF80  }
0x12: {  	v3 =	vld [tilespmem:$0x0];
	_ =	sdelay $0x4  }
0x13: {  	vm1 =	vcmask $0x308;
	v0 =	vnsel vm0, $0x0, v3  }
0x14: {  	v34 =	vsel vm1, $0x0, v3;
	(xrf2) =	vadd.scan.msk.f32 $0xffff, v0  }
0x15: {  	v35 =	vsel vm2, $0x0, v3;
	(xrf2) =	vadd.scan.msk.f32 $0xffff, v34  }
0x16: {  	v36 =	vsel vm3, $0x0, v3;
	(xrf2) =	vadd.scan.msk.f32 $0xffff, v35  }
0x17: {  	v38 =	vsel vm4, $0x0, v3;
	(xrf2) =	vadd.scan.msk.f32 $0xffff, v36  }
0x18: {  	v39 =	vsel vm5, $0x0, v3;
	(xrf2) =	vadd.scan.msk.f32 $0xffff, v38  }
0x19: {  	v40 =	vsel vm6, $0x0, v3;
	(xrf2) =	vadd.scan.msk.f32 $0xffff, v39  }
0x1a: {  	v41 =	vsel vm7, $0x0, v3;
	(xrf2) =	vadd.scan.msk.f32 $0xffff, v40  }
0x1b: {  	v42 =	vsel vm8, $0x0, v3;
	(xrf2) =	vadd.scan.msk.f32 $0xffff, v41  }
0x1c: {  	v43 =	vsel vm9, $0x0, v3;
	(xrf2) =	vadd.scan.msk.f32 $0xffff, v42  }
0x1d: {  	v44 =	vsel vm10, $0x0, v3;
	(xrf2) =	vadd.scan.msk.f32 $0xffff, v43  }
0x1e: {  	v4 =	vld [tilespmem:$0x10];
	v45 =	vsel vm11, $0x0, v3;
	v1, _, _ =	vpop (xrf2);
	(xrf2) =	vadd.scan.msk.f32 $0xffff, v44  }
0x1f: {  	v47 =	vsel vm12, $0x0, v3;
	(v2sf) =	vpush v1, $0xF;
	v46, _, _ =	vpop (xrf2);
	(xrf2) =	vadd.scan.msk.f32 $0xffff, v45  }
0x20: {  	v49 =	vsel vm13, $0x0, v3;
	(v2sf) =	vpush v46, $0xF;
	v48, _, _ =	vpop (xrf2);
	(xrf2) =	vadd.scan.msk.f32 $0xffff, v47  }
0x21: {  	v51 =	vsel vm14, $0x0, v3;
	(v2sf) =	vpush v48, $0xF;
	v50, _, _ =	vpop (xrf2);
	(xrf2) =	vadd.scan.msk.f32 $0xffff, v49  }
0x22: {  	v53 =	vsel vm15, $0x0, v3;
	(v2sf) =	vpush v50, $0xF;
	v52, _, _ =	vpop (xrf2);
	(xrf2) =	vadd.scan.msk.f32 $0xffff, v51  }
0x23: {  	v55 =	vnsel vm0, $0x0, v4;
	(v2sf) =	vpush v52, $0xF;
	v54, _, _ =	vpop (xrf2);
	(xrf2) =	vadd.scan.msk.f32 $0xffff, v53  }
0x24: {  	v57 =	vsel vm1, $0x0, v4;
	(v2sf) =	vpush v54, $0xF;
	v56, _, _ =	vpop (xrf2);
	(xrf2) =	vadd.scan.msk.f32 $0xffff, v55  }
0x25: {  	v59 =	vsel vm2, $0x0, v4;
	(v2sf) =	vpush v56, $0xF;
	v58, _, _ =	vpop (xrf2);
	(xrf2) =	vadd.scan.msk.f32 $0xffff, v57  }
0x26: {  	v61 =	vsel vm3, $0x0, v4;
	(v2sf) =	vpush v58, $0xF;
	v60, _, _ =	vpop (xrf2);
	(xrf2) =	vadd.scan.msk.f32 $0xffff, v59  }
0x27: {  	v63 =	vsel vm4, $0x0, v4;
	(v2sf) =	vpush v60, $0xF;
	v62, _, _ =	vpop (xrf2);
	(xrf2) =	vadd.scan.msk.f32 $0xffff, v61  }
0x28: {  	v6 =	vsel vm5, $0x0, v4;
	(v2sf) =	vpush v62, $0xF;
	v5, _, _ =	vpop (xrf2);
	(xrf2) =	vadd.scan.msk.f32 $0xffff, v63  }
0x29: {  	v8 =	vsel vm6, $0x0, v4;
	(v2sf) =	vpush v5, $0xF;
	v7, _, _ =	vpop (xrf2);
	(xrf2) =	vadd.scan.msk.f32 $0xffff, v6  }
0x2a: {  	v10 =	vsel vm7, $0x0, v4;
	(v2sf) =	vpush v7, $0xF;
	v9, _, _ =	vpop (xrf2);
	(xrf2) =	vadd.scan.msk.f32 $0xffff, v8  }
0x2b: {  	v12 =	vsel vm8, $0x0, v4;
	(v2sf) =	vpush v9, $0xF;
	v11, _, _ =	vpop (xrf2);
	(xrf2) =	vadd.scan.msk.f32 $0xffff, v10  }
0x2c: {  	v14 =	vsel vm9, $0x0, v4;
	(v2sf) =	vpush v11, $0xF;
	v13, _, _ =	vpop (xrf2);
	(xrf2) =	vadd.scan.msk.f32 $0xffff, v12  }
0x2d: {  	v16 =	vsel vm10, $0x0, v4;
	(v2sf) =	vpush v13, $0xF;
	v15, _, _ =	vpop (xrf2);
	(xrf2) =	vadd.scan.msk.f32 $0xffff, v14  }
0x2e: {  	v18 =	vsel vm11, $0x0, v4;
	s16 =	spop (v2sf);
	(v2sf) =	vpush v15, $0xF;
	v17, _, _ =	vpop (xrf2);
	(xrf2) =	vadd.scan.msk.f32 $0xffff, v16  }
0x2f: {  	v20 =	vsel vm12, $0x0, v4;
	[smem:$0x0] =	sst s16;
	s31 =	spop (v2sf);
	(v2sf) =	vpush v17, $0xF;
	v19, _, _ =	vpop (xrf2);
	(xrf2) =	vadd.scan.msk.f32 $0xffff, v18  }
0x30: {  	v22 =	vsel vm13, $0x0, v4;
	[smem:$0x1] =	sst s31;
	s17 =	spop (v2sf);
	(v2sf) =	vpush v19, $0xF;
	v21, _, _ =	vpop (xrf2);
	(xrf2) =	vadd.scan.msk.f32 $0xffff, v20  }
0x31: {  	[smem:$0x2] =	sst s17;
	s18 =	spop (v2sf);
	(v2sf) =	vpush v21, $0xF;
	v23, _, _ =	vpop (xrf2);
	(xrf2) =	vadd.scan.msk.f32 $0xffff, v22  }
0x32: {  	[smem:$0x3] =	sst s18;
	s19 =	spop (v2sf);
	(v2sf) =	vpush v23, $0xF;
	v24, _, _ =	vpop (xrf2)  }
0x33: {  	[smem:$0x4] =	sst s19;
	s20 =	spop (v2sf);
	(v2sf) =	vpush v24, $0xF;
	v25, _, _ =	vpop (xrf2)  }
0x34: {  	[smem:$0x5] =	sst s20;
	s21 =	spop (v2sf);
	(v2sf) =	vpush v25, $0xF;
	v26, _, _ =	vpop (xrf2)  }
0x35: {  	[smem:$0x6] =	sst s21;
	s22 =	spop (v2sf);
	(v2sf) =	vpush v26, $0xF;
	v27, _, _ =	vpop (xrf2)  }
0x36: {  	[smem:$0x7] =	sst s22;
	s23 =	spop (v2sf);
	(v2sf) =	vpush v27, $0xF;
	v28, _, _ =	vpop (xrf2)  }
0x37: {  	[smem:$0x8] =	sst s23;
	s24 =	spop (v2sf);
	(v2sf) =	vpush v28, $0xF;
	v29, _, _ =	vpop (xrf2)  }
0x38: {  	[smem:$0x9] =	sst s24;
	s25 =	spop (v2sf);
	(v2sf) =	vpush v29, $0xF;
	v30, _, _ =	vpop (xrf2)  }
0x39: {  	[smem:$0xA] =	sst s25;
	s26 =	spop (v2sf);
	(v2sf) =	vpush v30, $0xF;
	v31, _, _ =	vpop (xrf2)  }
0x3a: {  	[smem:$0xB] =	sst s26;
	s28 =	spop (v2sf);
	(v2sf) =	vpush v31, $0xF;
	v32, _, _ =	vpop (xrf2)  }
0x3b: {  	[smem:$0xC] =	sst s28;
	s29 =	spop (v2sf);
	(v2sf) =	vpush v32, $0xF;
	v33, _, _ =	vpop (xrf2)  }
0x3c: {  	[smem:$0xD] =	sst s29;
	s30 =	spop (v2sf);
	(v2sf) =	vpush v33, $0xF  }
0x3d: {  	[smem:$0xE] =	sst s30;
	s31 =	spop (v2sf)  }
0x3e: {  	[smem:$0xF] =	sst s31;
	s17 =	spop (v2sf)  }
0x3f: {  	[smem:$0x10] =	sst s17;
	s18 =	spop (v2sf)  }
0x40: {  	[smem:$0x11] =	sst s18;
	s19 =	spop (v2sf)  }
0x41: {  	v34 =	vsel vm14, $0x0, v4;
	[smem:$0x12] =	sst s19;
	s20 =	spop (v2sf)  }
0x42: {  	(xrf2) =	vadd.scan.msk.f32 $0xffff, v34;
	[smem:$0x13] =	sst s20;
	s21 =	spop (v2sf)  }
0x43: {  	[smem:$0x14] =	sst s21;
	s22 =	spop (v2sf)  }
0x44: {  	[smem:$0x15] =	sst s22;
	s23 =	spop (v2sf)  }
0x45: {  	[smem:$0x16] =	sst s23;
	s24 =	spop (v2sf)  }
0x46: {  	[smem:$0x17] =	sst s24;
	s25 =	spop (v2sf)  }
0x47: {  	[smem:$0x18] =	sst s25;
	s26 =	spop (v2sf)  }
0x48: {  	[smem:$0x19] =	sst s26;
	s28 =	spop (v2sf)  }
0x49: {  	[smem:$0x1A] =	sst s28;
	s29 =	spop (v2sf)  }
0x4a: {  	[smem:$0x1B] =	sst s29;
	s30 =	spop (v2sf)  }
0x4b: {  	[smem:$0x1C] =	sst s30;
	s31 =	spop (v2sf)  }
0x4c: {  	v5, _, _ =	vpop (xrf2);
	[smem:$0x1D] =	sst s31  }
0x4d: {  	v0 =	vld [tilespmem:$0x20];
	_ =	sdelay $0x3  }
0x4e: {  	v35 =	vsel vm15, $0x0, v4  }
0x4f: {  	(xrf2) =	vadd.scan.msk.f32 $0xffff, v35;
	v36 =	vnsel vm0, $0x0, v0  }
0x50: {  	v38 =	vsel vm1, $0x0, v0;
	(xrf2) =	vadd.scan.msk.f32 $0xffff, v36  }
0x51: {  	v39 =	vsel vm2, $0x0, v0;
	(xrf2) =	vadd.scan.msk.f32 $0xffff, v38  }
0x52: {  	v40 =	vsel vm3, $0x0, v0;
	(xrf2) =	vadd.scan.msk.f32 $0xffff, v39  }
0x53: {  	v41 =	vsel vm4, $0x0, v0;
	(xrf2) =	vadd.scan.msk.f32 $0xffff, v40  }
0x54: {  	v42 =	vsel vm5, $0x0, v0;
	(xrf2) =	vadd.scan.msk.f32 $0xffff, v41  }
0x55: {  	v43 =	vsel vm6, $0x0, v0;
	(xrf2) =	vadd.scan.msk.f32 $0xffff, v42  }
0x56: {  	v44 =	vsel vm7, $0x0, v0;
	(xrf2) =	vadd.scan.msk.f32 $0xffff, v43  }
0x57: {  	v45 =	vsel vm8, $0x0, v0;
	(xrf2) =	vadd.scan.msk.f32 $0xffff, v44  }
0x58: {  	v46 =	vsel vm9, $0x0, v0;
	(xrf2) =	vadd.scan.msk.f32 $0xffff, v45  }
0x59: {  	v47 =	vsel vm10, $0x0, v0;
	v6, _, _ =	vpop (xrf2);
	(xrf2) =	vadd.scan.msk.f32 $0xffff, v46  }
0x5a: {  	v1 =	vld [tilespmem:$0x30];
	v2 =	vsel vm11, $0x0, v0;
	v7, _, _ =	vpop (xrf2);
	(xrf2) =	vadd.scan.msk.f32 $0xffff, v47  }
0x5b: {  	v48 =	vsel vm12, $0x0, v0;
	v8, _, _ =	vpop (xrf2);
	(xrf2) =	vadd.scan.msk.f32 $0xffff, v2  }
0x5c: {  	v49 =	vsel vm13, $0x0, v0;
	v9, _, _ =	vpop (xrf2);
	(xrf2) =	vadd.scan.msk.f32 $0xffff, v48  }
0x5d: {  	v50 =	vsel vm14, $0x0, v0;
	v10, _, _ =	vpop (xrf2);
	(xrf2) =	vadd.scan.msk.f32 $0xffff, v49  }
0x5e: {  	v51 =	vsel vm15, $0x0, v0;
	v11, _, _ =	vpop (xrf2);
	(xrf2) =	vadd.scan.msk.f32 $0xffff, v50  }
0x5f: {  	v52 =	vnsel vm0, $0x0, v1;
	v12, _, _ =	vpop (xrf2);
	(xrf2) =	vadd.scan.msk.f32 $0xffff, v51  }
0x60: {  	v53 =	vsel vm1, $0x0, v1;
	v13, _, _ =	vpop (xrf2);
	(xrf2) =	vadd.scan.msk.f32 $0xffff, v52  }
0x61: {  	v54 =	vsel vm2, $0x0, v1;
	v14, _, _ =	vpop (xrf2);
	(xrf2) =	vadd.scan.msk.f32 $0xffff, v53  }
0x62: {  	v55 =	vsel vm3, $0x0, v1;
	v15, _, _ =	vpop (xrf2);
	(xrf2) =	vadd.scan.msk.f32 $0xffff, v54  }
0x63: {  	v56 =	vsel vm4, $0x0, v1;
	v16, _, _ =	vpop (xrf2);
	(xrf2) =	vadd.scan.msk.f32 $0xffff, v55  }
0x64: {  	v57 =	vsel vm5, $0x0, v1;
	v17, _, _ =	vpop (xrf2);
	(xrf2) =	vadd.scan.msk.f32 $0xffff, v56  }
0x65: {  	v58 =	vsel vm6, $0x0, v1;
	v18, _, _ =	vpop (xrf2);
	(xrf2) =	vadd.scan.msk.f32 $0xffff, v57  }
0x66: {  	v59 =	vsel vm7, $0x0, v1;
	v19, _, _ =	vpop (xrf2);
	(xrf2) =	vadd.scan.msk.f32 $0xffff, v58  }
0x67: {  	v60 =	vsel vm8, $0x0, v1;
	v20, _, _ =	vpop (xrf2);
	(xrf2) =	vadd.scan.msk.f32 $0xffff, v59  }
0x68: {  	v61 =	vsel vm9, $0x0, v1;
	v21, _, _ =	vpop (xrf2);
	(xrf2) =	vadd.scan.msk.f32 $0xffff, v60  }
0x69: {  	v62 =	vsel vm10, $0x0, v1;
	v22, _, _ =	vpop (xrf2);
	(xrf2) =	vadd.scan.msk.f32 $0xffff, v61  }
0x6a: {  	v24 =	vsel vm11, $0x0, v1;
	v2 =	vld [tilespmem:$0x40];
	v23, _, _ =	vpop (xrf2);
	(xrf2) =	vadd.scan.msk.f32 $0xffff, v62  }
0x6b: {  	v63 =	vsel vm12, $0x0, v1;
	v25, _, _ =	vpop (xrf2);
	(xrf2) =	vadd.scan.msk.f32 $0xffff, v24  }
0x6c: {  	(v2sf) =	vpush v5, $0xF;
	v27 =	vsel vm13, $0x0, v1;
	v26, _, _ =	vpop (xrf2);
	(xrf2) =	vadd.scan.msk.f32 $0xffff, v63  }
0x6d: {  	v32 =	vsel vm14, $0x0, v1;
	(v2sf) =	vpush v6, $0xF;
	v28, _, _ =	vpop (xrf2);
	(xrf2) =	vadd.scan.msk.f32 $0xffff, v27  }
0x6e: {  	v33 =	vsel vm15, $0x0, v1;
	(v2sf) =	vpush v7, $0xF;
	v7, _, _ =	vpop (xrf2);
	(xrf2) =	vadd.scan.msk.f32 $0xffff, v32  }
0x6f: {  	(v2sf) =	vpush v8, $0xF;
	v34 =	vnsel vm0, $0x0, v2;
	v8, _, _ =	vpop (xrf2);
	(xrf2) =	vadd.scan.msk.f32 $0xffff, v33  }
0x70: {  	(v2sf) =	vpush v9, $0xF;
	v35 =	vsel vm1, $0x0, v2;
	v9, _, _ =	vpop (xrf2);
	(xrf2) =	vadd.scan.msk.f32 $0xffff, v34  }
0x71: {  	(v2sf) =	vpush v10, $0xF;
	v38 =	vsel vm2, $0x0, v2;
	v36, _, _ =	vpop (xrf2);
	(xrf2) =	vadd.scan.msk.f32 $0xffff, v35  }
0x72: {  	(v2sf) =	vpush v11, $0xF;
	v40 =	vsel vm3, $0x0, v2;
	v39, _, _ =	vpop (xrf2);
	(xrf2) =	vadd.scan.msk.f32 $0xffff, v38  }
0x73: {  	(v2sf) =	vpush v12, $0xF;
	v29 =	vsel vm4, $0x0, v2;
	v41, _, _ =	vpop (xrf2);
	(xrf2) =	vadd.scan.msk.f32 $0xffff, v40  }
0x74: {  	v42 =	vsel vm5, $0x0, v2;
	(v2sf) =	vpush v13, $0xF;
	v30, _, _ =	vpop (xrf2);
	(xrf2) =	vadd.scan.msk.f32 $0xffff, v29  }
0x75: {  	v43 =	vsel vm6, $0x0, v2;
	(v2sf) =	vpush v14, $0xF;
	v14, _, _ =	vpop (xrf2);
	(xrf2) =	vadd.scan.msk.f32 $0xffff, v42  }
0x76: {  	v44 =	vsel vm7, $0x0, v2;
	(v2sf) =	vpush v15, $0xF;
	v15, _, _ =	vpop (xrf2);
	(xrf2) =	vadd.scan.msk.f32 $0xffff, v43  }
0x77: {  	v46 =	vsel vm8, $0x0, v2;
	(v2sf) =	vpush v16, $0xF;
	v45, _, _ =	vpop (xrf2);
	(xrf2) =	vadd.scan.msk.f32 $0xffff, v44  }
0x78: {  	v48 =	vsel vm9, $0x0, v2;
	(v2sf) =	vpush v17, $0xF;
	v47, _, _ =	vpop (xrf2);
	(xrf2) =	vadd.scan.msk.f32 $0xffff, v46  }
0x79: {  	v50 =	vsel vm10, $0x0, v2;
	(v2sf) =	vpush v18, $0xF;
	v49, _, _ =	vpop (xrf2);
	(xrf2) =	vadd.scan.msk.f32 $0xffff, v48  }
0x7a: {  	v5 =	vld [tilespmem:$0x50];
	v52 =	vsel vm11, $0x0, v2;
	(v2sf) =	vpush v19, $0xF;
	v51, _, _ =	vpop (xrf2);
	(xrf2) =	vadd.scan.msk.f32 $0xffff, v50  }
0x7b: {  	v54 =	vsel vm12, $0x0, v2;
	(v2sf) =	vpush v20, $0xF;
	v53, _, _ =	vpop (xrf2);
	(xrf2) =	vadd.scan.msk.f32 $0xffff, v52  }
0x7c: {  	s17 =	spop (v2sf);
	v56 =	vsel vm13, $0x0, v2;
	(v2sf) =	vpush v21, $0xF;
	v55, _, _ =	vpop (xrf2);
	(xrf2) =	vadd.scan.msk.f32 $0xffff, v54  }
0x7d: {  	s18 =	spop (v2sf);
	v58 =	vsel vm14, $0x0, v2;
	(v2sf) =	vpush v22, $0xF;
	v57, _, _ =	vpop (xrf2);
	(xrf2) =	vadd.scan.msk.f32 $0xffff, v56  }
0x7e: {  	v60 =	vsel vm15, $0x0, v2;
	s19 =	spop (v2sf);
	(v2sf) =	vpush v23, $0xF;
	v59, _, _ =	vpop (xrf2);
	(xrf2) =	vadd.scan.msk.f32 $0xffff, v58  }
0x7f: {  	[smem:$0x1E] =	sst s17;
	v62 =	vnsel vm0, $0x0, v5;
	s20 =	spop (v2sf);
	(v2sf) =	vpush v25, $0xF;
	v61, _, _ =	vpop (xrf2);
	(xrf2) =	vadd.scan.msk.f32 $0xffff, v60  }
0x80: {  	v31 =	vsel vm1, $0x0, v5;
	[smem:$0x1F] =	sst s18;
	s21 =	spop (v2sf);
	(v2sf) =	vpush v26, $0xF;
	v63, _, _ =	vpop (xrf2);
	(xrf2) =	vadd.scan.msk.f32 $0xffff, v62  }
0x81: {  	[smem:$0x20] =	sst s19;
	s22 =	spop (v2sf);
	(v2sf) =	vpush v28, $0xF;
	v32 =	vsel vm2, $0x0, v5;
	v27, _, _ =	vpop (xrf2);
	(xrf2) =	vadd.scan.msk.f32 $0xffff, v31  }
0x82: {  	[smem:$0x21] =	sst s20;
	s23 =	spop (v2sf);
	(v2sf) =	vpush v7, $0xF;
	v33 =	vsel vm3, $0x0, v5;
	v7, _, _ =	vpop (xrf2);
	(xrf2) =	vadd.scan.msk.f32 $0xffff, v32  }
0x83: {  	[smem:$0x22] =	sst s21;
	s24 =	spop (v2sf);
	(v2sf) =	vpush v8, $0xF;
	v34 =	vsel vm4, $0x0, v5;
	v8, _, _ =	vpop (xrf2);
	(xrf2) =	vadd.scan.msk.f32 $0xffff, v33  }
0x84: {  	[smem:$0x23] =	sst s22;
	s25 =	spop (v2sf);
	(v2sf) =	vpush v9, $0xF;
	v35 =	vsel vm5, $0x0, v5;
	v9, _, _ =	vpop (xrf2);
	(xrf2) =	vadd.scan.msk.f32 $0xffff, v34  }
0x85: {  	[smem:$0x24] =	sst s23;
	s26 =	spop (v2sf);
	(v2sf) =	vpush v36, $0xF;
	v36 =	vsel vm6, $0x0, v5;
	v10, _, _ =	vpop (xrf2);
	(xrf2) =	vadd.scan.msk.f32 $0xffff, v35  }
0x86: {  	[smem:$0x25] =	sst s24;
	s28 =	spop (v2sf);
	(v2sf) =	vpush v39, $0xF;
	v39 =	vsel vm7, $0x0, v5;
	v38, _, _ =	vpop (xrf2);
	(xrf2) =	vadd.scan.msk.f32 $0xffff, v36  }
0x87: {  	[smem:$0x26] =	sst s25;
	s29 =	spop (v2sf);
	(v2sf) =	vpush v41, $0xF;
	v41 =	vsel vm8, $0x0, v5;
	v40, _, _ =	vpop (xrf2);
	(xrf2) =	vadd.scan.msk.f32 $0xffff, v39  }
0x88: {  	[smem:$0x27] =	sst s26;
	s30 =	spop (v2sf);
	(v2sf) =	vpush v30, $0xF;
	v42 =	vsel vm9, $0x0, v5;
	v28, _, _ =	vpop (xrf2);
	(xrf2) =	vadd.scan.msk.f32 $0xffff, v41  }
0x89: {  	[smem:$0x28] =	sst s28;
	s31 =	spop (v2sf);
	(v2sf) =	vpush v14, $0xF;
	v43 =	vsel vm10, $0x0, v5;
	v29, _, _ =	vpop (xrf2);
	(xrf2) =	vadd.scan.msk.f32 $0xffff, v42  }
0x8a: {  	v6 =	vld [tilespmem:$0x60];
	[smem:$0x29] =	sst s29;
	s17 =	spop (v2sf);
	(v2sf) =	vpush v15, $0xF;
	v44 =	vsel vm11, $0x0, v5;
	v30, _, _ =	vpop (xrf2);
	(xrf2) =	vadd.scan.msk.f32 $0xffff, v43  }
0x8b: {  	[smem:$0x2A] =	sst s30;
	s18 =	spop (v2sf);
	(v2sf) =	vpush v45, $0xF;
	v45 =	vsel vm12, $0x0, v5;
	v31, _, _ =	vpop (xrf2);
	(xrf2) =	vadd.scan.msk.f32 $0xffff, v44  }
0x8c: {  	[smem:$0x2B] =	sst s31;
	s19 =	spop (v2sf);
	v46 =	vsel vm13, $0x0, v5;
	(v2sf) =	vpush v47, $0xF;
	v32, _, _ =	vpop (xrf2);
	(xrf2) =	vadd.scan.msk.f32 $0xffff, v45  }
0x8d: {  	[smem:$0x2C] =	sst s17;
	s20 =	spop (v2sf);
	v48 =	vsel vm14, $0x0, v5;
	(v2sf) =	vpush v49, $0xF;
	v47, _, _ =	vpop (xrf2);
	(xrf2) =	vadd.scan.msk.f32 $0xffff, v46  }
0x8e: {  	[smem:$0x2D] =	sst s18;
	s21 =	spop (v2sf);
	v50 =	vsel vm15, $0x0, v5;
	(v2sf) =	vpush v51, $0xF;
	v49, _, _ =	vpop (xrf2);
	(xrf2) =	vadd.scan.msk.f32 $0xffff, v48  }
0x8f: {  	[smem:$0x2E] =	sst s19;
	s22 =	spop (v2sf);
	v52 =	vnsel vm0, $0x0, v6;
	(v2sf) =	vpush v53, $0xF;
	v51, _, _ =	vpop (xrf2);
	(xrf2) =	vadd.scan.msk.f32 $0xffff, v50  }
0x90: {  	[smem:$0x2F] =	sst s20;
	s23 =	spop (v2sf);
	v54 =	vsel vm1, $0x0, v6;
	(v2sf) =	vpush v55, $0xF;
	v53, _, _ =	vpop (xrf2);
	(xrf2) =	vadd.scan.msk.f32 $0xffff, v52  }
0x91: {  	[smem:$0x30] =	sst s21;
	s24 =	spop (v2sf);
	v56 =	vsel vm2, $0x0, v6;
	(v2sf) =	vpush v57, $0xF;
	v55, _, _ =	vpop (xrf2);
	(xrf2) =	vadd.scan.msk.f32 $0xffff, v54  }
0x92: {  	[smem:$0x31] =	sst s22;
	s25 =	spop (v2sf);
	v58 =	vsel vm3, $0x0, v6;
	(v2sf) =	vpush v59, $0xF;
	v57, _, _ =	vpop (xrf2);
	(xrf2) =	vadd.scan.msk.f32 $0xffff, v56  }
0x93: {  	[smem:$0x32] =	sst s23;
	s26 =	spop (v2sf);
	v60 =	vsel vm4, $0x0, v6;
	(v2sf) =	vpush v61, $0xF;
	v59, _, _ =	vpop (xrf2);
	(xrf2) =	vadd.scan.msk.f32 $0xffff, v58  }
0x94: {  	[smem:$0x33] =	sst s24;
	s28 =	spop (v2sf);
	v62 =	vsel vm5, $0x0, v6;
	(v2sf) =	vpush v63, $0xF;
	v61, _, _ =	vpop (xrf2);
	(xrf2) =	vadd.scan.msk.f32 $0xffff, v60  }
0x95: {  	v25 =	vsel vm6, $0x0, v6;
	[smem:$0x34] =	sst s25;
	s29 =	spop (v2sf);
	(v2sf) =	vpush v27, $0xF;
	v63, _, _ =	vpop (xrf2);
	(xrf2) =	vadd.scan.msk.f32 $0xffff, v62  }
0x96: {  	v26 =	vsel vm7, $0x0, v6;
	[smem:$0x35] =	sst s26;
	s30 =	spop (v2sf);
	(v2sf) =	vpush v7, $0xF;
	v14, _, _ =	vpop (xrf2);
	(xrf2) =	vadd.scan.msk.f32 $0xffff, v25  }
0x97: {  	[smem:$0x36] =	sst s28;
	v27 =	vsel vm8, $0x0, v6;
	s31 =	spop (v2sf);
	(v2sf) =	vpush v8, $0xF;
	v12, _, _ =	vpop (xrf2);
	(xrf2) =	vadd.scan.msk.f32 $0xffff, v26  }
0x98: {  	[smem:$0x37] =	sst s29;
	v33 =	vsel vm9, $0x0, v6;
	s17 =	spop (v2sf);
	(v2sf) =	vpush v9, $0xF;
	v7, _, _ =	vpop (xrf2);
	(xrf2) =	vadd.scan.msk.f32 $0xffff, v27  }
0x99: {  	[smem:$0x38] =	sst s30;
	v34 =	vsel vm10, $0x0, v6;
	s18 =	spop (v2sf);
	(v2sf) =	vpush v10, $0xF;
	v8, _, _ =	vpop (xrf2);
	(xrf2) =	vadd.scan.msk.f32 $0xffff, v33  }
0x9a: {  	[smem:$0x39] =	sst s31;
	v35 =	vmul.f32 v3, v3;
	s19 =	spop (v2sf);
	v36 =	vsel vm11, $0x0, v6;
	(v2sf) =	vpush v38, $0xF;
	v38 =	vld [tilespmem:$0x70];
	v3, _, _ =	vpop (xrf2);
	(xrf2) =	vadd.scan.msk.f32 $0xffff, v34  }
0x9b: {  	[smem:$0x3A] =	sst s17;
	v39 =	vmul.f32 v4, v4;
	s20 =	spop (v2sf);
	(v2sf) =	vpush v40, $0xF;
	v40 =	vsel vm12, $0x0, v6;
	v4, _, _ =	vpop (xrf2);
	(xrf2) =	vadd.scan.msk.f32 $0xffff, v36  }
0x9c: {  	[smem:$0x3B] =	sst s18;
	s21 =	spop (v2sf);
	v41 =	vsel vm13, $0x0, v6;
	(v2sf) =	vpush v28, $0xF;
	v9, _, _ =	vpop (xrf2);
	(xrf2) =	vadd.scan.msk.f32 $0xffff, v40  }
0x9d: {  	[smem:$0x3C] =	sst s19;
	s22 =	spop (v2sf);
	v42 =	vsel vm14, $0x0, v6;
	(v2sf) =	vpush v29, $0xF;
	v10, _, _ =	vpop (xrf2);
	(xrf2) =	vadd.scan.msk.f32 $0xffff, v41  }
0x9e: {  	[smem:$0x3D] =	sst s20;
	v43 =	vmul.f32 v0, v0;
	s23 =	spop (v2sf);
	(v2sf) =	vpush v30, $0xF;
	v44 =	vsel vm15, $0x0, v6;
	v0, _, _ =	vpop (xrf2);
	(xrf2) =	vadd.scan.msk.f32 $0xffff, v42  }
0x9f: {  	[smem:$0x3E] =	sst s21;
	s24 =	spop (v2sf);
	(v2sf) =	vpush v31, $0xF;
	v45 =	vnsel vm0, $0x0, v38;
	v26, _, _ =	vpop (xrf2);
	(xrf2) =	vadd.scan.msk.f32 $0xffff, v44  }
0xa0: {  	[smem:$0x3F] =	sst s22;
	s25 =	spop (v2sf);
	(v2sf) =	vpush v32, $0xF;
	v46 =	vsel vm1, $0x0, v38;
	v25, _, _ =	vpop (xrf2);
	(xrf2) =	vadd.scan.msk.f32 $0xffff, v45  }
0xa1: {  	[smem:$0x40] =	sst s23;
	s26 =	spop (v2sf);
	(v2sf) =	vpush v47, $0xF;
	v48 =	vsel vm2, $0x0, v38;
	v47, _, _ =	vpop (xrf2);
	(xrf2) =	vadd.scan.msk.f32 $0xffff, v46  }
0xa2: {  	v23 =	vadd.f32 v39, v35;
	[smem:$0x41] =	sst s24;
	s28 =	spop (v2sf);
	(v2sf) =	vpush v49, $0xF;
	v50 =	vsel vm3, $0x0, v38;
	v49, _, _ =	vpop (xrf2);
	(xrf2) =	vadd.scan.msk.f32 $0xffff, v48  }
0xa3: {  	v1 =	vmul.f32 v1, v1;
	[smem:$0x42] =	sst s25;
	s29 =	spop (v2sf);
	(v2sf) =	vpush v51, $0xF;
	v52 =	vsel vm4, $0x0, v38;
	v51, _, _ =	vpop (xrf2);
	(xrf2) =	vadd.scan.msk.f32 $0xffff, v50  }
0xa4: {  	v23 =	vadd.f32 v43, v23;
	[smem:$0x43] =	sst s26;
	s30 =	spop (v2sf);
	(v2sf) =	vpush v53, $0xF;
	v54 =	vsel vm5, $0x0, v38;
	v53, _, _ =	vpop (xrf2);
	(xrf2) =	vadd.scan.msk.f32 $0xffff, v52  }
0xa5: {  	v2 =	vmul.f32 v2, v2;
	[smem:$0x44] =	sst s28;
	s31 =	spop (v2sf);
	(v2sf) =	vpush v55, $0xF;
	v56 =	vsel vm6, $0x0, v38;
	v55, _, _ =	vpop (xrf2);
	(xrf2) =	vadd.scan.msk.f32 $0xffff, v54  }
0xa6: {  	v1 =	vadd.f32 v1, v23;
	[smem:$0x45] =	sst s29;
	s17 =	spop (v2sf);
	(v2sf) =	vpush v57, $0xF;
	v58 =	vsel vm7, $0x0, v38;
	v57, _, _ =	vpop (xrf2);
	(xrf2) =	vadd.scan.msk.f32 $0xffff, v56  }
0xa7: {  	v5 =	vmul.f32 v5, v5;
	[smem:$0x46] =	sst s30;
	s18 =	spop (v2sf);
	(v2sf) =	vpush v59, $0xF;
	v60 =	vsel vm8, $0x0, v38;
	v59, _, _ =	vpop (xrf2);
	(xrf2) =	vadd.scan.msk.f32 $0xffff, v58  }
0xa8: {  	v1 =	vadd.f32 v2, v1;
	[smem:$0x47] =	sst s31;
	s19 =	spop (v2sf);
	(v2sf) =	vpush v61, $0xF;
	v62 =	vsel vm9, $0x0, v38;
	v61, _, _ =	vpop (xrf2);
	(xrf2) =	vadd.scan.msk.f32 $0xffff, v60  }
0xa9: {  	v24 =	vsel vm10, $0x0, v38;
	[smem:$0x48] =	sst s17;
	s20 =	spop (v2sf);
	(v2sf) =	vpush v63, $0xF;
	v63, _, _ =	vpop (xrf2);
	(xrf2) =	vadd.scan.msk.f32 $0xffff, v62  }
0xaa: {  	v6 =	vmul.f32 v6, v6;
	v28 =	vsel vm11, $0x0, v38;
	v1 =	vadd.f32 v5, v1;
	[smem:$0x49] =	sst s18;
	v27, _, _ =	vpop (xrf2);
	(xrf2) =	vadd.scan.msk.f32 $0xffff, v24  }
0xab: {  	v30 =	vsel vm12, $0x0, v38;
	v31 =	vmul.f32 v38, v38;
	[smem:$0x4A] =	sst s19;
	s21 =	spop (v2sf);
	v29, _, _ =	vpop (xrf2);
	(xrf2) =	vadd.scan.msk.f32 $0xffff, v28  }
0xac: {  	v1 =	vadd.f32 v6, v1;
	[smem:$0x4B] =	sst s20;
	(v2sf) =	vpush v14, $0xF;
	s22 =	spop (v2sf);
	v33 =	vsel vm13, $0x0, v38;
	v32, _, _ =	vpop (xrf2);
	(xrf2) =	vadd.scan.msk.f32 $0xffff, v30  }
0xad: {  	v35 =	vsel vm14, $0x0, v38;
	[smem:$0x4C] =	sst s21;
	(v2sf) =	vpush v12, $0xF;
	s23 =	spop (v2sf);
	v34, _, _ =	vpop (xrf2);
	(xrf2) =	vadd.scan.msk.f32 $0xffff, v33  }
0xae: {  	v1 =	vadd.f32 v31, v1;
	[smem:$0x4D] =	sst s22;
	s24 =	spop (v2sf);
	(v2sf) =	vpush v7, $0xF;
	v38 =	vsel vm15, $0x0, v38;
	v36, _, _ =	vpop (xrf2);
	(xrf2) =	vadd.scan.msk.f32 $0xffff, v35  }
0xaf: {  	[smem:$0x4E] =	sst s23;
	(v2sf) =	vpush v8, $0xF;
	s25 =	spop (v2sf);
	v39, _, _ =	vpop (xrf2);
	(xrf2) =	vadd.scan.msk.f32 $0xffff, v38  }
0xb0: {  	[smem:$0x4F] =	sst s24;
	(v2sf) =	vpush v3, $0xF;
	s26 =	spop (v2sf);
	v40, _, _ =	vpop (xrf2);
	(xrf2) =	vadd.scan.msk.f32 $0xffff, v1  }
0xb1: {  	[smem:$0x50] =	sst s25;
	s28 =	spop (v2sf);
	(v2sf) =	vpush v4, $0xF;
	v41, _, _ =	vpop (xrf2)  }
0xb2: {  	[smem:$0x51] =	sst s26;
	s29 =	spop (v2sf);
	(v2sf) =	vpush v9, $0xF;
	v42, _, _ =	vpop (xrf2)  }
0xb3: {  	[smem:$0x52] =	sst s28;
	s30 =	spop (v2sf);
	(v2sf) =	vpush v10, $0xF;
	v43, _, _ =	vpop (xrf2)  }
0xb4: {  	[smem:$0x53] =	sst s29;
	s31 =	spop (v2sf);
	(v2sf) =	vpush v0, $0xF;
	v44, _, _ =	vpop (xrf2)  }
0xb5: {  	[smem:$0x54] =	sst s30;
	s17 =	spop (v2sf);
	(v2sf) =	vpush v26, $0xF;
	v45, _, _ =	vpop (xrf2)  }
0xb6: {  	[smem:$0x55] =	sst s31;
	s18 =	spop (v2sf);
	(v2sf) =	vpush v25, $0xF;
	v46, _, _ =	vpop (xrf2)  }
0xb7: {  	[smem:$0x56] =	sst s17;
	s19 =	spop (v2sf);
	(v2sf) =	vpush v47, $0xF;
	v47, _, _ =	vpop (xrf2)  }
0xb8: {  	[smem:$0x57] =	sst s18;
	v48, _, _ =	vpop (xrf2)  }
0xb9: {  	[smem:$0x58] =	sst s19;
	s20 =	spop (v2sf);
	(v2sf) =	vpush v49, $0xF;
	v49, _, _ =	vpop (xrf2)  }
0xba: {  	[smem:$0x59] =	sst s20;
	s21 =	spop (v2sf);
	v50, _, _ =	vpop (xrf2)  }
0xbb: {  	(v2sf) =	vpush v51, $0xF;
	[smem:$0x5A] =	sst s21;
	s22 =	spop (v2sf);
	v51 =	vbroadcast v50, $0xF  }
0xbc: {  	(v2sf) =	vpush v53, $0xF;
	[smem:$0x5B] =	sst s22;
	s23 =	spop (v2sf)  }
0xbd: {  	(v2sf) =	vpush v55, $0xF;
	[smem:$0x5C] =	sst s23;
	s24 =	spop (v2sf);
	v52 =	vshra.s32 v51, $0x1;
	v53 =	vmul.f32 $5.000000000e-01, v51  }
0xbe: {  	(v2sf) =	vpush v57, $0xF;
	[smem:$0x5D] =	sst s24;
	s25 =	spop (v2sf);
	v54 =	vsub.s32 $0x5F3759DF, v52  }
0xbf: {  	(v2sf) =	vpush v59, $0xF;
	[smem:$0x5E] =	sst s25;
	s26 =	spop (v2sf);
	v55 =	vmul.f32 v54, v53  }
0xc0: {  	(v2sf) =	vpush v61, $0xF;
	v62 =	vimm.f32 $-Inf;
	[smem:$0x5F] =	sst s26;
	s28 =	spop (v2sf)  }
0xc1: {  	(v2sf) =	vpush v63, $0xF;
	[tilespmem:$0x7D80] =	vst v62;
	v63 =	vimm.s32 $0x7FFFFFFF;
	[smem:$0x60] =	sst s28;
	s29 =	spop (v2sf);
	v56 =	vmul.f32 v54, v55  }
0xc2: {  	(v2sf) =	vpush v27, $0xF;
	[tilespmem:$0x7D90] =	vst v63;
	[smem:$0x61] =	sst s29;
	s30 =	spop (v2sf)  }
0xc3: {  	(v2sf) =	vpush v29, $0xF;
	[tilespmem:s12], [sflag:$0x1] =	stream.linear.gather [hbm4b:s6+s4], $0x3E80, $0x38;
	v57 =	vsub.f32 $1.500000000e+00, v56;
	[tilespmem:$0x7DA0] =	vst v63  }
0xc4: {  	(v2sf) =	vpush v32, $0xF;
	[smem:$0x62] =	sst s30;
	s31 =	spop (v2sf)  }
0xc5: {  	(v2sf) =	vpush v34, $0xF;
	[smem:$0x63] =	sst s31;
	s17 =	spop (v2sf);
	v58 =	vmul.f32 v54, v57  }
0xc6: {  	(v2sf) =	vpush v36, $0xF;
	[smem:$0x64] =	sst s17;
	s18 =	spop (v2sf)  }
0xc7: {  	(v2sf) =	vpush v39, $0xF;
	[smem:$0x65] =	sst s18;
	s19 =	spop (v2sf);
	v59 =	vmul.f32 v58, v53  }
0xc8: {  	(v2sf) =	vpush v40, $0xF;
	[smem:$0x66] =	sst s19;
	s20 =	spop (v2sf)  }
0xc9: {  	(v2sf) =	vpush v41, $0xF;
	[smem:$0x67] =	sst s20;
	s21 =	spop (v2sf);
	v60 =	vmul.f32 v59, v58  }
0xca: {  	[smem:$0x68] =	sst s21;
	s22 =	spop (v2sf);
	(v2sf) =	vpush v42, $0xF  }
0xcb: {  	(v2sf) =	vpush v43, $0xF;
	[smem:$0x69] =	sst s22;
	s23 =	spop (v2sf);
	v0 =	vsub.f32 $1.500000000e+00, v60  }
0xcc: {  	(v2sf) =	vpush v44, $0xF;
	[smem:$0x6A] =	sst s23;
	s24 =	spop (v2sf)  }
0xcd: {  	(v2sf) =	vpush v45, $0xF;
	[smem:$0x6B] =	sst s24;
	s25 =	spop (v2sf);
	v0 =	vmul.f32 v0, v58  }
0xce: {  	(v2sf) =	vpush v46, $0xF;
	[smem:$0x6C] =	sst s25;
	s26 =	spop (v2sf)  }
0xcf: {  	(v2sf) =	vpush v47, $0xF;
	[smem:$0x6D] =	sst s26;
	s28 =	spop (v2sf);
	v61 =	vmul.f32 v0, v53  }
0xd0: {  	(v2sf) =	vpush v48, $0xF;
	s17 =	spop (v2sf);
	[smem:$0x6E] =	sst s28  }
0xd1: {  	s29 =	spop (v2sf);
	[smem:$0x6F] =	sst s17;
	(v2sf) =	vpush v49, $0xF;
	v1 =	vmul.f32 v61, v0  }
0xd2: {  	[smem:$0x70] =	sst s29;
	s30 =	spop (v2sf)  }
0xd3: {  	s31 =	spop (v2sf);
	[smem:$0x71] =	sst s30;
	v1 =	vsub.f32 $1.500000000e+00, v1  }
0xd4: {  	s18 =	spop (v2sf);
	[smem:$0x72] =	sst s31  }
0xd5: {  	s19 =	spop (v2sf);
	[smem:$0x73] =	sst s18;
	v0 =	vmul.f32 v1, v0  }
0xd6: {  	s20 =	spop (v2sf);
	[smem:$0x74] =	sst s19  }
0xd7: {  	s21 =	spop (v2sf);
	[smem:$0x75] =	sst s20;
	v1 =	vmul.f32 v0, v53  }
0xd8: {  	s22 =	spop (v2sf);
	[smem:$0x76] =	sst s21  }
0xd9: {  	s23 =	spop (v2sf);
	[smem:$0x77] =	sst s22;
	v1 =	vmul.f32 v1, v0  }
0xda: {  	s24 =	spop (v2sf);
	[smem:$0x78] =	sst s23  }
0xdb: {  	s25 =	spop (v2sf);
	[smem:$0x79] =	sst s24;
	v1 =	vsub.f32 $1.500000000e+00, v1  }
0xdc: {  	s26 =	spop (v2sf);
	[smem:$0x7A] =	sst s25  }
0xdd: {  	s28 =	spop (v2sf);
	[smem:$0x7B] =	sst s26;
	v0 =	vmul.f32 v1, v0  }
0xde: {  	s29 =	spop (v2sf);
	[smem:$0x7C] =	sst s28  }
0xdf: {  	s30 =	spop (v2sf);
	[smem:$0x7D] =	sst s29;
	v38 =	vmul.f32 v0, v51  }
0xe0: {  	[smem:$0x7E] =	sst s30;
	s31 =	spop (v2sf)  }
0xe1: {  	s16 =	smov.u32 s10;
	v39 =	vbroadcast v49, $0xF;
	s17 =	simm.s32 $0x0;
	[smem:$0x7F] =	sst s31;
	[tilespmem:$0x1FFF0] =	vst v38  }
.LBB2_3:
0xe2: {  	s19 =	sand.u32 $0x1, s17  }
0xe3: {  	s23 =	simm.s32 $0x0;
	v0 =	vmov s19  }
0xe4: {  	v7 =	vor.u32 s23, v37;
	v0 =	vmul.u32 $0x3E80, v0  }
0xe5: {  	s18 =	smov.u32 s17;
	vm1 =	vlt.s32 v7, $0x7C  }
0xe6: {  	s17 =	sadd.s32 $0x1, s18;
	p0 =	seq.s32 s18, $0x18;
	v40 =	vbroadcast v0, $0x0;
	v0 =	vnsel vm1, $0x7C, v7  }
0xe7: {  	s20 =	smul.u32 @!p0 $0x7D, s17;
	v0 =	vshll.u32 v0, $0x7  }
0xe8: {  	s18 =	sxor.u32 @!p0 $0x1, s19;
	s19 =	sadd.s32 $0x1, s19;
	v6 =	vadd.s32 v40, v0  }
0xe9: {  	s21 =	smul.u32 @!p0 $0xFA00, s18;
	_ =	swait.ge [sflag:s19], $0x3E80;
	s20 =	sadd.s32 @!p0 s5, s20;
	v0 =	vor.u32 $0x1, v6  }
0xea: {  	s18 =	sadd.s32 @!p0 $0x1, s18;
	[sflag:s19] =	ssyncset.done $0x0;
	s20 =	sshll.u32 @!p0 s20, $0x4  }
0xeb: {  	s21 =	sshrl.u32 @!p0 s21, $0x2;
	[sflag:s19] =	ssyncadd.s32 $0xFFFFC180;
	s20 =	sand.u32 @!p0 $0x1FFFFFF0, s20  }
0xec: {  	s19 =	sadd.s32 @!p0 $0x80, s21;
	s21 =	simm.s32 @!p0 $0x0;
	s20 =	sadd.s32 @!p0 s3, s20;
	v1 =	vor.u32 $0x2, v6  }
0xed: {  	[tilespmem:s19], [sflag:s18] =	stream.linear.gather @!p0 [hbm4b:s20+s21], $0x3E80, $0x38;
	[tilespmem:$0x7DA0] =	vst v63  }
0xee: {  	v2 =	vor.u32 $0x3, v6;
	v3 =	vld.idx.msk [tilespmem:v0+s12+$0x0], $0xffff  }
0xef: {  	v0 =	vld.idx.msk [tilespmem:v6+s12+$0x0], $0xffff  }
0xf0: {  	v4 =	vor.u32 $0x4, v6  }
0xf1: {  	v5 =	vld.idx.msk [tilespmem:v1+s12+$0x0], $0xffff  }
0xf2: {  	v1 =	vor.u32 $0x5, v6  }
0xf3: {  	v8 =	vld.idx.msk [tilespmem:v2+s12+$0x0], $0xffff  }
0xf4: {  	v2 =	vor.u32 $0x6, v6;
	v9 =	vmul.f32 v3, v3;
	v10 =	vmul.f32 v0, v0  }
0xf5: {  	v4 =	vld.idx.msk [tilespmem:v4+s12+$0x0], $0xffff  }
0xf6: {  	v11 =	vor.u32 $0x7, v6;
	v12 =	vmul.f32 v5, v5;
	v9 =	vadd.f32 v9, v10  }
0xf7: {  	v29 =	vld.idx.msk [tilespmem:v1+s12+$0x0], $0xffff  }
0xf8: {  	v1 =	vor.u32 $0x8, v6;
	v47 =	vmul.f32 v8, v8;
	v9 =	vadd.f32 v12, v9  }
0xf9: {  	v30 =	vld.idx.msk [tilespmem:v2+s12+$0x0], $0xffff  }
0xfa: {  	v2 =	vor.u32 $0x9, v6;
	v48 =	vmul.f32 v4, v4;
	v10 =	vadd.f32 v47, v9  }
0xfb: {  	v9 =	vld.idx.msk [tilespmem:v11+s12+$0x0], $0xffff  }
0xfc: {  	v13 =	vor.u32 $0xA, v6;
	v50 =	vmul.f32 v29, v29;
	v49 =	vadd.f32 v48, v10  }
0xfd: {  	v10 =	vld.idx.msk [tilespmem:v1+s12+$0x0], $0xffff  }
0xfe: {  	v14 =	vmul.f32 v30, v30;
	v1 =	vor.u32 $0xB, v6;
	v12 =	vadd.f32 v50, v49  }
0xff: {  	v11 =	vld.idx.msk [tilespmem:v2+s12+$0x0], $0xffff  }
0x100: {  	v2 =	vor.u32 $0xC, v6;
	v15 =	vmul.f32 v9, v9;
	v14 =	vadd.f32 v14, v12  }
0x101: {  	v12 =	vld.idx.msk [tilespmem:v13+s12+$0x0], $0xffff  }
0x102: {  	v16 =	vor.u32 $0xD, v6;
	v51 =	vmul.f32 v10, v10;
	v14 =	vadd.f32 v15, v14  }
0x103: {  	v13 =	vld.idx.msk [tilespmem:v1+s12+$0x0], $0xffff  }
0x104: {  	v17 =	vmul.f32 v11, v11;
	v1 =	vor.u32 $0xE, v6;
	v15 =	vadd.f32 v51, v14  }
0x105: {  	v14 =	vld.idx.msk [tilespmem:v2+s12+$0x0], $0xffff  }
0x106: {  	v2 =	vor.u32 $0xF, v6;
	v18 =	vmul.f32 v12, v12;
	v17 =	vadd.f32 v17, v15  }
0x107: {  	v15 =	vld.idx.msk [tilespmem:v16+s12+$0x0], $0xffff  }
0x108: {  	v19 =	vor.u32 $0x10, v6;
	v52 =	vmul.f32 v13, v13;
	v17 =	vadd.f32 v18, v17  }
0x109: {  	v16 =	vld.idx.msk [tilespmem:v1+s12+$0x0], $0xffff  }
0x10a: {  	v1 =	vor.u32 $0x11, v6;
	v20 =	vmul.f32 v14, v14;
	v18 =	vadd.f32 v52, v17  }
0x10b: {  	v17 =	vld.idx.msk [tilespmem:v2+s12+$0x0], $0xffff  }
0x10c: {  	v2 =	vor.u32 $0x12, v6;
	v21 =	vmul.f32 v15, v15;
	v20 =	vadd.f32 v20, v18  }
0x10d: {  	v18 =	vld.idx.msk [tilespmem:v19+s12+$0x0], $0xffff  }
0x10e: {  	v22 =	vor.u32 $0x13, v6;
	v53 =	vmul.f32 v16, v16;
	v20 =	vadd.f32 v21, v20  }
0x10f: {  	v19 =	vld.idx.msk [tilespmem:v1+s12+$0x0], $0xffff  }
0x110: {  	v1 =	vor.u32 $0x14, v6;
	v23 =	vmul.f32 v17, v17;
	v21 =	vadd.f32 v53, v20  }
0x111: {  	v20 =	vld.idx.msk [tilespmem:v2+s12+$0x0], $0xffff  }
0x112: {  	v2 =	vor.u32 $0x15, v6;
	v24 =	vmul.f32 v18, v18;
	v23 =	vadd.f32 v23, v21  }
0x113: {  	v21 =	vld.idx.msk [tilespmem:v22+s12+$0x0], $0xffff  }
0x114: {  	v25 =	vor.u32 $0x16, v6;
	v54 =	vmul.f32 v19, v19;
	v23 =	vadd.f32 v24, v23  }
0x115: {  	v22 =	vld.idx.msk [tilespmem:v1+s12+$0x0], $0xffff  }
0x116: {  	v1 =	vor.u32 $0x17, v6;
	v26 =	vmul.f32 v20, v20;
	v24 =	vadd.f32 v54, v23  }
0x117: {  	v23 =	vld.idx.msk [tilespmem:v2+s12+$0x0], $0xffff  }
0x118: {  	v2 =	vor.u32 $0x18, v6;
	v27 =	vmul.f32 v21, v21;
	v26 =	vadd.f32 v26, v24  }
0x119: {  	v24 =	vld.idx.msk [tilespmem:v25+s12+$0x0], $0xffff  }
0x11a: {  	v28 =	vor.u32 $0x19, v6;
	v55 =	vmul.f32 v22, v22;
	v26 =	vadd.f32 v27, v26  }
0x11b: {  	v25 =	vld.idx.msk [tilespmem:v1+s12+$0x0], $0xffff  }
0x11c: {  	v1 =	vor.u32 $0x1A, v6;
	v31 =	vmul.f32 v23, v23;
	v27 =	vadd.f32 v55, v26  }
0x11d: {  	v26 =	vld.idx.msk [tilespmem:v2+s12+$0x0], $0xffff  }
0x11e: {  	v2 =	vor.u32 $0x1B, v6;
	v32 =	vmul.f32 v24, v24;
	v31 =	vadd.f32 v31, v27  }
0x11f: {  	v27 =	vld.idx.msk [tilespmem:v28+s12+$0x0], $0xffff  }
0x120: {  	s24 =	sld [smem:$0x0];
	v33 =	vor.u32 $0x1C, v6;
	v56 =	vmul.f32 v25, v25;
	v31 =	vadd.f32 v32, v31  }
0x121: {  	v28 =	vld.idx.msk [tilespmem:v1+s12+$0x0], $0xffff  }
0x122: {  	s25 =	sld [smem:$0x1];
	v34 =	vor.u32 $0x1D, v6;
	v57 =	vmul.f32 v26, v26;
	v1 =	vadd.f32 v56, v31  }
0x123: {  	v58 =	vmul.f32 s24, v0;
	v0 =	vld.idx.msk [tilespmem:v2+s12+$0x0], $0xffff  }
0x124: {  	s26 =	sld [smem:$0x2];
	v35 =	vor.u32 $0x1E, v6;
	v59 =	vmul.f32 v27, v27;
	v2 =	vadd.f32 v57, v1  }
0x125: {  	v3 =	vmul.f32 s25, v3;
	v32 =	vadd.f32 $0.0e+00, v58;
	v1 =	vld.idx.msk [tilespmem:v33+s12+$0x0], $0xffff  }
0x126: {  	s28 =	sld [smem:$0x3];
	v60 =	vor.u32 $0x1F, v6;
	v36 =	vmul.f32 v28, v28;
	v31 =	vadd.f32 v59, v2  }
0x127: {  	v5 =	vmul.f32 s26, v5;
	v3 =	vadd.f32 v3, v32;
	v2 =	vld.idx.msk [tilespmem:v34+s12+$0x0], $0xffff  }
0x128: {  	s29 =	sld [smem:$0x4];
	v61 =	vor.u32 $0x20, v6;
	v62 =	vmul.f32 v0, v0;
	v31 =	vadd.f32 v36, v31  }
0x129: {  	v8 =	vmul.f32 s28, v8;
	v5 =	vadd.f32 v5, v3;
	v3 =	vld.idx.msk [tilespmem:v35+s12+$0x0], $0xffff  }
0x12a: {  	s30 =	sld [smem:$0x5];
	v63 =	vor.u32 $0x21, v6;
	v41 =	vmul.f32 v1, v1;
	v31 =	vadd.f32 v62, v31  }
0x12b: {  	v42 =	vmul.f32 s29, v4;
	v4 =	vld.idx.msk [tilespmem:v60+s12+$0x0], $0xffff;
	v5 =	vadd.f32 v8, v5  }
0x12c: {  	s31 =	sld [smem:$0x6];
	v43 =	vor.u32 $0x22, v6;
	v44 =	vmul.f32 v2, v2;
	v8 =	vadd.f32 v41, v31  }
0x12d: {  	v29 =	vmul.f32 s30, v29;
	v45 =	vadd.f32 v42, v5;
	v5 =	vld.idx.msk [tilespmem:v61+s12+$0x0], $0xffff  }
0x12e: {  	v46 =	vor.u32 $0x23, v6;
	s20 =	sld [smem:$0x7];
	v47 =	vmul.f32 v3, v3;
	v31 =	vadd.f32 v44, v8  }
0x12f: {  	v30 =	vmul.f32 s31, v30;
	v29 =	vadd.f32 v29, v45;
	v8 =	vld.idx.msk [tilespmem:v63+s12+$0x0], $0xffff  }
0x130: {  	s21 =	sld [smem:$0x8];
	v48 =	vor.u32 $0x24, v6;
	v49 =	vmul.f32 v4, v4;
	v31 =	vadd.f32 v47, v31  }
0x131: {  	v50 =	vmul.f32 s20, v9;
	v9 =	vld.idx.msk [tilespmem:v43+s12+$0x0], $0xffff;
	v29 =	vadd.f32 v30, v29  }
0x132: {  	s22 =	sld [smem:$0x9];
	v51 =	vor.u32 $0x25, v6;
	v52 =	vmul.f32 v5, v5;
	v31 =	vadd.f32 v49, v31  }
0x133: {  	v53 =	vmul.f32 s21, v10;
	v10 =	vld.idx.msk [tilespmem:v46+s12+$0x0], $0xffff;
	v29 =	vadd.f32 v50, v29  }
0x134: {  	s23 =	sld [smem:$0xA];
	v54 =	vor.u32 $0x26, v6;
	v55 =	vmul.f32 v8, v8;
	v31 =	vadd.f32 v52, v31  }
0x135: {  	v56 =	vmul.f32 s22, v11;
	v11 =	vld.idx.msk [tilespmem:v48+s12+$0x0], $0xffff;
	v29 =	vadd.f32 v53, v29  }
0x136: {  	s24 =	sld [smem:$0xB];
	v58 =	vmul.f32 v9, v9;
	v57 =	vor.u32 $0x27, v6;
	v31 =	vadd.f32 v55, v31  }
0x137: {  	v59 =	vmul.f32 s23, v12;
	v12 =	vld.idx.msk [tilespmem:v51+s12+$0x0], $0xffff;
	v29 =	vadd.f32 v56, v29  }
0x138: {  	v60 =	vor.u32 $0x28, v6;
	s25 =	sld [smem:$0xC];
	v61 =	vmul.f32 v10, v10;
	v31 =	vadd.f32 v58, v31  }
0x139: {  	v62 =	vmul.f32 s24, v13;
	v13 =	vld.idx.msk [tilespmem:v54+s12+$0x0], $0xffff;
	v29 =	vadd.f32 v59, v29  }
0x13a: {  	s26 =	sld [smem:$0xD];
	v41 =	vmul.f32 v11, v11;
	v63 =	vor.u32 $0x29, v6;
	v31 =	vadd.f32 v61, v31  }
0x13b: {  	v42 =	vmul.f32 s25, v14;
	v14 =	vld.idx.msk [tilespmem:v57+s12+$0x0], $0xffff;
	v29 =	vadd.f32 v62, v29  }
0x13c: {  	s28 =	sld [smem:$0xE];
	v43 =	vor.u32 $0x2A, v6;
	v44 =	vmul.f32 v12, v12;
	v31 =	vadd.f32 v41, v31  }
0x13d: {  	v45 =	vmul.f32 s26, v15;
	v15 =	vld.idx.msk [tilespmem:v60+s12+$0x0], $0xffff;
	v29 =	vadd.f32 v42, v29  }
0x13e: {  	s29 =	sld [smem:$0xF];
	v46 =	vor.u32 $0x2B, v6;
	v47 =	vmul.f32 v13, v13;
	v31 =	vadd.f32 v44, v31  }
0x13f: {  	v48 =	vmul.f32 s28, v16;
	v16 =	vld.idx.msk [tilespmem:v63+s12+$0x0], $0xffff;
	v29 =	vadd.f32 v45, v29  }
0x140: {  	s30 =	sld [smem:$0x10];
	v50 =	vmul.f32 v14, v14;
	v49 =	vor.u32 $0x2C, v6;
	v31 =	vadd.f32 v47, v31  }
0x141: {  	v51 =	vmul.f32 s29, v17;
	v17 =	vld.idx.msk [tilespmem:v43+s12+$0x0], $0xffff;
	v29 =	vadd.f32 v48, v29  }
0x142: {  	s31 =	sld [smem:$0x11];
	v53 =	vmul.f32 v15, v15;
	v52 =	vor.u32 $0x2D, v6;
	v31 =	vadd.f32 v50, v31  }
0x143: {  	v54 =	vmul.f32 s30, v18;
	v18 =	vld.idx.msk [tilespmem:v46+s12+$0x0], $0xffff;
	v29 =	vadd.f32 v51, v29  }
0x144: {  	s20 =	sld [smem:$0x12];
	v55 =	vor.u32 $0x2E, v6;
	v56 =	vmul.f32 v16, v16;
	v31 =	vadd.f32 v53, v31  }
0x145: {  	v57 =	vmul.f32 s31, v19;
	v19 =	vld.idx.msk [tilespmem:v49+s12+$0x0], $0xffff;
	v29 =	vadd.f32 v54, v29  }
0x146: {  	s21 =	sld [smem:$0x13];
	v59 =	vmul.f32 v17, v17;
	v58 =	vor.u32 $0x2F, v6;
	v31 =	vadd.f32 v56, v31  }
0x147: {  	v60 =	vmul.f32 s20, v20;
	v20 =	vld.idx.msk [tilespmem:v52+s12+$0x0], $0xffff;
	v29 =	vadd.f32 v57, v29  }
0x148: {  	s22 =	sld [smem:$0x14];
	v62 =	vmul.f32 v18, v18;
	v61 =	vor.u32 $0x30, v6;
	v31 =	vadd.f32 v59, v31  }
0x149: {  	v63 =	vmul.f32 s21, v21;
	v21 =	vld.idx.msk [tilespmem:v55+s12+$0x0], $0xffff;
	v29 =	vadd.f32 v60, v29  }
0x14a: {  	s23 =	sld [smem:$0x15];
	v41 =	vor.u32 $0x31, v6;
	v42 =	vmul.f32 v19, v19;
	v31 =	vadd.f32 v62, v31  }
0x14b: {  	v43 =	vmul.f32 s22, v22;
	v22 =	vld.idx.msk [tilespmem:v58+s12+$0x0], $0xffff;
	v29 =	vadd.f32 v63, v29  }
0x14c: {  	s24 =	sld [smem:$0x16];
	v44 =	vor.u32 $0x32, v6;
	v45 =	vmul.f32 v20, v20;
	v31 =	vadd.f32 v42, v31  }
0x14d: {  	v46 =	vmul.f32 s23, v23;
	v23 =	vld.idx.msk [tilespmem:v61+s12+$0x0], $0xffff;
	v29 =	vadd.f32 v43, v29  }
0x14e: {  	s25 =	sld [smem:$0x17];
	v47 =	vor.u32 $0x33, v6;
	v48 =	vmul.f32 v21, v21;
	v31 =	vadd.f32 v45, v31  }
0x14f: {  	v49 =	vmul.f32 s24, v24;
	v24 =	vld.idx.msk [tilespmem:v41+s12+$0x0], $0xffff;
	v29 =	vadd.f32 v46, v29  }
0x150: {  	s26 =	sld [smem:$0x18];
	v50 =	vor.u32 $0x34, v6;
	v51 =	vmul.f32 v22, v22;
	v31 =	vadd.f32 v48, v31  }
0x151: {  	v52 =	vmul.f32 s25, v25;
	v25 =	vld.idx.msk [tilespmem:v44+s12+$0x0], $0xffff;
	v29 =	vadd.f32 v49, v29  }
0x152: {  	s28 =	sld [smem:$0x19];
	v53 =	vor.u32 $0x35, v6;
	v54 =	vmul.f32 v23, v23;
	v31 =	vadd.f32 v51, v31  }
0x153: {  	v55 =	vmul.f32 s26, v26;
	v26 =	vld.idx.msk [tilespmem:v47+s12+$0x0], $0xffff;
	v29 =	vadd.f32 v52, v29  }
0x154: {  	s29 =	sld [smem:$0x1A];
	v56 =	vor.u32 $0x36, v6;
	v57 =	vmul.f32 v24, v24;
	v31 =	vadd.f32 v54, v31  }
0x155: {  	v58 =	vmul.f32 s28, v27;
	v27 =	vld.idx.msk [tilespmem:v50+s12+$0x0], $0xffff;
	v29 =	vadd.f32 v55, v29  }
0x156: {  	s30 =	sld [smem:$0x1B];
	v59 =	vor.u32 $0x37, v6;
	v60 =	vmul.f32 v25, v25;
	v31 =	vadd.f32 v57, v31  }
0x157: {  	v61 =	vmul.f32 s29, v28;
	v28 =	vld.idx.msk [tilespmem:v53+s12+$0x0], $0xffff;
	v29 =	vadd.f32 v58, v29  }
0x158: {  	s31 =	sld [smem:$0x1C];
	v62 =	vor.u32 $0x38, v6;
	v63 =	vmul.f32 v26, v26;
	v31 =	vadd.f32 v60, v31  }
0x159: {  	v41 =	vmul.f32 s30, v0;
	v0 =	vld.idx.msk [tilespmem:v56+s12+$0x0], $0xffff;
	v29 =	vadd.f32 v61, v29  }
0x15a: {  	s20 =	sld [smem:$0x1D];
	v42 =	vor.u32 $0x39, v6;
	v43 =	vmul.f32 v27, v27;
	v31 =	vadd.f32 v63, v31  }
0x15b: {  	v44 =	vmul.f32 s31, v1;
	v1 =	vld.idx.msk [tilespmem:v59+s12+$0x0], $0xffff;
	v29 =	vadd.f32 v41, v29  }
0x15c: {  	s21 =	sld [smem:$0x1E];
	v45 =	vor.u32 $0x3A, v6;
	v46 =	vmul.f32 v28, v28;
	v31 =	vadd.f32 v43, v31  }
0x15d: {  	v47 =	vmul.f32 s20, v2;
	v2 =	vld.idx.msk [tilespmem:v62+s12+$0x0], $0xffff;
	v29 =	vadd.f32 v44, v29  }
0x15e: {  	s22 =	sld [smem:$0x1F];
	v48 =	vor.u32 $0x3B, v6;
	v49 =	vmul.f32 v0, v0;
	v31 =	vadd.f32 v46, v31  }
0x15f: {  	v50 =	vmul.f32 s21, v3;
	v3 =	vld.idx.msk [tilespmem:v42+s12+$0x0], $0xffff;
	v29 =	vadd.f32 v47, v29  }
0x160: {  	s23 =	sld [smem:$0x20];
	v51 =	vor.u32 $0x3C, v6;
	v52 =	vmul.f32 v1, v1;
	v31 =	vadd.f32 v49, v31  }
0x161: {  	v53 =	vmul.f32 s22, v4;
	v4 =	vld.idx.msk [tilespmem:v45+s12+$0x0], $0xffff;
	v29 =	vadd.f32 v50, v29  }
0x162: {  	s24 =	sld [smem:$0x21];
	v54 =	vor.u32 $0x3D, v6;
	v55 =	vmul.f32 v2, v2;
	v31 =	vadd.f32 v52, v31  }
0x163: {  	v56 =	vmul.f32 s23, v5;
	v5 =	vld.idx.msk [tilespmem:v48+s12+$0x0], $0xffff;
	v29 =	vadd.f32 v53, v29  }
0x164: {  	s25 =	sld [smem:$0x22];
	v57 =	vor.u32 $0x3E, v6;
	v58 =	vmul.f32 v3, v3;
	v31 =	vadd.f32 v55, v31  }
0x165: {  	v59 =	vmul.f32 s24, v8;
	v8 =	vld.idx.msk [tilespmem:v51+s12+$0x0], $0xffff;
	v29 =	vadd.f32 v56, v29  }
0x166: {  	s26 =	sld [smem:$0x23];
	v60 =	vor.u32 $0x3F, v6;
	v61 =	vmul.f32 v4, v4;
	v31 =	vadd.f32 v58, v31  }
0x167: {  	v62 =	vmul.f32 s25, v9;
	v9 =	vld.idx.msk [tilespmem:v54+s12+$0x0], $0xffff;
	v29 =	vadd.f32 v59, v29  }
0x168: {  	s28 =	sld [smem:$0x24];
	v63 =	vor.u32 $0x40, v6;
	v41 =	vmul.f32 v5, v5;
	v31 =	vadd.f32 v61, v31  }
0x169: {  	v42 =	vmul.f32 s26, v10;
	v10 =	vld.idx.msk [tilespmem:v57+s12+$0x0], $0xffff;
	v29 =	vadd.f32 v62, v29  }
0x16a: {  	s29 =	sld [smem:$0x25];
	v43 =	vor.u32 $0x41, v6;
	v44 =	vmul.f32 v8, v8;
	v31 =	vadd.f32 v41, v31  }
0x16b: {  	v45 =	vmul.f32 s28, v11;
	v11 =	vld.idx.msk [tilespmem:v60+s12+$0x0], $0xffff;
	v29 =	vadd.f32 v42, v29  }
0x16c: {  	s30 =	sld [smem:$0x26];
	v46 =	vor.u32 $0x42, v6;
	v47 =	vmul.f32 v9, v9;
	v31 =	vadd.f32 v44, v31  }
0x16d: {  	v48 =	vmul.f32 s29, v12;
	v12 =	vld.idx.msk [tilespmem:v63+s12+$0x0], $0xffff;
	v29 =	vadd.f32 v45, v29  }
0x16e: {  	s31 =	sld [smem:$0x27];
	v49 =	vor.u32 $0x43, v6;
	v50 =	vmul.f32 v10, v10;
	v31 =	vadd.f32 v47, v31  }
0x16f: {  	v51 =	vmul.f32 s30, v13;
	v13 =	vld.idx.msk [tilespmem:v43+s12+$0x0], $0xffff;
	v29 =	vadd.f32 v48, v29  }
0x170: {  	s20 =	sld [smem:$0x28];
	v52 =	vor.u32 $0x44, v6;
	v53 =	vmul.f32 v11, v11;
	v31 =	vadd.f32 v50, v31  }
0x171: {  	v54 =	vmul.f32 s31, v14;
	v14 =	vld.idx.msk [tilespmem:v46+s12+$0x0], $0xffff;
	v29 =	vadd.f32 v51, v29  }
0x172: {  	s21 =	sld [smem:$0x29];
	v55 =	vor.u32 $0x45, v6;
	v56 =	vmul.f32 v12, v12;
	v31 =	vadd.f32 v53, v31  }
0x173: {  	v57 =	vmul.f32 s20, v15;
	v15 =	vld.idx.msk [tilespmem:v49+s12+$0x0], $0xffff;
	v29 =	vadd.f32 v54, v29  }
0x174: {  	s22 =	sld [smem:$0x2A];
	v58 =	vor.u32 $0x46, v6;
	v59 =	vmul.f32 v13, v13;
	v31 =	vadd.f32 v56, v31  }
0x175: {  	v60 =	vmul.f32 s21, v16;
	v16 =	vld.idx.msk [tilespmem:v52+s12+$0x0], $0xffff;
	v29 =	vadd.f32 v57, v29  }
0x176: {  	s23 =	sld [smem:$0x2B];
	v61 =	vor.u32 $0x47, v6;
	v62 =	vmul.f32 v14, v14;
	v31 =	vadd.f32 v59, v31  }
0x177: {  	v63 =	vmul.f32 s22, v17;
	v17 =	vld.idx.msk [tilespmem:v55+s12+$0x0], $0xffff;
	v29 =	vadd.f32 v60, v29  }
0x178: {  	s24 =	sld [smem:$0x2C];
	v41 =	vor.u32 $0x48, v6;
	v42 =	vmul.f32 v15, v15;
	v31 =	vadd.f32 v62, v31  }
0x179: {  	v43 =	vmul.f32 s23, v18;
	v18 =	vld.idx.msk [tilespmem:v58+s12+$0x0], $0xffff;
	v29 =	vadd.f32 v63, v29  }
0x17a: {  	s25 =	sld [smem:$0x2D];
	v44 =	vor.u32 $0x49, v6;
	v45 =	vmul.f32 v16, v16;
	v31 =	vadd.f32 v42, v31  }
0x17b: {  	v46 =	vmul.f32 s24, v19;
	v19 =	vld.idx.msk [tilespmem:v61+s12+$0x0], $0xffff;
	v29 =	vadd.f32 v43, v29  }
0x17c: {  	s26 =	sld [smem:$0x2E];
	v47 =	vor.u32 $0x4A, v6;
	v48 =	vmul.f32 v17, v17;
	v31 =	vadd.f32 v45, v31  }
0x17d: {  	v49 =	vmul.f32 s25, v20;
	v20 =	vld.idx.msk [tilespmem:v41+s12+$0x0], $0xffff;
	v29 =	vadd.f32 v46, v29  }
0x17e: {  	s28 =	sld [smem:$0x2F];
	v50 =	vor.u32 $0x4B, v6;
	v51 =	vmul.f32 v18, v18;
	v31 =	vadd.f32 v48, v31  }
0x17f: {  	v52 =	vmul.f32 s26, v21;
	v21 =	vld.idx.msk [tilespmem:v44+s12+$0x0], $0xffff;
	v29 =	vadd.f32 v49, v29  }
0x180: {  	s29 =	sld [smem:$0x30];
	v53 =	vor.u32 $0x4C, v6;
	v54 =	vmul.f32 v19, v19;
	v31 =	vadd.f32 v51, v31  }
0x181: {  	v55 =	vmul.f32 s28, v22;
	v22 =	vld.idx.msk [tilespmem:v47+s12+$0x0], $0xffff;
	v29 =	vadd.f32 v52, v29  }
0x182: {  	s30 =	sld [smem:$0x31];
	v56 =	vor.u32 $0x4D, v6;
	v57 =	vmul.f32 v20, v20;
	v31 =	vadd.f32 v54, v31  }
0x183: {  	v58 =	vmul.f32 s29, v23;
	v23 =	vld.idx.msk [tilespmem:v50+s12+$0x0], $0xffff;
	v29 =	vadd.f32 v55, v29  }
0x184: {  	s31 =	sld [smem:$0x32];
	v59 =	vor.u32 $0x4E, v6;
	v60 =	vmul.f32 v21, v21;
	v31 =	vadd.f32 v57, v31  }
0x185: {  	v61 =	vmul.f32 s30, v24;
	v24 =	vld.idx.msk [tilespmem:v53+s12+$0x0], $0xffff;
	v29 =	vadd.f32 v58, v29  }
0x186: {  	s20 =	sld [smem:$0x33];
	v62 =	vor.u32 $0x4F, v6;
	v63 =	vmul.f32 v22, v22;
	v31 =	vadd.f32 v60, v31  }
0x187: {  	v41 =	vmul.f32 s31, v25;
	v25 =	vld.idx.msk [tilespmem:v56+s12+$0x0], $0xffff;
	v29 =	vadd.f32 v61, v29  }
0x188: {  	s21 =	sld [smem:$0x34];
	v42 =	vor.u32 $0x50, v6;
	v43 =	vmul.f32 v23, v23;
	v31 =	vadd.f32 v63, v31  }
0x189: {  	v44 =	vmul.f32 s20, v26;
	v26 =	vld.idx.msk [tilespmem:v59+s12+$0x0], $0xffff;
	v29 =	vadd.f32 v41, v29  }
0x18a: {  	s22 =	sld [smem:$0x35];
	v45 =	vor.u32 $0x51, v6;
	v46 =	vmul.f32 v24, v24;
	v31 =	vadd.f32 v43, v31  }
0x18b: {  	v47 =	vmul.f32 s21, v27;
	v27 =	vld.idx.msk [tilespmem:v62+s12+$0x0], $0xffff;
	v29 =	vadd.f32 v44, v29  }
0x18c: {  	s23 =	sld [smem:$0x36];
	v48 =	vor.u32 $0x52, v6;
	v49 =	vmul.f32 v25, v25;
	v31 =	vadd.f32 v46, v31  }
0x18d: {  	v50 =	vmul.f32 s22, v28;
	v28 =	vld.idx.msk [tilespmem:v42+s12+$0x0], $0xffff;
	v29 =	vadd.f32 v47, v29  }
0x18e: {  	s24 =	sld [smem:$0x37];
	v51 =	vor.u32 $0x53, v6;
	v52 =	vmul.f32 v26, v26;
	v31 =	vadd.f32 v49, v31  }
0x18f: {  	v0 =	vmul.f32 s23, v0;
	v35 =	vadd.f32 v50, v29;
	v29 =	vld.idx.msk [tilespmem:v45+s12+$0x0], $0xffff  }
0x190: {  	s25 =	sld [smem:$0x38];
	v53 =	vor.u32 $0x54, v6;
	v54 =	vmul.f32 v27, v27;
	v31 =	vadd.f32 v52, v31  }
0x191: {  	v1 =	vmul.f32 s24, v1;
	v30 =	vld.idx.msk [tilespmem:v48+s12+$0x0], $0xffff;
	v0 =	vadd.f32 v0, v35  }
0x192: {  	s26 =	sld [smem:$0x39];
	v55 =	vor.u32 $0x55, v6;
	v56 =	vmul.f32 v28, v28;
	v31 =	vadd.f32 v54, v31  }
0x193: {  	v57 =	vmul.f32 s25, v2;
	v2 =	vld.idx.msk [tilespmem:v51+s12+$0x0], $0xffff;
	v0 =	vadd.f32 v1, v0  }
0x194: {  	s28 =	sld [smem:$0x3A];
	v1 =	vor.u32 $0x56, v6;
	v58 =	vmul.f32 v29, v29;
	v31 =	vadd.f32 v56, v31  }
0x195: {  	v59 =	vmul.f32 s26, v3;
	v3 =	vld.idx.msk [tilespmem:v53+s12+$0x0], $0xffff;
	v0 =	vadd.f32 v57, v0  }
0x196: {  	s29 =	sld [smem:$0x3B];
	v60 =	vor.u32 $0x57, v6;
	v61 =	vmul.f32 v30, v30;
	v31 =	vadd.f32 v58, v31  }
0x197: {  	v62 =	vmul.f32 s28, v4;
	v4 =	vld.idx.msk [tilespmem:v55+s12+$0x0], $0xffff;
	v0 =	vadd.f32 v59, v0  }
0x198: {  	s30 =	sld [smem:$0x3C];
	v63 =	vor.u32 $0x58, v6;
	v41 =	vmul.f32 v2, v2;
	v31 =	vadd.f32 v61, v31  }
0x199: {  	v42 =	vmul.f32 s29, v5;
	v5 =	vld.idx.msk [tilespmem:v1+s12+$0x0], $0xffff;
	v0 =	vadd.f32 v62, v0  }
0x19a: {  	s31 =	sld [smem:$0x3D];
	v43 =	vmul.f32 v3, v3;
	v1 =	vor.u32 $0x59, v6;
	v31 =	vadd.f32 v41, v31  }
0x19b: {  	v44 =	vmul.f32 s30, v8;
	v8 =	vld.idx.msk [tilespmem:v60+s12+$0x0], $0xffff;
	v0 =	vadd.f32 v42, v0  }
0x19c: {  	s20 =	sld [smem:$0x3E];
	v45 =	vor.u32 $0x5A, v6;
	v46 =	vmul.f32 v4, v4;
	v31 =	vadd.f32 v43, v31  }
0x19d: {  	v47 =	vmul.f32 s31, v9;
	v9 =	vld.idx.msk [tilespmem:v63+s12+$0x0], $0xffff;
	v0 =	vadd.f32 v44, v0  }
0x19e: {  	s21 =	sld [smem:$0x3F];
	v48 =	vor.u32 $0x5B, v6;
	v49 =	vmul.f32 v5, v5;
	v31 =	vadd.f32 v46, v31  }
0x19f: {  	v50 =	vmul.f32 s20, v10;
	v10 =	vld.idx.msk [tilespmem:v1+s12+$0x0], $0xffff;
	v0 =	vadd.f32 v47, v0  }
0x1a0: {  	s22 =	sld [smem:$0x40];
	v51 =	vmul.f32 v8, v8;
	v1 =	vor.u32 $0x5C, v6;
	v31 =	vadd.f32 v49, v31  }
0x1a1: {  	v52 =	vmul.f32 s21, v11;
	v11 =	vld.idx.msk [tilespmem:v45+s12+$0x0], $0xffff;
	v0 =	vadd.f32 v50, v0  }
0x1a2: {  	s23 =	sld [smem:$0x41];
	v53 =	vor.u32 $0x5D, v6;
	v54 =	vmul.f32 v9, v9;
	v31 =	vadd.f32 v51, v31  }
0x1a3: {  	v55 =	vmul.f32 s22, v12;
	v12 =	vld.idx.msk [tilespmem:v48+s12+$0x0], $0xffff;
	v0 =	vadd.f32 v52, v0  }
0x1a4: {  	s24 =	sld [smem:$0x42];
	v56 =	vor.u32 $0x5E, v6;
	v57 =	vmul.f32 v10, v10;
	v31 =	vadd.f32 v54, v31  }
0x1a5: {  	v58 =	vmul.f32 s23, v13;
	v13 =	vld.idx.msk [tilespmem:v1+s12+$0x0], $0xffff;
	v0 =	vadd.f32 v55, v0  }
0x1a6: {  	s25 =	sld [smem:$0x43];
	v59 =	vmul.f32 v11, v11;
	v1 =	vor.u32 $0x5F, v6;
	v31 =	vadd.f32 v57, v31  }
0x1a7: {  	v60 =	vmul.f32 s24, v14;
	v14 =	vld.idx.msk [tilespmem:v53+s12+$0x0], $0xffff;
	v0 =	vadd.f32 v58, v0  }
0x1a8: {  	s26 =	sld [smem:$0x44];
	v62 =	vmul.f32 v12, v12;
	v61 =	vor.u32 $0x60, v6;
	v31 =	vadd.f32 v59, v31  }
0x1a9: {  	v63 =	vmul.f32 s25, v15;
	v15 =	vld.idx.msk [tilespmem:v56+s12+$0x0], $0xffff;
	v0 =	vadd.f32 v60, v0  }
0x1aa: {  	s28 =	sld [smem:$0x45];
	v41 =	vor.u32 $0x61, v6;
	v42 =	vmul.f32 v13, v13;
	v31 =	vadd.f32 v62, v31  }
0x1ab: {  	v43 =	vmul.f32 s26, v16;
	v16 =	vld.idx.msk [tilespmem:v1+s12+$0x0], $0xffff;
	v0 =	vadd.f32 v63, v0  }
0x1ac: {  	s29 =	sld [smem:$0x46];
	v44 =	vmul.f32 v14, v14;
	v1 =	vor.u32 $0x62, v6;
	v31 =	vadd.f32 v42, v31  }
0x1ad: {  	v45 =	vmul.f32 s28, v17;
	v17 =	vld.idx.msk [tilespmem:v61+s12+$0x0], $0xffff;
	v0 =	vadd.f32 v43, v0  }
0x1ae: {  	s30 =	sld [smem:$0x47];
	v46 =	vor.u32 $0x63, v6;
	v47 =	vmul.f32 v15, v15;
	v31 =	vadd.f32 v44, v31  }
0x1af: {  	v18 =	vmul.f32 s29, v18;
	v35 =	vadd.f32 v45, v0;
	v0 =	vld.idx.msk [tilespmem:v41+s12+$0x0], $0xffff  }
0x1b0: {  	v48 =	vor.u32 $0x64, v6;
	s31 =	sld [smem:$0x48];
	v49 =	vmul.f32 v16, v16;
	v31 =	vadd.f32 v47, v31  }
0x1b1: {  	v19 =	vmul.f32 s30, v19;
	v1 =	vld.idx.msk [tilespmem:v1+s12+$0x0], $0xffff;
	v18 =	vadd.f32 v18, v35  }
0x1b2: {  	s20 =	sld [smem:$0x49];
	v50 =	vor.u32 $0x65, v6;
	v51 =	vmul.f32 v17, v17;
	v31 =	vadd.f32 v49, v31  }
0x1b3: {  	v20 =	vmul.f32 s31, v20;
	v19 =	vadd.f32 v19, v18;
	v18 =	vld.idx.msk [tilespmem:v46+s12+$0x0], $0xffff  }
0x1b4: {  	s21 =	sld [smem:$0x4A];
	v52 =	vor.u32 $0x66, v6;
	v53 =	vmul.f32 v0, v0;
	v31 =	vadd.f32 v51, v31  }
0x1b5: {  	v21 =	vmul.f32 s20, v21;
	v20 =	vadd.f32 v20, v19;
	v19 =	vld.idx.msk [tilespmem:v48+s12+$0x0], $0xffff  }
0x1b6: {  	s22 =	sld [smem:$0x4B];
	v54 =	vor.u32 $0x67, v6;
	v55 =	vmul.f32 v1, v1;
	v31 =	vadd.f32 v53, v31  }
0x1b7: {  	v22 =	vmul.f32 s21, v22;
	v21 =	vadd.f32 v21, v20;
	v20 =	vld.idx.msk [tilespmem:v50+s12+$0x0], $0xffff  }
0x1b8: {  	s23 =	sld [smem:$0x4C];
	v56 =	vor.u32 $0x68, v6;
	v57 =	vmul.f32 v18, v18;
	v31 =	vadd.f32 v55, v31  }
0x1b9: {  	v23 =	vmul.f32 s22, v23;
	v22 =	vadd.f32 v22, v21;
	v21 =	vld.idx.msk [tilespmem:v52+s12+$0x0], $0xffff  }
0x1ba: {  	s24 =	sld [smem:$0x4D];
	v58 =	vor.u32 $0x69, v6;
	v59 =	vmul.f32 v19, v19;
	v31 =	vadd.f32 v57, v31  }
0x1bb: {  	v24 =	vmul.f32 s23, v24;
	v23 =	vadd.f32 v23, v22;
	v22 =	vld.idx.msk [tilespmem:v54+s12+$0x0], $0xffff  }
0x1bc: {  	s25 =	sld [smem:$0x4E];
	v60 =	vor.u32 $0x6A, v6;
	v61 =	vmul.f32 v20, v20;
	v31 =	vadd.f32 v59, v31  }
0x1bd: {  	v25 =	vmul.f32 s24, v25;
	v24 =	vadd.f32 v24, v23;
	v23 =	vld.idx.msk [tilespmem:v56+s12+$0x0], $0xffff  }
0x1be: {  	s26 =	sld [smem:$0x4F];
	v62 =	vor.u32 $0x6B, v6;
	v63 =	vmul.f32 v21, v21;
	v31 =	vadd.f32 v61, v31  }
0x1bf: {  	v26 =	vmul.f32 s25, v26;
	v25 =	vadd.f32 v25, v24;
	v24 =	vld.idx.msk [tilespmem:v58+s12+$0x0], $0xffff  }
0x1c0: {  	v36 =	vor.u32 $0x6C, v6;
	s28 =	sld [smem:$0x50];
	v41 =	vmul.f32 v22, v22;
	v31 =	vadd.f32 v63, v31  }
0x1c1: {  	v27 =	vmul.f32 s26, v27;
	v26 =	vadd.f32 v26, v25;
	v25 =	vld.idx.msk [tilespmem:v60+s12+$0x0], $0xffff  }
0x1c2: {  	s29 =	sld [smem:$0x51];
	v42 =	vor.u32 $0x6D, v6;
	v43 =	vmul.f32 v23, v23;
	v31 =	vadd.f32 v41, v31  }
0x1c3: {  	v28 =	vmul.f32 s28, v28;
	v27 =	vadd.f32 v27, v26;
	v26 =	vld.idx.msk [tilespmem:v62+s12+$0x0], $0xffff  }
0x1c4: {  	s30 =	sld [smem:$0x52];
	v44 =	vor.u32 $0x6E, v6;
	v45 =	vmul.f32 v24, v24;
	v31 =	vadd.f32 v43, v31  }
0x1c5: {  	v29 =	vmul.f32 s29, v29;
	v28 =	vadd.f32 v28, v27;
	v27 =	vld.idx.msk [tilespmem:v36+s12+$0x0], $0xffff  }
0x1c6: {  	s31 =	sld [smem:$0x53];
	v46 =	vor.u32 $0x6F, v6;
	v47 =	vmul.f32 v25, v25;
	v31 =	vadd.f32 v45, v31  }
0x1c7: {  	v30 =	vmul.f32 s30, v30;
	v29 =	vadd.f32 v29, v28;
	v28 =	vld.idx.msk [tilespmem:v42+s12+$0x0], $0xffff  }
0x1c8: {  	s20 =	sld [smem:$0x54];
	v48 =	vor.u32 $0x70, v6;
	v49 =	vmul.f32 v26, v26;
	v31 =	vadd.f32 v47, v31  }
0x1c9: {  	v50 =	vmul.f32 s31, v2;
	v2 =	vld.idx.msk [tilespmem:v44+s12+$0x0], $0xffff;
	v29 =	vadd.f32 v30, v29  }
0x1ca: {  	s21 =	sld [smem:$0x55];
	v51 =	vor.u32 $0x71, v6;
	v52 =	vmul.f32 v27, v27;
	v31 =	vadd.f32 v49, v31  }
0x1cb: {  	v53 =	vmul.f32 s20, v3;
	v3 =	vld.idx.msk [tilespmem:v46+s12+$0x0], $0xffff;
	v29 =	vadd.f32 v50, v29  }
0x1cc: {  	s22 =	sld [smem:$0x56];
	v54 =	vor.u32 $0x72, v6;
	v55 =	vmul.f32 v28, v28;
	v31 =	vadd.f32 v52, v31  }
0x1cd: {  	v56 =	vmul.f32 s21, v4;
	v4 =	vld.idx.msk [tilespmem:v48+s12+$0x0], $0xffff;
	v29 =	vadd.f32 v53, v29  }
0x1ce: {  	s23 =	sld [smem:$0x57];
	v57 =	vor.u32 $0x73, v6;
	v58 =	vmul.f32 v2, v2;
	v31 =	vadd.f32 v55, v31  }
0x1cf: {  	v59 =	vmul.f32 s22, v5;
	v5 =	vld.idx.msk [tilespmem:v51+s12+$0x0], $0xffff;
	v29 =	vadd.f32 v56, v29  }
0x1d0: {  	s24 =	sld [smem:$0x58];
	v60 =	vor.u32 $0x74, v6;
	v61 =	vmul.f32 v3, v3;
	v31 =	vadd.f32 v58, v31  }
0x1d1: {  	v62 =	vmul.f32 s23, v8;
	v8 =	vld.idx.msk [tilespmem:v54+s12+$0x0], $0xffff;
	v29 =	vadd.f32 v59, v29  }
0x1d2: {  	s25 =	sld [smem:$0x59];
	v63 =	vor.u32 $0x75, v6;
	v41 =	vmul.f32 v4, v4;
	v31 =	vadd.f32 v61, v31  }
0x1d3: {  	v42 =	vmul.f32 s24, v9;
	v9 =	vld.idx.msk [tilespmem:v57+s12+$0x0], $0xffff;
	v29 =	vadd.f32 v62, v29  }
0x1d4: {  	s26 =	sld [smem:$0x5A];
	v44 =	vmul.f32 v5, v5;
	v43 =	vor.u32 $0x76, v6;
	v31 =	vadd.f32 v41, v31  }
0x1d5: {  	v45 =	vmul.f32 s25, v10;
	v10 =	vld.idx.msk [tilespmem:v60+s12+$0x0], $0xffff;
	v29 =	vadd.f32 v42, v29  }
0x1d6: {  	s28 =	sld [smem:$0x5B];
	v46 =	vor.u32 $0x77, v6;
	v47 =	vmul.f32 v8, v8;
	v31 =	vadd.f32 v44, v31  }
0x1d7: {  	v48 =	vmul.f32 s26, v11;
	v11 =	vld.idx.msk [tilespmem:v63+s12+$0x0], $0xffff;
	v29 =	vadd.f32 v45, v29  }
0x1d8: {  	s29 =	sld [smem:$0x5C];
	v50 =	vmul.f32 v9, v9;
	v49 =	vor.u32 $0x78, v6;
	v31 =	vadd.f32 v47, v31  }
0x1d9: {  	v51 =	vmul.f32 s28, v12;
	v12 =	vld.idx.msk [tilespmem:v43+s12+$0x0], $0xffff;
	v29 =	vadd.f32 v48, v29  }
0x1da: {  	s30 =	sld [smem:$0x5D];
	v53 =	vmul.f32 v10, v10;
	v52 =	vor.u32 $0x79, v6;
	v31 =	vadd.f32 v50, v31  }
0x1db: {  	v54 =	vmul.f32 s29, v13;
	v13 =	vld.idx.msk [tilespmem:v46+s12+$0x0], $0xffff;
	v29 =	vadd.f32 v51, v29  }
0x1dc: {  	s31 =	sld [smem:$0x5E];
	v56 =	vmul.f32 v11, v11;
	v55 =	vor.u32 $0x7A, v6;
	v31 =	vadd.f32 v53, v31  }
0x1dd: {  	v57 =	vmul.f32 s30, v14;
	v14 =	vld.idx.msk [tilespmem:v49+s12+$0x0], $0xffff;
	v29 =	vadd.f32 v54, v29  }
0x1de: {  	s20 =	sld [smem:$0x5F];
	v59 =	vmul.f32 v12, v12;
	v58 =	vor.u32 $0x7B, v6;
	v31 =	vadd.f32 v56, v31  }
0x1df: {  	v60 =	vmul.f32 s31, v15;
	v15 =	vld.idx.msk [tilespmem:v52+s12+$0x0], $0xffff;
	v29 =	vadd.f32 v57, v29  }
0x1e0: {  	s21 =	sld [smem:$0x60];
	v62 =	vmul.f32 v13, v13;
	v61 =	vor.u32 $0x7C, v6;
	v31 =	vadd.f32 v59, v31  }
0x1e1: {  	v16 =	vmul.f32 s20, v16;
	v30 =	vld.idx.msk [tilespmem:v55+s12+$0x0], $0xffff;
	v29 =	vadd.f32 v60, v29  }
0x1e2: {  	s22 =	sld [smem:$0x61];
	v63 =	vor.u32 $0x7D, v6;
	v36 =	vmul.f32 v14, v14;
	v31 =	vadd.f32 v62, v31  }
0x1e3: {  	v17 =	vmul.f32 s21, v17;
	v41 =	vld.idx.msk [tilespmem:v58+s12+$0x0], $0xffff;
	v16 =	vadd.f32 v16, v29  }
0x1e4: {  	s23 =	sld [smem:$0x62];
	v42 =	vor.u32 $0x7E, v6;
	v43 =	vmul.f32 v15, v15;
	v31 =	vadd.f32 v36, v31  }
0x1e5: {  	v0 =	vmul.f32 s22, v0;
	v44 =	vld.idx.msk [tilespmem:v61+s12+$0x0], $0xffff;
	v16 =	vadd.f32 v17, v16  }
0x1e6: {  	s24 =	sld [smem:$0x63];
	v6 =	vor.u32 $0x7F, v6;
	v45 =	vmul.f32 v30, v30;
	v31 =	vadd.f32 v43, v31  }
0x1e7: {  	v1 =	vmul.f32 s23, v1;
	v46 =	vld.idx.msk [tilespmem:v63+s12+$0x0], $0xffff;
	v0 =	vadd.f32 v0, v16  }
0x1e8: {  	s25 =	sld [smem:$0x64];
	v47 =	vmul.f32 v41, v41;
	v31 =	vadd.f32 v45, v31  }
0x1e9: {  	v48 =	vld.idx.msk [tilespmem:v42+s12+$0x0], $0xffff;
	v0 =	vadd.f32 v1, v0;
	v1 =	vmul.f32 s24, v18  }
0x1ea: {  	s26 =	sld [smem:$0x65];
	v49 =	vmul.f32 v44, v44;
	v31 =	vadd.f32 v47, v31  }
0x1eb: {  	v6 =	vld.idx.msk [tilespmem:v6+s12+$0x0], $0xffff;
	v0 =	vadd.f32 v1, v0;
	v1 =	vmul.f32 s25, v19  }
0x1ec: {  	s28 =	sld [smem:$0x66];
	v51 =	vmul.f32 v46, v46;
	v50 =	vadd.f32 v49, v31  }
0x1ed: {  	v0 =	vadd.f32 v1, v0;
	v1 =	vmul.f32 s26, v20  }
0x1ee: {  	s29 =	sld [smem:$0x67];
	v52 =	vmul.f32 v48, v48;
	v19 =	vadd.f32 v51, v50  }
0x1ef: {  	v0 =	vadd.f32 v1, v0;
	v1 =	vmul.f32 s28, v21  }
0x1f0: {  	s30 =	sld [smem:$0x68];
	v53 =	vmul.f32 v6, v6;
	v19 =	vadd.f32 v52, v19  }
0x1f1: {  	v0 =	vadd.f32 v1, v0;
	v1 =	vmul.f32 s29, v22  }
0x1f2: {  	s31 =	sld [smem:$0x69];
	v19 =	vadd.f32 v53, v19  }
0x1f3: {  	v54 =	vmul.f32 s30, v23;
	v0 =	vadd.f32 v1, v0  }
0x1f4: {  	s20 =	sld [smem:$0x6A];
	v1 =	vshra.s32 v19, $0x1;
	v55 =	vmul.f32 $5.000000000e-01, v19  }
0x1f5: {  	v56 =	vmul.f32 s31, v24;
	v0 =	vadd.f32 v54, v0;
	v1 =	vsub.s32 $0x5F3759DF, v1  }
0x1f6: {  	s21 =	sld [smem:$0x6B];
	v57 =	vmul.f32 v1, v55  }
0x1f7: {  	v58 =	vmul.f32 s20, v25;
	v0 =	vadd.f32 v56, v0  }
0x1f8: {  	s22 =	sld [smem:$0x6C];
	v20 =	vmul.f32 v1, v57  }
0x1f9: {  	v59 =	vmul.f32 s21, v26;
	v0 =	vadd.f32 v58, v0  }
0x1fa: {  	s23 =	sld [smem:$0x6D];
	v20 =	vsub.f32 $1.500000000e+00, v20  }
0x1fb: {  	v60 =	vmul.f32 s22, v27;
	v0 =	vadd.f32 v59, v0  }
0x1fc: {  	s24 =	sld [smem:$0x6E];
	v1 =	vmul.f32 v1, v20  }
0x1fd: {  	v61 =	vmul.f32 s23, v28;
	v0 =	vadd.f32 v60, v0  }
0x1fe: {  	s25 =	sld [smem:$0x6F];
	v62 =	vmul.f32 v1, v55  }
0x1ff: {  	v2 =	vmul.f32 s24, v2;
	v0 =	vadd.f32 v61, v0  }
0x200: {  	s26 =	sld [smem:$0x70];
	v63 =	vmul.f32 v62, v1  }
0x201: {  	v0 =	vadd.f32 v2, v0;
	v2 =	vmul.f32 s25, v3  }
0x202: {  	s28 =	sld [smem:$0x71];
	v3 =	vsub.f32 $1.500000000e+00, v63  }
0x203: {  	v0 =	vadd.f32 v2, v0;
	v2 =	vmul.f32 s26, v4  }
0x204: {  	s29 =	sld [smem:$0x72];
	v1 =	vmul.f32 v3, v1  }
0x205: {  	v0 =	vadd.f32 v2, v0;
	v3 =	vmul.f32 s28, v5  }
0x206: {  	s30 =	sld [smem:$0x73];
	v2 =	vmul.f32 v1, v55  }
0x207: {  	v0 =	vadd.f32 v3, v0;
	v3 =	vmul.f32 s29, v8  }
0x208: {  	s31 =	sld [smem:$0x74];
	v2 =	vmul.f32 v2, v1  }
0x209: {  	v0 =	vadd.f32 v3, v0;
	v3 =	vmul.f32 s30, v9  }
0x20a: {  	s20 =	sld [smem:$0x75];
	v2 =	vsub.f32 $1.500000000e+00, v2  }
0x20b: {  	v0 =	vadd.f32 v3, v0;
	v3 =	vmul.f32 s31, v10  }
0x20c: {  	s21 =	sld [smem:$0x76];
	v1 =	vmul.f32 v2, v1  }
0x20d: {  	v0 =	vadd.f32 v3, v0;
	v2 =	vmul.f32 s20, v11  }
0x20e: {  	s22 =	sld [smem:$0x77];
	v3 =	vmul.f32 v1, v55  }
0x20f: {  	v0 =	vadd.f32 v2, v0;
	v2 =	vmul.f32 s21, v12  }
0x210: {  	s23 =	sld [smem:$0x78];
	v3 =	vmul.f32 v3, v1  }
0x211: {  	v0 =	vadd.f32 v2, v0;
	v2 =	vmul.f32 s22, v13  }
0x212: {  	s24 =	sld [smem:$0x79];
	v3 =	vsub.f32 $1.500000000e+00, v3  }
0x213: {  	v0 =	vadd.f32 v2, v0;
	v2 =	vmul.f32 s23, v14  }
0x214: {  	s25 =	sld [smem:$0x7A];
	v1 =	vmul.f32 v3, v1  }
0x215: {  	v0 =	vadd.f32 v2, v0;
	v2 =	vmul.f32 s24, v15  }
0x216: {  	s26 =	sld [smem:$0x7B];
	v1 =	vmul.f32 v1, v19  }
0x217: {  	v0 =	vadd.f32 v2, v0;
	v2 =	vmul.f32 s25, v30  }
0x218: {  	s28 =	sld [smem:$0x7C];
	v1 =	vmul.f32 v1, v38  }
0x219: {  	v3 =	vmul.f32 s26, v41;
	v0 =	vadd.f32 v2, v0  }
0x21a: {  	s29 =	sld [smem:$0x7D];
	v1 =	vmax.f32 v1, $9.999999930e-09  }
0x21b: {  	v2 =	vmul.f32 s28, v44;
	v0 =	vadd.f32 v3, v0;
	(erf) = vrcp.f32 v1  }
0x21c: {  	s30 =	sld [smem:$0x7E]  }
0x21d: {  	v1 =	vmul.f32 s29, v46;
	v0 =	vadd.f32 v2, v0;
	_ =	sdelay $0x1  }
0x21e: {  	v2 =	vmul.f32 s30, v48;
	v0 =	vadd.f32 v1, v0;
	_ =	sdelay $0x1  }
0x21f: {  	s18 =	simm.s32 $0x10;
	v1 =	vmul.f32 v6, v39;
	v0 =	vadd.f32 v2, v0  }
0x220: {  	v36 =	vor.u32 s18, v37  }
0x221: {  	vm1 =	vlt.s32 v36, $0x7C;
	v2 =	vld [tilespmem:$0x7D80];
	v0 =	vadd.f32 v0, v1  }
0x222: {  	v1 =	vnsel vm1, $0x7C, v36;
	v3 =	vpop (erf)  }
0x223: {  	v1 =	vshll.u32 v1, $0x7;
	v0 =	vmul.f32 v3, v0  }
0x224: {  	s31 =	sadd.s32 $0x0, s16;
	vm1 =	vlt.u32 v7, $0x7D;
	v7 =	vadd.s32 v40, v1  }
0x225: {  	v5 =	vadd.s32 s31, v37;
	v4 =	vor.u32 $0x1, v7;
	v6 =	vnsel vm1, $0xFF800000, v0  }
0x226: {  	[tilespmem:$0x1FFE0] =	vst v40;
	s19 =	simm.s32 $0x20;
	v1 =	vor.u32 $0x2, v7;
	v3 =	vld [tilespmem:$0x7D90];
	v0 =	vor.u32 $0x3, v7;
	vm1 =	vgt.f32 v6, v2  }
.LBB2_4:
0x227: {  	_ =	sdelay $0x2  }
0x228: {  	v2 =	vsel vm1, v6, v2  }
0x229: {  	[tilespmem:$0x7D80] =	vst v2;
	v2 =	vsel vm1, v5, v3  }
0x22a: {  	[tilespmem:$0x7D90] =	vst v2  }
0x22b: {  	v2 =	vld.idx.msk [tilespmem:v4+s12+$0x0], $0xffff  }
0x22c: {  	v4 =	vld.idx.msk [tilespmem:v7+s12+$0x0], $0xffff;
	_ =	sdelay $0x1  }
0x22d: {  	v8 =	vor.u32 $0x4, v7;
	s21 =	sld [smem:$0x0]  }
0x22e: {  	v1 =	vld.idx.msk [tilespmem:v1+s12+$0x0], $0xffff  }
0x22f: {  	v10 =	vor.u32 $0x5, v7;
	s22 =	sld [smem:$0x1]  }
0x230: {  	v0 =	vld.idx.msk [tilespmem:v0+s12+$0x0], $0xffff;
	v22 =	vmul.f32 v4, v4;
	v4 =	vmul.f32 s21, v4  }
0x231: {  	v18 =	vor.u32 $0x6, v7;
	s23 =	sld [smem:$0x2];
	v20 =	vmul.f32 v2, v2  }
0x232: {  	v6 =	vor.u32 $0x7, v7;
	v8 =	vld.idx.msk [tilespmem:v8+s12+$0x0], $0xffff;
	v2 =	vmul.f32 s22, v2;
	v4 =	vadd.f32 $0.0e+00, v4  }
0x233: {  	s26 =	sld [smem:$0x3];
	v24 =	vmul.f32 v1, v1;
	v20 =	vadd.f32 v20, v22  }
0x234: {  	v10 =	vld.idx.msk [tilespmem:v10+s12+$0x0], $0xffff;
	v1 =	vmul.f32 s23, v1;
	v2 =	vadd.f32 v2, v4  }
0x235: {  	v12 =	vor.u32 $0x8, v7;
	s28 =	sld [smem:$0x4];
	v31 =	vmul.f32 v0, v0;
	v20 =	vadd.f32 v24, v20  }
0x236: {  	v18 =	vld.idx.msk [tilespmem:v18+s12+$0x0], $0xffff;
	v0 =	vmul.f32 s26, v0;
	v1 =	vadd.f32 v1, v2  }
0x237: {  	v28 =	vor.u32 $0x9, v7;
	s29 =	sld [smem:$0x5];
	v47 =	vmul.f32 v8, v8;
	v4 =	vld.idx.msk [tilespmem:v6+s12+$0x0], $0xffff;
	v6 =	vadd.f32 v31, v20  }
0x238: {  	v3 =	vor.u32 $0xA, v7;
	v2 =	vmul.f32 s28, v8;
	v0 =	vadd.f32 v0, v1  }
0x239: {  	s30 =	sld [smem:$0x6];
	v48 =	vmul.f32 v10, v10;
	v6 =	vadd.f32 v47, v6  }
0x23a: {  	v5 =	vor.u32 $0xB, v7;
	v10 =	vmul.f32 s29, v10;
	v8 =	vld.idx.msk [tilespmem:v12+s12+$0x0], $0xffff;
	v2 =	vadd.f32 v2, v0  }
0x23b: {  	s31 =	sld [smem:$0x7];
	v1 =	vadd.f32 v48, v6;
	v6 =	vmul.f32 v18, v18  }
0x23c: {  	v49 =	vld.idx.msk [tilespmem:v28+s12+$0x0], $0xffff;
	v50 =	vmul.f32 s30, v18;
	v10 =	vadd.f32 v10, v2  }
0x23d: {  	v14 =	vor.u32 $0xC, v7;
	v51 =	vld.idx.msk [tilespmem:v3+s12+$0x0], $0xffff;
	s23 =	sld [smem:$0x8];
	v3 =	vadd.f32 v6, v1;
	v6 =	vmul.f32 v4, v4  }
0x23e: {  	v52 =	vmul.f32 s31, v4;
	v10 =	vadd.f32 v50, v10  }
0x23f: {  	v16 =	vor.u32 $0xD, v7;
	s24 =	sld [smem:$0x9];
	v53 =	vld.idx.msk [tilespmem:v5+s12+$0x0], $0xffff;
	v5 =	vadd.f32 v6, v3;
	v6 =	vmul.f32 v8, v8  }
0x240: {  	v54 =	vmul.f32 s23, v8;
	v10 =	vadd.f32 v52, v10  }
0x241: {  	v9 =	vor.u32 $0xE, v7;
	s25 =	sld [smem:$0xA];
	v26 =	vmul.f32 v49, v49;
	v8 =	vadd.f32 v6, v5  }
0x242: {  	v14 =	vld.idx.msk [tilespmem:v14+s12+$0x0], $0xffff;
	v20 =	vmul.f32 s24, v49;
	v12 =	vadd.f32 v54, v10  }
0x243: {  	v11 =	vor.u32 $0xF, v7;
	s26 =	sld [smem:$0xB];
	v59 =	vmul.f32 v51, v51;
	v55 =	vadd.f32 v26, v8  }
0x244: {  	v16 =	vld.idx.msk [tilespmem:v16+s12+$0x0], $0xffff;
	v18 =	vmul.f32 s25, v51;
	v20 =	vadd.f32 v20, v12  }
0x245: {  	v13 =	vor.u32 $0x10, v7;
	v60 =	vmul.f32 v53, v53;
	s28 =	sld [smem:$0xC];
	v22 =	vadd.f32 v59, v55  }
0x246: {  	v28 =	vld.idx.msk [tilespmem:v9+s12+$0x0], $0xffff;
	v24 =	vmul.f32 s26, v53;
	v18 =	vadd.f32 v18, v20  }
0x247: {  	v15 =	vor.u32 $0x11, v7;
	s29 =	sld [smem:$0xD];
	v61 =	vmul.f32 v14, v14;
	v22 =	vadd.f32 v60, v22  }
0x248: {  	v47 =	vld.idx.msk [tilespmem:v11+s12+$0x0], $0xffff;
	v62 =	vmul.f32 s28, v14;
	v18 =	vadd.f32 v24, v18  }
0x249: {  	v17 =	vor.u32 $0x12, v7;
	s30 =	sld [smem:$0xE];
	v63 =	vmul.f32 v16, v16;
	v22 =	vadd.f32 v61, v22  }
0x24a: {  	v48 =	vld.idx.msk [tilespmem:v13+s12+$0x0], $0xffff;
	v52 =	vmul.f32 s29, v16;
	v20 =	vadd.f32 v62, v18  }
0x24b: {  	v19 =	vor.u32 $0x13, v7;
	v53 =	vmul.f32 v28, v28;
	s31 =	sld [smem:$0xF];
	v22 =	vadd.f32 v63, v22  }
0x24c: {  	v28 =	vmul.f32 s30, v28;
	v49 =	vld.idx.msk [tilespmem:v15+s12+$0x0], $0xffff;
	v24 =	vadd.f32 v52, v20  }
0x24d: {  	v21 =	vor.u32 $0x14, v7;
	s23 =	sld [smem:$0x10];
	v54 =	vmul.f32 v47, v47;
	v22 =	vadd.f32 v53, v22  }
0x24e: {  	v50 =	vld.idx.msk [tilespmem:v17+s12+$0x0], $0xffff;
	v47 =	vmul.f32 s31, v47;
	v24 =	vadd.f32 v28, v24  }
0x24f: {  	v23 =	vor.u32 $0x15, v7;
	s24 =	sld [smem:$0x11];
	v55 =	vmul.f32 v48, v48;
	v22 =	vadd.f32 v54, v22  }
0x250: {  	v51 =	vld.idx.msk [tilespmem:v19+s12+$0x0], $0xffff;
	v59 =	vmul.f32 s23, v48;
	v47 =	vadd.f32 v47, v24  }
0x251: {  	v25 =	vor.u32 $0x16, v7;
	s25 =	sld [smem:$0x12];
	v52 =	vmul.f32 v49, v49;
	v26 =	vadd.f32 v55, v22  }
0x252: {  	v60 =	vld.idx.msk [tilespmem:v21+s12+$0x0], $0xffff;
	v49 =	vmul.f32 s24, v49;
	v28 =	vadd.f32 v59, v47  }
0x253: {  	v27 =	vor.u32 $0x17, v7;
	s26 =	sld [smem:$0x13];
	v61 =	vmul.f32 v50, v50;
	v26 =	vadd.f32 v52, v26  }
0x254: {  	v62 =	vmul.f32 s25, v50;
	v53 =	vld.idx.msk [tilespmem:v23+s12+$0x0], $0xffff;
	v49 =	vadd.f32 v49, v28  }
0x255: {  	v29 =	vor.u32 $0x18, v7;
	s28 =	sld [smem:$0x14];
	v54 =	vmul.f32 v51, v51;
	v52 =	vadd.f32 v61, v26  }
0x256: {  	v50 =	vld.idx.msk [tilespmem:v25+s12+$0x0], $0xffff;
	v51 =	vmul.f32 s26, v51;
	v47 =	vadd.f32 v62, v49  }
0x257: {  	v46 =	vor.u32 $0x19, v7;
	s29 =	sld [smem:$0x15];
	v63 =	vmul.f32 v60, v60;
	v52 =	vadd.f32 v54, v52  }
0x258: {  	v48 =	vmul.f32 s28, v60;
	v55 =	vld.idx.msk [tilespmem:v27+s12+$0x0], $0xffff;
	v47 =	vadd.f32 v51, v47  }
0x259: {  	v45 =	vor.u32 $0x1A, v7;
	s30 =	sld [smem:$0x16];
	v59 =	vmul.f32 v53, v53;
	v52 =	vadd.f32 v63, v52  }
0x25a: {  	v49 =	vld.idx.msk [tilespmem:v29+s12+$0x0], $0xffff;
	v51 =	vmul.f32 s29, v53;
	v47 =	vadd.f32 v48, v47  }
0x25b: {  	v44 =	vor.u32 $0x1B, v7;
	s31 =	sld [smem:$0x17];
	v52 =	vadd.f32 v59, v52;
	v59 =	vmul.f32 v50, v50  }
0x25c: {  	v46 =	vld.idx.msk [tilespmem:v46+s12+$0x0], $0xffff;
	v48 =	vmul.f32 s30, v50;
	v47 =	vadd.f32 v51, v47  }
0x25d: {  	v43 =	vor.u32 $0x1C, v7;
	s23 =	sld [smem:$0x18];
	v50 =	vadd.f32 v59, v52;
	v52 =	vmul.f32 v55, v55  }
0x25e: {  	v45 =	vld.idx.msk [tilespmem:v45+s12+$0x0], $0xffff;
	v51 =	vmul.f32 s31, v55;
	v47 =	vadd.f32 v48, v47  }
0x25f: {  	v42 =	vor.u32 $0x1D, v7;
	s24 =	sld [smem:$0x19];
	v50 =	vadd.f32 v52, v50;
	v52 =	vmul.f32 v49, v49  }
0x260: {  	v44 =	vld.idx.msk [tilespmem:v44+s12+$0x0], $0xffff;
	v48 =	vmul.f32 s23, v49;
	v47 =	vadd.f32 v51, v47  }
0x261: {  	v41 =	vor.u32 $0x1E, v7;
	s25 =	sld [smem:$0x1A];
	v49 =	vadd.f32 v52, v50;
	v50 =	vmul.f32 v46, v46  }
0x262: {  	v40 =	vor.u32 $0x1F, v7;
	v43 =	vld.idx.msk [tilespmem:v43+s12+$0x0], $0xffff;
	v46 =	vmul.f32 s24, v46;
	v47 =	vadd.f32 v48, v47  }
0x263: {  	v58 =	vmovc v39;
	v39 =	vor.u32 $0x20, v7;
	s26 =	sld [smem:$0x1B];
	v49 =	vadd.f32 v50, v49;
	v50 =	vmul.f32 v45, v45  }
0x264: {  	v42 =	vld.idx.msk [tilespmem:v42+s12+$0x0], $0xffff;
	v0 =	vor.u32 $0x51, v7;
	v45 =	vmul.f32 s25, v45;
	v46 =	vadd.f32 v46, v47  }
0x265: {  	[tilespmem:$0x1FDF0] =	vst v0;
	v0 =	vor.u32 $0x52, v7;
	s28 =	sld [smem:$0x1C];
	v48 =	vadd.f32 v50, v49;
	v49 =	vmul.f32 v44, v44  }
0x266: {  	v41 =	vld.idx.msk [tilespmem:v41+s12+$0x0], $0xffff;
	[tilespmem:$0x1FE00] =	vst v0;
	v0 =	vor.u32 $0x54, v7;
	v44 =	vmul.f32 s26, v44;
	v45 =	vadd.f32 v45, v46  }
0x267: {  	v38 =	vor.u32 $0x21, v7;
	[tilespmem:$0x1FE10] =	vst v0;
	v0 =	vmul.f32 v43, v43;
	s29 =	sld [smem:$0x1D];
	v47 =	vadd.f32 v49, v48  }
0x268: {  	v40 =	vld.idx.msk [tilespmem:v40+s12+$0x0], $0xffff;
	v43 =	vmul.f32 s28, v43;
	v44 =	vadd.f32 v44, v45  }
0x269: {  	v37 =	vor.u32 $0x22, v7;
	s30 =	sld [smem:$0x1E];
	v1 =	vadd.f32 v0, v47;
	v0 =	vmul.f32 v42, v42  }
0x26a: {  	v39 =	vld.idx.msk [tilespmem:v39+s12+$0x0], $0xffff;
	v42 =	vmul.f32 s29, v42;
	v43 =	vadd.f32 v43, v44  }
0x26b: {  	[tilespmem:$0x1FFD0] =	vst v36;
	v36 =	vor.u32 $0x23, v7;
	s31 =	sld [smem:$0x1F];
	v0 =	vadd.f32 v0, v1;
	v1 =	vmul.f32 v41, v41  }
0x26c: {  	v38 =	vld.idx.msk [tilespmem:v38+s12+$0x0], $0xffff;
	v41 =	vmul.f32 s30, v41;
	v43 =	vadd.f32 v42, v43  }
0x26d: {  	v35 =	vor.u32 $0x24, v7;
	s23 =	sld [smem:$0x20];
	v1 =	vadd.f32 v1, v0;
	v0 =	vmul.f32 v40, v40  }
0x26e: {  	v37 =	vld.idx.msk [tilespmem:v37+s12+$0x0], $0xffff;
	v40 =	vmul.f32 s31, v40;
	v41 =	vadd.f32 v41, v43  }
0x26f: {  	v34 =	vor.u32 $0x25, v7;
	s24 =	sld [smem:$0x21];
	v1 =	vadd.f32 v0, v1;
	v0 =	vmul.f32 v39, v39  }
0x270: {  	v36 =	vld.idx.msk [tilespmem:v36+s12+$0x0], $0xffff;
	v39 =	vmul.f32 s23, v39;
	v40 =	vadd.f32 v40, v41  }
0x271: {  	v33 =	vor.u32 $0x26, v7;
	s25 =	sld [smem:$0x22];
	v1 =	vadd.f32 v0, v1;
	v0 =	vmul.f32 v38, v38  }
0x272: {  	v35 =	vld.idx.msk [tilespmem:v35+s12+$0x0], $0xffff;
	v41 =	vmul.f32 s24, v38;
	v39 =	vadd.f32 v39, v40  }
0x273: {  	v32 =	vor.u32 $0x27, v7;
	s26 =	sld [smem:$0x23];
	v1 =	vadd.f32 v0, v1;
	v0 =	vmul.f32 v37, v37  }
0x274: {  	v34 =	vld.idx.msk [tilespmem:v34+s12+$0x0], $0xffff;
	v40 =	vmul.f32 s25, v37;
	v39 =	vadd.f32 v41, v39  }
0x275: {  	v31 =	vor.u32 $0x28, v7;
	s28 =	sld [smem:$0x24];
	v1 =	vadd.f32 v0, v1;
	v0 =	vmul.f32 v36, v36  }
0x276: {  	v33 =	vld.idx.msk [tilespmem:v33+s12+$0x0], $0xffff;
	v41 =	vmul.f32 s26, v36;
	v39 =	vadd.f32 v40, v39  }
0x277: {  	v30 =	vor.u32 $0x29, v7;
	s29 =	sld [smem:$0x25];
	v1 =	vadd.f32 v0, v1;
	v0 =	vmul.f32 v35, v35  }
0x278: {  	v56 =	vor.u32 $0x2A, v7;
	v32 =	vld.idx.msk [tilespmem:v32+s12+$0x0], $0xffff;
	v40 =	vmul.f32 s28, v35;
	v39 =	vadd.f32 v41, v39  }
0x279: {  	v57 =	vor.u32 $0x2B, v7;
	s30 =	sld [smem:$0x26];
	v1 =	vadd.f32 v0, v1;
	v0 =	vmul.f32 v34, v34  }
0x27a: {  	v31 =	vld.idx.msk [tilespmem:v31+s12+$0x0], $0xffff;
	v2 =	vor.u32 $0x2C, v7;
	v34 =	vmul.f32 s29, v34;
	v39 =	vadd.f32 v40, v39  }
0x27b: {  	v4 =	vor.u32 $0x2E, v7;
	s31 =	sld [smem:$0x27];
	v0 =	vadd.f32 v0, v1;
	v1 =	vmul.f32 v33, v33  }
0x27c: {  	v3 =	vor.u32 $0x2D, v7;
	v41 =	vld.idx.msk [tilespmem:v30+s12+$0x0], $0xffff;
	v33 =	vmul.f32 s30, v33;
	v34 =	vadd.f32 v34, v39  }
0x27d: {  	v5 =	vor.u32 $0x2F, v7;
	s23 =	sld [smem:$0x28];
	v0 =	vadd.f32 v1, v0;
	v1 =	vmul.f32 v32, v32  }
0x27e: {  	v6 =	vor.u32 $0x30, v7;
	v40 =	vld.idx.msk [tilespmem:v56+s12+$0x0], $0xffff;
	v32 =	vmul.f32 s31, v32;
	v33 =	vadd.f32 v33, v34  }
0x27f: {  	v44 =	vor.u32 $0x5A, v7;
	s24 =	sld [smem:$0x29];
	v0 =	vadd.f32 v1, v0;
	v1 =	vmul.f32 v31, v31  }
0x280: {  	[tilespmem:$0x1FE20] =	vst v44;
	v44 =	vor.u32 $0x5B, v7;
	v39 =	vld.idx.msk [tilespmem:v57+s12+$0x0], $0xffff;
	v31 =	vmul.f32 s23, v31;
	v32 =	vadd.f32 v32, v33  }
0x281: {  	[tilespmem:$0x1FE30] =	vst v44;
	v37 =	vor.u32 $0x69, v7;
	s25 =	sld [smem:$0x2A];
	v0 =	vadd.f32 v1, v0;
	v1 =	vmul.f32 v41, v41  }
0x282: {  	v2 =	vld.idx.msk [tilespmem:v2+s12+$0x0], $0xffff;
	v44 =	vor.u32 $0x61, v7;
	[tilespmem:$0x1FF10] =	vst v37;
	v37 =	vmul.f32 s24, v41;
	v31 =	vadd.f32 v31, v32  }
0x283: {  	[tilespmem:$0x1FE90] =	vst v44;
	v44 =	vor.u32 $0x64, v7;
	s26 =	sld [smem:$0x2B];
	v0 =	vadd.f32 v1, v0;
	v1 =	vmul.f32 v40, v40  }
0x284: {  	v3 =	vld.idx.msk [tilespmem:v3+s12+$0x0], $0xffff;
	[tilespmem:$0x1FEC0] =	vst v44;
	v44 =	vor.u32 $0x67, v7;
	v32 =	vmul.f32 s25, v40;
	v31 =	vadd.f32 v37, v31  }
0x285: {  	[tilespmem:$0x1FEF0] =	vst v44;
	v44 =	vor.u32 $0x6D, v7;
	s28 =	sld [smem:$0x2C];
	v0 =	vadd.f32 v1, v0;
	v1 =	vmul.f32 v39, v39  }
0x286: {  	v4 =	vld.idx.msk [tilespmem:v4+s12+$0x0], $0xffff;
	[tilespmem:$0x1FF50] =	vst v44;
	v44 =	vmul.f32 s26, v39;
	v31 =	vadd.f32 v32, v31  }
0x287: {  	v8 =	vor.u32 $0x31, v7;
	s29 =	sld [smem:$0x2D];
	v0 =	vadd.f32 v1, v0;
	v1 =	vmul.f32 v2, v2  }
0x288: {  	v5 =	vld.idx.msk [tilespmem:v5+s12+$0x0], $0xffff;
	v2 =	vmul.f32 s28, v2;
	v31 =	vadd.f32 v44, v31  }
0x289: {  	v9 =	vor.u32 $0x32, v7;
	s30 =	sld [smem:$0x2E];
	v0 =	vadd.f32 v1, v0;
	v1 =	vmul.f32 v3, v3  }
0x28a: {  	v6 =	vld.idx.msk [tilespmem:v6+s12+$0x0], $0xffff;
	v3 =	vmul.f32 s29, v3;
	v2 =	vadd.f32 v2, v31  }
0x28b: {  	v10 =	vor.u32 $0x33, v7;
	s31 =	sld [smem:$0x2F];
	v0 =	vadd.f32 v1, v0;
	v1 =	vmul.f32 v4, v4  }
0x28c: {  	v8 =	vld.idx.msk [tilespmem:v8+s12+$0x0], $0xffff;
	v4 =	vmul.f32 s30, v4;
	v2 =	vadd.f32 v3, v2  }
0x28d: {  	v11 =	vor.u32 $0x34, v7;
	s23 =	sld [smem:$0x30];
	v0 =	vadd.f32 v1, v0;
	v1 =	vmul.f32 v5, v5  }
0x28e: {  	v9 =	vld.idx.msk [tilespmem:v9+s12+$0x0], $0xffff;
	v3 =	vmul.f32 s31, v5;
	v2 =	vadd.f32 v4, v2  }
0x28f: {  	v12 =	vor.u32 $0x35, v7;
	s24 =	sld [smem:$0x31];
	v0 =	vadd.f32 v1, v0;
	v1 =	vmul.f32 v6, v6  }
0x290: {  	v13 =	vor.u32 $0x36, v7;
	s25 =	sld [smem:$0x32];
	v5 =	vld.idx.msk [tilespmem:v10+s12+$0x0], $0xffff;
	v4 =	vmul.f32 s23, v6;
	v2 =	vadd.f32 v3, v2  }
0x291: {  	v0 =	vadd.f32 v1, v0;
	v1 =	vmul.f32 v8, v8  }
0x292: {  	v14 =	vor.u32 $0x37, v7;
	s26 =	sld [smem:$0x33];
	v6 =	vld.idx.msk [tilespmem:v11+s12+$0x0], $0xffff;
	v3 =	vmul.f32 s24, v8;
	v2 =	vadd.f32 v4, v2  }
0x293: {  	v0 =	vadd.f32 v1, v0;
	v1 =	vmul.f32 s25, v9;
	v9 =	vmul.f32 v9, v9  }
0x294: {  	v15 =	vor.u32 $0x38, v7;
	s28 =	sld [smem:$0x34];
	v8 =	vld.idx.msk [tilespmem:v12+s12+$0x0], $0xffff;
	v2 =	vadd.f32 v3, v2  }
0x295: {  	v4 =	vld.idx.msk [tilespmem:v13+s12+$0x0], $0xffff;
	v13 =	vmul.f32 s26, v5;
	v5 =	vmul.f32 v5, v5;
	v0 =	vadd.f32 v9, v0  }
0x296: {  	v16 =	vor.u32 $0x39, v7;
	s29 =	sld [smem:$0x35];
	v1 =	vadd.f32 v1, v2  }
0x297: {  	v0 =	vadd.f32 v5, v0;
	v5 =	vmul.f32 s28, v6;
	v6 =	vmul.f32 v6, v6  }
0x298: {  	v17 =	vor.u32 $0x3A, v7;
	s30 =	sld [smem:$0x36];
	v3 =	vld.idx.msk [tilespmem:v14+s12+$0x0], $0xffff;
	v1 =	vadd.f32 v13, v1  }
0x299: {  	v0 =	vadd.f32 v6, v0;
	v6 =	vmul.f32 s29, v8;
	v8 =	vmul.f32 v8, v8  }
0x29a: {  	v18 =	vor.u32 $0x3B, v7;
	v30 =	vor.u32 $0x6E, v7;
	s31 =	sld [smem:$0x37];
	v2 =	vld.idx.msk [tilespmem:v15+s12+$0x0], $0xffff;
	v1 =	vadd.f32 v5, v1  }
0x29b: {  	v0 =	vadd.f32 v8, v0;
	v8 =	vmul.f32 s30, v4;
	v4 =	vmul.f32 v4, v4  }
0x29c: {  	v19 =	vor.u32 $0x3C, v7;
	[tilespmem:$0x1FF60] =	vst v30;
	v30 =	vld.idx.msk [tilespmem:v16+s12+$0x0], $0xffff;
	s23 =	sld [smem:$0x38];
	v1 =	vadd.f32 v6, v1  }
0x29d: {  	v0 =	vadd.f32 v4, v0;
	v4 =	vmul.f32 s31, v3;
	v3 =	vmul.f32 v3, v3  }
0x29e: {  	v20 =	vor.u32 $0x3D, v7;
	v5 =	vld.idx.msk [tilespmem:v17+s12+$0x0], $0xffff;
	v1 =	vadd.f32 v8, v1  }
0x29f: {  	s24 =	sld [smem:$0x39];
	v0 =	vadd.f32 v3, v0;
	v3 =	vmul.f32 s23, v2;
	v2 =	vmul.f32 v2, v2  }
0x2a0: {  	s25 =	sld [smem:$0x3A];
	v6 =	vld.idx.msk [tilespmem:v18+s12+$0x0], $0xffff;
	v1 =	vadd.f32 v4, v1  }
0x2a1: {  	v21 =	vor.u32 $0x3E, v7;
	v9 =	vmul.f32 v30, v30;
	v0 =	vadd.f32 v2, v0  }
0x2a2: {  	v22 =	vor.u32 $0x3F, v7;
	s26 =	sld [smem:$0x3B];
	v8 =	vld.idx.msk [tilespmem:v19+s12+$0x0], $0xffff;
	v2 =	vmul.f32 s24, v30;
	v1 =	vadd.f32 v3, v1  }
0x2a3: {  	v35 =	vmul.f32 s25, v5;
	v5 =	vmul.f32 v5, v5;
	v0 =	vadd.f32 v9, v0  }
0x2a4: {  	v23 =	vor.u32 $0x40, v7;
	s28 =	sld [smem:$0x3C];
	v4 =	vld.idx.msk [tilespmem:v20+s12+$0x0], $0xffff;
	v1 =	vadd.f32 v2, v1  }
0x2a5: {  	v0 =	vadd.f32 v5, v0;
	v5 =	vmul.f32 s26, v6;
	v6 =	vmul.f32 v6, v6  }
0x2a6: {  	v24 =	vor.u32 $0x41, v7;
	v36 =	vor.u32 $0x68, v7;
	s29 =	sld [smem:$0x3D];
	v3 =	vld.idx.msk [tilespmem:v21+s12+$0x0], $0xffff;
	v1 =	vadd.f32 v35, v1  }
0x2a7: {  	v0 =	vadd.f32 v6, v0;
	v6 =	vmul.f32 s28, v8;
	v8 =	vmul.f32 v8, v8  }
0x2a8: {  	v25 =	vor.u32 $0x42, v7;
	[tilespmem:$0x1FF00] =	vst v36;
	v36 =	vor.u32 $0x6F, v7;
	s30 =	sld [smem:$0x3E];
	v2 =	vld.idx.msk [tilespmem:v22+s12+$0x0], $0xffff;
	v1 =	vadd.f32 v5, v1  }
0x2a9: {  	v0 =	vadd.f32 v8, v0;
	v8 =	vmul.f32 s29, v4;
	v4 =	vmul.f32 v4, v4  }
0x2aa: {  	v26 =	vor.u32 $0x43, v7;
	[tilespmem:$0x1FF70] =	vst v36;
	v36 =	vld.idx.msk [tilespmem:v23+s12+$0x0], $0xffff;
	s31 =	sld [smem:$0x3F];
	v1 =	vadd.f32 v6, v1  }
0x2ab: {  	v0 =	vadd.f32 v4, v0;
	v4 =	vmul.f32 s30, v3;
	v3 =	vmul.f32 v3, v3  }
0x2ac: {  	v60 =	vor.u32 $0x4A, v7;
	v27 =	vor.u32 $0x44, v7;
	v5 =	vld.idx.msk [tilespmem:v24+s12+$0x0], $0xffff;
	v1 =	vadd.f32 v8, v1  }
0x2ad: {  	s23 =	sld [smem:$0x40];
	v0 =	vadd.f32 v3, v0;
	v3 =	vmul.f32 s31, v2;
	v2 =	vmul.f32 v2, v2  }
0x2ae: {  	v28 =	vor.u32 $0x45, v7;
	v61 =	vor.u32 $0x49, v7;
	s24 =	sld [smem:$0x41];
	v6 =	vld.idx.msk [tilespmem:v25+s12+$0x0], $0xffff;
	v1 =	vadd.f32 v4, v1  }
0x2af: {  	v29 =	vor.u32 $0x46, v7;
	v9 =	vmul.f32 v36, v36;
	v0 =	vadd.f32 v2, v0  }
0x2b0: {  	v62 =	vor.u32 $0x48, v7;
	s25 =	sld [smem:$0x42];
	v8 =	vld.idx.msk [tilespmem:v26+s12+$0x0], $0xffff;
	v2 =	vmul.f32 s23, v36;
	v1 =	vadd.f32 v3, v1  }
0x2b1: {  	v37 =	vmul.f32 s24, v5;
	v5 =	vmul.f32 v5, v5;
	v0 =	vadd.f32 v9, v0  }
0x2b2: {  	v63 =	vor.u32 $0x47, v7;
	v53 =	vor.u32 $0x4C, v7;
	s26 =	sld [smem:$0x43];
	v4 =	vld.idx.msk [tilespmem:v27+s12+$0x0], $0xffff;
	v1 =	vadd.f32 v2, v1  }
0x2b3: {  	v0 =	vadd.f32 v5, v0;
	v5 =	vmul.f32 s25, v6;
	v6 =	vmul.f32 v6, v6  }
0x2b4: {  	v59 =	vor.u32 $0x4B, v7;
	v38 =	vor.u32 $0x6A, v7;
	s28 =	sld [smem:$0x44];
	v3 =	vld.idx.msk [tilespmem:v28+s12+$0x0], $0xffff;
	v1 =	vadd.f32 v37, v1  }
0x2b5: {  	v0 =	vadd.f32 v6, v0;
	v6 =	vmul.f32 s26, v8;
	v8 =	vmul.f32 v8, v8  }
0x2b6: {  	v42 =	vor.u32 $0x5C, v7;
	[tilespmem:$0x1FF20] =	vst v38;
	v38 =	vor.u32 $0x70, v7;
	s29 =	sld [smem:$0x45];
	v2 =	vld.idx.msk [tilespmem:v29+s12+$0x0], $0xffff;
	v1 =	vadd.f32 v5, v1  }
0x2b7: {  	[tilespmem:$0x1FE40] =	vst v42;
	v0 =	vadd.f32 v8, v0;
	v8 =	vmul.f32 s28, v4;
	v4 =	vmul.f32 v4, v4  }
0x2b8: {  	v42 =	vor.u32 $0x5D, v7;
	v43 =	vor.u32 $0x5E, v7;
	[tilespmem:$0x1FF80] =	vst v38;
	v38 =	vld.idx.msk [tilespmem:v63+s12+$0x0], $0xffff;
	s30 =	sld [smem:$0x46];
	v1 =	vadd.f32 v6, v1  }
0x2b9: {  	[tilespmem:$0x1FE50] =	vst v42;
	v0 =	vadd.f32 v4, v0;
	v4 =	vmul.f32 s29, v3;
	v3 =	vmul.f32 v3, v3  }
0x2ba: {  	v42 =	vor.u32 $0x62, v7;
	[tilespmem:$0x1FE60] =	vst v43;
	v43 =	vor.u32 $0x5F, v7;
	v5 =	vld.idx.msk [tilespmem:v62+s12+$0x0], $0xffff;
	v1 =	vadd.f32 v8, v1  }
0x2bb: {  	[tilespmem:$0x1FEA0] =	vst v42;
	s31 =	sld [smem:$0x47];
	v0 =	vadd.f32 v3, v0;
	v3 =	vmul.f32 s30, v2;
	v2 =	vmul.f32 v2, v2  }
0x2bc: {  	v42 =	vor.u32 $0x65, v7;
	[tilespmem:$0x1FE70] =	vst v43;
	v43 =	vor.u32 $0x60, v7;
	s23 =	sld [smem:$0x48];
	v6 =	vld.idx.msk [tilespmem:v61+s12+$0x0], $0xffff;
	v1 =	vadd.f32 v4, v1  }
0x2bd: {  	[tilespmem:$0x1FED0] =	vst v42;
	v42 =	vor.u32 $0x6B, v7;
	v9 =	vmul.f32 v38, v38;
	v0 =	vadd.f32 v2, v0  }
0x2be: {  	[tilespmem:$0x1FF30] =	vst v42;
	v42 =	vor.u32 $0x72, v7;
	s24 =	sld [smem:$0x49];
	v8 =	vld.idx.msk [tilespmem:v60+s12+$0x0], $0xffff;
	v2 =	vmul.f32 s31, v38;
	v1 =	vadd.f32 v3, v1  }
0x2bf: {  	[tilespmem:$0x1FFA0] =	vst v42;
	v42 =	vmul.f32 s23, v5;
	v5 =	vmul.f32 v5, v5;
	v0 =	vadd.f32 v9, v0  }
0x2c0: {  	v54 =	vor.u32 $0x4D, v7;
	[tilespmem:$0x1FE80] =	vst v43;
	v43 =	vor.u32 $0x63, v7;
	s25 =	sld [smem:$0x4A];
	v1 =	vadd.f32 v2, v1  }
0x2c1: {  	v4 =	vld.idx.msk [tilespmem:v59+s12+$0x0], $0xffff;
	v0 =	vadd.f32 v5, v0;
	v5 =	vmul.f32 s24, v6;
	v6 =	vmul.f32 v6, v6  }
0x2c2: {  	v55 =	vor.u32 $0x4E, v7;
	[tilespmem:$0x1FEB0] =	vst v43;
	v43 =	vor.u32 $0x66, v7;
	v1 =	vadd.f32 v42, v1  }
0x2c3: {  	s26 =	sld [smem:$0x4B];
	v3 =	vld.idx.msk [tilespmem:v53+s12+$0x0], $0xffff;
	v0 =	vadd.f32 v6, v0;
	v6 =	vmul.f32 s25, v8;
	v8 =	vmul.f32 v8, v8  }
0x2c4: {  	[tilespmem:$0x1FEE0] =	vst v43;
	v43 =	vor.u32 $0x6C, v7;
	v1 =	vadd.f32 v5, v1  }
0x2c5: {  	[tilespmem:$0x1FF40] =	vst v43;
	v43 =	vor.u32 $0x73, v7;
	s28 =	sld [smem:$0x4C];
	v0 =	vadd.f32 v8, v0  }
0x2c6: {  	v2 =	vld.idx.msk [tilespmem:v54+s12+$0x0], $0xffff;
	v8 =	vmul.f32 s26, v4;
	v4 =	vmul.f32 v4, v4;
	v1 =	vadd.f32 v6, v1  }
0x2c7: {  	v52 =	vor.u32 $0x4F, v7;
	[tilespmem:$0x1FFB0] =	vst v43;
	v43 =	vld.idx.msk [tilespmem:v55+s12+$0x0], $0xffff  }
0x2c8: {  	s29 =	sld [smem:$0x4D];
	v0 =	vadd.f32 v4, v0;
	v4 =	vmul.f32 s28, v3;
	v1 =	vadd.f32 v8, v1;
	v8 =	vld [tilespmem:$0x1FDF0]  }
0x2c9: {  	v51 =	vor.u32 $0x50, v7;
	v3 =	vmul.f32 v3, v3  }
0x2ca: {  	s30 =	sld [smem:$0x4E];
	v1 =	vadd.f32 v4, v1;
	v4 =	vld [tilespmem:$0x1FE00]  }
0x2cb: {  	v0 =	vadd.f32 v3, v0;
	v3 =	vmul.f32 s29, v2;
	v2 =	vmul.f32 v2, v2  }
0x2cc: {  	v5 =	vld.idx.msk [tilespmem:v52+s12+$0x0], $0xffff  }
0x2cd: {  	v0 =	vadd.f32 v2, v0;
	v2 =	vmul.f32 s30, v43;
	v1 =	vadd.f32 v3, v1  }
0x2ce: {  	s31 =	sld [smem:$0x4F];
	v6 =	vld.idx.msk [tilespmem:v51+s12+$0x0], $0xffff  }
0x2cf: {  	v50 =	vor.u32 $0x53, v7;
	v9 =	vmul.f32 v43, v43;
	v1 =	vadd.f32 v2, v1;
	v2 =	vld [tilespmem:$0x1FE10]  }
0x2d0: {  	s23 =	sld [smem:$0x50];
	v8 =	vld.idx.msk [tilespmem:v8+s12+$0x0], $0xffff  }
0x2d1: {  	v44 =	vmul.f32 s31, v5;
	v5 =	vmul.f32 v5, v5;
	v0 =	vadd.f32 v9, v0  }
0x2d2: {  	s24 =	sld [smem:$0x51];
	v4 =	vld.idx.msk [tilespmem:v4+s12+$0x0], $0xffff  }
0x2d3: {  	v0 =	vadd.f32 v5, v0;
	v5 =	vmul.f32 s23, v6;
	v6 =	vmul.f32 v6, v6  }
0x2d4: {  	v49 =	vor.u32 $0x55, v7;
	s25 =	sld [smem:$0x52];
	v3 =	vld.idx.msk [tilespmem:v50+s12+$0x0], $0xffff;
	v1 =	vadd.f32 v44, v1  }
0x2d5: {  	v0 =	vadd.f32 v6, v0;
	v6 =	vmul.f32 s24, v8;
	v8 =	vmul.f32 v8, v8  }
0x2d6: {  	v48 =	vor.u32 $0x56, v7;
	s26 =	sld [smem:$0x53];
	v1 =	vadd.f32 v5, v1  }
0x2d7: {  	v2 =	vld.idx.msk [tilespmem:v2+s12+$0x0], $0xffff;
	v0 =	vadd.f32 v8, v0;
	v8 =	vmul.f32 s25, v4;
	v4 =	vmul.f32 v4, v4  }
0x2d8: {  	v47 =	vor.u32 $0x57, v7;
	v1 =	vadd.f32 v6, v1  }
0x2d9: {  	v49 =	vld.idx.msk [tilespmem:v49+s12+$0x0], $0xffff;
	s28 =	sld [smem:$0x54];
	v0 =	vadd.f32 v4, v0;
	v4 =	vmul.f32 s26, v3;
	v3 =	vmul.f32 v3, v3  }
0x2da: {  	v1 =	vadd.f32 v8, v1  }
0x2db: {  	v46 =	vor.u32 $0x58, v7;
	v5 =	vld.idx.msk [tilespmem:v48+s12+$0x0], $0xffff;
	v0 =	vadd.f32 v3, v0  }
0x2dc: {  	s29 =	sld [smem:$0x55];
	v3 =	vmul.f32 s28, v2;
	v2 =	vmul.f32 v2, v2;
	v1 =	vadd.f32 v4, v1  }
0x2dd: {  	v45 =	vor.u32 $0x59, v7;
	s30 =	sld [smem:$0x56];
	v6 =	vld.idx.msk [tilespmem:v47+s12+$0x0], $0xffff  }
0x2de: {  	v9 =	vmul.f32 v49, v49;
	v0 =	vadd.f32 v2, v0;
	v1 =	vadd.f32 v3, v1;
	v3 =	vld [tilespmem:$0x1FE20]  }
0x2df: {  	s31 =	sld [smem:$0x57];
	v2 =	vmul.f32 s29, v49  }
0x2e0: {  	v50 =	vmul.f32 s30, v5;
	v5 =	vmul.f32 v5, v5;
	v8 =	vld.idx.msk [tilespmem:v46+s12+$0x0], $0xffff;
	v0 =	vadd.f32 v9, v0  }
0x2e1: {  	v1 =	vadd.f32 v2, v1;
	v2 =	vld [tilespmem:$0x1FE30]  }
0x2e2: {  	s23 =	sld [smem:$0x58];
	v0 =	vadd.f32 v5, v0;
	v5 =	vmul.f32 s31, v6;
	v6 =	vmul.f32 v6, v6  }
0x2e3: {  	v4 =	vld.idx.msk [tilespmem:v45+s12+$0x0], $0xffff;
	v1 =	vadd.f32 v50, v1  }
0x2e4: {  	v51 =	vld [tilespmem:$0x1FE40];
	v0 =	vadd.f32 v6, v0  }
0x2e5: {  	s24 =	sld [smem:$0x59];
	v6 =	vmul.f32 s23, v8;
	v8 =	vmul.f32 v8, v8;
	v1 =	vadd.f32 v5, v1;
	v5 =	vld [tilespmem:$0x1FE50]  }
0x2e6: {  	v3 =	vld.idx.msk [tilespmem:v3+s12+$0x0], $0xffff  }
0x2e7: {  	v0 =	vadd.f32 v8, v0  }
0x2e8: {  	s25 =	sld [smem:$0x5A];
	v8 =	vmul.f32 s24, v4;
	v4 =	vmul.f32 v4, v4;
	v1 =	vadd.f32 v6, v1;
	v6 =	vld [tilespmem:$0x1FE60]  }
0x2e9: {  	v2 =	vld.idx.msk [tilespmem:v2+s12+$0x0], $0xffff  }
0x2ea: {  	v0 =	vadd.f32 v4, v0  }
0x2eb: {  	s26 =	sld [smem:$0x5B];
	v1 =	vadd.f32 v8, v1;
	v8 =	vld [tilespmem:$0x1FE70];
	v4 =	vmul.f32 s25, v3;
	v3 =	vmul.f32 v3, v3  }
0x2ec: {  	v9 =	vld.idx.msk [tilespmem:v51+s12+$0x0], $0xffff  }
0x2ed: {  	v5 =	vld.idx.msk [tilespmem:v5+s12+$0x0], $0xffff;
	v0 =	vadd.f32 v3, v0  }
0x2ee: {  	s28 =	sld [smem:$0x5C];
	v3 =	vmul.f32 s26, v2;
	v2 =	vmul.f32 v2, v2;
	v1 =	vadd.f32 v4, v1;
	v4 =	vld [tilespmem:$0x1FE80];
	_ =	sdelay $0x1  }
0x2ef: {  	s29 =	sld [smem:$0x5D];
	v6 =	vld.idx.msk [tilespmem:v6+s12+$0x0], $0xffff;
	v0 =	vadd.f32 v2, v0  }
0x2f0: {  	v2 =	vmul.f32 s28, v9;
	v9 =	vmul.f32 v9, v9;
	v1 =	vadd.f32 v3, v1;
	v3 =	vld [tilespmem:$0x1FE90];
	_ =	sdelay $0x1  }
0x2f1: {  	s30 =	sld [smem:$0x5E];
	v8 =	vld.idx.msk [tilespmem:v8+s12+$0x0], $0xffff;
	v0 =	vadd.f32 v9, v0;
	v52 =	vmul.f32 s29, v5;
	v5 =	vmul.f32 v5, v5  }
0x2f2: {  	v1 =	vadd.f32 v2, v1;
	v2 =	vld [tilespmem:$0x1FEA0]  }
0x2f3: {  	v53 =	vld [tilespmem:$0x1FEB0];
	s31 =	sld [smem:$0x5F];
	v0 =	vadd.f32 v5, v0  }
0x2f4: {  	v5 =	vmul.f32 s30, v6;
	v6 =	vmul.f32 v6, v6;
	v1 =	vadd.f32 v52, v1;
	v4 =	vld.idx.msk [tilespmem:v4+s12+$0x0], $0xffff;
	_ =	sdelay $0x1  }
0x2f5: {  	s23 =	sld [smem:$0x60];
	v0 =	vadd.f32 v6, v0;
	v6 =	vmul.f32 s31, v8;
	v1 =	vadd.f32 v5, v1;
	v5 =	vld [tilespmem:$0x1FEC0]  }
0x2f6: {  	v8 =	vmul.f32 v8, v8;
	v3 =	vld.idx.msk [tilespmem:v3+s12+$0x0], $0xffff  }
0x2f7: {  	v1 =	vadd.f32 v6, v1;
	v6 =	vld [tilespmem:$0x1FED0]  }
0x2f8: {  	s24 =	sld [smem:$0x61];
	v0 =	vadd.f32 v8, v0;
	v8 =	vmul.f32 s23, v4;
	v4 =	vmul.f32 v4, v4  }
0x2f9: {  	v2 =	vld.idx.msk [tilespmem:v2+s12+$0x0], $0xffff  }
0x2fa: {  	v9 =	vld.idx.msk [tilespmem:v53+s12+$0x0], $0xffff;
	v0 =	vadd.f32 v4, v0  }
0x2fb: {  	s25 =	sld [smem:$0x62];
	v4 =	vmul.f32 s24, v3;
	v3 =	vmul.f32 v3, v3;
	v1 =	vadd.f32 v8, v1;
	v8 =	vld [tilespmem:$0x1FEE0];
	_ =	sdelay $0x1  }
0x2fc: {  	s26 =	sld [smem:$0x63];
	v5 =	vld.idx.msk [tilespmem:v5+s12+$0x0], $0xffff;
	v0 =	vadd.f32 v3, v0  }
0x2fd: {  	v3 =	vmul.f32 s25, v2;
	v2 =	vmul.f32 v2, v2;
	v1 =	vadd.f32 v4, v1;
	v4 =	vld [tilespmem:$0x1FEF0]  }
0x2fe: {  	v6 =	vld.idx.msk [tilespmem:v6+s12+$0x0], $0xffff  }
0x2ff: {  	s28 =	sld [smem:$0x64];
	v0 =	vadd.f32 v2, v0;
	v2 =	vmul.f32 s26, v9;
	v1 =	vadd.f32 v3, v1;
	v3 =	vld [tilespmem:$0x1FF00]  }
0x300: {  	v9 =	vmul.f32 v9, v9  }
0x301: {  	s29 =	sld [smem:$0x65];
	v1 =	vadd.f32 v2, v1;
	v2 =	vld [tilespmem:$0x1FF10]  }
0x302: {  	v0 =	vadd.f32 v9, v0;
	v54 =	vmul.f32 s28, v5;
	v5 =	vmul.f32 v5, v5;
	v8 =	vld.idx.msk [tilespmem:v8+s12+$0x0], $0xffff  }
0x303: {  	v55 =	vld [tilespmem:$0x1FF20]  }
0x304: {  	s30 =	sld [smem:$0x66];
	v0 =	vadd.f32 v5, v0;
	v5 =	vmul.f32 s29, v6;
	v1 =	vadd.f32 v54, v1  }
0x305: {  	v6 =	vmul.f32 v6, v6;
	v4 =	vld.idx.msk [tilespmem:v4+s12+$0x0], $0xffff  }
0x306: {  	v1 =	vadd.f32 v5, v1;
	v5 =	vld [tilespmem:$0x1FF30]  }
0x307: {  	s31 =	sld [smem:$0x67];
	v0 =	vadd.f32 v6, v0;
	v3 =	vld.idx.msk [tilespmem:v3+s12+$0x0], $0xffff;
	v6 =	vmul.f32 s30, v8  }
0x308: {  	v8 =	vmul.f32 v8, v8  }
0x309: {  	s23 =	sld [smem:$0x68];
	v1 =	vadd.f32 v6, v1;
	v6 =	vld [tilespmem:$0x1FF40]  }
0x30a: {  	v2 =	vld.idx.msk [tilespmem:v2+s12+$0x0], $0xffff;
	v0 =	vadd.f32 v8, v0;
	v8 =	vmul.f32 s31, v4;
	v4 =	vmul.f32 v4, v4  }
0x30b: {  	v9 =	vld.idx.msk [tilespmem:v55+s12+$0x0], $0xffff  }
0x30c: {  	s24 =	sld [smem:$0x69];
	v0 =	vadd.f32 v4, v0;
	v4 =	vmul.f32 s23, v3;
	v1 =	vadd.f32 v8, v1;
	v8 =	vld [tilespmem:$0x1FF50]  }
0x30d: {  	v3 =	vmul.f32 v3, v3  }
0x30e: {  	s25 =	sld [smem:$0x6A];
	v1 =	vadd.f32 v4, v1;
	v4 =	vld [tilespmem:$0x1FF60]  }
0x30f: {  	v5 =	vld.idx.msk [tilespmem:v5+s12+$0x0], $0xffff;
	v0 =	vadd.f32 v3, v0;
	v3 =	vmul.f32 s24, v2;
	v2 =	vmul.f32 v2, v2;
	_ =	sdelay $0x1  }
0x310: {  	s26 =	sld [smem:$0x6B];
	v0 =	vadd.f32 v2, v0;
	v2 =	vmul.f32 s25, v9;
	v1 =	vadd.f32 v3, v1;
	v6 =	vld.idx.msk [tilespmem:v6+s12+$0x0], $0xffff  }
0x311: {  	v9 =	vmul.f32 v9, v9;
	v3 =	vld [tilespmem:$0x1FF70]  }
0x312: {  	s28 =	sld [smem:$0x6C];
	v1 =	vadd.f32 v2, v1;
	v2 =	vld [tilespmem:$0x1FF80]  }
0x313: {  	v0 =	vadd.f32 v9, v0;
	v59 =	vmul.f32 s26, v5;
	v5 =	vmul.f32 v5, v5;
	v8 =	vld.idx.msk [tilespmem:v8+s12+$0x0], $0xffff  }
0x314: {  	v41 =	vor.u32 $0x71, v7  }
0x315: {  	[tilespmem:$0x1FF90] =	vst v41;
	s29 =	sld [smem:$0x6D];
	v0 =	vadd.f32 v5, v0;
	v4 =	vld.idx.msk [tilespmem:v4+s12+$0x0], $0xffff;
	v5 =	vmul.f32 s28, v6;
	v6 =	vmul.f32 v6, v6  }
0x316: {  	v60 =	vld [tilespmem:$0x1FF90];
	v1 =	vadd.f32 v59, v1  }
0x317: {  	s30 =	sld [smem:$0x6E];
	v0 =	vadd.f32 v6, v0  }
0x318: {  	v6 =	vmul.f32 s29, v8;
	v8 =	vmul.f32 v8, v8;
	v1 =	vadd.f32 v5, v1;
	v5 =	vld [tilespmem:$0x1FFA0]  }
0x319: {  	v39 =	vmov v58;
	v58 =	vor.u32 $0x74, v7;
	v3 =	vld.idx.msk [tilespmem:v3+s12+$0x0], $0xffff  }
0x31a: {  	v0 =	vadd.f32 v8, v0;
	v8 =	vmul.f32 s30, v4;
	v1 =	vadd.f32 v6, v1;
	v6 =	vld [tilespmem:$0x1FFB0]  }
0x31b: {  	[tilespmem:$0x1FFC0] =	vst v58;
	v2 =	vld.idx.msk [tilespmem:v2+s12+$0x0], $0xffff  }
0x31c: {  	s31 =	sld [smem:$0x6F];
	v1 =	vadd.f32 v8, v1;
	v8 =	vld [tilespmem:$0x1FFC0]  }
0x31d: {  	v4 =	vmul.f32 v4, v4  }
0x31e: {  	s23 =	sld [smem:$0x70];
	v9 =	vld.idx.msk [tilespmem:v60+s12+$0x0], $0xffff  }
0x31f: {  	v0 =	vadd.f32 v4, v0;
	v4 =	vmul.f32 s31, v3;
	v3 =	vmul.f32 v3, v3  }
0x320: {  	v58 =	vor.u32 $0x75, v7;
	s24 =	sld [smem:$0x71];
	v5 =	vld.idx.msk [tilespmem:v5+s12+$0x0], $0xffff  }
0x321: {  	v0 =	vadd.f32 v3, v0;
	v3 =	vmul.f32 s23, v2;
	v2 =	vmul.f32 v2, v2  }
0x322: {  	v57 =	vor.u32 $0x76, v7;
	s25 =	sld [smem:$0x72];
	v6 =	vld.idx.msk [tilespmem:v6+s12+$0x0], $0xffff  }
0x323: {  	v0 =	vadd.f32 v2, v0;
	v2 =	vmul.f32 s24, v9;
	v9 =	vmul.f32 v9, v9  }
0x324: {  	v56 =	vor.u32 $0x77, v7;
	s26 =	sld [smem:$0x73];
	v1 =	vadd.f32 v4, v1;
	v8 =	vld.idx.msk [tilespmem:v8+s12+$0x0], $0xffff  }
0x325: {  	v0 =	vadd.f32 v9, v0;
	v61 =	vmul.f32 s25, v5;
	v5 =	vmul.f32 v5, v5  }
0x326: {  	v41 =	vor.u32 $0x78, v7;
	s28 =	sld [smem:$0x74];
	v4 =	vld.idx.msk [tilespmem:v58+s12+$0x0], $0xffff;
	v1 =	vadd.f32 v3, v1  }
0x327: {  	v0 =	vadd.f32 v5, v0;
	v5 =	vmul.f32 s26, v6;
	v6 =	vmul.f32 v6, v6  }
0x328: {  	v40 =	vor.u32 $0x79, v7;
	s29 =	sld [smem:$0x75];
	v3 =	vld.idx.msk [tilespmem:v57+s12+$0x0], $0xffff;
	v1 =	vadd.f32 v2, v1  }
0x329: {  	v0 =	vadd.f32 v6, v0;
	v6 =	vmul.f32 s28, v8;
	v8 =	vmul.f32 v8, v8  }
0x32a: {  	v34 =	vor.u32 $0x7A, v7;
	s30 =	sld [smem:$0x76];
	v2 =	vld.idx.msk [tilespmem:v56+s12+$0x0], $0xffff;
	v1 =	vadd.f32 v61, v1  }
0x32b: {  	v0 =	vadd.f32 v8, v0;
	v8 =	vmul.f32 s29, v4;
	v4 =	vmul.f32 v4, v4  }
0x32c: {  	v33 =	vor.u32 $0x7B, v7;
	v62 =	vld.idx.msk [tilespmem:v41+s12+$0x0], $0xffff;
	s31 =	sld [smem:$0x77];
	v1 =	vadd.f32 v5, v1  }
0x32d: {  	v0 =	vadd.f32 v4, v0;
	v4 =	vmul.f32 s30, v3;
	v3 =	vmul.f32 v3, v3  }
0x32e: {  	v32 =	vor.u32 $0x7C, v7;
	v5 =	vld.idx.msk [tilespmem:v40+s12+$0x0], $0xffff;
	v1 =	vadd.f32 v6, v1  }
0x32f: {  	v0 =	vadd.f32 v3, v0;
	v3 =	vmul.f32 s31, v2;
	v2 =	vmul.f32 v2, v2  }
0x330: {  	s24 =	sld [smem:$0x79];
	v6 =	vld.idx.msk [tilespmem:v34+s12+$0x0], $0xffff;
	v1 =	vadd.f32 v8, v1  }
0x331: {  	v31 =	vor.u32 $0x7D, v7;
	s23 =	sld [smem:$0x78];
	v9 =	vmul.f32 v62, v62;
	v0 =	vadd.f32 v2, v0  }
0x332: {  	v10 =	vor.u32 $0x7E, v7;
	s25 =	sld [smem:$0x7A];
	v8 =	vld.idx.msk [tilespmem:v33+s12+$0x0], $0xffff;
	v1 =	vadd.f32 v4, v1  }
0x333: {  	v63 =	vmul.f32 s24, v5;
	v5 =	vmul.f32 v5, v5;
	v0 =	vadd.f32 v9, v0  }
0x334: {  	v7 =	vor.u32 $0x7F, v7;
	s26 =	sld [smem:$0x7B];
	v4 =	vld.idx.msk [tilespmem:v32+s12+$0x0], $0xffff;
	v2 =	vmul.f32 s23, v62;
	v1 =	vadd.f32 v3, v1  }
0x335: {  	v0 =	vadd.f32 v5, v0;
	v5 =	vmul.f32 s25, v6;
	v6 =	vmul.f32 v6, v6  }
0x336: {  	s28 =	sld [smem:$0x7C];
	v3 =	vld.idx.msk [tilespmem:v31+s12+$0x0], $0xffff;
	v1 =	vadd.f32 v2, v1  }
0x337: {  	v0 =	vadd.f32 v6, v0;
	v6 =	vmul.f32 s26, v8;
	v8 =	vmul.f32 v8, v8  }
0x338: {  	s29 =	sld [smem:$0x7D];
	v2 =	vld.idx.msk [tilespmem:v10+s12+$0x0], $0xffff;
	v1 =	vadd.f32 v63, v1  }
0x339: {  	v0 =	vadd.f32 v8, v0;
	v8 =	vmul.f32 s28, v4;
	v4 =	vmul.f32 v4, v4  }
0x33a: {  	v7 =	vld.idx.msk [tilespmem:v7+s12+$0x0], $0xffff;
	s30 =	sld [smem:$0x7E];
	v1 =	vadd.f32 v5, v1  }
0x33b: {  	v0 =	vadd.f32 v4, v0;
	v4 =	vmul.f32 s29, v3;
	v3 =	vmul.f32 v3, v3  }
0x33c: {  	v1 =	vadd.f32 v6, v1  }
0x33d: {  	v0 =	vadd.f32 v3, v0;
	v3 =	vmul.f32 s30, v2;
	v2 =	vmul.f32 v2, v2;
	_ =	sdelay $0x1  }
0x33e: {  	v1 =	vadd.f32 v8, v1;
	v0 =	vadd.f32 v2, v0;
	v2 =	vmul.f32 v7, v7;
	_ =	sdelay $0x1  }
0x33f: {  	v1 =	vadd.f32 v4, v1;
	v0 =	vadd.f32 v2, v0;
	_ =	sdelay $0x1  }
0x340: {  	v1 =	vadd.f32 v3, v1;
	v2 =	vshra.s32 v0, $0x1;
	v3 =	vmul.f32 $5.000000000e-01, v0  }
0x341: {  	v2 =	vsub.s32 $0x5F3759DF, v2  }
0x342: {  	v4 =	vmul.f32 v2, v3;
	_ =	sdelay $0x1  }
0x343: {  	v4 =	vmul.f32 v2, v4;
	_ =	sdelay $0x1  }
0x344: {  	v4 =	vsub.f32 $1.500000000e+00, v4;
	_ =	sdelay $0x1  }
0x345: {  	v2 =	vmul.f32 v2, v4;
	_ =	sdelay $0x1  }
0x346: {  	v4 =	vmul.f32 v2, v3;
	_ =	sdelay $0x1  }
0x347: {  	v4 =	vmul.f32 v4, v2;
	_ =	sdelay $0x1  }
0x348: {  	v4 =	vsub.f32 $1.500000000e+00, v4;
	_ =	sdelay $0x1  }
0x349: {  	v2 =	vmul.f32 v4, v2;
	_ =	sdelay $0x1  }
0x34a: {  	v4 =	vmul.f32 v2, v3;
	_ =	sdelay $0x1  }
0x34b: {  	v4 =	vmul.f32 v4, v2;
	_ =	sdelay $0x1  }
0x34c: {  	v4 =	vsub.f32 $1.500000000e+00, v4;
	_ =	sdelay $0x1  }
0x34d: {  	v2 =	vmul.f32 v4, v2;
	_ =	sdelay $0x1  }
0x34e: {  	v3 =	vmul.f32 v2, v3;
	_ =	sdelay $0x1  }
0x34f: {  	v3 =	vmul.f32 v3, v2;
	_ =	sdelay $0x1  }
0x350: {  	v3 =	vsub.f32 $1.500000000e+00, v3  }
0x351: {  	v38 =	vld [tilespmem:$0x1FFF0]  }
0x352: {  	v2 =	vmul.f32 v3, v2;
	_ =	sdelay $0x1  }
0x353: {  	v0 =	vmul.f32 v2, v0;
	_ =	sdelay $0x1  }
0x354: {  	v0 =	vmul.f32 v0, v38;
	_ =	sdelay $0x1  }
0x355: {  	v0 =	vmax.f32 v0, $9.999999930e-09  }
0x356: {  	(erf) = vrcp.f32 v0;
	_ =	sdelay $0x5  }
0x357: {  	s20 =	smov.u32 s19;
	v37 =	vlaneseq.u32;
	v0 =	vmul.f32 v7, v39  }
0x358: {  	v4 =	vor.u32 s20, v37  }
0x359: {  	vm1 =	vlt.s32 v4, $0x7C;
	v0 =	vadd.f32 v1, v0  }
0x35a: {  	v36 =	vmov v4;
	v1 =	vnsel vm1, $0x7C, v4;
	v4 =	vld [tilespmem:$0x1FFE0];
	v5 =	vpop (erf)  }
0x35b: {  	v0 =	vmul.f32 v5, v0;
	v5 =	vld [tilespmem:$0x1FFD0];
	_ =	sdelay $0x1  }
0x35c: {  	p0 =	seq.s32 s19, $0x70;
	v2 =	vld [tilespmem:$0x7D80]  }
.Ltmp0:
0x35d: {  	_ = 	snop;
	(pc) =	sbr.rel @!p0 .LBB2_4-.Ltmp0, $4  }
0x35e: {  	v1 =	vshll.u32 v1, $0x7  }
0x35f: {  	v7 =	vadd.s32 v4, v1;
	vm1 =	vlt.u32 v5, $0x7D  }
0x360: {  	s31 =	sadd.s32 s18, s16;
	v4 =	vor.u32 $0x1, v7;
	v1 =	vor.u32 $0x2, v7;
	v6 =	vnsel vm1, $0xFF800000, v0  }
0x361: {  	s19 =	sadd.s32 $0x10, s19;
	s18 =	smov.u32 s20;
	v3 =	vld [tilespmem:$0x7D90];
	v5 =	vadd.s32 s31, v37;
	v0 =	vor.u32 $0x3, v7;
	vm1 =	vgt.f32 v6, v2  }
0x362: {  	_ =	sdelay $0x2  }
0x363: {  	v2 =	vsel vm1, v6, v2  }
0x364: {  	[tilespmem:$0x7D80] =	vst v2;
	v32 =	vsel vm1, v5, v3  }
0x365: {  	[tilespmem:$0x7D90] =	vst v32  }
0x366: {  	v2 =	vld.idx.msk [tilespmem:v4+s12+$0x0], $0xffff  }
0x367: {  	v3 =	vld.idx.msk [tilespmem:v7+s12+$0x0], $0xffff  }
0x368: {  	v33 =	vor.u32 $0x4, v7  }
0x369: {  	v5 =	vld.idx.msk [tilespmem:v1+s12+$0x0], $0xffff  }
0x36a: {  	v34 =	vor.u32 $0x5, v7  }
0x36b: {  	v6 =	vld.idx.msk [tilespmem:v0+s12+$0x0], $0xffff  }
0x36c: {  	v35 =	vor.u32 $0x6, v7;
	v8 =	vmul.f32 v2, v2;
	v9 =	vmul.f32 v3, v3  }
0x36d: {  	v4 =	vld.idx.msk [tilespmem:v33+s12+$0x0], $0xffff  }
0x36e: {  	v10 =	vor.u32 $0x7, v7;
	v11 =	vmul.f32 v5, v5;
	v8 =	vadd.f32 v8, v9  }
0x36f: {  	v28 =	vld.idx.msk [tilespmem:v34+s12+$0x0], $0xffff  }
0x370: {  	v40 =	vor.u32 $0x8, v7;
	v41 =	vmul.f32 v6, v6;
	v8 =	vadd.f32 v11, v8  }
0x371: {  	v29 =	vld.idx.msk [tilespmem:v35+s12+$0x0], $0xffff  }
0x372: {  	v42 =	vor.u32 $0x9, v7;
	v43 =	vmul.f32 v4, v4;
	v9 =	vadd.f32 v41, v8  }
0x373: {  	v8 =	vld.idx.msk [tilespmem:v10+s12+$0x0], $0xffff  }
0x374: {  	v12 =	vor.u32 $0xA, v7;
	v45 =	vmul.f32 v28, v28;
	v44 =	vadd.f32 v43, v9  }
0x375: {  	v9 =	vld.idx.msk [tilespmem:v40+s12+$0x0], $0xffff  }
0x376: {  	v46 =	vor.u32 $0xB, v7;
	v13 =	vmul.f32 v29, v29;
	v11 =	vadd.f32 v45, v44  }
0x377: {  	v10 =	vld.idx.msk [tilespmem:v42+s12+$0x0], $0xffff  }
0x378: {  	v47 =	vor.u32 $0xC, v7;
	v14 =	vmul.f32 v8, v8;
	v13 =	vadd.f32 v13, v11  }
0x379: {  	v11 =	vld.idx.msk [tilespmem:v12+s12+$0x0], $0xffff  }
0x37a: {  	v15 =	vor.u32 $0xD, v7;
	v48 =	vmul.f32 v9, v9;
	v13 =	vadd.f32 v14, v13  }
0x37b: {  	v12 =	vld.idx.msk [tilespmem:v46+s12+$0x0], $0xffff  }
0x37c: {  	v49 =	vor.u32 $0xE, v7;
	v16 =	vmul.f32 v10, v10;
	v14 =	vadd.f32 v48, v13  }
0x37d: {  	v13 =	vld.idx.msk [tilespmem:v47+s12+$0x0], $0xffff  }
0x37e: {  	v50 =	vor.u32 $0xF, v7;
	v17 =	vmul.f32 v11, v11;
	v16 =	vadd.f32 v16, v14  }
0x37f: {  	v14 =	vld.idx.msk [tilespmem:v15+s12+$0x0], $0xffff  }
0x380: {  	v18 =	vor.u32 $0x10, v7;
	v51 =	vmul.f32 v12, v12;
	v16 =	vadd.f32 v17, v16  }
0x381: {  	v15 =	vld.idx.msk [tilespmem:v49+s12+$0x0], $0xffff  }
0x382: {  	v52 =	vor.u32 $0x11, v7;
	v19 =	vmul.f32 v13, v13;
	v17 =	vadd.f32 v51, v16  }
0x383: {  	v16 =	vld.idx.msk [tilespmem:v50+s12+$0x0], $0xffff  }
0x384: {  	v53 =	vor.u32 $0x12, v7;
	v20 =	vmul.f32 v14, v14;
	v19 =	vadd.f32 v19, v17  }
0x385: {  	v17 =	vld.idx.msk [tilespmem:v18+s12+$0x0], $0xffff  }
0x386: {  	v21 =	vor.u32 $0x13, v7;
	v54 =	vmul.f32 v15, v15;
	v19 =	vadd.f32 v20, v19  }
0x387: {  	v18 =	vld.idx.msk [tilespmem:v52+s12+$0x0], $0xffff  }
0x388: {  	v55 =	vor.u32 $0x14, v7;
	v22 =	vmul.f32 v16, v16;
	v20 =	vadd.f32 v54, v19  }
0x389: {  	v19 =	vld.idx.msk [tilespmem:v53+s12+$0x0], $0xffff  }
0x38a: {  	v56 =	vor.u32 $0x15, v7;
	v23 =	vmul.f32 v17, v17;
	v22 =	vadd.f32 v22, v20  }
0x38b: {  	v20 =	vld.idx.msk [tilespmem:v21+s12+$0x0], $0xffff  }
0x38c: {  	v24 =	vor.u32 $0x16, v7;
	v57 =	vmul.f32 v18, v18;
	v22 =	vadd.f32 v23, v22  }
0x38d: {  	v21 =	vld.idx.msk [tilespmem:v55+s12+$0x0], $0xffff  }
0x38e: {  	v58 =	vor.u32 $0x17, v7;
	v25 =	vmul.f32 v19, v19;
	v23 =	vadd.f32 v57, v22  }
0x38f: {  	v22 =	vld.idx.msk [tilespmem:v56+s12+$0x0], $0xffff  }
0x390: {  	v59 =	vor.u32 $0x18, v7;
	v26 =	vmul.f32 v20, v20;
	v25 =	vadd.f32 v25, v23  }
0x391: {  	v23 =	vld.idx.msk [tilespmem:v24+s12+$0x0], $0xffff  }
0x392: {  	v27 =	vor.u32 $0x19, v7;
	v60 =	vmul.f32 v21, v21;
	v25 =	vadd.f32 v26, v25  }
0x393: {  	v24 =	vld.idx.msk [tilespmem:v58+s12+$0x0], $0xffff  }
0x394: {  	v61 =	vor.u32 $0x1A, v7;
	v30 =	vmul.f32 v22, v22;
	v26 =	vadd.f32 v60, v25  }
0x395: {  	v25 =	vld.idx.msk [tilespmem:v59+s12+$0x0], $0xffff  }
0x396: {  	v62 =	vor.u32 $0x1B, v7;
	v31 =	vmul.f32 v23, v23;
	v30 =	vadd.f32 v30, v26  }
0x397: {  	v26 =	vld.idx.msk [tilespmem:v27+s12+$0x0], $0xffff  }
0x398: {  	s19 =	sld [smem:$0x0];
	v32 =	vor.u32 $0x1C, v7;
	v63 =	vmul.f32 v24, v24;
	v30 =	vadd.f32 v31, v30  }
0x399: {  	v27 =	vld.idx.msk [tilespmem:v61+s12+$0x0], $0xffff  }
0x39a: {  	s20 =	sld [smem:$0x1];
	v33 =	vor.u32 $0x1D, v7;
	v41 =	vmul.f32 v25, v25;
	v40 =	vadd.f32 v63, v30  }
0x39b: {  	v0 =	vld.idx.msk [tilespmem:v62+s12+$0x0], $0xffff;
	v3 =	vmul.f32 s19, v3  }
0x39c: {  	s26 =	sld [smem:$0x2];
	v42 =	vor.u32 $0x1E, v7;
	v34 =	vmul.f32 v26, v26;
	v30 =	vadd.f32 v41, v40  }
0x39d: {  	v1 =	vld.idx.msk [tilespmem:v32+s12+$0x0], $0xffff;
	v2 =	vmul.f32 s20, v2;
	v3 =	vadd.f32 $0.0e+00, v3  }
0x39e: {  	s28 =	sld [smem:$0x3];
	v43 =	vor.u32 $0x1F, v7;
	v44 =	vmul.f32 v27, v27;
	v30 =	vadd.f32 v34, v30  }
0x39f: {  	v5 =	vmul.f32 s26, v5;
	v3 =	vadd.f32 v2, v3;
	v2 =	vld.idx.msk [tilespmem:v33+s12+$0x0], $0xffff  }
0x3a0: {  	s29 =	sld [smem:$0x4];
	v45 =	vor.u32 $0x20, v7;
	v46 =	vmul.f32 v0, v0;
	v30 =	vadd.f32 v44, v30  }
0x3a1: {  	v6 =	vmul.f32 s28, v6;
	v5 =	vadd.f32 v5, v3;
	v3 =	vld.idx.msk [tilespmem:v42+s12+$0x0], $0xffff  }
0x3a2: {  	s30 =	sld [smem:$0x5];
	v47 =	vor.u32 $0x21, v7;
	v48 =	vmul.f32 v1, v1;
	v30 =	vadd.f32 v46, v30  }
0x3a3: {  	v35 =	vmul.f32 s29, v4;
	v5 =	vadd.f32 v6, v5;
	v4 =	vld.idx.msk [tilespmem:v43+s12+$0x0], $0xffff  }
0x3a4: {  	s31 =	sld [smem:$0x6];
	v49 =	vor.u32 $0x22, v7;
	v51 =	vmul.f32 v2, v2;
	v50 =	vadd.f32 v48, v30  }
0x3a5: {  	v28 =	vmul.f32 s30, v28;
	v52 =	vadd.f32 v35, v5;
	v5 =	vld.idx.msk [tilespmem:v45+s12+$0x0], $0xffff  }
0x3a6: {  	s21 =	sld [smem:$0x7];
	v53 =	vor.u32 $0x23, v7;
	v54 =	vmul.f32 v3, v3;
	v30 =	vadd.f32 v51, v50  }
0x3a7: {  	v29 =	vmul.f32 s31, v29;
	v6 =	vld.idx.msk [tilespmem:v47+s12+$0x0], $0xffff;
	v28 =	vadd.f32 v28, v52  }
0x3a8: {  	s22 =	sld [smem:$0x8];
	v55 =	vor.u32 $0x24, v7;
	v56 =	vmul.f32 v4, v4;
	v30 =	vadd.f32 v54, v30  }
0x3a9: {  	v28 =	vadd.f32 v29, v28;
	v57 =	vmul.f32 s21, v8;
	v8 =	vld.idx.msk [tilespmem:v49+s12+$0x0], $0xffff  }
0x3aa: {  	s23 =	sld [smem:$0x9];
	v58 =	vor.u32 $0x25, v7;
	v59 =	vmul.f32 v5, v5;
	v30 =	vadd.f32 v56, v30  }
0x3ab: {  	v28 =	vadd.f32 v57, v28;
	v60 =	vmul.f32 s22, v9;
	v9 =	vld.idx.msk [tilespmem:v53+s12+$0x0], $0xffff  }
0x3ac: {  	s24 =	sld [smem:$0xA];
	v62 =	vmul.f32 v6, v6;
	v61 =	vor.u32 $0x26, v7;
	v30 =	vadd.f32 v59, v30  }
0x3ad: {  	v28 =	vadd.f32 v60, v28;
	v63 =	vmul.f32 s23, v10;
	v10 =	vld.idx.msk [tilespmem:v55+s12+$0x0], $0xffff  }
0x3ae: {  	s25 =	sld [smem:$0xB];
	v40 =	vor.u32 $0x27, v7;
	v41 =	vmul.f32 v8, v8;
	v30 =	vadd.f32 v62, v30  }
0x3af: {  	v42 =	vmul.f32 s24, v11;
	v11 =	vld.idx.msk [tilespmem:v58+s12+$0x0], $0xffff;
	v28 =	vadd.f32 v63, v28  }
0x3b0: {  	s26 =	sld [smem:$0xC];
	v43 =	vor.u32 $0x28, v7;
	v44 =	vmul.f32 v9, v9;
	v30 =	vadd.f32 v41, v30  }
0x3b1: {  	v45 =	vmul.f32 s25, v12;
	v12 =	vld.idx.msk [tilespmem:v61+s12+$0x0], $0xffff;
	v28 =	vadd.f32 v42, v28  }
0x3b2: {  	s28 =	sld [smem:$0xD];
	v47 =	vmul.f32 v10, v10;
	v46 =	vor.u32 $0x29, v7;
	v30 =	vadd.f32 v44, v30  }
0x3b3: {  	v28 =	vadd.f32 v45, v28;
	v48 =	vmul.f32 s26, v13;
	v13 =	vld.idx.msk [tilespmem:v40+s12+$0x0], $0xffff  }
0x3b4: {  	s29 =	sld [smem:$0xE];
	v49 =	vor.u32 $0x2A, v7;
	v50 =	vmul.f32 v11, v11;
	v30 =	vadd.f32 v47, v30  }
0x3b5: {  	v51 =	vmul.f32 s28, v14;
	v28 =	vadd.f32 v48, v28;
	v14 =	vld.idx.msk [tilespmem:v43+s12+$0x0], $0xffff  }
0x3b6: {  	s30 =	sld [smem:$0xF];
	v52 =	vor.u32 $0x2B, v7;
	v53 =	vmul.f32 v12, v12;
	v30 =	vadd.f32 v50, v30  }
0x3b7: {  	v54 =	vmul.f32 s29, v15;
	v28 =	vadd.f32 v51, v28;
	v15 =	vld.idx.msk [tilespmem:v46+s12+$0x0], $0xffff  }
0x3b8: {  	s31 =	sld [smem:$0x10];
	v55 =	vor.u32 $0x2C, v7;
	v56 =	vmul.f32 v13, v13;
	v30 =	vadd.f32 v53, v30  }
0x3b9: {  	v57 =	vmul.f32 s30, v16;
	v16 =	vld.idx.msk [tilespmem:v49+s12+$0x0], $0xffff;
	v28 =	vadd.f32 v54, v28  }
0x3ba: {  	s21 =	sld [smem:$0x11];
	v58 =	vor.u32 $0x2D, v7;
	v59 =	vmul.f32 v14, v14;
	v30 =	vadd.f32 v56, v30  }
0x3bb: {  	v60 =	vmul.f32 s31, v17;
	v17 =	vld.idx.msk [tilespmem:v52+s12+$0x0], $0xffff;
	v28 =	vadd.f32 v57, v28  }
0x3bc: {  	s22 =	sld [smem:$0x12];
	v61 =	vor.u32 $0x2E, v7;
	v62 =	vmul.f32 v15, v15;
	v30 =	vadd.f32 v59, v30  }
0x3bd: {  	v63 =	vmul.f32 s21, v18;
	v18 =	vld.idx.msk [tilespmem:v55+s12+$0x0], $0xffff;
	v28 =	vadd.f32 v60, v28  }
0x3be: {  	s23 =	sld [smem:$0x13];
	v40 =	vor.u32 $0x2F, v7;
	v41 =	vmul.f32 v16, v16;
	v30 =	vadd.f32 v62, v30  }
0x3bf: {  	v42 =	vmul.f32 s22, v19;
	v19 =	vld.idx.msk [tilespmem:v58+s12+$0x0], $0xffff;
	v28 =	vadd.f32 v63, v28  }
0x3c0: {  	s24 =	sld [smem:$0x14];
	v43 =	vor.u32 $0x30, v7;
	v44 =	vmul.f32 v17, v17;
	v30 =	vadd.f32 v41, v30  }
0x3c1: {  	v45 =	vmul.f32 s23, v20;
	v20 =	vld.idx.msk [tilespmem:v61+s12+$0x0], $0xffff;
	v28 =	vadd.f32 v42, v28  }
0x3c2: {  	s25 =	sld [smem:$0x15];
	v46 =	vor.u32 $0x31, v7;
	v47 =	vmul.f32 v18, v18;
	v30 =	vadd.f32 v44, v30  }
0x3c3: {  	v48 =	vmul.f32 s24, v21;
	v21 =	vld.idx.msk [tilespmem:v40+s12+$0x0], $0xffff;
	v28 =	vadd.f32 v45, v28  }
0x3c4: {  	v49 =	vor.u32 $0x32, v7;
	s26 =	sld [smem:$0x16];
	v50 =	vmul.f32 v19, v19;
	v30 =	vadd.f32 v47, v30  }
0x3c5: {  	v51 =	vmul.f32 s25, v22;
	v22 =	vld.idx.msk [tilespmem:v43+s12+$0x0], $0xffff;
	v28 =	vadd.f32 v48, v28  }
0x3c6: {  	v52 =	vor.u32 $0x33, v7;
	s28 =	sld [smem:$0x17];
	v53 =	vmul.f32 v20, v20;
	v30 =	vadd.f32 v50, v30  }
0x3c7: {  	v54 =	vmul.f32 s26, v23;
	v23 =	vld.idx.msk [tilespmem:v46+s12+$0x0], $0xffff;
	v28 =	vadd.f32 v51, v28  }
0x3c8: {  	v55 =	vor.u32 $0x34, v7;
	s29 =	sld [smem:$0x18];
	v56 =	vmul.f32 v21, v21;
	v30 =	vadd.f32 v53, v30  }
0x3c9: {  	v57 =	vmul.f32 s28, v24;
	v24 =	vld.idx.msk [tilespmem:v49+s12+$0x0], $0xffff;
	v28 =	vadd.f32 v54, v28  }
0x3ca: {  	s30 =	sld [smem:$0x19];
	v58 =	vor.u32 $0x35, v7;
	v59 =	vmul.f32 v22, v22;
	v30 =	vadd.f32 v56, v30  }
0x3cb: {  	v60 =	vmul.f32 s29, v25;
	v25 =	vld.idx.msk [tilespmem:v52+s12+$0x0], $0xffff;
	v28 =	vadd.f32 v57, v28  }
0x3cc: {  	s31 =	sld [smem:$0x1A];
	v61 =	vor.u32 $0x36, v7;
	v62 =	vmul.f32 v23, v23;
	v30 =	vadd.f32 v59, v30  }
0x3cd: {  	v63 =	vmul.f32 s30, v26;
	v26 =	vld.idx.msk [tilespmem:v55+s12+$0x0], $0xffff;
	v28 =	vadd.f32 v60, v28  }
0x3ce: {  	s21 =	sld [smem:$0x1B];
	v40 =	vor.u32 $0x37, v7;
	v41 =	vmul.f32 v24, v24;
	v30 =	vadd.f32 v62, v30  }
0x3cf: {  	v42 =	vmul.f32 s31, v27;
	v27 =	vld.idx.msk [tilespmem:v58+s12+$0x0], $0xffff;
	v28 =	vadd.f32 v63, v28  }
0x3d0: {  	s22 =	sld [smem:$0x1C];
	v43 =	vor.u32 $0x38, v7;
	v44 =	vmul.f32 v25, v25;
	v30 =	vadd.f32 v41, v30  }
0x3d1: {  	v45 =	vmul.f32 s21, v0;
	v0 =	vld.idx.msk [tilespmem:v61+s12+$0x0], $0xffff;
	v28 =	vadd.f32 v42, v28  }
0x3d2: {  	s23 =	sld [smem:$0x1D];
	v46 =	vor.u32 $0x39, v7;
	v47 =	vmul.f32 v26, v26;
	v30 =	vadd.f32 v44, v30  }
0x3d3: {  	v48 =	vmul.f32 s22, v1;
	v1 =	vld.idx.msk [tilespmem:v40+s12+$0x0], $0xffff;
	v28 =	vadd.f32 v45, v28  }
0x3d4: {  	s24 =	sld [smem:$0x1E];
	v49 =	vor.u32 $0x3A, v7;
	v50 =	vmul.f32 v27, v27;
	v30 =	vadd.f32 v47, v30  }
0x3d5: {  	v51 =	vmul.f32 s23, v2;
	v2 =	vld.idx.msk [tilespmem:v43+s12+$0x0], $0xffff;
	v28 =	vadd.f32 v48, v28  }
0x3d6: {  	s25 =	sld [smem:$0x1F];
	v52 =	vor.u32 $0x3B, v7;
	v53 =	vmul.f32 v0, v0;
	v30 =	vadd.f32 v50, v30  }
0x3d7: {  	v54 =	vmul.f32 s24, v3;
	v3 =	vld.idx.msk [tilespmem:v46+s12+$0x0], $0xffff;
	v28 =	vadd.f32 v51, v28  }
0x3d8: {  	s26 =	sld [smem:$0x20];
	v55 =	vor.u32 $0x3C, v7;
	v56 =	vmul.f32 v1, v1;
	v30 =	vadd.f32 v53, v30  }
0x3d9: {  	v57 =	vmul.f32 s25, v4;
	v4 =	vld.idx.msk [tilespmem:v49+s12+$0x0], $0xffff;
	v28 =	vadd.f32 v54, v28  }
0x3da: {  	s28 =	sld [smem:$0x21];
	v58 =	vor.u32 $0x3D, v7;
	v59 =	vmul.f32 v2, v2;
	v30 =	vadd.f32 v56, v30  }
0x3db: {  	v60 =	vmul.f32 s26, v5;
	v5 =	vld.idx.msk [tilespmem:v52+s12+$0x0], $0xffff;
	v28 =	vadd.f32 v57, v28  }
0x3dc: {  	s29 =	sld [smem:$0x22];
	v61 =	vor.u32 $0x3E, v7;
	v62 =	vmul.f32 v3, v3;
	v30 =	vadd.f32 v59, v30  }
0x3dd: {  	v63 =	vmul.f32 s28, v6;
	v6 =	vld.idx.msk [tilespmem:v55+s12+$0x0], $0xffff;
	v28 =	vadd.f32 v60, v28  }
0x3de: {  	s30 =	sld [smem:$0x23];
	v40 =	vor.u32 $0x3F, v7;
	v41 =	vmul.f32 v4, v4;
	v30 =	vadd.f32 v62, v30  }
0x3df: {  	v42 =	vmul.f32 s29, v8;
	v8 =	vld.idx.msk [tilespmem:v58+s12+$0x0], $0xffff;
	v28 =	vadd.f32 v63, v28  }
0x3e0: {  	s31 =	sld [smem:$0x24];
	v43 =	vor.u32 $0x40, v7;
	v44 =	vmul.f32 v5, v5;
	v30 =	vadd.f32 v41, v30  }
0x3e1: {  	v45 =	vmul.f32 s30, v9;
	v9 =	vld.idx.msk [tilespmem:v61+s12+$0x0], $0xffff;
	v28 =	vadd.f32 v42, v28  }
0x3e2: {  	s21 =	sld [smem:$0x25];
	v46 =	vor.u32 $0x41, v7;
	v47 =	vmul.f32 v6, v6;
	v30 =	vadd.f32 v44, v30  }
0x3e3: {  	v48 =	vmul.f32 s31, v10;
	v10 =	vld.idx.msk [tilespmem:v40+s12+$0x0], $0xffff;
	v28 =	vadd.f32 v45, v28  }
0x3e4: {  	s22 =	sld [smem:$0x26];
	v49 =	vor.u32 $0x42, v7;
	v50 =	vmul.f32 v8, v8;
	v30 =	vadd.f32 v47, v30  }
0x3e5: {  	v51 =	vmul.f32 s21, v11;
	v11 =	vld.idx.msk [tilespmem:v43+s12+$0x0], $0xffff;
	v28 =	vadd.f32 v48, v28  }
0x3e6: {  	s23 =	sld [smem:$0x27];
	v52 =	vor.u32 $0x43, v7;
	v53 =	vmul.f32 v9, v9;
	v30 =	vadd.f32 v50, v30  }
0x3e7: {  	v54 =	vmul.f32 s22, v12;
	v12 =	vld.idx.msk [tilespmem:v46+s12+$0x0], $0xffff;
	v28 =	vadd.f32 v51, v28  }
0x3e8: {  	s24 =	sld [smem:$0x28];
	v55 =	vor.u32 $0x44, v7;
	v56 =	vmul.f32 v10, v10;
	v30 =	vadd.f32 v53, v30  }
0x3e9: {  	v57 =	vmul.f32 s23, v13;
	v13 =	vld.idx.msk [tilespmem:v49+s12+$0x0], $0xffff;
	v28 =	vadd.f32 v54, v28  }
0x3ea: {  	s25 =	sld [smem:$0x29];
	v58 =	vor.u32 $0x45, v7;
	v59 =	vmul.f32 v11, v11;
	v30 =	vadd.f32 v56, v30  }
0x3eb: {  	v60 =	vmul.f32 s24, v14;
	v14 =	vld.idx.msk [tilespmem:v52+s12+$0x0], $0xffff;
	v28 =	vadd.f32 v57, v28  }
0x3ec: {  	s26 =	sld [smem:$0x2A];
	v61 =	vor.u32 $0x46, v7;
	v62 =	vmul.f32 v12, v12;
	v30 =	vadd.f32 v59, v30  }
0x3ed: {  	v63 =	vmul.f32 s25, v15;
	v15 =	vld.idx.msk [tilespmem:v55+s12+$0x0], $0xffff;
	v28 =	vadd.f32 v60, v28  }
0x3ee: {  	s28 =	sld [smem:$0x2B];
	v40 =	vor.u32 $0x47, v7;
	v41 =	vmul.f32 v13, v13;
	v30 =	vadd.f32 v62, v30  }
0x3ef: {  	v42 =	vmul.f32 s26, v16;
	v16 =	vld.idx.msk [tilespmem:v58+s12+$0x0], $0xffff;
	v28 =	vadd.f32 v63, v28  }
0x3f0: {  	s29 =	sld [smem:$0x2C];
	v43 =	vor.u32 $0x48, v7;
	v44 =	vmul.f32 v14, v14;
	v30 =	vadd.f32 v41, v30  }
0x3f1: {  	v45 =	vmul.f32 s28, v17;
	v17 =	vld.idx.msk [tilespmem:v61+s12+$0x0], $0xffff;
	v28 =	vadd.f32 v42, v28  }
0x3f2: {  	s30 =	sld [smem:$0x2D];
	v46 =	vor.u32 $0x49, v7;
	v47 =	vmul.f32 v15, v15;
	v30 =	vadd.f32 v44, v30  }
0x3f3: {  	v48 =	vmul.f32 s29, v18;
	v18 =	vld.idx.msk [tilespmem:v40+s12+$0x0], $0xffff;
	v28 =	vadd.f32 v45, v28  }
0x3f4: {  	s31 =	sld [smem:$0x2E];
	v49 =	vor.u32 $0x4A, v7;
	v50 =	vmul.f32 v16, v16;
	v30 =	vadd.f32 v47, v30  }
0x3f5: {  	v51 =	vmul.f32 s30, v19;
	v19 =	vld.idx.msk [tilespmem:v43+s12+$0x0], $0xffff;
	v28 =	vadd.f32 v48, v28  }
0x3f6: {  	s21 =	sld [smem:$0x2F];
	v52 =	vor.u32 $0x4B, v7;
	v53 =	vmul.f32 v17, v17;
	v30 =	vadd.f32 v50, v30  }
0x3f7: {  	v54 =	vmul.f32 s31, v20;
	v20 =	vld.idx.msk [tilespmem:v46+s12+$0x0], $0xffff;
	v28 =	vadd.f32 v51, v28  }
0x3f8: {  	s22 =	sld [smem:$0x30];
	v55 =	vor.u32 $0x4C, v7;
	v56 =	vmul.f32 v18, v18;
	v30 =	vadd.f32 v53, v30  }
0x3f9: {  	v57 =	vmul.f32 s21, v21;
	v21 =	vld.idx.msk [tilespmem:v49+s12+$0x0], $0xffff;
	v28 =	vadd.f32 v54, v28  }
0x3fa: {  	s23 =	sld [smem:$0x31];
	v58 =	vor.u32 $0x4D, v7;
	v59 =	vmul.f32 v19, v19;
	v30 =	vadd.f32 v56, v30  }
0x3fb: {  	v60 =	vmul.f32 s22, v22;
	v22 =	vld.idx.msk [tilespmem:v52+s12+$0x0], $0xffff;
	v28 =	vadd.f32 v57, v28  }
0x3fc: {  	s24 =	sld [smem:$0x32];
	v61 =	vor.u32 $0x4E, v7;
	v62 =	vmul.f32 v20, v20;
	v30 =	vadd.f32 v59, v30  }
0x3fd: {  	v63 =	vmul.f32 s23, v23;
	v23 =	vld.idx.msk [tilespmem:v55+s12+$0x0], $0xffff;
	v28 =	vadd.f32 v60, v28  }
0x3fe: {  	s25 =	sld [smem:$0x33];
	v40 =	vor.u32 $0x4F, v7;
	v41 =	vmul.f32 v21, v21;
	v30 =	vadd.f32 v62, v30  }
0x3ff: {  	v42 =	vmul.f32 s24, v24;
	v24 =	vld.idx.msk [tilespmem:v58+s12+$0x0], $0xffff;
	v28 =	vadd.f32 v63, v28  }
0x400: {  	s26 =	sld [smem:$0x34];
	v43 =	vor.u32 $0x50, v7;
	v44 =	vmul.f32 v22, v22;
	v30 =	vadd.f32 v41, v30  }
0x401: {  	v45 =	vmul.f32 s25, v25;
	v25 =	vld.idx.msk [tilespmem:v61+s12+$0x0], $0xffff;
	v28 =	vadd.f32 v42, v28  }
0x402: {  	s28 =	sld [smem:$0x35];
	v46 =	vor.u32 $0x51, v7;
	v47 =	vmul.f32 v23, v23;
	v30 =	vadd.f32 v44, v30  }
0x403: {  	v48 =	vmul.f32 s26, v26;
	v26 =	vld.idx.msk [tilespmem:v40+s12+$0x0], $0xffff;
	v28 =	vadd.f32 v45, v28  }
0x404: {  	s29 =	sld [smem:$0x36];
	v49 =	vor.u32 $0x52, v7;
	v50 =	vmul.f32 v24, v24;
	v30 =	vadd.f32 v47, v30  }
0x405: {  	v51 =	vmul.f32 s28, v27;
	v27 =	vld.idx.msk [tilespmem:v43+s12+$0x0], $0xffff;
	v28 =	vadd.f32 v48, v28  }
0x406: {  	s30 =	sld [smem:$0x37];
	v52 =	vor.u32 $0x53, v7;
	v53 =	vmul.f32 v25, v25;
	v30 =	vadd.f32 v50, v30  }
0x407: {  	v0 =	vmul.f32 s29, v0;
	v34 =	vadd.f32 v51, v28;
	v28 =	vld.idx.msk [tilespmem:v46+s12+$0x0], $0xffff  }
0x408: {  	s31 =	sld [smem:$0x38];
	v54 =	vor.u32 $0x54, v7;
	v55 =	vmul.f32 v26, v26;
	v30 =	vadd.f32 v53, v30  }
0x409: {  	v1 =	vmul.f32 s30, v1;
	v29 =	vld.idx.msk [tilespmem:v49+s12+$0x0], $0xffff;
	v0 =	vadd.f32 v0, v34  }
0x40a: {  	s21 =	sld [smem:$0x39];
	v57 =	vmul.f32 v27, v27;
	v56 =	vor.u32 $0x55, v7;
	v30 =	vadd.f32 v55, v30  }
0x40b: {  	v58 =	vmul.f32 s31, v2;
	v2 =	vld.idx.msk [tilespmem:v52+s12+$0x0], $0xffff;
	v0 =	vadd.f32 v1, v0  }
0x40c: {  	s22 =	sld [smem:$0x3A];
	v59 =	vor.u32 $0x56, v7;
	v60 =	vmul.f32 v28, v28;
	v30 =	vadd.f32 v57, v30  }
0x40d: {  	v61 =	vmul.f32 s21, v3;
	v3 =	vld.idx.msk [tilespmem:v54+s12+$0x0], $0xffff;
	v0 =	vadd.f32 v58, v0  }
0x40e: {  	s23 =	sld [smem:$0x3B];
	v63 =	vmul.f32 v29, v29;
	v62 =	vor.u32 $0x57, v7;
	v30 =	vadd.f32 v60, v30  }
0x40f: {  	v40 =	vmul.f32 s22, v4;
	v4 =	vld.idx.msk [tilespmem:v56+s12+$0x0], $0xffff;
	v0 =	vadd.f32 v61, v0  }
0x410: {  	s24 =	sld [smem:$0x3C];
	v42 =	vmul.f32 v2, v2;
	v41 =	vor.u32 $0x58, v7;
	v30 =	vadd.f32 v63, v30  }
0x411: {  	v43 =	vmul.f32 s23, v5;
	v5 =	vld.idx.msk [tilespmem:v59+s12+$0x0], $0xffff;
	v0 =	vadd.f32 v40, v0  }
0x412: {  	s25 =	sld [smem:$0x3D];
	v45 =	vmul.f32 v3, v3;
	v44 =	vor.u32 $0x59, v7;
	v30 =	vadd.f32 v42, v30  }
0x413: {  	v46 =	vmul.f32 s24, v6;
	v6 =	vld.idx.msk [tilespmem:v62+s12+$0x0], $0xffff;
	v0 =	vadd.f32 v43, v0  }
0x414: {  	s26 =	sld [smem:$0x3E];
	v47 =	vor.u32 $0x5A, v7;
	v48 =	vmul.f32 v4, v4;
	v30 =	vadd.f32 v45, v30  }
0x415: {  	v49 =	vmul.f32 s25, v8;
	v8 =	vld.idx.msk [tilespmem:v41+s12+$0x0], $0xffff;
	v0 =	vadd.f32 v46, v0  }
0x416: {  	s28 =	sld [smem:$0x3F];
	v50 =	vor.u32 $0x5B, v7;
	v51 =	vmul.f32 v5, v5;
	v30 =	vadd.f32 v48, v30  }
0x417: {  	v52 =	vmul.f32 s26, v9;
	v9 =	vld.idx.msk [tilespmem:v44+s12+$0x0], $0xffff;
	v0 =	vadd.f32 v49, v0  }
0x418: {  	s29 =	sld [smem:$0x40];
	v53 =	vor.u32 $0x5C, v7;
	v54 =	vmul.f32 v6, v6;
	v30 =	vadd.f32 v51, v30  }
0x419: {  	v55 =	vmul.f32 s28, v10;
	v0 =	vadd.f32 v52, v0;
	v10 =	vld.idx.msk [tilespmem:v47+s12+$0x0], $0xffff  }
0x41a: {  	s30 =	sld [smem:$0x41];
	v56 =	vor.u32 $0x5D, v7;
	v57 =	vmul.f32 v8, v8;
	v30 =	vadd.f32 v54, v30  }
0x41b: {  	v58 =	vmul.f32 s29, v11;
	v11 =	vld.idx.msk [tilespmem:v50+s12+$0x0], $0xffff;
	v0 =	vadd.f32 v55, v0  }
0x41c: {  	s31 =	sld [smem:$0x42];
	v59 =	vor.u32 $0x5E, v7;
	v60 =	vmul.f32 v9, v9;
	v30 =	vadd.f32 v57, v30  }
0x41d: {  	v61 =	vmul.f32 s30, v12;
	v12 =	vld.idx.msk [tilespmem:v53+s12+$0x0], $0xffff;
	v0 =	vadd.f32 v58, v0  }
0x41e: {  	s21 =	sld [smem:$0x43];
	v62 =	vor.u32 $0x5F, v7;
	v63 =	vmul.f32 v10, v10;
	v30 =	vadd.f32 v60, v30  }
0x41f: {  	v40 =	vmul.f32 s31, v13;
	v13 =	vld.idx.msk [tilespmem:v56+s12+$0x0], $0xffff;
	v0 =	vadd.f32 v61, v0  }
0x420: {  	s22 =	sld [smem:$0x44];
	v41 =	vor.u32 $0x60, v7;
	v42 =	vmul.f32 v11, v11;
	v30 =	vadd.f32 v63, v30  }
0x421: {  	v43 =	vmul.f32 s21, v14;
	v14 =	vld.idx.msk [tilespmem:v59+s12+$0x0], $0xffff;
	v0 =	vadd.f32 v40, v0  }
0x422: {  	s23 =	sld [smem:$0x45];
	v44 =	vor.u32 $0x61, v7;
	v45 =	vmul.f32 v12, v12;
	v30 =	vadd.f32 v42, v30  }
0x423: {  	v46 =	vmul.f32 s22, v15;
	v15 =	vld.idx.msk [tilespmem:v62+s12+$0x0], $0xffff;
	v0 =	vadd.f32 v43, v0  }
0x424: {  	s24 =	sld [smem:$0x46];
	v47 =	vor.u32 $0x62, v7;
	v48 =	vmul.f32 v13, v13;
	v30 =	vadd.f32 v45, v30  }
0x425: {  	v49 =	vmul.f32 s23, v16;
	v16 =	vld.idx.msk [tilespmem:v41+s12+$0x0], $0xffff;
	v0 =	vadd.f32 v46, v0  }
0x426: {  	s25 =	sld [smem:$0x47];
	v50 =	vor.u32 $0x63, v7;
	v51 =	vmul.f32 v14, v14;
	v30 =	vadd.f32 v48, v30  }
0x427: {  	v17 =	vmul.f32 s24, v17;
	v34 =	vadd.f32 v49, v0;
	v0 =	vld.idx.msk [tilespmem:v44+s12+$0x0], $0xffff  }
0x428: {  	s26 =	sld [smem:$0x48];
	v52 =	vor.u32 $0x64, v7;
	v53 =	vmul.f32 v15, v15;
	v30 =	vadd.f32 v51, v30  }
0x429: {  	v18 =	vmul.f32 s25, v18;
	v1 =	vld.idx.msk [tilespmem:v47+s12+$0x0], $0xffff;
	v17 =	vadd.f32 v17, v34  }
0x42a: {  	s28 =	sld [smem:$0x49];
	v55 =	vmul.f32 v16, v16;
	v54 =	vor.u32 $0x65, v7;
	v30 =	vadd.f32 v53, v30  }
0x42b: {  	v19 =	vmul.f32 s26, v19;
	v18 =	vadd.f32 v18, v17;
	v17 =	vld.idx.msk [tilespmem:v50+s12+$0x0], $0xffff  }
0x42c: {  	s29 =	sld [smem:$0x4A];
	v56 =	vor.u32 $0x66, v7;
	v57 =	vmul.f32 v0, v0;
	v30 =	vadd.f32 v55, v30  }
0x42d: {  	v20 =	vmul.f32 s28, v20;
	v19 =	vadd.f32 v19, v18;
	v18 =	vld.idx.msk [tilespmem:v52+s12+$0x0], $0xffff  }
0x42e: {  	s30 =	sld [smem:$0x4B];
	v58 =	vor.u32 $0x67, v7;
	v59 =	vmul.f32 v1, v1;
	v30 =	vadd.f32 v57, v30  }
0x42f: {  	v21 =	vmul.f32 s29, v21;
	v20 =	vadd.f32 v20, v19;
	v19 =	vld.idx.msk [tilespmem:v54+s12+$0x0], $0xffff  }
0x430: {  	s31 =	sld [smem:$0x4C];
	v60 =	vor.u32 $0x68, v7;
	v61 =	vmul.f32 v17, v17;
	v30 =	vadd.f32 v59, v30  }
0x431: {  	v22 =	vmul.f32 s30, v22;
	v21 =	vadd.f32 v21, v20;
	v20 =	vld.idx.msk [tilespmem:v56+s12+$0x0], $0xffff  }
0x432: {  	s21 =	sld [smem:$0x4D];
	v62 =	vor.u32 $0x69, v7;
	v63 =	vmul.f32 v18, v18;
	v30 =	vadd.f32 v61, v30  }
0x433: {  	v23 =	vmul.f32 s31, v23;
	v22 =	vadd.f32 v22, v21;
	v21 =	vld.idx.msk [tilespmem:v58+s12+$0x0], $0xffff  }
0x434: {  	s22 =	sld [smem:$0x4E];
	v40 =	vor.u32 $0x6A, v7;
	v41 =	vmul.f32 v19, v19;
	v30 =	vadd.f32 v63, v30  }
0x435: {  	v24 =	vmul.f32 s21, v24;
	v23 =	vadd.f32 v23, v22;
	v22 =	vld.idx.msk [tilespmem:v60+s12+$0x0], $0xffff  }
0x436: {  	s23 =	sld [smem:$0x4F];
	v42 =	vor.u32 $0x6B, v7;
	v43 =	vmul.f32 v20, v20;
	v30 =	vadd.f32 v41, v30  }
0x437: {  	v25 =	vmul.f32 s22, v25;
	v24 =	vadd.f32 v24, v23;
	v23 =	vld.idx.msk [tilespmem:v62+s12+$0x0], $0xffff  }
0x438: {  	s24 =	sld [smem:$0x50];
	v44 =	vor.u32 $0x6C, v7;
	v45 =	vmul.f32 v21, v21;
	v30 =	vadd.f32 v43, v30  }
0x439: {  	v26 =	vmul.f32 s23, v26;
	v25 =	vadd.f32 v25, v24;
	v24 =	vld.idx.msk [tilespmem:v40+s12+$0x0], $0xffff  }
0x43a: {  	s25 =	sld [smem:$0x51];
	v46 =	vor.u32 $0x6D, v7;
	v47 =	vmul.f32 v22, v22;
	v30 =	vadd.f32 v45, v30  }
0x43b: {  	v27 =	vmul.f32 s24, v27;
	v26 =	vadd.f32 v26, v25;
	v25 =	vld.idx.msk [tilespmem:v42+s12+$0x0], $0xffff  }
0x43c: {  	s26 =	sld [smem:$0x52];
	v48 =	vor.u32 $0x6E, v7;
	v49 =	vmul.f32 v23, v23;
	v30 =	vadd.f32 v47, v30  }
0x43d: {  	v28 =	vmul.f32 s25, v28;
	v27 =	vadd.f32 v27, v26;
	v26 =	vld.idx.msk [tilespmem:v44+s12+$0x0], $0xffff  }
0x43e: {  	s28 =	sld [smem:$0x53];
	v50 =	vor.u32 $0x6F, v7;
	v51 =	vmul.f32 v24, v24;
	v30 =	vadd.f32 v49, v30  }
0x43f: {  	v29 =	vmul.f32 s26, v29;
	v28 =	vadd.f32 v28, v27;
	v27 =	vld.idx.msk [tilespmem:v46+s12+$0x0], $0xffff  }
0x440: {  	s29 =	sld [smem:$0x54];
	v52 =	vor.u32 $0x70, v7;
	v53 =	vmul.f32 v25, v25;
	v30 =	vadd.f32 v51, v30  }
0x441: {  	v54 =	vmul.f32 s28, v2;
	v2 =	vld.idx.msk [tilespmem:v48+s12+$0x0], $0xffff;
	v28 =	vadd.f32 v29, v28  }
0x442: {  	s30 =	sld [smem:$0x55];
	v55 =	vor.u32 $0x71, v7;
	v56 =	vmul.f32 v26, v26;
	v30 =	vadd.f32 v53, v30  }
0x443: {  	v57 =	vmul.f32 s29, v3;
	v3 =	vld.idx.msk [tilespmem:v50+s12+$0x0], $0xffff;
	v28 =	vadd.f32 v54, v28  }
0x444: {  	s31 =	sld [smem:$0x56];
	v58 =	vor.u32 $0x72, v7;
	v59 =	vmul.f32 v27, v27;
	v30 =	vadd.f32 v56, v30  }
0x445: {  	v60 =	vmul.f32 s30, v4;
	v4 =	vld.idx.msk [tilespmem:v52+s12+$0x0], $0xffff;
	v28 =	vadd.f32 v57, v28  }
0x446: {  	s21 =	sld [smem:$0x57];
	v62 =	vmul.f32 v2, v2;
	v61 =	vor.u32 $0x73, v7;
	v30 =	vadd.f32 v59, v30  }
0x447: {  	v63 =	vmul.f32 s31, v5;
	v5 =	vld.idx.msk [tilespmem:v55+s12+$0x0], $0xffff;
	v28 =	vadd.f32 v60, v28  }
0x448: {  	s22 =	sld [smem:$0x58];
	v40 =	vor.u32 $0x74, v7;
	v41 =	vmul.f32 v3, v3;
	v30 =	vadd.f32 v62, v30  }
0x449: {  	v42 =	vmul.f32 s21, v6;
	v6 =	vld.idx.msk [tilespmem:v58+s12+$0x0], $0xffff;
	v28 =	vadd.f32 v63, v28  }
0x44a: {  	s23 =	sld [smem:$0x59];
	v44 =	vmul.f32 v4, v4;
	v43 =	vor.u32 $0x75, v7;
	v30 =	vadd.f32 v41, v30  }
0x44b: {  	v45 =	vmul.f32 s22, v8;
	v8 =	vld.idx.msk [tilespmem:v61+s12+$0x0], $0xffff;
	v28 =	vadd.f32 v42, v28  }
0x44c: {  	s24 =	sld [smem:$0x5A];
	v46 =	vor.u32 $0x76, v7;
	v47 =	vmul.f32 v5, v5;
	v30 =	vadd.f32 v44, v30  }
0x44d: {  	v48 =	vmul.f32 s23, v9;
	v9 =	vld.idx.msk [tilespmem:v40+s12+$0x0], $0xffff;
	v28 =	vadd.f32 v45, v28  }
0x44e: {  	s25 =	sld [smem:$0x5B];
	v50 =	vmul.f32 v6, v6;
	v49 =	vor.u32 $0x77, v7;
	v30 =	vadd.f32 v47, v30  }
0x44f: {  	v51 =	vmul.f32 s24, v10;
	v28 =	vadd.f32 v48, v28;
	v10 =	vld.idx.msk [tilespmem:v43+s12+$0x0], $0xffff  }
0x450: {  	s26 =	sld [smem:$0x5C];
	v52 =	vor.u32 $0x78, v7;
	v53 =	vmul.f32 v8, v8;
	v30 =	vadd.f32 v50, v30  }
0x451: {  	v54 =	vmul.f32 s25, v11;
	v11 =	vld.idx.msk [tilespmem:v46+s12+$0x0], $0xffff;
	v28 =	vadd.f32 v51, v28  }
0x452: {  	s28 =	sld [smem:$0x5D];
	v55 =	vor.u32 $0x79, v7;
	v56 =	vmul.f32 v9, v9;
	v30 =	vadd.f32 v53, v30  }
0x453: {  	v57 =	vmul.f32 s26, v12;
	v12 =	vld.idx.msk [tilespmem:v49+s12+$0x0], $0xffff;
	v28 =	vadd.f32 v54, v28  }
0x454: {  	v58 =	vor.u32 $0x7A, v7;
	s29 =	sld [smem:$0x5E];
	v59 =	vmul.f32 v10, v10;
	v30 =	vadd.f32 v56, v30  }
0x455: {  	v60 =	vmul.f32 s28, v13;
	v13 =	vld.idx.msk [tilespmem:v52+s12+$0x0], $0xffff;
	v28 =	vadd.f32 v57, v28  }
0x456: {  	s30 =	sld [smem:$0x5F];
	v61 =	vor.u32 $0x7B, v7;
	v62 =	vmul.f32 v11, v11;
	v30 =	vadd.f32 v59, v30  }
0x457: {  	v63 =	vmul.f32 s29, v14;
	v14 =	vld.idx.msk [tilespmem:v55+s12+$0x0], $0xffff;
	v28 =	vadd.f32 v60, v28  }
0x458: {  	v40 =	vor.u32 $0x7C, v7;
	s31 =	sld [smem:$0x60];
	v41 =	vmul.f32 v12, v12;
	v30 =	vadd.f32 v62, v30  }
0x459: {  	v15 =	vmul.f32 s30, v15;
	v29 =	vld.idx.msk [tilespmem:v58+s12+$0x0], $0xffff;
	v28 =	vadd.f32 v63, v28  }
0x45a: {  	s21 =	sld [smem:$0x61];
	v42 =	vor.u32 $0x7D, v7;
	v43 =	vmul.f32 v13, v13;
	v30 =	vadd.f32 v41, v30  }
0x45b: {  	v16 =	vmul.f32 s31, v16;
	v15 =	vadd.f32 v15, v28;
	v28 =	vld.idx.msk [tilespmem:v61+s12+$0x0], $0xffff  }
0x45c: {  	s22 =	sld [smem:$0x62];
	v45 =	vmul.f32 v14, v14;
	v44 =	vor.u32 $0x7E, v7;
	v30 =	vadd.f32 v43, v30  }
0x45d: {  	v0 =	vmul.f32 s21, v0;
	v15 =	vadd.f32 v16, v15;
	v16 =	vld.idx.msk [tilespmem:v40+s12+$0x0], $0xffff  }
0x45e: {  	s23 =	sld [smem:$0x63];
	v46 =	vor.u32 $0x7F, v7;
	v47 =	vmul.f32 v29, v29;
	v30 =	vadd.f32 v45, v30  }
0x45f: {  	v1 =	vmul.f32 s22, v1;
	v0 =	vadd.f32 v0, v15;
	v15 =	vld.idx.msk [tilespmem:v42+s12+$0x0], $0xffff  }
0x460: {  	s24 =	sld [smem:$0x64];
	v48 =	vmul.f32 v28, v28;
	v30 =	vadd.f32 v47, v30  }
0x461: {  	v49 =	vmul.f32 s23, v17;
	v17 =	vld.idx.msk [tilespmem:v44+s12+$0x0], $0xffff;
	v0 =	vadd.f32 v1, v0  }
0x462: {  	s25 =	sld [smem:$0x65];
	v50 =	vmul.f32 v16, v16;
	v30 =	vadd.f32 v48, v30  }
0x463: {  	v51 =	vmul.f32 s24, v18;
	v7 =	vld.idx.msk [tilespmem:v46+s12+$0x0], $0xffff;
	v0 =	vadd.f32 v49, v0  }
0x464: {  	s26 =	sld [smem:$0x66];
	v53 =	vmul.f32 v15, v15;
	v52 =	vadd.f32 v50, v30  }
0x465: {  	v54 =	vmul.f32 s25, v19;
	v0 =	vadd.f32 v51, v0  }
0x466: {  	s28 =	sld [smem:$0x67];
	v55 =	vmul.f32 v17, v17;
	v18 =	vadd.f32 v53, v52  }
0x467: {  	v56 =	vmul.f32 s26, v20;
	v0 =	vadd.f32 v54, v0  }
0x468: {  	s29 =	sld [smem:$0x68];
	v57 =	vmul.f32 v7, v7;
	v18 =	vadd.f32 v55, v18  }
0x469: {  	v58 =	vmul.f32 s28, v21;
	v0 =	vadd.f32 v56, v0  }
0x46a: {  	s30 =	sld [smem:$0x69];
	v18 =	vadd.f32 v57, v18  }
0x46b: {  	v59 =	vmul.f32 s29, v22;
	v0 =	vadd.f32 v58, v0  }
0x46c: {  	s31 =	sld [smem:$0x6A];
	v60 =	vshra.s32 v18, $0x1;
	v61 =	vmul.f32 $5.000000000e-01, v18  }
0x46d: {  	v62 =	vmul.f32 s30, v23;
	v0 =	vadd.f32 v59, v0;
	v1 =	vsub.s32 $0x5F3759DF, v60  }
0x46e: {  	s21 =	sld [smem:$0x6B];
	v63 =	vmul.f32 v1, v61  }
0x46f: {  	v24 =	vmul.f32 s31, v24;
	v0 =	vadd.f32 v62, v0  }
0x470: {  	s22 =	sld [smem:$0x6C];
	v19 =	vmul.f32 v1, v63  }
0x471: {  	v0 =	vadd.f32 v24, v0;
	v30 =	vmul.f32 s21, v25  }
0x472: {  	s23 =	sld [smem:$0x6D];
	v19 =	vsub.f32 $1.500000000e+00, v19  }
0x473: {  	v31 =	vmul.f32 s22, v26;
	v0 =	vadd.f32 v30, v0  }
0x474: {  	s24 =	sld [smem:$0x6E];
	v1 =	vmul.f32 v1, v19  }
0x475: {  	v32 =	vmul.f32 s23, v27;
	v0 =	vadd.f32 v31, v0  }
0x476: {  	s25 =	sld [smem:$0x6F];
	v33 =	vmul.f32 v1, v61  }
0x477: {  	v2 =	vmul.f32 s24, v2;
	v0 =	vadd.f32 v32, v0  }
0x478: {  	s26 =	sld [smem:$0x70];
	v34 =	vmul.f32 v33, v1  }
0x479: {  	v35 =	vmul.f32 s25, v3;
	v0 =	vadd.f32 v2, v0  }
0x47a: {  	s28 =	sld [smem:$0x71];
	v40 =	vsub.f32 $1.500000000e+00, v34  }
0x47b: {  	v41 =	vmul.f32 s26, v4;
	v0 =	vadd.f32 v35, v0  }
0x47c: {  	s29 =	sld [smem:$0x72];
	v1 =	vmul.f32 v40, v1  }
0x47d: {  	v42 =	vmul.f32 s28, v5;
	v0 =	vadd.f32 v41, v0  }
0x47e: {  	s30 =	sld [smem:$0x73];
	v43 =	vmul.f32 v1, v61  }
0x47f: {  	v44 =	vmul.f32 s29, v6;
	v0 =	vadd.f32 v42, v0  }
0x480: {  	s31 =	sld [smem:$0x74];
	v2 =	vmul.f32 v43, v1  }
0x481: {  	v45 =	vmul.f32 s30, v8;
	v0 =	vadd.f32 v44, v0  }
0x482: {  	s21 =	sld [smem:$0x75];
	v2 =	vsub.f32 $1.500000000e+00, v2  }
0x483: {  	v46 =	vmul.f32 s31, v9;
	v0 =	vadd.f32 v45, v0  }
0x484: {  	s22 =	sld [smem:$0x76];
	v1 =	vmul.f32 v2, v1  }
0x485: {  	v47 =	vmul.f32 s21, v10;
	v0 =	vadd.f32 v46, v0  }
0x486: {  	s23 =	sld [smem:$0x77];
	v48 =	vmul.f32 v1, v61  }
0x487: {  	v49 =	vmul.f32 s22, v11;
	v0 =	vadd.f32 v47, v0  }
0x488: {  	s24 =	sld [smem:$0x78];
	v3 =	vmul.f32 v48, v1  }
0x489: {  	v50 =	vmul.f32 s23, v12;
	v0 =	vadd.f32 v49, v0  }
0x48a: {  	s25 =	sld [smem:$0x79];
	v3 =	vsub.f32 $1.500000000e+00, v3  }
0x48b: {  	v51 =	vmul.f32 s24, v13;
	v0 =	vadd.f32 v50, v0  }
0x48c: {  	s26 =	sld [smem:$0x7A];
	v1 =	vmul.f32 v3, v1  }
0x48d: {  	v52 =	vmul.f32 s25, v14;
	v0 =	vadd.f32 v51, v0  }
0x48e: {  	s28 =	sld [smem:$0x7B];
	v1 =	vmul.f32 v1, v18  }
0x48f: {  	v53 =	vmul.f32 s26, v29;
	v0 =	vadd.f32 v52, v0  }
0x490: {  	s29 =	sld [smem:$0x7C];
	v1 =	vmul.f32 v1, v38  }
0x491: {  	v54 =	vmul.f32 s28, v28;
	v0 =	vadd.f32 v53, v0  }
0x492: {  	s30 =	sld [smem:$0x7D];
	v1 =	vmax.f32 v1, $9.999999930e-09  }
0x493: {  	v55 =	vmul.f32 s29, v16;
	v0 =	vadd.f32 v54, v0;
	(erf) = vrcp.f32 v1  }
0x494: {  	s31 =	sld [smem:$0x7E]  }
0x495: {  	v56 =	vmul.f32 s30, v15;
	v0 =	vadd.f32 v55, v0;
	_ =	sdelay $0x1  }
0x496: {  	v57 =	vmul.f32 s31, v17;
	v0 =	vadd.f32 v56, v0;
	_ =	sdelay $0x1  }
0x497: {  	v58 =	vmul.f32 v7, v39;
	v0 =	vadd.f32 v57, v0;
	_ =	sdelay $0x1  }
0x498: {  	v59 =	vld [tilespmem:$0x7D80];
	v0 =	vadd.f32 v0, v58  }
0x499: {  	v60 =	vpop (erf)  }
0x49a: {  	v61 =	vld [tilespmem:$0x7D90];
	v0 =	vmul.f32 v60, v0  }
0x49b: {  	vm1 =	vlt.u32 v36, $0x7D  }
0x49c: {  	v0 =	vnsel vm1, $0xFF800000, v0  }
0x49d: {  	s18 =	sadd.s32 s18, s16;
	vm1 =	vgt.f32 v0, v59  }
0x49e: {  	v62 =	vadd.s32 s18, v37;
	v0 =	vsel vm1, v0, v59  }
0x49f: {  	v63 =	vsel vm1, v62, v61;
	[tilespmem:$0x7D80] =	vst v0  }
0x4a0: {  	[tilespmem:$0x7D90] =	vst v63  }
0x4a1: {  	p0 =	seq.s32 s17, $0x19  }
.Ltmp1:
0x4a2: {  	_ = 	snop;
	(pc) =	sbr.rel @!p0 .LBB2_3-.Ltmp1, $2  }
0x4a3: {  	_ =	sdelay $0x2  }
0x4a4: {  	s16 =	sadd.s32 $0x7D, s16  }
0x4a5: {  	[hbm4b:s7+s4] =	stream.linear.scatter [tilespmem:s13], [sflag:$0x3], $0x10, $0x38;
	[tilespmem:$0x7DA0] =	vst v63  }
0x4a6: {  	s15 =	sadd.s32 $0x1, s15;
	_ =	swait.ge [sflag:s11], $0x10  }
0x4a7: {  	p0 =	sne.s32 s15, s9;
	[sflag:s11] =	ssyncset.done $0x0  }
.Ltmp2:
0x4a8: {  	[sflag:s11] =	ssyncadd.s32 $0xFFFFFFF0;
	(pc) =	sbr.rel @p0 .LBB2_1-.Ltmp2, $4  }
0x4a9: {  	[hbm4b:s8+s4] =	stream.linear.scatter [tilespmem:s14], [sflag:$0x3], $0x10, $0x38;
	[tilespmem:$0x7DA0] =	vst v63  }
0x4aa: {  	_ =	swait.ge [sflag:s11], $0x10  }
0x4ab: {  	[sflag:s11] =	ssyncset.done $0x0  }
0x4ac: {  	[sflag:s11] =	ssyncadd.s32 $0xFFFFFFF0  }
0x4ad: {  	_ =	sfence.sel $0x180000  }
0x4ae: {  	[bflag:$0x0] =	sbarrier.arrive $0xFFFF  }
0x4af: {  	p0 =	sne.s32 s2, $0x0;
	_ =	strace $0x90000047  }
0x4b0: {  	s0 =	sadd.s32 @!p0 $0x100000, s0;
	[bflag:$0x2] =	sbarrier.arrive $0xFFFF  }
0x4b1: {  	[sflag:s0] =	ssyncadd.tile.s32 @!p0 $0x1;
	_ =	shalt  }
.Lfunc_end2:
_tile_overlayer_lowered:
.L_overlay_start_2:
0x4b2: {  	(tag) =	ssettag $0x2  }
0x4b3: {  	s0 =	rddreg [dreg:$0x0];
	s2 =	stileid.u32  }
0x4b4: {  	s1 =	rddreg [dreg:$0x1];
	p0 =	sne.s32 s2, $0x0  }
0x4b5: {  	s3 =	rddreg [dreg:$0x2];
	[bflag:$0x3] =	sbarrier.arrive $0xFFFF;
	s2 =	simm.s32 @!p0 $0x1C03  }
0x4b6: {  	[timem:s3], [sflag:s2] =	dma.local @!p0 [hbm:s0], s1  }
0x4b7: {  	s0 =	simm.s32 @!p0 $0x3  }
0x4b8: {  	_ =	swait.ge @!p0 [sflag:s0], s1  }
0x4b9: {  	s1 =	ssub.s32 @!p0 $0x0, s1;
	[sflag:s0] =	ssyncset.done @!p0 $0x0  }
0x4ba: {  	[sflag:s0] =	ssyncadd.s32 @!p0 s1  }
0x4bb: {  	[bflag:$0x3] =	sbarrier.arrive $0xFFFF  }
0x4bc: {  	_ =	shalt  }

</sc_bundles>
